<compile_context>
chip_gen: v7x
topology: tpu7x:2x2x1
jax: 0.10.2.dev20260603
libtpu: 0.0.44.dev20260713+nightly
codegen_flags: <defaults>
</compile_context>

<pallas_src>
import functools

import jax
import jax.numpy as jnp
from jax import lax
from jax.experimental import pallas as pl
from jax.experimental.pallas import tpu as pltpu
from jax.experimental.pallas import tpu_sc as plsc

F32 = jnp.float32

N = 10000
E = 320000
EMB = 16
NC, NS = 2, 16
NW = NC * NS
EPT = 10240
PADE = NW * EPT
CH = 128
SS = 512
NROW = 10112
STRIPE = NROW // NS


def _prep_body(x8, wm2, ws2, bs2, u, w1, b1, xm8_o, xsb8_o, us_o):
    x8v = x8[...]
    wm = wm2[...]
    ws = ws2[...]
    bs = bs2[...]
    for j in range(8):
        xj = x8v[:, j * 128:(j + 1) * 128]
        xm8_o[:, j * EMB:(j + 1) * EMB] = jnp.dot(
            xj, wm, preferred_element_type=F32)
        xsb8_o[:, j * EMB:(j + 1) * EMB] = jnp.dot(
            xj, ws, preferred_element_type=F32) + bs
    us_o[...] = jax.nn.relu(
        jnp.dot(u[...], w1[...], preferred_element_type=F32) + b1[...])


def _edge_body(xm_hbm, src3_hbm, dst3_hbm, ea0_hbm, ea1_hbm, zer_hbm,
               agg_hbm, t2_hbm,
               src2d, dst2d, ea0buf, ea1buf, earows0, earows1,
               xmbuf0, xmbuf1, stripe, aggsh, t2sh, sg0, sg1, ss0, ss1):
    cid = lax.axis_index("c")
    sid = lax.axis_index("s")
    wid = sid * NC + cid

    pltpu.sync_copy(zer_hbm, stripe)
    pltpu.sync_copy(stripe, aggsh.at[pl.ds(sid * STRIPE, STRIPE)])
    pltpu.sync_copy(stripe, t2sh.at[pl.ds(sid * STRIPE, STRIPE)])
    pltpu.sync_copy(zer_hbm.at[pl.ds(0, SS)], earows0)
    pltpu.sync_copy(zer_hbm.at[pl.ds(0, SS)], earows1)
    plsc.subcore_barrier()

    pltpu.sync_copy(src3_hbm.at[wid], src2d)
    pltpu.sync_copy(dst3_hbm.at[wid], dst2d)
    pltpu.sync_copy(ea0_hbm.at[pl.ds(wid * EPT, EPT)], ea0buf)
    pltpu.sync_copy(ea1_hbm.at[pl.ds(wid * EPT, EPT)], ea1buf)

    nsuper = lax.select(wid == NW - 1, (E - (NW - 1) * EPT) // SS, EPT // SS)
    lane = lax.iota(jnp.int32, 16)
    col0 = jnp.zeros((16,), jnp.int32)
    ones = jnp.ones((16,), F32)
    NCH = SS // CH

    def issue_gathers(c, xb, sg):
        for j in range(NCH):
            q = c * NCH + j
            pltpu.async_copy(xm_hbm.at[src2d.at[q]],
                             xb.at[pl.ds(j * CH, CH)], sg)

    def half(c, xb, eb, sg, ss):
        @pl.when(c < nsuper)
        def _():
            for g in range(SS // 16):
                rows = lane + g * 16
                e0 = ea0buf[pl.ds(c * SS + g * 16, 16)]
                e1 = ea1buf[pl.ds(c * SS + g * 16, 16)]
                plsc.store_scatter(eb, [rows, col0], e0)
                plsc.store_scatter(eb, [rows, col0 + 1], e1)
                plsc.store_scatter(eb, [rows, col0 + 2], ones)
            for j in range(NCH):
                q = c * NCH + j
                pltpu.make_async_copy(xm_hbm.at[src2d.at[q]],
                                      xb.at[pl.ds(j * CH, CH)], sg).wait()
            for j in range(NCH):
                q = c * NCH + j
                pltpu.async_copy(xb.at[pl.ds(j * CH, CH)],
                                 aggsh.at[dst2d.at[q]], ss, add=True)
                pltpu.async_copy(eb.at[pl.ds(j * CH, CH)],
                                 t2sh.at[dst2d.at[q]], ss, add=True)
            for j in range(NCH):
                q = c * NCH + j
                pltpu.make_async_copy(xb.at[pl.ds(j * CH, CH)],
                                      aggsh.at[dst2d.at[q]], ss).wait()
                pltpu.make_async_copy(eb.at[pl.ds(j * CH, CH)],
                                      t2sh.at[dst2d.at[q]], ss).wait()

            @pl.when(c + 2 < nsuper)
            def _():
                issue_gathers(c + 2, xb, sg)

    issue_gathers(0, xmbuf0, sg0)
    issue_gathers(1, xmbuf1, sg1)

    def sbody(s2, carry):
        half(2 * s2, xmbuf0, earows0, sg0, ss0)
        half(2 * s2 + 1, xmbuf1, earows1, sg1, ss1)
        return carry

    lax.fori_loop(0, EPT // SS // 2, sbody, 0)
    plsc.subcore_barrier()

    pltpu.sync_copy(aggsh.at[pl.ds(sid * STRIPE, STRIPE)], stripe)
    pltpu.sync_copy(stripe, agg_hbm.at[cid, pl.ds(sid * STRIPE, STRIPE)])
    pltpu.sync_copy(t2sh.at[pl.ds(sid * STRIPE, STRIPE)], stripe)
    pltpu.sync_copy(stripe, t2_hbm.at[cid, pl.ds(sid * STRIPE, STRIPE)])


@functools.cache
def _build_edge_kernel():
    return functools.partial(
        pl.kernel,
        mesh=plsc.VectorSubcoreMesh(core_axis_name="c", subcore_axis_name="s"),
        out_type=[jax.ShapeDtypeStruct((NC, NROW, EMB), F32),
                  jax.ShapeDtypeStruct((NC, NROW, EMB), F32)],
        compiler_params=pltpu.CompilerParams(use_tc_tiling_on_sc=False,
                                             needs_layout_passes=False),
        scratch_types=[
            pltpu.VMEM((EPT // CH, CH), jnp.int32),
            pltpu.VMEM((EPT // CH, CH), jnp.int32),
            pltpu.VMEM((EPT,), F32),
            pltpu.VMEM((EPT,), F32),
            pltpu.VMEM((SS, EMB), F32),
            pltpu.VMEM((SS, EMB), F32),
            pltpu.VMEM((SS, EMB), F32),
            pltpu.VMEM((SS, EMB), F32),
            pltpu.VMEM((STRIPE, EMB), F32),
            pltpu.VMEM_SHARED((NROW, EMB), F32),
            pltpu.VMEM_SHARED((NROW, EMB), F32),
            pltpu.SemaphoreType.DMA,
            pltpu.SemaphoreType.DMA,
            pltpu.SemaphoreType.DMA,
            pltpu.SemaphoreType.DMA,
        ],
    )(_edge_body)


def _ns_body(agg8, t28, m, xsb8, ns8_o):
    a = agg8[...]
    t = t28[...]
    mv = m[...]
    ts = t[0, :N // 8, :] + t[1, :N // 8, :]
    base = a[0, :N // 8, :] + a[1, :N // 8, :] + xsb8[...]
    for j in range(8):
        tc = jnp.dot(ts[:, j * EMB:(j + 1) * EMB], mv,
                     preferred_element_type=F32)
        ns8_o[:, j * EMB:(j + 1) * EMB] = jax.nn.relu(
            base[:, j * EMB:(j + 1) * EMB] + tc)


BK = 6400
NB = N * EMB // BK


def _head_body(flat, w2, us, w2u, b2, w3, b3, w4, b4, out, acc):
    i = pl.program_id(0)

    @pl.when(i == 0)
    def _init():
        acc[...] = jnp.zeros_like(acc)

    acc[...] += jnp.dot(flat[...], w2[...], preferred_element_type=F32)

    @pl.when(i == NB - 1)
    def _tail():
        user = jnp.dot(us[...], w2u[...], preferred_element_type=F32)
        h = jax.nn.relu(acc[...] + user + b2[...])
        h = jax.nn.relu(jnp.dot(h, w3[...], preferred_element_type=F32) + b3[...])
        logits = jnp.dot(h, w4[...], preferred_element_type=F32) + b4[...]
        m = jnp.max(logits, axis=1, keepdims=True)
        ex = jnp.exp(logits - m)
        out[...] = ex / jnp.sum(ex, axis=1, keepdims=True)


def _edge_agg(xm, src3, dst3, ea0p, ea1p):
    return _build_edge_kernel()(xm, src3, dst3, ea0p, ea1p,
                                jnp.zeros((STRIPE, EMB), F32))


def kernel(x, edge_index, edge_attr, user_s,
           Wm1, bm1, We1, be1, Ws1, bs1,
           Wm2, bm2, We2, be2, Ws2, bs2,
           W1, b1, W2, b2, W3, b3, W4, b4):
    X8 = x.reshape(N // 8, 8 * x.shape[1])
    xm8, xsb8, us = pl.pallas_call(
        _prep_body,
        out_shape=[
            jax.ShapeDtypeStruct((N // 8, 128), F32),
            jax.ShapeDtypeStruct((N // 8, 128), F32),
            jax.ShapeDtypeStruct((1, 64), F32),
        ],
    )(X8, Wm2, Ws2, bs2[None], user_s[None], W1, b1[None])

    xm = xm8.reshape(N, EMB)
    src3 = jnp.pad(edge_index[0], (0, PADE - E)).reshape(NW, EPT // CH, CH)
    dst3 = jnp.pad(edge_index[1], (0, PADE - E)).reshape(NW, EPT // CH, CH)
    ea0p = jnp.pad(edge_attr[:, 0], (0, PADE - E))
    ea1p = jnp.pad(edge_attr[:, 1], (0, PADE - E))
    agg, t2 = _edge_agg(xm, src3, dst3, ea0p, ea1p)

    M = jnp.zeros((EMB, EMB), F32)
    M = M.at[0].set(We2[0]).at[1].set(We2[1]).at[2].set(bm2 + be2)
    agg8 = agg.reshape(NC, NROW // 8, 128)
    t28 = t2.reshape(NC, NROW // 8, 128)
    ns8 = pl.pallas_call(
        _ns_body,
        out_shape=jax.ShapeDtypeStruct((N // 8, 128), F32),
    )(agg8, t28, M, xsb8)

    flat = ns8.reshape(1, N * EMB)
    W2u = lax.slice(W2, (N * EMB, 0), (N * EMB + 64, 256))
    out = pl.pallas_call(
        _head_body,
        grid=(NB,),
        in_specs=[
            pl.BlockSpec((1, BK), lambda i: (0, i)),
            pl.BlockSpec((BK, 256), lambda i: (i, 0)),
            pl.BlockSpec((1, 64), lambda i: (0, 0)),
            pl.BlockSpec((64, 256), lambda i: (0, 0)),
            pl.BlockSpec((1, 256), lambda i: (0, 0)),
            pl.BlockSpec((256, 128), lambda i: (0, 0)),
            pl.BlockSpec((1, 128), lambda i: (0, 0)),
            pl.BlockSpec((128, N), lambda i: (0, 0)),
            pl.BlockSpec((1, N), lambda i: (0, 0)),
        ],
        out_specs=pl.BlockSpec((1, N), lambda i: (0, 0)),
        out_shape=jax.ShapeDtypeStruct((1, N), F32),
        scratch_shapes=[pltpu.VMEM((1, 256), F32)],
        compiler_params=pltpu.CompilerParams(
            dimension_semantics=("arbitrary",)),
    )(flat, W2, us, W2u, b2[None], W3, b3[None], W4, b4[None])
    return out

# --- scband reference (transcript-rebuilt; emitter-appended) ---
"""Pipeline reference for scband-actor-90735479095434 (READ-ONLY COPY).

The authoritative reference and input builder live on the scoring server;
editing this copy changes nothing except your own understanding.
"""

import jax, jax.numpy as jnp
import numpy as np

N = 10000      # num_edge_node == n_nodes
E = 320000     # edges
DF = 128       # env.node_state_dim
DE = 2         # edge_attr dim (hardcoded in module)
EMB = 16       # args.node_embedding_size
US = 64        # env.user_state_dim
UE = 64        # args.user_embedding_size
H = 256        # args.hidden_dim


def setup_inputs(seed: int = 0) -> dict:
    key = jax.random.key(seed)
    ks = jax.random.split(key, 30)
    s = 0.02
    inp = {}
    inp["x"] = jax.random.normal(ks[0], (N, DF), dtype=jnp.float32)
    inp["edge_index"] = jax.random.randint(ks[1], (2, E), 0, N, dtype=jnp.int32)
    inp["edge_attr"] = jax.random.normal(ks[2], (E, DE), dtype=jnp.float32)
    inp["user_s"] = jax.random.normal(ks[3], (US,), dtype=jnp.float32)
    # GeneralConv #1 params (lin_msg, lin_edge, lin_self)
    inp["Wm1"] = jax.random.normal(ks[4], (DF, EMB), dtype=jnp.float32) * s
    inp["bm1"] = jnp.zeros((EMB,), dtype=jnp.float32)
    inp["We1"] = jax.random.normal(ks[5], (DE, EMB), dtype=jnp.float32) * s
    inp["be1"] = jnp.zeros((EMB,), dtype=jnp.float32)
    inp["Ws1"] = jax.random.normal(ks[6], (DF, EMB), dtype=jnp.float32) * s
    inp["bs1"] = jnp.zeros((EMB,), dtype=jnp.float32)
    # GeneralConv #2 params
    inp["Wm2"] = jax.random.normal(ks[7], (DF, EMB), dtype=jnp.float32) * s
    inp["bm2"] = jnp.zeros((EMB,), dtype=jnp.float32)
    inp["We2"] = jax.random.normal(ks[8], (DE, EMB), dtype=jnp.float32) * s
    inp["be2"] = jnp.zeros((EMB,), dtype=jnp.float32)
    inp["Ws2"] = jax.random.normal(ks[9], (DF, EMB), dtype=jnp.float32) * s
    inp["bs2"] = jnp.zeros((EMB,), dtype=jnp.float32)
    # MLP head
    inp["W1"] = jax.random.normal(ks[10], (US, UE), dtype=jnp.float32) * s
    inp["b1"] = jnp.zeros((UE,), dtype=jnp.float32)
    inp["W2"] = jax.random.normal(ks[11], (N * EMB + UE, H), dtype=jnp.float32) * s
    inp["b2"] = jnp.zeros((H,), dtype=jnp.float32)
    inp["W3"] = jax.random.normal(ks[12], (H, H // 2), dtype=jnp.float32) * s
    inp["b3"] = jnp.zeros((H // 2,), dtype=jnp.float32)
    inp["W4"] = jax.random.normal(ks[13], (H // 2, N), dtype=jnp.float32) * s * 0.01
    inp["b4"] = jnp.zeros((N,), dtype=jnp.float32)
    return inp


def _general_conv(x, edge_index, edge_attr, Wm, bm, We, be, Ws, bs):
    # PyG GeneralConv, aggr='add': msg = lin_msg(x_j) + lin_edge(edge_attr)
    # out = scatter_add(msg, dst) + lin_self(x)   (in_channels != out_channels)
    src = edge_index[0]
    dst = edge_index[1]
    msg = jnp.take(x, src, axis=0) @ Wm + bm + edge_attr @ We + be
    agg = jax.ops.segment_sum(msg, dst, num_segments=x.shape[0])
    return agg + x @ Ws + bs


def reference(x, edge_index, edge_attr, user_s,
              Wm1, bm1, We1, be1, Ws1, bs1,
              Wm2, bm2, We2, be2, Ws2, bs2,
              W1, b1, W2, b2, W3, b3, W4, b4):
    relu = jax.nn.relu
    # Faithful to the original (non-batch branch): both convs consume graph.x;
    # the first conv's output is computed then discarded (original code bug kept).
    ns1 = relu(_general_conv(x, edge_index, edge_attr, Wm1, bm1, We1, be1, Ws1, bs1))
    node_state = relu(_general_conv(x, edge_index, edge_attr, Wm2, bm2, We2, be2, Ws2, bs2))
    node_state = node_state + 0.0 * jnp.sum(ns1)  # keep first conv in the graph
    # dropout treated as identity (deterministic inference)
    user_state = relu(user_s @ W1 + b1)
    state = jnp.concatenate([node_state.reshape(-1), user_state], axis=0)
    state = relu(state @ W2 + b2)
    state = relu(state @ W3 + b3)
    state = state @ W4 + b4
    state = state[None, :]
    a_prob = jax.nn.softmax(state, axis=1)
    return a_prob

if __name__ == "__main__":
    import jax
    _d = setup_inputs()
    print(jax.jit(kernel)(*tuple(_d.values())))

</pallas_src>

<mosaic_0001>
#map = affine_map<(d0, d1) -> (0, 0)>
#map1 = affine_map<(d0, d1) -> (0, 0, 0)>
#map2 = affine_map<(d0, d1) -> (0)>
module attributes {stable_mosaic.version = 14 : i64} {
  func.func @_edge_body(%arg0: i32, %arg1: i32, %arg2: memref<10000x16xf32, #tpu.memory_space<hbm>>, %arg3: memref<32x80x128xi32, #tpu.memory_space<hbm>>, %arg4: memref<32x80x128xi32, #tpu.memory_space<hbm>>, %arg5: memref<327680xf32, #tpu.memory_space<hbm>>, %arg6: memref<327680xf32, #tpu.memory_space<hbm>>, %arg7: memref<632x16xf32, #tpu.memory_space<hbm>>, %arg8: memref<2x10112x16xf32, #tpu.memory_space<hbm>>, %arg9: memref<2x10112x16xf32, #tpu.memory_space<hbm>>, %arg10: memref<80x128xi32, #tpu.memory_space<vmem>>, %arg11: memref<80x128xi32, #tpu.memory_space<vmem>>, %arg12: memref<10240xf32, #tpu.memory_space<vmem>>, %arg13: memref<10240xf32, #tpu.memory_space<vmem>>, %arg14: memref<512x16xf32, #tpu.memory_space<vmem>>, %arg15: memref<512x16xf32, #tpu.memory_space<vmem>>, %arg16: memref<512x16xf32, #tpu.memory_space<vmem>>, %arg17: memref<512x16xf32, #tpu.memory_space<vmem>>, %arg18: memref<632x16xf32, #tpu.memory_space<vmem>>, %arg19: memref<10112x16xf32, #tpu.memory_space<vmem_shared>>, %arg20: memref<10112x16xf32, #tpu.memory_space<vmem_shared>>, %arg21: memref<!tpu.dma_semaphore, #tpu.memory_space<semaphore_mem>>, %arg22: memref<!tpu.dma_semaphore, #tpu.memory_space<semaphore_mem>>, %arg23: memref<!tpu.dma_semaphore, #tpu.memory_space<semaphore_mem>>, %arg24: memref<!tpu.dma_semaphore, #tpu.memory_space<semaphore_mem>>) attributes {dimension_semantics = [#tpu.dimension_semantics<core_parallel>, #tpu.dimension_semantics<subcore_parallel>], iteration_bounds = array<i64: 2, 16>, scalar_prefetch = 0 : i64, scratch_operands = 15 : i64, tpu.core_type = #tpu.core_type<sc_vector_subcore>, window_params = [{transform_indices = #map}, {transform_indices = #map1}, {transform_indices = #map1}, {transform_indices = #map2}, {transform_indices = #map2}, {transform_indices = #map}, {transform_indices = #map1}, {transform_indices = #map1}]} {
    %mul3A = arith.constant 2 : i32
    %mul3A_0 = arith.muli %arg1, %mul3A : i32
    %add3A = arith.addi %mul3A_0, %arg0 : i32
    "tpu.region"() ({
      %run_scoped3A = tpu.sem_alloc : memref<!tpu.dma_semaphore, #tpu.memory_space<semaphore_mem>>
      tpu.enqueue_dma source(%arg7 : memref<632x16xf32, #tpu.memory_space<hbm>>) target(%arg18 : memref<632x16xf32, #tpu.memory_space<vmem>>) target_semaphore(%run_scoped3A : memref<!tpu.dma_semaphore, #tpu.memory_space<semaphore_mem>>)
      tpu.wait_dma2 semaphore(%run_scoped3A : memref<!tpu.dma_semaphore, #tpu.memory_space<semaphore_mem>>) src(%arg7 : memref<632x16xf32, #tpu.memory_space<hbm>>) dst(%arg18 : memref<632x16xf32, #tpu.memory_space<vmem>>)
      tpu.yield
    }) : () -> ()
    %mul3A_1 = arith.constant 632 : i32
    %mul3A_2 = arith.muli %arg1, %mul3A_1 : i32
    "tpu.region"() ({
      %run_scoped3A = tpu.sem_alloc : memref<!tpu.dma_semaphore, #tpu.memory_space<semaphore_mem>>
      %dma_start3A_108 = arith.constant 0 : i32
      %dma_start3A_109 = tpu.memref_slice %arg19[%mul3A_2, %dma_start3A_108] : memref<10112x16xf32, #tpu.memory_space<vmem_shared>> -> memref<632x16xf32, #tpu.memory_space<vmem_shared>>
      %dma_start3A_110 = arith.constant 0 : i32
      %dma_start3A_111 = tpu.memref_slice %arg19[%mul3A_2, %dma_start3A_110] : memref<10112x16xf32, #tpu.memory_space<vmem_shared>> -> memref<632x16xf32, #tpu.memory_space<vmem_shared>>
      tpu.enqueue_dma source(%arg18 : memref<632x16xf32, #tpu.memory_space<vmem>>) target(%dma_start3A_111 : memref<632x16xf32, #tpu.memory_space<vmem_shared>>) target_semaphore(%run_scoped3A : memref<!tpu.dma_semaphore, #tpu.memory_space<semaphore_mem>>)
      %dma_wait3A = arith.constant 0 : i32
      %dma_wait3A_112 = tpu.memref_slice %arg19[%mul3A_2, %dma_wait3A] : memref<10112x16xf32, #tpu.memory_space<vmem_shared>> -> memref<632x16xf32, #tpu.memory_space<vmem_shared>>
      %dma_wait3A_113 = arith.constant 0 : i32
      %dma_wait3A_114 = tpu.memref_slice %arg19[%mul3A_2, %dma_wait3A_113] : memref<10112x16xf32, #tpu.memory_space<vmem_shared>> -> memref<632x16xf32, #tpu.memory_space<vmem_shared>>
      tpu.wait_dma2 semaphore(%run_scoped3A : memref<!tpu.dma_semaphore, #tpu.memory_space<semaphore_mem>>) src(%arg18 : memref<632x16xf32, #tpu.memory_space<vmem>>) dst(%dma_wait3A_114 : memref<632x16xf32, #tpu.memory_space<vmem_shared>>)
      tpu.yield
    }) : () -> ()
    %mul3A_3 = arith.constant 632 : i32
    %mul3A_4 = arith.muli %arg1, %mul3A_3 : i32
    "tpu.region"() ({
      %run_scoped3A = tpu.sem_alloc : memref<!tpu.dma_semaphore, #tpu.memory_space<semaphore_mem>>
      %dma_start3A_108 = arith.constant 0 : i32
      %dma_start3A_109 = tpu.memref_slice %arg20[%mul3A_4, %dma_start3A_108] : memref<10112x16xf32, #tpu.memory_space<vmem_shared>> -> memref<632x16xf32, #tpu.memory_space<vmem_shared>>
      %dma_start3A_110 = arith.constant 0 : i32
      %dma_start3A_111 = tpu.memref_slice %arg20[%mul3A_4, %dma_start3A_110] : memref<10112x16xf32, #tpu.memory_space<vmem_shared>> -> memref<632x16xf32, #tpu.memory_space<vmem_shared>>
      tpu.enqueue_dma source(%arg18 : memref<632x16xf32, #tpu.memory_space<vmem>>) target(%dma_start3A_111 : memref<632x16xf32, #tpu.memory_space<vmem_shared>>) target_semaphore(%run_scoped3A : memref<!tpu.dma_semaphore, #tpu.memory_space<semaphore_mem>>)
      %dma_wait3A = arith.constant 0 : i32
      %dma_wait3A_112 = tpu.memref_slice %arg20[%mul3A_4, %dma_wait3A] : memref<10112x16xf32, #tpu.memory_space<vmem_shared>> -> memref<632x16xf32, #tpu.memory_space<vmem_shared>>
      %dma_wait3A_113 = arith.constant 0 : i32
      %dma_wait3A_114 = tpu.memref_slice %arg20[%mul3A_4, %dma_wait3A_113] : memref<10112x16xf32, #tpu.memory_space<vmem_shared>> -> memref<632x16xf32, #tpu.memory_space<vmem_shared>>
      tpu.wait_dma2 semaphore(%run_scoped3A : memref<!tpu.dma_semaphore, #tpu.memory_space<semaphore_mem>>) src(%arg18 : memref<632x16xf32, #tpu.memory_space<vmem>>) dst(%dma_wait3A_114 : memref<632x16xf32, #tpu.memory_space<vmem_shared>>)
      tpu.yield
    }) : () -> ()
    "tpu.region"() ({
      %run_scoped3A = tpu.sem_alloc : memref<!tpu.dma_semaphore, #tpu.memory_space<semaphore_mem>>
      %dma_start3A_108 = arith.constant 0 : i32
      %dma_start3A_109 = arith.constant 0 : i32
      %dma_start3A_110 = tpu.memref_slice %arg7[%dma_start3A_108, %dma_start3A_109] : memref<632x16xf32, #tpu.memory_space<hbm>> -> memref<512x16xf32, #tpu.memory_space<hbm>>
      %dma_start3A_111 = arith.constant 0 : i32
      %dma_start3A_112 = arith.constant 0 : i32
      %dma_start3A_113 = tpu.memref_slice %arg7[%dma_start3A_111, %dma_start3A_112] : memref<632x16xf32, #tpu.memory_space<hbm>> -> memref<512x16xf32, #tpu.memory_space<hbm>>
      tpu.enqueue_dma source(%dma_start3A_113 : memref<512x16xf32, #tpu.memory_space<hbm>>) target(%arg14 : memref<512x16xf32, #tpu.memory_space<vmem>>) target_semaphore(%run_scoped3A : memref<!tpu.dma_semaphore, #tpu.memory_space<semaphore_mem>>)
      %dma_wait3A = arith.constant 0 : i32
      %dma_wait3A_114 = arith.constant 0 : i32
      %dma_wait3A_115 = tpu.memref_slice %arg7[%dma_wait3A, %dma_wait3A_114] : memref<632x16xf32, #tpu.memory_space<hbm>> -> memref<512x16xf32, #tpu.memory_space<hbm>>
      %dma_wait3A_116 = arith.constant 0 : i32
      %dma_wait3A_117 = arith.constant 0 : i32
      %dma_wait3A_118 = tpu.memref_slice %arg7[%dma_wait3A_116, %dma_wait3A_117] : memref<632x16xf32, #tpu.memory_space<hbm>> -> memref<512x16xf32, #tpu.memory_space<hbm>>
      tpu.wait_dma2 semaphore(%run_scoped3A : memref<!tpu.dma_semaphore, #tpu.memory_space<semaphore_mem>>) src(%dma_wait3A_118 : memref<512x16xf32, #tpu.memory_space<hbm>>) dst(%arg14 : memref<512x16xf32, #tpu.memory_space<vmem>>)
      tpu.yield
    }) : () -> ()
    "tpu.region"() ({
      %run_scoped3A = tpu.sem_alloc : memref<!tpu.dma_semaphore, #tpu.memory_space<semaphore_mem>>
      %dma_start3A_108 = arith.constant 0 : i32
      %dma_start3A_109 = arith.constant 0 : i32
      %dma_start3A_110 = tpu.memref_slice %arg7[%dma_start3A_108, %dma_start3A_109] : memref<632x16xf32, #tpu.memory_space<hbm>> -> memref<512x16xf32, #tpu.memory_space<hbm>>
      %dma_start3A_111 = arith.constant 0 : i32
      %dma_start3A_112 = arith.constant 0 : i32
      %dma_start3A_113 = tpu.memref_slice %arg7[%dma_start3A_111, %dma_start3A_112] : memref<632x16xf32, #tpu.memory_space<hbm>> -> memref<512x16xf32, #tpu.memory_space<hbm>>
      tpu.enqueue_dma source(%dma_start3A_113 : memref<512x16xf32, #tpu.memory_space<hbm>>) target(%arg15 : memref<512x16xf32, #tpu.memory_space<vmem>>) target_semaphore(%run_scoped3A : memref<!tpu.dma_semaphore, #tpu.memory_space<semaphore_mem>>)
      %dma_wait3A = arith.constant 0 : i32
      %dma_wait3A_114 = arith.constant 0 : i32
      %dma_wait3A_115 = tpu.memref_slice %arg7[%dma_wait3A, %dma_wait3A_114] : memref<632x16xf32, #tpu.memory_space<hbm>> -> memref<512x16xf32, #tpu.memory_space<hbm>>
      %dma_wait3A_116 = arith.constant 0 : i32
      %dma_wait3A_117 = arith.constant 0 : i32
      %dma_wait3A_118 = tpu.memref_slice %arg7[%dma_wait3A_116, %dma_wait3A_117] : memref<632x16xf32, #tpu.memory_space<hbm>> -> memref<512x16xf32, #tpu.memory_space<hbm>>
      tpu.wait_dma2 semaphore(%run_scoped3A : memref<!tpu.dma_semaphore, #tpu.memory_space<semaphore_mem>>) src(%dma_wait3A_118 : memref<512x16xf32, #tpu.memory_space<hbm>>) dst(%arg15 : memref<512x16xf32, #tpu.memory_space<vmem>>)
      tpu.yield
    }) : () -> ()
    %barrier3A = arith.constant 0 : index
    tpu.barrier barrier_id(%barrier3A)
    "tpu.region"() ({
      %run_scoped3A = tpu.sem_alloc : memref<!tpu.dma_semaphore, #tpu.memory_space<semaphore_mem>>
      %dma_start3A_108 = arith.constant 0 : i32
      %dma_start3A_109 = arith.constant 0 : i32
      %dma_start3A_110 = tpu.memref_slice %arg3[%add3A, %dma_start3A_108, %dma_start3A_109] : memref<32x80x128xi32, #tpu.memory_space<hbm>> -> memref<1x80x128xi32, #tpu.memory_space<hbm>>
      %dma_start3A_111 = tpu.memref_squeeze %dma_start3A_110 : memref<1x80x128xi32, #tpu.memory_space<hbm>> -> memref<80x128xi32, #tpu.memory_space<hbm>>
      %dma_start3A_112 = arith.constant 0 : i32
      %dma_start3A_113 = arith.constant 0 : i32
      %dma_start3A_114 = tpu.memref_slice %arg3[%add3A, %dma_start3A_112, %dma_start3A_113] : memref<32x80x128xi32, #tpu.memory_space<hbm>> -> memref<1x80x128xi32, #tpu.memory_space<hbm>>
      %dma_start3A_115 = tpu.memref_squeeze %dma_start3A_114 : memref<1x80x128xi32, #tpu.memory_space<hbm>> -> memref<80x128xi32, #tpu.memory_space<hbm>>
      tpu.enqueue_dma source(%dma_start3A_115 : memref<80x128xi32, #tpu.memory_space<hbm>>) target(%arg10 : memref<80x128xi32, #tpu.memory_space<vmem>>) target_semaphore(%run_scoped3A : memref<!tpu.dma_semaphore, #tpu.memory_space<semaphore_mem>>)
      %dma_wait3A = arith.constant 0 : i32
      %dma_wait3A_116 = arith.constant 0 : i32
      %dma_wait3A_117 = tpu.memref_slice %arg3[%add3A, %dma_wait3A, %dma_wait3A_116] : memref<32x80x128xi32, #tpu.memory_space<hbm>> -> memref<1x80x128xi32, #tpu.memory_space<hbm>>
      %dma_wait3A_118 = tpu.memref_squeeze %dma_wait3A_117 : memref<1x80x128xi32, #tpu.memory_space<hbm>> -> memref<80x128xi32, #tpu.memory_space<hbm>>
      %dma_wait3A_119 = arith.constant 0 : i32
      %dma_wait3A_120 = arith.constant 0 : i32
      %dma_wait3A_121 = tpu.memref_slice %arg3[%add3A, %dma_wait3A_119, %dma_wait3A_120] : memref<32x80x128xi32, #tpu.memory_space<hbm>> -> memref<1x80x128xi32, #tpu.memory_space<hbm>>
      %dma_wait3A_122 = tpu.memref_squeeze %dma_wait3A_121 : memref<1x80x128xi32, #tpu.memory_space<hbm>> -> memref<80x128xi32, #tpu.memory_space<hbm>>
      tpu.wait_dma2 semaphore(%run_scoped3A : memref<!tpu.dma_semaphore, #tpu.memory_space<semaphore_mem>>) src(%dma_wait3A_122 : memref<80x128xi32, #tpu.memory_space<hbm>>) dst(%arg10 : memref<80x128xi32, #tpu.memory_space<vmem>>)
      tpu.yield
    }) : () -> ()
    "tpu.region"() ({
      %run_scoped3A = tpu.sem_alloc : memref<!tpu.dma_semaphore, #tpu.memory_space<semaphore_mem>>
      %dma_start3A_108 = arith.constant 0 : i32
      %dma_start3A_109 = arith.constant 0 : i32
      %dma_start3A_110 = tpu.memref_slice %arg4[%add3A, %dma_start3A_108, %dma_start3A_109] : memref<32x80x128xi32, #tpu.memory_space<hbm>> -> memref<1x80x128xi32, #tpu.memory_space<hbm>>
      %dma_start3A_111 = tpu.memref_squeeze %dma_start3A_110 : memref<1x80x128xi32, #tpu.memory_space<hbm>> -> memref<80x128xi32, #tpu.memory_space<hbm>>
      %dma_start3A_112 = arith.constant 0 : i32
      %dma_start3A_113 = arith.constant 0 : i32
      %dma_start3A_114 = tpu.memref_slice %arg4[%add3A, %dma_start3A_112, %dma_start3A_113] : memref<32x80x128xi32, #tpu.memory_space<hbm>> -> memref<1x80x128xi32, #tpu.memory_space<hbm>>
      %dma_start3A_115 = tpu.memref_squeeze %dma_start3A_114 : memref<1x80x128xi32, #tpu.memory_space<hbm>> -> memref<80x128xi32, #tpu.memory_space<hbm>>
      tpu.enqueue_dma source(%dma_start3A_115 : memref<80x128xi32, #tpu.memory_space<hbm>>) target(%arg11 : memref<80x128xi32, #tpu.memory_space<vmem>>) target_semaphore(%run_scoped3A : memref<!tpu.dma_semaphore, #tpu.memory_space<semaphore_mem>>)
      %dma_wait3A = arith.constant 0 : i32
      %dma_wait3A_116 = arith.constant 0 : i32
      %dma_wait3A_117 = tpu.memref_slice %arg4[%add3A, %dma_wait3A, %dma_wait3A_116] : memref<32x80x128xi32, #tpu.memory_space<hbm>> -> memref<1x80x128xi32, #tpu.memory_space<hbm>>
      %dma_wait3A_118 = tpu.memref_squeeze %dma_wait3A_117 : memref<1x80x128xi32, #tpu.memory_space<hbm>> -> memref<80x128xi32, #tpu.memory_space<hbm>>
      %dma_wait3A_119 = arith.constant 0 : i32
      %dma_wait3A_120 = arith.constant 0 : i32
      %dma_wait3A_121 = tpu.memref_slice %arg4[%add3A, %dma_wait3A_119, %dma_wait3A_120] : memref<32x80x128xi32, #tpu.memory_space<hbm>> -> memref<1x80x128xi32, #tpu.memory_space<hbm>>
      %dma_wait3A_122 = tpu.memref_squeeze %dma_wait3A_121 : memref<1x80x128xi32, #tpu.memory_space<hbm>> -> memref<80x128xi32, #tpu.memory_space<hbm>>
      tpu.wait_dma2 semaphore(%run_scoped3A : memref<!tpu.dma_semaphore, #tpu.memory_space<semaphore_mem>>) src(%dma_wait3A_122 : memref<80x128xi32, #tpu.memory_space<hbm>>) dst(%arg11 : memref<80x128xi32, #tpu.memory_space<vmem>>)
      tpu.yield
    }) : () -> ()
    %mul3A_5 = arith.constant 10240 : i32
    %mul3A_6 = arith.muli %add3A, %mul3A_5 : i32
    "tpu.region"() ({
      %run_scoped3A = tpu.sem_alloc : memref<!tpu.dma_semaphore, #tpu.memory_space<semaphore_mem>>
      %dma_start3A_108 = tpu.memref_slice %arg5[%mul3A_6] : memref<327680xf32, #tpu.memory_space<hbm>> -> memref<10240xf32, #tpu.memory_space<hbm>>
      %dma_start3A_109 = tpu.memref_slice %arg5[%mul3A_6] : memref<327680xf32, #tpu.memory_space<hbm>> -> memref<10240xf32, #tpu.memory_space<hbm>>
      tpu.enqueue_dma source(%dma_start3A_109 : memref<10240xf32, #tpu.memory_space<hbm>>) target(%arg12 : memref<10240xf32, #tpu.memory_space<vmem>>) target_semaphore(%run_scoped3A : memref<!tpu.dma_semaphore, #tpu.memory_space<semaphore_mem>>)
      %dma_wait3A = tpu.memref_slice %arg5[%mul3A_6] : memref<327680xf32, #tpu.memory_space<hbm>> -> memref<10240xf32, #tpu.memory_space<hbm>>
      %dma_wait3A_110 = tpu.memref_slice %arg5[%mul3A_6] : memref<327680xf32, #tpu.memory_space<hbm>> -> memref<10240xf32, #tpu.memory_space<hbm>>
      tpu.wait_dma2 semaphore(%run_scoped3A : memref<!tpu.dma_semaphore, #tpu.memory_space<semaphore_mem>>) src(%dma_wait3A_110 : memref<10240xf32, #tpu.memory_space<hbm>>) dst(%arg12 : memref<10240xf32, #tpu.memory_space<vmem>>)
      tpu.yield
    }) : () -> ()
    %mul3A_7 = arith.constant 10240 : i32
    %mul3A_8 = arith.muli %add3A, %mul3A_7 : i32
    "tpu.region"() ({
      %run_scoped3A = tpu.sem_alloc : memref<!tpu.dma_semaphore, #tpu.memory_space<semaphore_mem>>
      %dma_start3A_108 = tpu.memref_slice %arg6[%mul3A_8] : memref<327680xf32, #tpu.memory_space<hbm>> -> memref<10240xf32, #tpu.memory_space<hbm>>
      %dma_start3A_109 = tpu.memref_slice %arg6[%mul3A_8] : memref<327680xf32, #tpu.memory_space<hbm>> -> memref<10240xf32, #tpu.memory_space<hbm>>
      tpu.enqueue_dma source(%dma_start3A_109 : memref<10240xf32, #tpu.memory_space<hbm>>) target(%arg13 : memref<10240xf32, #tpu.memory_space<vmem>>) target_semaphore(%run_scoped3A : memref<!tpu.dma_semaphore, #tpu.memory_space<semaphore_mem>>)
      %dma_wait3A = tpu.memref_slice %arg6[%mul3A_8] : memref<327680xf32, #tpu.memory_space<hbm>> -> memref<10240xf32, #tpu.memory_space<hbm>>
      %dma_wait3A_110 = tpu.memref_slice %arg6[%mul3A_8] : memref<327680xf32, #tpu.memory_space<hbm>> -> memref<10240xf32, #tpu.memory_space<hbm>>
      tpu.wait_dma2 semaphore(%run_scoped3A : memref<!tpu.dma_semaphore, #tpu.memory_space<semaphore_mem>>) src(%dma_wait3A_110 : memref<10240xf32, #tpu.memory_space<hbm>>) dst(%arg13 : memref<10240xf32, #tpu.memory_space<vmem>>)
      tpu.yield
    }) : () -> ()
    %eq3A = arith.constant 31 : i32
    %eq3A_9 = arith.cmpi eq, %add3A, %eq3A : i32
    %select_n3A = arith.constant 20 : i32
    %select_n3A_10 = arith.constant 5 : i32
    %select_n3A_11 = arith.select %eq3A_9, %select_n3A_10, %select_n3A : i32
    %iota3A = tpu.iota {dimensions = array<i32: 0>} : vector<16xi32>
    %broadcast_in_dim3A = arith.constant 0 : i32
    %broadcast_in_dim3A_12 = vector.broadcast %broadcast_in_dim3A : i32 to vector<16xi32>
    %broadcast_in_dim3A_13 = arith.constant 1.000000e+00 : f32
    %broadcast_in_dim3A_14 = vector.broadcast %broadcast_in_dim3A_13 : f32 to vector<16xf32>
    %dma_start3A = arith.constant 0 : i32
    %dma_start3A_15 = arith.constant 0 : i32
    %dma_start3A_16 = arith.constant 0 : i32
    %dma_start3A_17 = tpu.memref_slice %arg16[%dma_start3A_15, %dma_start3A_16] : memref<512x16xf32, #tpu.memory_space<vmem>> -> memref<128x16xf32, #tpu.memory_space<vmem>>
    %dma_start3A_18 = arith.constant 0 : i32
    %dma_start3A_19 = tpu.memref_slice %arg10[%dma_start3A, %dma_start3A_18] : memref<80x128xi32, #tpu.memory_space<vmem>> -> memref<1x128xi32, #tpu.memory_space<vmem>>
    %dma_start3A_20 = tpu.memref_squeeze %dma_start3A_19 : memref<1x128xi32, #tpu.memory_space<vmem>> -> memref<128xi32, #tpu.memory_space<vmem>>
    %dma_start3A_21 = arith.constant 0 : i32
    %dma_start3A_22 = arith.constant 0 : i32
    %dma_start3A_23 = tpu.memref_slice %arg2[%dma_start3A_21, %dma_start3A_22] : memref<10000x16xf32, #tpu.memory_space<hbm>> -> memref<10000x16xf32, #tpu.memory_space<hbm>>
    tpu.enqueue_indirect_dma source(%dma_start3A_23 : memref<10000x16xf32, #tpu.memory_space<hbm>>) target(%dma_start3A_17 : memref<128x16xf32, #tpu.memory_space<vmem>>) offsets(%dma_start3A_20 : memref<128xi32, #tpu.memory_space<vmem>>) semaphore(%arg21 : memref<!tpu.dma_semaphore, #tpu.memory_space<semaphore_mem>>)
    %dma_start3A_24 = arith.constant 1 : i32
    %dma_start3A_25 = arith.constant 128 : i32
    %dma_start3A_26 = arith.constant 0 : i32
    %dma_start3A_27 = tpu.memref_slice %arg16[%dma_start3A_25, %dma_start3A_26] : memref<512x16xf32, #tpu.memory_space<vmem>> -> memref<128x16xf32, #tpu.memory_space<vmem>>
    %dma_start3A_28 = arith.constant 0 : i32
    %dma_start3A_29 = tpu.memref_slice %arg10[%dma_start3A_24, %dma_start3A_28] : memref<80x128xi32, #tpu.memory_space<vmem>> -> memref<1x128xi32, #tpu.memory_space<vmem>>
    %dma_start3A_30 = tpu.memref_squeeze %dma_start3A_29 : memref<1x128xi32, #tpu.memory_space<vmem>> -> memref<128xi32, #tpu.memory_space<vmem>>
    %dma_start3A_31 = arith.constant 0 : i32
    %dma_start3A_32 = arith.constant 0 : i32
    %dma_start3A_33 = tpu.memref_slice %arg2[%dma_start3A_31, %dma_start3A_32] : memref<10000x16xf32, #tpu.memory_space<hbm>> -> memref<10000x16xf32, #tpu.memory_space<hbm>>
    tpu.enqueue_indirect_dma source(%dma_start3A_33 : memref<10000x16xf32, #tpu.memory_space<hbm>>) target(%dma_start3A_27 : memref<128x16xf32, #tpu.memory_space<vmem>>) offsets(%dma_start3A_30 : memref<128xi32, #tpu.memory_space<vmem>>) semaphore(%arg21 : memref<!tpu.dma_semaphore, #tpu.memory_space<semaphore_mem>>)
    %dma_start3A_34 = arith.constant 2 : i32
    %dma_start3A_35 = arith.constant 256 : i32
    %dma_start3A_36 = arith.constant 0 : i32
    %dma_start3A_37 = tpu.memref_slice %arg16[%dma_start3A_35, %dma_start3A_36] : memref<512x16xf32, #tpu.memory_space<vmem>> -> memref<128x16xf32, #tpu.memory_space<vmem>>
    %dma_start3A_38 = arith.constant 0 : i32
    %dma_start3A_39 = tpu.memref_slice %arg10[%dma_start3A_34, %dma_start3A_38] : memref<80x128xi32, #tpu.memory_space<vmem>> -> memref<1x128xi32, #tpu.memory_space<vmem>>
    %dma_start3A_40 = tpu.memref_squeeze %dma_start3A_39 : memref<1x128xi32, #tpu.memory_space<vmem>> -> memref<128xi32, #tpu.memory_space<vmem>>
    %dma_start3A_41 = arith.constant 0 : i32
    %dma_start3A_42 = arith.constant 0 : i32
    %dma_start3A_43 = tpu.memref_slice %arg2[%dma_start3A_41, %dma_start3A_42] : memref<10000x16xf32, #tpu.memory_space<hbm>> -> memref<10000x16xf32, #tpu.memory_space<hbm>>
    tpu.enqueue_indirect_dma source(%dma_start3A_43 : memref<10000x16xf32, #tpu.memory_space<hbm>>) target(%dma_start3A_37 : memref<128x16xf32, #tpu.memory_space<vmem>>) offsets(%dma_start3A_40 : memref<128xi32, #tpu.memory_space<vmem>>) semaphore(%arg21 : memref<!tpu.dma_semaphore, #tpu.memory_space<semaphore_mem>>)
    %dma_start3A_44 = arith.constant 3 : i32
    %dma_start3A_45 = arith.constant 384 : i32
    %dma_start3A_46 = arith.constant 0 : i32
    %dma_start3A_47 = tpu.memref_slice %arg16[%dma_start3A_45, %dma_start3A_46] : memref<512x16xf32, #tpu.memory_space<vmem>> -> memref<128x16xf32, #tpu.memory_space<vmem>>
    %dma_start3A_48 = arith.constant 0 : i32
    %dma_start3A_49 = tpu.memref_slice %arg10[%dma_start3A_44, %dma_start3A_48] : memref<80x128xi32, #tpu.memory_space<vmem>> -> memref<1x128xi32, #tpu.memory_space<vmem>>
    %dma_start3A_50 = tpu.memref_squeeze %dma_start3A_49 : memref<1x128xi32, #tpu.memory_space<vmem>> -> memref<128xi32, #tpu.memory_space<vmem>>
    %dma_start3A_51 = arith.constant 0 : i32
    %dma_start3A_52 = arith.constant 0 : i32
    %dma_start3A_53 = tpu.memref_slice %arg2[%dma_start3A_51, %dma_start3A_52] : memref<10000x16xf32, #tpu.memory_space<hbm>> -> memref<10000x16xf32, #tpu.memory_space<hbm>>
    tpu.enqueue_indirect_dma source(%dma_start3A_53 : memref<10000x16xf32, #tpu.memory_space<hbm>>) target(%dma_start3A_47 : memref<128x16xf32, #tpu.memory_space<vmem>>) offsets(%dma_start3A_50 : memref<128xi32, #tpu.memory_space<vmem>>) semaphore(%arg21 : memref<!tpu.dma_semaphore, #tpu.memory_space<semaphore_mem>>)
    %dma_start3A_54 = arith.constant 4 : i32
    %dma_start3A_55 = arith.constant 0 : i32
    %dma_start3A_56 = arith.constant 0 : i32
    %dma_start3A_57 = tpu.memref_slice %arg17[%dma_start3A_55, %dma_start3A_56] : memref<512x16xf32, #tpu.memory_space<vmem>> -> memref<128x16xf32, #tpu.memory_space<vmem>>
    %dma_start3A_58 = arith.constant 0 : i32
    %dma_start3A_59 = tpu.memref_slice %arg10[%dma_start3A_54, %dma_start3A_58] : memref<80x128xi32, #tpu.memory_space<vmem>> -> memref<1x128xi32, #tpu.memory_space<vmem>>
    %dma_start3A_60 = tpu.memref_squeeze %dma_start3A_59 : memref<1x128xi32, #tpu.memory_space<vmem>> -> memref<128xi32, #tpu.memory_space<vmem>>
    %dma_start3A_61 = arith.constant 0 : i32
    %dma_start3A_62 = arith.constant 0 : i32
    %dma_start3A_63 = tpu.memref_slice %arg2[%dma_start3A_61, %dma_start3A_62] : memref<10000x16xf32, #tpu.memory_space<hbm>> -> memref<10000x16xf32, #tpu.memory_space<hbm>>
    tpu.enqueue_indirect_dma source(%dma_start3A_63 : memref<10000x16xf32, #tpu.memory_space<hbm>>) target(%dma_start3A_57 : memref<128x16xf32, #tpu.memory_space<vmem>>) offsets(%dma_start3A_60 : memref<128xi32, #tpu.memory_space<vmem>>) semaphore(%arg22 : memref<!tpu.dma_semaphore, #tpu.memory_space<semaphore_mem>>)
    %dma_start3A_64 = arith.constant 5 : i32
    %dma_start3A_65 = arith.constant 128 : i32
    %dma_start3A_66 = arith.constant 0 : i32
    %dma_start3A_67 = tpu.memref_slice %arg17[%dma_start3A_65, %dma_start3A_66] : memref<512x16xf32, #tpu.memory_space<vmem>> -> memref<128x16xf32, #tpu.memory_space<vmem>>
    %dma_start3A_68 = arith.constant 0 : i32
    %dma_start3A_69 = tpu.memref_slice %arg10[%dma_start3A_64, %dma_start3A_68] : memref<80x128xi32, #tpu.memory_space<vmem>> -> memref<1x128xi32, #tpu.memory_space<vmem>>
    %dma_start3A_70 = tpu.memref_squeeze %dma_start3A_69 : memref<1x128xi32, #tpu.memory_space<vmem>> -> memref<128xi32, #tpu.memory_space<vmem>>
    %dma_start3A_71 = arith.constant 0 : i32
    %dma_start3A_72 = arith.constant 0 : i32
    %dma_start3A_73 = tpu.memref_slice %arg2[%dma_start3A_71, %dma_start3A_72] : memref<10000x16xf32, #tpu.memory_space<hbm>> -> memref<10000x16xf32, #tpu.memory_space<hbm>>
    tpu.enqueue_indirect_dma source(%dma_start3A_73 : memref<10000x16xf32, #tpu.memory_space<hbm>>) target(%dma_start3A_67 : memref<128x16xf32, #tpu.memory_space<vmem>>) offsets(%dma_start3A_70 : memref<128xi32, #tpu.memory_space<vmem>>) semaphore(%arg22 : memref<!tpu.dma_semaphore, #tpu.memory_space<semaphore_mem>>)
    %dma_start3A_74 = arith.constant 6 : i32
    %dma_start3A_75 = arith.constant 256 : i32
    %dma_start3A_76 = arith.constant 0 : i32
    %dma_start3A_77 = tpu.memref_slice %arg17[%dma_start3A_75, %dma_start3A_76] : memref<512x16xf32, #tpu.memory_space<vmem>> -> memref<128x16xf32, #tpu.memory_space<vmem>>
    %dma_start3A_78 = arith.constant 0 : i32
    %dma_start3A_79 = tpu.memref_slice %arg10[%dma_start3A_74, %dma_start3A_78] : memref<80x128xi32, #tpu.memory_space<vmem>> -> memref<1x128xi32, #tpu.memory_space<vmem>>
    %dma_start3A_80 = tpu.memref_squeeze %dma_start3A_79 : memref<1x128xi32, #tpu.memory_space<vmem>> -> memref<128xi32, #tpu.memory_space<vmem>>
    %dma_start3A_81 = arith.constant 0 : i32
    %dma_start3A_82 = arith.constant 0 : i32
    %dma_start3A_83 = tpu.memref_slice %arg2[%dma_start3A_81, %dma_start3A_82] : memref<10000x16xf32, #tpu.memory_space<hbm>> -> memref<10000x16xf32, #tpu.memory_space<hbm>>
    tpu.enqueue_indirect_dma source(%dma_start3A_83 : memref<10000x16xf32, #tpu.memory_space<hbm>>) target(%dma_start3A_77 : memref<128x16xf32, #tpu.memory_space<vmem>>) offsets(%dma_start3A_80 : memref<128xi32, #tpu.memory_space<vmem>>) semaphore(%arg22 : memref<!tpu.dma_semaphore, #tpu.memory_space<semaphore_mem>>)
    %dma_start3A_84 = arith.constant 7 : i32
    %dma_start3A_85 = arith.constant 384 : i32
    %dma_start3A_86 = arith.constant 0 : i32
    %dma_start3A_87 = tpu.memref_slice %arg17[%dma_start3A_85, %dma_start3A_86] : memref<512x16xf32, #tpu.memory_space<vmem>> -> memref<128x16xf32, #tpu.memory_space<vmem>>
    %dma_start3A_88 = arith.constant 0 : i32
    %dma_start3A_89 = tpu.memref_slice %arg10[%dma_start3A_84, %dma_start3A_88] : memref<80x128xi32, #tpu.memory_space<vmem>> -> memref<1x128xi32, #tpu.memory_space<vmem>>
    %dma_start3A_90 = tpu.memref_squeeze %dma_start3A_89 : memref<1x128xi32, #tpu.memory_space<vmem>> -> memref<128xi32, #tpu.memory_space<vmem>>
    %dma_start3A_91 = arith.constant 0 : i32
    %dma_start3A_92 = arith.constant 0 : i32
    %dma_start3A_93 = tpu.memref_slice %arg2[%dma_start3A_91, %dma_start3A_92] : memref<10000x16xf32, #tpu.memory_space<hbm>> -> memref<10000x16xf32, #tpu.memory_space<hbm>>
    tpu.enqueue_indirect_dma source(%dma_start3A_93 : memref<10000x16xf32, #tpu.memory_space<hbm>>) target(%dma_start3A_87 : memref<128x16xf32, #tpu.memory_space<vmem>>) offsets(%dma_start3A_90 : memref<128xi32, #tpu.memory_space<vmem>>) semaphore(%arg22 : memref<!tpu.dma_semaphore, #tpu.memory_space<semaphore_mem>>)
    %scan3A = arith.constant 0 : i32
    %scan3A_94 = arith.constant 0 : i32
    %scan3A_95 = arith.constant 10 : i32
    %scan3A_96 = arith.addi %scan3A_94, %scan3A_95 : i32
    %scan3A_97 = arith.constant 1 : i32
    scf.for %scan3A_108 = %scan3A_94 to %scan3A_96 step %scan3A_97  : i32 {
      %mul3A_109 = arith.constant 2 : i32
      %mul3A_110 = arith.muli %mul3A_109, %scan3A_108 : i32
      %lt3A = arith.cmpi slt, %mul3A_110, %select_n3A_11 : i32
      %convert_element_type3A = arith.extui %lt3A : i1 to i32
      %cond3A = arith.constant 0 : i32
      %cond3A_111 = arith.cmpi ne, %convert_element_type3A, %cond3A : i32
      scf.if %cond3A_111 {
        %add3A_120 = arith.constant 0 : i32
        %add3A_121 = vector.broadcast %add3A_120 : i32 to vector<16xi32>
        %add3A_122 = arith.addi %iota3A, %add3A_121 : vector<16xi32>
        %mul3A_123 = arith.constant 512 : i32
        %mul3A_124 = arith.muli %mul3A_110, %mul3A_123 : i32
        %add3A_125 = arith.constant 0 : i32
        %add3A_126 = arith.addi %mul3A_124, %add3A_125 : i32
        %get3A = arith.index_cast %add3A_126 : i32 to index
        %get3A_127 = tpu.vector_load %arg12[%get3A] {strides = array<i32>} : memref<10240xf32, #tpu.memory_space<vmem>>, vector<16xf32>,
        %mul3A_128 = arith.constant 512 : i32
        %mul3A_129 = arith.muli %mul3A_110, %mul3A_128 : i32
        %add3A_130 = arith.constant 0 : i32
        %add3A_131 = arith.addi %mul3A_129, %add3A_130 : i32
        %get3A_132 = arith.index_cast %add3A_131 : i32 to index
        %get3A_133 = tpu.vector_load %arg13[%get3A_132] {strides = array<i32>} : memref<10240xf32, #tpu.memory_space<vmem>>, vector<16xf32>,
        tpu.vector_store_idx %arg14[%add3A_122, %broadcast_in_dim3A_12], %get3A_127 : memref<512x16xf32, #tpu.memory_space<vmem>>[vector<16xi32>, vector<16xi32>], vector<16xf32>,
        %add3A_134 = arith.constant 1 : i32
        %add3A_135 = vector.broadcast %add3A_134 : i32 to vector<16xi32>
        %add3A_136 = arith.addi %broadcast_in_dim3A_12, %add3A_135 : vector<16xi32>
        tpu.vector_store_idx %arg14[%add3A_122, %add3A_136], %get3A_133 : memref<512x16xf32, #tpu.memory_space<vmem>>[vector<16xi32>, vector<16xi32>], vector<16xf32>,
        %add3A_137 = arith.constant 2 : i32
        %add3A_138 = vector.broadcast %add3A_137 : i32 to vector<16xi32>
        %add3A_139 = arith.addi %broadcast_in_dim3A_12, %add3A_138 : vector<16xi32>
        tpu.vector_store_idx %arg14[%add3A_122, %add3A_139], %broadcast_in_dim3A_14 : memref<512x16xf32, #tpu.memory_space<vmem>>[vector<16xi32>, vector<16xi32>], vector<16xf32>,
        %add3A_140 = arith.constant 16 : i32
        %add3A_141 = vector.broadcast %add3A_140 : i32 to vector<16xi32>
        %add3A_142 = arith.addi %iota3A, %add3A_141 : vector<16xi32>
        %mul3A_143 = arith.constant 512 : i32
        %mul3A_144 = arith.muli %mul3A_110, %mul3A_143 : i32
        %add3A_145 = arith.constant 16 : i32
        %add3A_146 = arith.addi %mul3A_144, %add3A_145 : i32
        %get3A_147 = arith.index_cast %add3A_146 : i32 to index
        %get3A_148 = tpu.vector_load %arg12[%get3A_147] {strides = array<i32>} : memref<10240xf32, #tpu.memory_space<vmem>>, vector<16xf32>,
        %mul3A_149 = arith.constant 512 : i32
        %mul3A_150 = arith.muli %mul3A_110, %mul3A_149 : i32
        %add3A_151 = arith.constant 16 : i32
        %add3A_152 = arith.addi %mul3A_150, %add3A_151 : i32
        %get3A_153 = arith.index_cast %add3A_152 : i32 to index
        %get3A_154 = tpu.vector_load %arg13[%get3A_153] {strides = array<i32>} : memref<10240xf32, #tpu.memory_space<vmem>>, vector<16xf32>,
        tpu.vector_store_idx %arg14[%add3A_142, %broadcast_in_dim3A_12], %get3A_148 : memref<512x16xf32, #tpu.memory_space<vmem>>[vector<16xi32>, vector<16xi32>], vector<16xf32>,
        %add3A_155 = arith.constant 1 : i32
        %add3A_156 = vector.broadcast %add3A_155 : i32 to vector<16xi32>
        %add3A_157 = arith.addi %broadcast_in_dim3A_12, %add3A_156 : vector<16xi32>
        tpu.vector_store_idx %arg14[%add3A_142, %add3A_157], %get3A_154 : memref<512x16xf32, #tpu.memory_space<vmem>>[vector<16xi32>, vector<16xi32>], vector<16xf32>,
        %add3A_158 = arith.constant 2 : i32
        %add3A_159 = vector.broadcast %add3A_158 : i32 to vector<16xi32>
        %add3A_160 = arith.addi %broadcast_in_dim3A_12, %add3A_159 : vector<16xi32>
        tpu.vector_store_idx %arg14[%add3A_142, %add3A_160], %broadcast_in_dim3A_14 : memref<512x16xf32, #tpu.memory_space<vmem>>[vector<16xi32>, vector<16xi32>], vector<16xf32>,
        %add3A_161 = arith.constant 32 : i32
        %add3A_162 = vector.broadcast %add3A_161 : i32 to vector<16xi32>
        %add3A_163 = arith.addi %iota3A, %add3A_162 : vector<16xi32>
        %mul3A_164 = arith.constant 512 : i32
        %mul3A_165 = arith.muli %mul3A_110, %mul3A_164 : i32
        %add3A_166 = arith.constant 32 : i32
        %add3A_167 = arith.addi %mul3A_165, %add3A_166 : i32
        %get3A_168 = arith.index_cast %add3A_167 : i32 to index
        %get3A_169 = tpu.vector_load %arg12[%get3A_168] {strides = array<i32>} : memref<10240xf32, #tpu.memory_space<vmem>>, vector<16xf32>,
        %mul3A_170 = arith.constant 512 : i32
        %mul3A_171 = arith.muli %mul3A_110, %mul3A_170 : i32
        %add3A_172 = arith.constant 32 : i32
        %add3A_173 = arith.addi %mul3A_171, %add3A_172 : i32
        %get3A_174 = arith.index_cast %add3A_173 : i32 to index
        %get3A_175 = tpu.vector_load %arg13[%get3A_174] {strides = array<i32>} : memref<10240xf32, #tpu.memory_space<vmem>>, vector<16xf32>,
        tpu.vector_store_idx %arg14[%add3A_163, %broadcast_in_dim3A_12], %get3A_169 : memref<512x16xf32, #tpu.memory_space<vmem>>[vector<16xi32>, vector<16xi32>], vector<16xf32>,
        %add3A_176 = arith.constant 1 : i32
        %add3A_177 = vector.broadcast %add3A_176 : i32 to vector<16xi32>
        %add3A_178 = arith.addi %broadcast_in_dim3A_12, %add3A_177 : vector<16xi32>
        tpu.vector_store_idx %arg14[%add3A_163, %add3A_178], %get3A_175 : memref<512x16xf32, #tpu.memory_space<vmem>>[vector<16xi32>, vector<16xi32>], vector<16xf32>,
        %add3A_179 = arith.constant 2 : i32
        %add3A_180 = vector.broadcast %add3A_179 : i32 to vector<16xi32>
        %add3A_181 = arith.addi %broadcast_in_dim3A_12, %add3A_180 : vector<16xi32>
        tpu.vector_store_idx %arg14[%add3A_163, %add3A_181], %broadcast_in_dim3A_14 : memref<512x16xf32, #tpu.memory_space<vmem>>[vector<16xi32>, vector<16xi32>], vector<16xf32>,
        %add3A_182 = arith.constant 48 : i32
        %add3A_183 = vector.broadcast %add3A_182 : i32 to vector<16xi32>
        %add3A_184 = arith.addi %iota3A, %add3A_183 : vector<16xi32>
        %mul3A_185 = arith.constant 512 : i32
        %mul3A_186 = arith.muli %mul3A_110, %mul3A_185 : i32
        %add3A_187 = arith.constant 48 : i32
        %add3A_188 = arith.addi %mul3A_186, %add3A_187 : i32
        %get3A_189 = arith.index_cast %add3A_188 : i32 to index
        %get3A_190 = tpu.vector_load %arg12[%get3A_189] {strides = array<i32>} : memref<10240xf32, #tpu.memory_space<vmem>>, vector<16xf32>,
        %mul3A_191 = arith.constant 512 : i32
        %mul3A_192 = arith.muli %mul3A_110, %mul3A_191 : i32
        %add3A_193 = arith.constant 48 : i32
        %add3A_194 = arith.addi %mul3A_192, %add3A_193 : i32
        %get3A_195 = arith.index_cast %add3A_194 : i32 to index
        %get3A_196 = tpu.vector_load %arg13[%get3A_195] {strides = array<i32>} : memref<10240xf32, #tpu.memory_space<vmem>>, vector<16xf32>,
        tpu.vector_store_idx %arg14[%add3A_184, %broadcast_in_dim3A_12], %get3A_190 : memref<512x16xf32, #tpu.memory_space<vmem>>[vector<16xi32>, vector<16xi32>], vector<16xf32>,
        %add3A_197 = arith.constant 1 : i32
        %add3A_198 = vector.broadcast %add3A_197 : i32 to vector<16xi32>
        %add3A_199 = arith.addi %broadcast_in_dim3A_12, %add3A_198 : vector<16xi32>
        tpu.vector_store_idx %arg14[%add3A_184, %add3A_199], %get3A_196 : memref<512x16xf32, #tpu.memory_space<vmem>>[vector<16xi32>, vector<16xi32>], vector<16xf32>,
        %add3A_200 = arith.constant 2 : i32
        %add3A_201 = vector.broadcast %add3A_200 : i32 to vector<16xi32>
        %add3A_202 = arith.addi %broadcast_in_dim3A_12, %add3A_201 : vector<16xi32>
        tpu.vector_store_idx %arg14[%add3A_184, %add3A_202], %broadcast_in_dim3A_14 : memref<512x16xf32, #tpu.memory_space<vmem>>[vector<16xi32>, vector<16xi32>], vector<16xf32>,
        %add3A_203 = arith.constant 64 : i32
        %add3A_204 = vector.broadcast %add3A_203 : i32 to vector<16xi32>
        %add3A_205 = arith.addi %iota3A, %add3A_204 : vector<16xi32>
        %mul3A_206 = arith.constant 512 : i32
        %mul3A_207 = arith.muli %mul3A_110, %mul3A_206 : i32
        %add3A_208 = arith.constant 64 : i32
        %add3A_209 = arith.addi %mul3A_207, %add3A_208 : i32
        %get3A_210 = arith.index_cast %add3A_209 : i32 to index
        %get3A_211 = tpu.vector_load %arg12[%get3A_210] {strides = array<i32>} : memref<10240xf32, #tpu.memory_space<vmem>>, vector<16xf32>,
        %mul3A_212 = arith.constant 512 : i32
        %mul3A_213 = arith.muli %mul3A_110, %mul3A_212 : i32
        %add3A_214 = arith.constant 64 : i32
        %add3A_215 = arith.addi %mul3A_213, %add3A_214 : i32
        %get3A_216 = arith.index_cast %add3A_215 : i32 to index
        %get3A_217 = tpu.vector_load %arg13[%get3A_216] {strides = array<i32>} : memref<10240xf32, #tpu.memory_space<vmem>>, vector<16xf32>,
        tpu.vector_store_idx %arg14[%add3A_205, %broadcast_in_dim3A_12], %get3A_211 : memref<512x16xf32, #tpu.memory_space<vmem>>[vector<16xi32>, vector<16xi32>], vector<16xf32>,
        %add3A_218 = arith.constant 1 : i32
        %add3A_219 = vector.broadcast %add3A_218 : i32 to vector<16xi32>
        %add3A_220 = arith.addi %broadcast_in_dim3A_12, %add3A_219 : vector<16xi32>
        tpu.vector_store_idx %arg14[%add3A_205, %add3A_220], %get3A_217 : memref<512x16xf32, #tpu.memory_space<vmem>>[vector<16xi32>, vector<16xi32>], vector<16xf32>,
        %add3A_221 = arith.constant 2 : i32
        %add3A_222 = vector.broadcast %add3A_221 : i32 to vector<16xi32>
        %add3A_223 = arith.addi %broadcast_in_dim3A_12, %add3A_222 : vector<16xi32>
        tpu.vector_store_idx %arg14[%add3A_205, %add3A_223], %broadcast_in_dim3A_14 : memref<512x16xf32, #tpu.memory_space<vmem>>[vector<16xi32>, vector<16xi32>], vector<16xf32>,
        %add3A_224 = arith.constant 80 : i32
        %add3A_225 = vector.broadcast %add3A_224 : i32 to vector<16xi32>
        %add3A_226 = arith.addi %iota3A, %add3A_225 : vector<16xi32>
        %mul3A_227 = arith.constant 512 : i32
        %mul3A_228 = arith.muli %mul3A_110, %mul3A_227 : i32
        %add3A_229 = arith.constant 80 : i32
        %add3A_230 = arith.addi %mul3A_228, %add3A_229 : i32
        %get3A_231 = arith.index_cast %add3A_230 : i32 to index
        %get3A_232 = tpu.vector_load %arg12[%get3A_231] {strides = array<i32>} : memref<10240xf32, #tpu.memory_space<vmem>>, vector<16xf32>,
        %mul3A_233 = arith.constant 512 : i32
        %mul3A_234 = arith.muli %mul3A_110, %mul3A_233 : i32
        %add3A_235 = arith.constant 80 : i32
        %add3A_236 = arith.addi %mul3A_234, %add3A_235 : i32
        %get3A_237 = arith.index_cast %add3A_236 : i32 to index
        %get3A_238 = tpu.vector_load %arg13[%get3A_237] {strides = array<i32>} : memref<10240xf32, #tpu.memory_space<vmem>>, vector<16xf32>,
        tpu.vector_store_idx %arg14[%add3A_226, %broadcast_in_dim3A_12], %get3A_232 : memref<512x16xf32, #tpu.memory_space<vmem>>[vector<16xi32>, vector<16xi32>], vector<16xf32>,
        %add3A_239 = arith.constant 1 : i32
        %add3A_240 = vector.broadcast %add3A_239 : i32 to vector<16xi32>
        %add3A_241 = arith.addi %broadcast_in_dim3A_12, %add3A_240 : vector<16xi32>
        tpu.vector_store_idx %arg14[%add3A_226, %add3A_241], %get3A_238 : memref<512x16xf32, #tpu.memory_space<vmem>>[vector<16xi32>, vector<16xi32>], vector<16xf32>,
        %add3A_242 = arith.constant 2 : i32
        %add3A_243 = vector.broadcast %add3A_242 : i32 to vector<16xi32>
        %add3A_244 = arith.addi %broadcast_in_dim3A_12, %add3A_243 : vector<16xi32>
        tpu.vector_store_idx %arg14[%add3A_226, %add3A_244], %broadcast_in_dim3A_14 : memref<512x16xf32, #tpu.memory_space<vmem>>[vector<16xi32>, vector<16xi32>], vector<16xf32>,
        %add3A_245 = arith.constant 96 : i32
        %add3A_246 = vector.broadcast %add3A_245 : i32 to vector<16xi32>
        %add3A_247 = arith.addi %iota3A, %add3A_246 : vector<16xi32>
        %mul3A_248 = arith.constant 512 : i32
        %mul3A_249 = arith.muli %mul3A_110, %mul3A_248 : i32
        %add3A_250 = arith.constant 96 : i32
        %add3A_251 = arith.addi %mul3A_249, %add3A_250 : i32
        %get3A_252 = arith.index_cast %add3A_251 : i32 to index
        %get3A_253 = tpu.vector_load %arg12[%get3A_252] {strides = array<i32>} : memref<10240xf32, #tpu.memory_space<vmem>>, vector<16xf32>,
        %mul3A_254 = arith.constant 512 : i32
        %mul3A_255 = arith.muli %mul3A_110, %mul3A_254 : i32
        %add3A_256 = arith.constant 96 : i32
        %add3A_257 = arith.addi %mul3A_255, %add3A_256 : i32
        %get3A_258 = arith.index_cast %add3A_257 : i32 to index
        %get3A_259 = tpu.vector_load %arg13[%get3A_258] {strides = array<i32>} : memref<10240xf32, #tpu.memory_space<vmem>>, vector<16xf32>,
        tpu.vector_store_idx %arg14[%add3A_247, %broadcast_in_dim3A_12], %get3A_253 : memref<512x16xf32, #tpu.memory_space<vmem>>[vector<16xi32>, vector<16xi32>], vector<16xf32>,
        %add3A_260 = arith.constant 1 : i32
        %add3A_261 = vector.broadcast %add3A_260 : i32 to vector<16xi32>
        %add3A_262 = arith.addi %broadcast_in_dim3A_12, %add3A_261 : vector<16xi32>
        tpu.vector_store_idx %arg14[%add3A_247, %add3A_262], %get3A_259 : memref<512x16xf32, #tpu.memory_space<vmem>>[vector<16xi32>, vector<16xi32>], vector<16xf32>,
        %add3A_263 = arith.constant 2 : i32
        %add3A_264 = vector.broadcast %add3A_263 : i32 to vector<16xi32>
        %add3A_265 = arith.addi %broadcast_in_dim3A_12, %add3A_264 : vector<16xi32>
        tpu.vector_store_idx %arg14[%add3A_247, %add3A_265], %broadcast_in_dim3A_14 : memref<512x16xf32, #tpu.memory_space<vmem>>[vector<16xi32>, vector<16xi32>], vector<16xf32>,
        %add3A_266 = arith.constant 112 : i32
        %add3A_267 = vector.broadcast %add3A_266 : i32 to vector<16xi32>
        %add3A_268 = arith.addi %iota3A, %add3A_267 : vector<16xi32>
        %mul3A_269 = arith.constant 512 : i32
        %mul3A_270 = arith.muli %mul3A_110, %mul3A_269 : i32
        %add3A_271 = arith.constant 112 : i32
        %add3A_272 = arith.addi %mul3A_270, %add3A_271 : i32
        %get3A_273 = arith.index_cast %add3A_272 : i32 to index
        %get3A_274 = tpu.vector_load %arg12[%get3A_273] {strides = array<i32>} : memref<10240xf32, #tpu.memory_space<vmem>>, vector<16xf32>,
        %mul3A_275 = arith.constant 512 : i32
        %mul3A_276 = arith.muli %mul3A_110, %mul3A_275 : i32
        %add3A_277 = arith.constant 112 : i32
        %add3A_278 = arith.addi %mul3A_276, %add3A_277 : i32
        %get3A_279 = arith.index_cast %add3A_278 : i32 to index
        %get3A_280 = tpu.vector_load %arg13[%get3A_279] {strides = array<i32>} : memref<10240xf32, #tpu.memory_space<vmem>>, vector<16xf32>,
        tpu.vector_store_idx %arg14[%add3A_268, %broadcast_in_dim3A_12], %get3A_274 : memref<512x16xf32, #tpu.memory_space<vmem>>[vector<16xi32>, vector<16xi32>], vector<16xf32>,
        %add3A_281 = arith.constant 1 : i32
        %add3A_282 = vector.broadcast %add3A_281 : i32 to vector<16xi32>
        %add3A_283 = arith.addi %broadcast_in_dim3A_12, %add3A_282 : vector<16xi32>
        tpu.vector_store_idx %arg14[%add3A_268, %add3A_283], %get3A_280 : memref<512x16xf32, #tpu.memory_space<vmem>>[vector<16xi32>, vector<16xi32>], vector<16xf32>,
        %add3A_284 = arith.constant 2 : i32
        %add3A_285 = vector.broadcast %add3A_284 : i32 to vector<16xi32>
        %add3A_286 = arith.addi %broadcast_in_dim3A_12, %add3A_285 : vector<16xi32>
        tpu.vector_store_idx %arg14[%add3A_268, %add3A_286], %broadcast_in_dim3A_14 : memref<512x16xf32, #tpu.memory_space<vmem>>[vector<16xi32>, vector<16xi32>], vector<16xf32>,
        %add3A_287 = arith.constant 128 : i32
        %add3A_288 = vector.broadcast %add3A_287 : i32 to vector<16xi32>
        %add3A_289 = arith.addi %iota3A, %add3A_288 : vector<16xi32>
        %mul3A_290 = arith.constant 512 : i32
        %mul3A_291 = arith.muli %mul3A_110, %mul3A_290 : i32
        %add3A_292 = arith.constant 128 : i32
        %add3A_293 = arith.addi %mul3A_291, %add3A_292 : i32
        %get3A_294 = arith.index_cast %add3A_293 : i32 to index
        %get3A_295 = tpu.vector_load %arg12[%get3A_294] {strides = array<i32>} : memref<10240xf32, #tpu.memory_space<vmem>>, vector<16xf32>,
        %mul3A_296 = arith.constant 512 : i32
        %mul3A_297 = arith.muli %mul3A_110, %mul3A_296 : i32
        %add3A_298 = arith.constant 128 : i32
        %add3A_299 = arith.addi %mul3A_297, %add3A_298 : i32
        %get3A_300 = arith.index_cast %add3A_299 : i32 to index
        %get3A_301 = tpu.vector_load %arg13[%get3A_300] {strides = array<i32>} : memref<10240xf32, #tpu.memory_space<vmem>>, vector<16xf32>,
        tpu.vector_store_idx %arg14[%add3A_289, %broadcast_in_dim3A_12], %get3A_295 : memref<512x16xf32, #tpu.memory_space<vmem>>[vector<16xi32>, vector<16xi32>], vector<16xf32>,
        %add3A_302 = arith.constant 1 : i32
        %add3A_303 = vector.broadcast %add3A_302 : i32 to vector<16xi32>
        %add3A_304 = arith.addi %broadcast_in_dim3A_12, %add3A_303 : vector<16xi32>
        tpu.vector_store_idx %arg14[%add3A_289, %add3A_304], %get3A_301 : memref<512x16xf32, #tpu.memory_space<vmem>>[vector<16xi32>, vector<16xi32>], vector<16xf32>,
        %add3A_305 = arith.constant 2 : i32
        %add3A_306 = vector.broadcast %add3A_305 : i32 to vector<16xi32>
        %add3A_307 = arith.addi %broadcast_in_dim3A_12, %add3A_306 : vector<16xi32>
        tpu.vector_store_idx %arg14[%add3A_289, %add3A_307], %broadcast_in_dim3A_14 : memref<512x16xf32, #tpu.memory_space<vmem>>[vector<16xi32>, vector<16xi32>], vector<16xf32>,
        %add3A_308 = arith.constant 144 : i32
        %add3A_309 = vector.broadcast %add3A_308 : i32 to vector<16xi32>
        %add3A_310 = arith.addi %iota3A, %add3A_309 : vector<16xi32>
        %mul3A_311 = arith.constant 512 : i32
        %mul3A_312 = arith.muli %mul3A_110, %mul3A_311 : i32
        %add3A_313 = arith.constant 144 : i32
        %add3A_314 = arith.addi %mul3A_312, %add3A_313 : i32
        %get3A_315 = arith.index_cast %add3A_314 : i32 to index
        %get3A_316 = tpu.vector_load %arg12[%get3A_315] {strides = array<i32>} : memref<10240xf32, #tpu.memory_space<vmem>>, vector<16xf32>,
        %mul3A_317 = arith.constant 512 : i32
        %mul3A_318 = arith.muli %mul3A_110, %mul3A_317 : i32
        %add3A_319 = arith.constant 144 : i32
        %add3A_320 = arith.addi %mul3A_318, %add3A_319 : i32
        %get3A_321 = arith.index_cast %add3A_320 : i32 to index
        %get3A_322 = tpu.vector_load %arg13[%get3A_321] {strides = array<i32>} : memref<10240xf32, #tpu.memory_space<vmem>>, vector<16xf32>,
        tpu.vector_store_idx %arg14[%add3A_310, %broadcast_in_dim3A_12], %get3A_316 : memref<512x16xf32, #tpu.memory_space<vmem>>[vector<16xi32>, vector<16xi32>], vector<16xf32>,
        %add3A_323 = arith.constant 1 : i32
        %add3A_324 = vector.broadcast %add3A_323 : i32 to vector<16xi32>
        %add3A_325 = arith.addi %broadcast_in_dim3A_12, %add3A_324 : vector<16xi32>
        tpu.vector_store_idx %arg14[%add3A_310, %add3A_325], %get3A_322 : memref<512x16xf32, #tpu.memory_space<vmem>>[vector<16xi32>, vector<16xi32>], vector<16xf32>,
        %add3A_326 = arith.constant 2 : i32
        %add3A_327 = vector.broadcast %add3A_326 : i32 to vector<16xi32>
        %add3A_328 = arith.addi %broadcast_in_dim3A_12, %add3A_327 : vector<16xi32>
        tpu.vector_store_idx %arg14[%add3A_310, %add3A_328], %broadcast_in_dim3A_14 : memref<512x16xf32, #tpu.memory_space<vmem>>[vector<16xi32>, vector<16xi32>], vector<16xf32>,
        %add3A_329 = arith.constant 160 : i32
        %add3A_330 = vector.broadcast %add3A_329 : i32 to vector<16xi32>
        %add3A_331 = arith.addi %iota3A, %add3A_330 : vector<16xi32>
        %mul3A_332 = arith.constant 512 : i32
        %mul3A_333 = arith.muli %mul3A_110, %mul3A_332 : i32
        %add3A_334 = arith.constant 160 : i32
        %add3A_335 = arith.addi %mul3A_333, %add3A_334 : i32
        %get3A_336 = arith.index_cast %add3A_335 : i32 to index
        %get3A_337 = tpu.vector_load %arg12[%get3A_336] {strides = array<i32>} : memref<10240xf32, #tpu.memory_space<vmem>>, vector<16xf32>,
        %mul3A_338 = arith.constant 512 : i32
        %mul3A_339 = arith.muli %mul3A_110, %mul3A_338 : i32
        %add3A_340 = arith.constant 160 : i32
        %add3A_341 = arith.addi %mul3A_339, %add3A_340 : i32
        %get3A_342 = arith.index_cast %add3A_341 : i32 to index
        %get3A_343 = tpu.vector_load %arg13[%get3A_342] {strides = array<i32>} : memref<10240xf32, #tpu.memory_space<vmem>>, vector<16xf32>,
        tpu.vector_store_idx %arg14[%add3A_331, %broadcast_in_dim3A_12], %get3A_337 : memref<512x16xf32, #tpu.memory_space<vmem>>[vector<16xi32>, vector<16xi32>], vector<16xf32>,
        %add3A_344 = arith.constant 1 : i32
        %add3A_345 = vector.broadcast %add3A_344 : i32 to vector<16xi32>
        %add3A_346 = arith.addi %broadcast_in_dim3A_12, %add3A_345 : vector<16xi32>
        tpu.vector_store_idx %arg14[%add3A_331, %add3A_346], %get3A_343 : memref<512x16xf32, #tpu.memory_space<vmem>>[vector<16xi32>, vector<16xi32>], vector<16xf32>,
        %add3A_347 = arith.constant 2 : i32
        %add3A_348 = vector.broadcast %add3A_347 : i32 to vector<16xi32>
        %add3A_349 = arith.addi %broadcast_in_dim3A_12, %add3A_348 : vector<16xi32>
        tpu.vector_store_idx %arg14[%add3A_331, %add3A_349], %broadcast_in_dim3A_14 : memref<512x16xf32, #tpu.memory_space<vmem>>[vector<16xi32>, vector<16xi32>], vector<16xf32>,
        %add3A_350 = arith.constant 176 : i32
        %add3A_351 = vector.broadcast %add3A_350 : i32 to vector<16xi32>
        %add3A_352 = arith.addi %iota3A, %add3A_351 : vector<16xi32>
        %mul3A_353 = arith.constant 512 : i32
        %mul3A_354 = arith.muli %mul3A_110, %mul3A_353 : i32
        %add3A_355 = arith.constant 176 : i32
        %add3A_356 = arith.addi %mul3A_354, %add3A_355 : i32
        %get3A_357 = arith.index_cast %add3A_356 : i32 to index
        %get3A_358 = tpu.vector_load %arg12[%get3A_357] {strides = array<i32>} : memref<10240xf32, #tpu.memory_space<vmem>>, vector<16xf32>,
        %mul3A_359 = arith.constant 512 : i32
        %mul3A_360 = arith.muli %mul3A_110, %mul3A_359 : i32
        %add3A_361 = arith.constant 176 : i32
        %add3A_362 = arith.addi %mul3A_360, %add3A_361 : i32
        %get3A_363 = arith.index_cast %add3A_362 : i32 to index
        %get3A_364 = tpu.vector_load %arg13[%get3A_363] {strides = array<i32>} : memref<10240xf32, #tpu.memory_space<vmem>>, vector<16xf32>,
        tpu.vector_store_idx %arg14[%add3A_352, %broadcast_in_dim3A_12], %get3A_358 : memref<512x16xf32, #tpu.memory_space<vmem>>[vector<16xi32>, vector<16xi32>], vector<16xf32>,
        %add3A_365 = arith.constant 1 : i32
        %add3A_366 = vector.broadcast %add3A_365 : i32 to vector<16xi32>
        %add3A_367 = arith.addi %broadcast_in_dim3A_12, %add3A_366 : vector<16xi32>
        tpu.vector_store_idx %arg14[%add3A_352, %add3A_367], %get3A_364 : memref<512x16xf32, #tpu.memory_space<vmem>>[vector<16xi32>, vector<16xi32>], vector<16xf32>,
        %add3A_368 = arith.constant 2 : i32
        %add3A_369 = vector.broadcast %add3A_368 : i32 to vector<16xi32>
        %add3A_370 = arith.addi %broadcast_in_dim3A_12, %add3A_369 : vector<16xi32>
        tpu.vector_store_idx %arg14[%add3A_352, %add3A_370], %broadcast_in_dim3A_14 : memref<512x16xf32, #tpu.memory_space<vmem>>[vector<16xi32>, vector<16xi32>], vector<16xf32>,
        %add3A_371 = arith.constant 192 : i32
        %add3A_372 = vector.broadcast %add3A_371 : i32 to vector<16xi32>
        %add3A_373 = arith.addi %iota3A, %add3A_372 : vector<16xi32>
        %mul3A_374 = arith.constant 512 : i32
        %mul3A_375 = arith.muli %mul3A_110, %mul3A_374 : i32
        %add3A_376 = arith.constant 192 : i32
        %add3A_377 = arith.addi %mul3A_375, %add3A_376 : i32
        %get3A_378 = arith.index_cast %add3A_377 : i32 to index
        %get3A_379 = tpu.vector_load %arg12[%get3A_378] {strides = array<i32>} : memref<10240xf32, #tpu.memory_space<vmem>>, vector<16xf32>,
        %mul3A_380 = arith.constant 512 : i32
        %mul3A_381 = arith.muli %mul3A_110, %mul3A_380 : i32
        %add3A_382 = arith.constant 192 : i32
        %add3A_383 = arith.addi %mul3A_381, %add3A_382 : i32
        %get3A_384 = arith.index_cast %add3A_383 : i32 to index
        %get3A_385 = tpu.vector_load %arg13[%get3A_384] {strides = array<i32>} : memref<10240xf32, #tpu.memory_space<vmem>>, vector<16xf32>,
        tpu.vector_store_idx %arg14[%add3A_373, %broadcast_in_dim3A_12], %get3A_379 : memref<512x16xf32, #tpu.memory_space<vmem>>[vector<16xi32>, vector<16xi32>], vector<16xf32>,
        %add3A_386 = arith.constant 1 : i32
        %add3A_387 = vector.broadcast %add3A_386 : i32 to vector<16xi32>
        %add3A_388 = arith.addi %broadcast_in_dim3A_12, %add3A_387 : vector<16xi32>
        tpu.vector_store_idx %arg14[%add3A_373, %add3A_388], %get3A_385 : memref<512x16xf32, #tpu.memory_space<vmem>>[vector<16xi32>, vector<16xi32>], vector<16xf32>,
        %add3A_389 = arith.constant 2 : i32
        %add3A_390 = vector.broadcast %add3A_389 : i32 to vector<16xi32>
        %add3A_391 = arith.addi %broadcast_in_dim3A_12, %add3A_390 : vector<16xi32>
        tpu.vector_store_idx %arg14[%add3A_373, %add3A_391], %broadcast_in_dim3A_14 : memref<512x16xf32, #tpu.memory_space<vmem>>[vector<16xi32>, vector<16xi32>], vector<16xf32>,
        %add3A_392 = arith.constant 208 : i32
        %add3A_393 = vector.broadcast %add3A_392 : i32 to vector<16xi32>
        %add3A_394 = arith.addi %iota3A, %add3A_393 : vector<16xi32>
        %mul3A_395 = arith.constant 512 : i32
        %mul3A_396 = arith.muli %mul3A_110, %mul3A_395 : i32
        %add3A_397 = arith.constant 208 : i32
        %add3A_398 = arith.addi %mul3A_396, %add3A_397 : i32
        %get3A_399 = arith.index_cast %add3A_398 : i32 to index
        %get3A_400 = tpu.vector_load %arg12[%get3A_399] {strides = array<i32>} : memref<10240xf32, #tpu.memory_space<vmem>>, vector<16xf32>,
        %mul3A_401 = arith.constant 512 : i32
        %mul3A_402 = arith.muli %mul3A_110, %mul3A_401 : i32
        %add3A_403 = arith.constant 208 : i32
        %add3A_404 = arith.addi %mul3A_402, %add3A_403 : i32
        %get3A_405 = arith.index_cast %add3A_404 : i32 to index
        %get3A_406 = tpu.vector_load %arg13[%get3A_405] {strides = array<i32>} : memref<10240xf32, #tpu.memory_space<vmem>>, vector<16xf32>,
        tpu.vector_store_idx %arg14[%add3A_394, %broadcast_in_dim3A_12], %get3A_400 : memref<512x16xf32, #tpu.memory_space<vmem>>[vector<16xi32>, vector<16xi32>], vector<16xf32>,
        %add3A_407 = arith.constant 1 : i32
        %add3A_408 = vector.broadcast %add3A_407 : i32 to vector<16xi32>
        %add3A_409 = arith.addi %broadcast_in_dim3A_12, %add3A_408 : vector<16xi32>
        tpu.vector_store_idx %arg14[%add3A_394, %add3A_409], %get3A_406 : memref<512x16xf32, #tpu.memory_space<vmem>>[vector<16xi32>, vector<16xi32>], vector<16xf32>,
        %add3A_410 = arith.constant 2 : i32
        %add3A_411 = vector.broadcast %add3A_410 : i32 to vector<16xi32>
        %add3A_412 = arith.addi %broadcast_in_dim3A_12, %add3A_411 : vector<16xi32>
        tpu.vector_store_idx %arg14[%add3A_394, %add3A_412], %broadcast_in_dim3A_14 : memref<512x16xf32, #tpu.memory_space<vmem>>[vector<16xi32>, vector<16xi32>], vector<16xf32>,
        %add3A_413 = arith.constant 224 : i32
        %add3A_414 = vector.broadcast %add3A_413 : i32 to vector<16xi32>
        %add3A_415 = arith.addi %iota3A, %add3A_414 : vector<16xi32>
        %mul3A_416 = arith.constant 512 : i32
        %mul3A_417 = arith.muli %mul3A_110, %mul3A_416 : i32
        %add3A_418 = arith.constant 224 : i32
        %add3A_419 = arith.addi %mul3A_417, %add3A_418 : i32
        %get3A_420 = arith.index_cast %add3A_419 : i32 to index
        %get3A_421 = tpu.vector_load %arg12[%get3A_420] {strides = array<i32>} : memref<10240xf32, #tpu.memory_space<vmem>>, vector<16xf32>,
        %mul3A_422 = arith.constant 512 : i32
        %mul3A_423 = arith.muli %mul3A_110, %mul3A_422 : i32
        %add3A_424 = arith.constant 224 : i32
        %add3A_425 = arith.addi %mul3A_423, %add3A_424 : i32
        %get3A_426 = arith.index_cast %add3A_425 : i32 to index
        %get3A_427 = tpu.vector_load %arg13[%get3A_426] {strides = array<i32>} : memref<10240xf32, #tpu.memory_space<vmem>>, vector<16xf32>,
        tpu.vector_store_idx %arg14[%add3A_415, %broadcast_in_dim3A_12], %get3A_421 : memref<512x16xf32, #tpu.memory_space<vmem>>[vector<16xi32>, vector<16xi32>], vector<16xf32>,
        %add3A_428 = arith.constant 1 : i32
        %add3A_429 = vector.broadcast %add3A_428 : i32 to vector<16xi32>
        %add3A_430 = arith.addi %broadcast_in_dim3A_12, %add3A_429 : vector<16xi32>
        tpu.vector_store_idx %arg14[%add3A_415, %add3A_430], %get3A_427 : memref<512x16xf32, #tpu.memory_space<vmem>>[vector<16xi32>, vector<16xi32>], vector<16xf32>,
        %add3A_431 = arith.constant 2 : i32
        %add3A_432 = vector.broadcast %add3A_431 : i32 to vector<16xi32>
        %add3A_433 = arith.addi %broadcast_in_dim3A_12, %add3A_432 : vector<16xi32>
        tpu.vector_store_idx %arg14[%add3A_415, %add3A_433], %broadcast_in_dim3A_14 : memref<512x16xf32, #tpu.memory_space<vmem>>[vector<16xi32>, vector<16xi32>], vector<16xf32>,
        %add3A_434 = arith.constant 240 : i32
        %add3A_435 = vector.broadcast %add3A_434 : i32 to vector<16xi32>
        %add3A_436 = arith.addi %iota3A, %add3A_435 : vector<16xi32>
        %mul3A_437 = arith.constant 512 : i32
        %mul3A_438 = arith.muli %mul3A_110, %mul3A_437 : i32
        %add3A_439 = arith.constant 240 : i32
        %add3A_440 = arith.addi %mul3A_438, %add3A_439 : i32
        %get3A_441 = arith.index_cast %add3A_440 : i32 to index
        %get3A_442 = tpu.vector_load %arg12[%get3A_441] {strides = array<i32>} : memref<10240xf32, #tpu.memory_space<vmem>>, vector<16xf32>,
        %mul3A_443 = arith.constant 512 : i32
        %mul3A_444 = arith.muli %mul3A_110, %mul3A_443 : i32
        %add3A_445 = arith.constant 240 : i32
        %add3A_446 = arith.addi %mul3A_444, %add3A_445 : i32
        %get3A_447 = arith.index_cast %add3A_446 : i32 to index
        %get3A_448 = tpu.vector_load %arg13[%get3A_447] {strides = array<i32>} : memref<10240xf32, #tpu.memory_space<vmem>>, vector<16xf32>,
        tpu.vector_store_idx %arg14[%add3A_436, %broadcast_in_dim3A_12], %get3A_442 : memref<512x16xf32, #tpu.memory_space<vmem>>[vector<16xi32>, vector<16xi32>], vector<16xf32>,
        %add3A_449 = arith.constant 1 : i32
        %add3A_450 = vector.broadcast %add3A_449 : i32 to vector<16xi32>
        %add3A_451 = arith.addi %broadcast_in_dim3A_12, %add3A_450 : vector<16xi32>
        tpu.vector_store_idx %arg14[%add3A_436, %add3A_451], %get3A_448 : memref<512x16xf32, #tpu.memory_space<vmem>>[vector<16xi32>, vector<16xi32>], vector<16xf32>,
        %add3A_452 = arith.constant 2 : i32
        %add3A_453 = vector.broadcast %add3A_452 : i32 to vector<16xi32>
        %add3A_454 = arith.addi %broadcast_in_dim3A_12, %add3A_453 : vector<16xi32>
        tpu.vector_store_idx %arg14[%add3A_436, %add3A_454], %broadcast_in_dim3A_14 : memref<512x16xf32, #tpu.memory_space<vmem>>[vector<16xi32>, vector<16xi32>], vector<16xf32>,
        %add3A_455 = arith.constant 256 : i32
        %add3A_456 = vector.broadcast %add3A_455 : i32 to vector<16xi32>
        %add3A_457 = arith.addi %iota3A, %add3A_456 : vector<16xi32>
        %mul3A_458 = arith.constant 512 : i32
        %mul3A_459 = arith.muli %mul3A_110, %mul3A_458 : i32
        %add3A_460 = arith.constant 256 : i32
        %add3A_461 = arith.addi %mul3A_459, %add3A_460 : i32
        %get3A_462 = arith.index_cast %add3A_461 : i32 to index
        %get3A_463 = tpu.vector_load %arg12[%get3A_462] {strides = array<i32>} : memref<10240xf32, #tpu.memory_space<vmem>>, vector<16xf32>,
        %mul3A_464 = arith.constant 512 : i32
        %mul3A_465 = arith.muli %mul3A_110, %mul3A_464 : i32
        %add3A_466 = arith.constant 256 : i32
        %add3A_467 = arith.addi %mul3A_465, %add3A_466 : i32
        %get3A_468 = arith.index_cast %add3A_467 : i32 to index
        %get3A_469 = tpu.vector_load %arg13[%get3A_468] {strides = array<i32>} : memref<10240xf32, #tpu.memory_space<vmem>>, vector<16xf32>,
        tpu.vector_store_idx %arg14[%add3A_457, %broadcast_in_dim3A_12], %get3A_463 : memref<512x16xf32, #tpu.memory_space<vmem>>[vector<16xi32>, vector<16xi32>], vector<16xf32>,
        %add3A_470 = arith.constant 1 : i32
        %add3A_471 = vector.broadcast %add3A_470 : i32 to vector<16xi32>
        %add3A_472 = arith.addi %broadcast_in_dim3A_12, %add3A_471 : vector<16xi32>
        tpu.vector_store_idx %arg14[%add3A_457, %add3A_472], %get3A_469 : memref<512x16xf32, #tpu.memory_space<vmem>>[vector<16xi32>, vector<16xi32>], vector<16xf32>,
        %add3A_473 = arith.constant 2 : i32
        %add3A_474 = vector.broadcast %add3A_473 : i32 to vector<16xi32>
        %add3A_475 = arith.addi %broadcast_in_dim3A_12, %add3A_474 : vector<16xi32>
        tpu.vector_store_idx %arg14[%add3A_457, %add3A_475], %broadcast_in_dim3A_14 : memref<512x16xf32, #tpu.memory_space<vmem>>[vector<16xi32>, vector<16xi32>], vector<16xf32>,
        %add3A_476 = arith.constant 272 : i32
        %add3A_477 = vector.broadcast %add3A_476 : i32 to vector<16xi32>
        %add3A_478 = arith.addi %iota3A, %add3A_477 : vector<16xi32>
        %mul3A_479 = arith.constant 512 : i32
        %mul3A_480 = arith.muli %mul3A_110, %mul3A_479 : i32
        %add3A_481 = arith.constant 272 : i32
        %add3A_482 = arith.addi %mul3A_480, %add3A_481 : i32
        %get3A_483 = arith.index_cast %add3A_482 : i32 to index
        %get3A_484 = tpu.vector_load %arg12[%get3A_483] {strides = array<i32>} : memref<10240xf32, #tpu.memory_space<vmem>>, vector<16xf32>,
        %mul3A_485 = arith.constant 512 : i32
        %mul3A_486 = arith.muli %mul3A_110, %mul3A_485 : i32
        %add3A_487 = arith.constant 272 : i32
        %add3A_488 = arith.addi %mul3A_486, %add3A_487 : i32
        %get3A_489 = arith.index_cast %add3A_488 : i32 to index
        %get3A_490 = tpu.vector_load %arg13[%get3A_489] {strides = array<i32>} : memref<10240xf32, #tpu.memory_space<vmem>>, vector<16xf32>,
        tpu.vector_store_idx %arg14[%add3A_478, %broadcast_in_dim3A_12], %get3A_484 : memref<512x16xf32, #tpu.memory_space<vmem>>[vector<16xi32>, vector<16xi32>], vector<16xf32>,
        %add3A_491 = arith.constant 1 : i32
        %add3A_492 = vector.broadcast %add3A_491 : i32 to vector<16xi32>
        %add3A_493 = arith.addi %broadcast_in_dim3A_12, %add3A_492 : vector<16xi32>
        tpu.vector_store_idx %arg14[%add3A_478, %add3A_493], %get3A_490 : memref<512x16xf32, #tpu.memory_space<vmem>>[vector<16xi32>, vector<16xi32>], vector<16xf32>,
        %add3A_494 = arith.constant 2 : i32
        %add3A_495 = vector.broadcast %add3A_494 : i32 to vector<16xi32>
        %add3A_496 = arith.addi %broadcast_in_dim3A_12, %add3A_495 : vector<16xi32>
        tpu.vector_store_idx %arg14[%add3A_478, %add3A_496], %broadcast_in_dim3A_14 : memref<512x16xf32, #tpu.memory_space<vmem>>[vector<16xi32>, vector<16xi32>], vector<16xf32>,
        %add3A_497 = arith.constant 288 : i32
        %add3A_498 = vector.broadcast %add3A_497 : i32 to vector<16xi32>
        %add3A_499 = arith.addi %iota3A, %add3A_498 : vector<16xi32>
        %mul3A_500 = arith.constant 512 : i32
        %mul3A_501 = arith.muli %mul3A_110, %mul3A_500 : i32
        %add3A_502 = arith.constant 288 : i32
        %add3A_503 = arith.addi %mul3A_501, %add3A_502 : i32
        %get3A_504 = arith.index_cast %add3A_503 : i32 to index
        %get3A_505 = tpu.vector_load %arg12[%get3A_504] {strides = array<i32>} : memref<10240xf32, #tpu.memory_space<vmem>>, vector<16xf32>,
        %mul3A_506 = arith.constant 512 : i32
        %mul3A_507 = arith.muli %mul3A_110, %mul3A_506 : i32
        %add3A_508 = arith.constant 288 : i32
        %add3A_509 = arith.addi %mul3A_507, %add3A_508 : i32
        %get3A_510 = arith.index_cast %add3A_509 : i32 to index
        %get3A_511 = tpu.vector_load %arg13[%get3A_510] {strides = array<i32>} : memref<10240xf32, #tpu.memory_space<vmem>>, vector<16xf32>,
        tpu.vector_store_idx %arg14[%add3A_499, %broadcast_in_dim3A_12], %get3A_505 : memref<512x16xf32, #tpu.memory_space<vmem>>[vector<16xi32>, vector<16xi32>], vector<16xf32>,
        %add3A_512 = arith.constant 1 : i32
        %add3A_513 = vector.broadcast %add3A_512 : i32 to vector<16xi32>
        %add3A_514 = arith.addi %broadcast_in_dim3A_12, %add3A_513 : vector<16xi32>
        tpu.vector_store_idx %arg14[%add3A_499, %add3A_514], %get3A_511 : memref<512x16xf32, #tpu.memory_space<vmem>>[vector<16xi32>, vector<16xi32>], vector<16xf32>,
        %add3A_515 = arith.constant 2 : i32
        %add3A_516 = vector.broadcast %add3A_515 : i32 to vector<16xi32>
        %add3A_517 = arith.addi %broadcast_in_dim3A_12, %add3A_516 : vector<16xi32>
        tpu.vector_store_idx %arg14[%add3A_499, %add3A_517], %broadcast_in_dim3A_14 : memref<512x16xf32, #tpu.memory_space<vmem>>[vector<16xi32>, vector<16xi32>], vector<16xf32>,
        %add3A_518 = arith.constant 304 : i32
        %add3A_519 = vector.broadcast %add3A_518 : i32 to vector<16xi32>
        %add3A_520 = arith.addi %iota3A, %add3A_519 : vector<16xi32>
        %mul3A_521 = arith.constant 512 : i32
        %mul3A_522 = arith.muli %mul3A_110, %mul3A_521 : i32
        %add3A_523 = arith.constant 304 : i32
        %add3A_524 = arith.addi %mul3A_522, %add3A_523 : i32
        %get3A_525 = arith.index_cast %add3A_524 : i32 to index
        %get3A_526 = tpu.vector_load %arg12[%get3A_525] {strides = array<i32>} : memref<10240xf32, #tpu.memory_space<vmem>>, vector<16xf32>,
        %mul3A_527 = arith.constant 512 : i32
        %mul3A_528 = arith.muli %mul3A_110, %mul3A_527 : i32
        %add3A_529 = arith.constant 304 : i32
        %add3A_530 = arith.addi %mul3A_528, %add3A_529 : i32
        %get3A_531 = arith.index_cast %add3A_530 : i32 to index
        %get3A_532 = tpu.vector_load %arg13[%get3A_531] {strides = array<i32>} : memref<10240xf32, #tpu.memory_space<vmem>>, vector<16xf32>,
        tpu.vector_store_idx %arg14[%add3A_520, %broadcast_in_dim3A_12], %get3A_526 : memref<512x16xf32, #tpu.memory_space<vmem>>[vector<16xi32>, vector<16xi32>], vector<16xf32>,
        %add3A_533 = arith.constant 1 : i32
        %add3A_534 = vector.broadcast %add3A_533 : i32 to vector<16xi32>
        %add3A_535 = arith.addi %broadcast_in_dim3A_12, %add3A_534 : vector<16xi32>
        tpu.vector_store_idx %arg14[%add3A_520, %add3A_535], %get3A_532 : memref<512x16xf32, #tpu.memory_space<vmem>>[vector<16xi32>, vector<16xi32>], vector<16xf32>,
        %add3A_536 = arith.constant 2 : i32
        %add3A_537 = vector.broadcast %add3A_536 : i32 to vector<16xi32>
        %add3A_538 = arith.addi %broadcast_in_dim3A_12, %add3A_537 : vector<16xi32>
        tpu.vector_store_idx %arg14[%add3A_520, %add3A_538], %broadcast_in_dim3A_14 : memref<512x16xf32, #tpu.memory_space<vmem>>[vector<16xi32>, vector<16xi32>], vector<16xf32>,
        %add3A_539 = arith.constant 320 : i32
        %add3A_540 = vector.broadcast %add3A_539 : i32 to vector<16xi32>
        %add3A_541 = arith.addi %iota3A, %add3A_540 : vector<16xi32>
        %mul3A_542 = arith.constant 512 : i32
        %mul3A_543 = arith.muli %mul3A_110, %mul3A_542 : i32
        %add3A_544 = arith.constant 320 : i32
        %add3A_545 = arith.addi %mul3A_543, %add3A_544 : i32
        %get3A_546 = arith.index_cast %add3A_545 : i32 to index
        %get3A_547 = tpu.vector_load %arg12[%get3A_546] {strides = array<i32>} : memref<10240xf32, #tpu.memory_space<vmem>>, vector<16xf32>,
        %mul3A_548 = arith.constant 512 : i32
        %mul3A_549 = arith.muli %mul3A_110, %mul3A_548 : i32
        %add3A_550 = arith.constant 320 : i32
        %add3A_551 = arith.addi %mul3A_549, %add3A_550 : i32
        %get3A_552 = arith.index_cast %add3A_551 : i32 to index
        %get3A_553 = tpu.vector_load %arg13[%get3A_552] {strides = array<i32>} : memref<10240xf32, #tpu.memory_space<vmem>>, vector<16xf32>,
        tpu.vector_store_idx %arg14[%add3A_541, %broadcast_in_dim3A_12], %get3A_547 : memref<512x16xf32, #tpu.memory_space<vmem>>[vector<16xi32>, vector<16xi32>], vector<16xf32>,
        %add3A_554 = arith.constant 1 : i32
        %add3A_555 = vector.broadcast %add3A_554 : i32 to vector<16xi32>
        %add3A_556 = arith.addi %broadcast_in_dim3A_12, %add3A_555 : vector<16xi32>
        tpu.vector_store_idx %arg14[%add3A_541, %add3A_556], %get3A_553 : memref<512x16xf32, #tpu.memory_space<vmem>>[vector<16xi32>, vector<16xi32>], vector<16xf32>,
        %add3A_557 = arith.constant 2 : i32
        %add3A_558 = vector.broadcast %add3A_557 : i32 to vector<16xi32>
        %add3A_559 = arith.addi %broadcast_in_dim3A_12, %add3A_558 : vector<16xi32>
        tpu.vector_store_idx %arg14[%add3A_541, %add3A_559], %broadcast_in_dim3A_14 : memref<512x16xf32, #tpu.memory_space<vmem>>[vector<16xi32>, vector<16xi32>], vector<16xf32>,
        %add3A_560 = arith.constant 336 : i32
        %add3A_561 = vector.broadcast %add3A_560 : i32 to vector<16xi32>
        %add3A_562 = arith.addi %iota3A, %add3A_561 : vector<16xi32>
        %mul3A_563 = arith.constant 512 : i32
        %mul3A_564 = arith.muli %mul3A_110, %mul3A_563 : i32
        %add3A_565 = arith.constant 336 : i32
        %add3A_566 = arith.addi %mul3A_564, %add3A_565 : i32
        %get3A_567 = arith.index_cast %add3A_566 : i32 to index
        %get3A_568 = tpu.vector_load %arg12[%get3A_567] {strides = array<i32>} : memref<10240xf32, #tpu.memory_space<vmem>>, vector<16xf32>,
        %mul3A_569 = arith.constant 512 : i32
        %mul3A_570 = arith.muli %mul3A_110, %mul3A_569 : i32
        %add3A_571 = arith.constant 336 : i32
        %add3A_572 = arith.addi %mul3A_570, %add3A_571 : i32
        %get3A_573 = arith.index_cast %add3A_572 : i32 to index
        %get3A_574 = tpu.vector_load %arg13[%get3A_573] {strides = array<i32>} : memref<10240xf32, #tpu.memory_space<vmem>>, vector<16xf32>,
        tpu.vector_store_idx %arg14[%add3A_562, %broadcast_in_dim3A_12], %get3A_568 : memref<512x16xf32, #tpu.memory_space<vmem>>[vector<16xi32>, vector<16xi32>], vector<16xf32>,
        %add3A_575 = arith.constant 1 : i32
        %add3A_576 = vector.broadcast %add3A_575 : i32 to vector<16xi32>
        %add3A_577 = arith.addi %broadcast_in_dim3A_12, %add3A_576 : vector<16xi32>
        tpu.vector_store_idx %arg14[%add3A_562, %add3A_577], %get3A_574 : memref<512x16xf32, #tpu.memory_space<vmem>>[vector<16xi32>, vector<16xi32>], vector<16xf32>,
        %add3A_578 = arith.constant 2 : i32
        %add3A_579 = vector.broadcast %add3A_578 : i32 to vector<16xi32>
        %add3A_580 = arith.addi %broadcast_in_dim3A_12, %add3A_579 : vector<16xi32>
        tpu.vector_store_idx %arg14[%add3A_562, %add3A_580], %broadcast_in_dim3A_14 : memref<512x16xf32, #tpu.memory_space<vmem>>[vector<16xi32>, vector<16xi32>], vector<16xf32>,
        %add3A_581 = arith.constant 352 : i32
        %add3A_582 = vector.broadcast %add3A_581 : i32 to vector<16xi32>
        %add3A_583 = arith.addi %iota3A, %add3A_582 : vector<16xi32>
        %mul3A_584 = arith.constant 512 : i32
        %mul3A_585 = arith.muli %mul3A_110, %mul3A_584 : i32
        %add3A_586 = arith.constant 352 : i32
        %add3A_587 = arith.addi %mul3A_585, %add3A_586 : i32
        %get3A_588 = arith.index_cast %add3A_587 : i32 to index
        %get3A_589 = tpu.vector_load %arg12[%get3A_588] {strides = array<i32>} : memref<10240xf32, #tpu.memory_space<vmem>>, vector<16xf32>,
        %mul3A_590 = arith.constant 512 : i32
        %mul3A_591 = arith.muli %mul3A_110, %mul3A_590 : i32
        %add3A_592 = arith.constant 352 : i32
        %add3A_593 = arith.addi %mul3A_591, %add3A_592 : i32
        %get3A_594 = arith.index_cast %add3A_593 : i32 to index
        %get3A_595 = tpu.vector_load %arg13[%get3A_594] {strides = array<i32>} : memref<10240xf32, #tpu.memory_space<vmem>>, vector<16xf32>,
        tpu.vector_store_idx %arg14[%add3A_583, %broadcast_in_dim3A_12], %get3A_589 : memref<512x16xf32, #tpu.memory_space<vmem>>[vector<16xi32>, vector<16xi32>], vector<16xf32>,
        %add3A_596 = arith.constant 1 : i32
        %add3A_597 = vector.broadcast %add3A_596 : i32 to vector<16xi32>
        %add3A_598 = arith.addi %broadcast_in_dim3A_12, %add3A_597 : vector<16xi32>
        tpu.vector_store_idx %arg14[%add3A_583, %add3A_598], %get3A_595 : memref<512x16xf32, #tpu.memory_space<vmem>>[vector<16xi32>, vector<16xi32>], vector<16xf32>,
        %add3A_599 = arith.constant 2 : i32
        %add3A_600 = vector.broadcast %add3A_599 : i32 to vector<16xi32>
        %add3A_601 = arith.addi %broadcast_in_dim3A_12, %add3A_600 : vector<16xi32>
        tpu.vector_store_idx %arg14[%add3A_583, %add3A_601], %broadcast_in_dim3A_14 : memref<512x16xf32, #tpu.memory_space<vmem>>[vector<16xi32>, vector<16xi32>], vector<16xf32>,
        %add3A_602 = arith.constant 368 : i32
        %add3A_603 = vector.broadcast %add3A_602 : i32 to vector<16xi32>
        %add3A_604 = arith.addi %iota3A, %add3A_603 : vector<16xi32>
        %mul3A_605 = arith.constant 512 : i32
        %mul3A_606 = arith.muli %mul3A_110, %mul3A_605 : i32
        %add3A_607 = arith.constant 368 : i32
        %add3A_608 = arith.addi %mul3A_606, %add3A_607 : i32
        %get3A_609 = arith.index_cast %add3A_608 : i32 to index
        %get3A_610 = tpu.vector_load %arg12[%get3A_609] {strides = array<i32>} : memref<10240xf32, #tpu.memory_space<vmem>>, vector<16xf32>,
        %mul3A_611 = arith.constant 512 : i32
        %mul3A_612 = arith.muli %mul3A_110, %mul3A_611 : i32
        %add3A_613 = arith.constant 368 : i32
        %add3A_614 = arith.addi %mul3A_612, %add3A_613 : i32
        %get3A_615 = arith.index_cast %add3A_614 : i32 to index
        %get3A_616 = tpu.vector_load %arg13[%get3A_615] {strides = array<i32>} : memref<10240xf32, #tpu.memory_space<vmem>>, vector<16xf32>,
        tpu.vector_store_idx %arg14[%add3A_604, %broadcast_in_dim3A_12], %get3A_610 : memref<512x16xf32, #tpu.memory_space<vmem>>[vector<16xi32>, vector<16xi32>], vector<16xf32>,
        %add3A_617 = arith.constant 1 : i32
        %add3A_618 = vector.broadcast %add3A_617 : i32 to vector<16xi32>
        %add3A_619 = arith.addi %broadcast_in_dim3A_12, %add3A_618 : vector<16xi32>
        tpu.vector_store_idx %arg14[%add3A_604, %add3A_619], %get3A_616 : memref<512x16xf32, #tpu.memory_space<vmem>>[vector<16xi32>, vector<16xi32>], vector<16xf32>,
        %add3A_620 = arith.constant 2 : i32
        %add3A_621 = vector.broadcast %add3A_620 : i32 to vector<16xi32>
        %add3A_622 = arith.addi %broadcast_in_dim3A_12, %add3A_621 : vector<16xi32>
        tpu.vector_store_idx %arg14[%add3A_604, %add3A_622], %broadcast_in_dim3A_14 : memref<512x16xf32, #tpu.memory_space<vmem>>[vector<16xi32>, vector<16xi32>], vector<16xf32>,
        %add3A_623 = arith.constant 384 : i32
        %add3A_624 = vector.broadcast %add3A_623 : i32 to vector<16xi32>
        %add3A_625 = arith.addi %iota3A, %add3A_624 : vector<16xi32>
        %mul3A_626 = arith.constant 512 : i32
        %mul3A_627 = arith.muli %mul3A_110, %mul3A_626 : i32
        %add3A_628 = arith.constant 384 : i32
        %add3A_629 = arith.addi %mul3A_627, %add3A_628 : i32
        %get3A_630 = arith.index_cast %add3A_629 : i32 to index
        %get3A_631 = tpu.vector_load %arg12[%get3A_630] {strides = array<i32>} : memref<10240xf32, #tpu.memory_space<vmem>>, vector<16xf32>,
        %mul3A_632 = arith.constant 512 : i32
        %mul3A_633 = arith.muli %mul3A_110, %mul3A_632 : i32
        %add3A_634 = arith.constant 384 : i32
        %add3A_635 = arith.addi %mul3A_633, %add3A_634 : i32
        %get3A_636 = arith.index_cast %add3A_635 : i32 to index
        %get3A_637 = tpu.vector_load %arg13[%get3A_636] {strides = array<i32>} : memref<10240xf32, #tpu.memory_space<vmem>>, vector<16xf32>,
        tpu.vector_store_idx %arg14[%add3A_625, %broadcast_in_dim3A_12], %get3A_631 : memref<512x16xf32, #tpu.memory_space<vmem>>[vector<16xi32>, vector<16xi32>], vector<16xf32>,
        %add3A_638 = arith.constant 1 : i32
        %add3A_639 = vector.broadcast %add3A_638 : i32 to vector<16xi32>
        %add3A_640 = arith.addi %broadcast_in_dim3A_12, %add3A_639 : vector<16xi32>
        tpu.vector_store_idx %arg14[%add3A_625, %add3A_640], %get3A_637 : memref<512x16xf32, #tpu.memory_space<vmem>>[vector<16xi32>, vector<16xi32>], vector<16xf32>,
        %add3A_641 = arith.constant 2 : i32
        %add3A_642 = vector.broadcast %add3A_641 : i32 to vector<16xi32>
        %add3A_643 = arith.addi %broadcast_in_dim3A_12, %add3A_642 : vector<16xi32>
        tpu.vector_store_idx %arg14[%add3A_625, %add3A_643], %broadcast_in_dim3A_14 : memref<512x16xf32, #tpu.memory_space<vmem>>[vector<16xi32>, vector<16xi32>], vector<16xf32>,
        %add3A_644 = arith.constant 400 : i32
        %add3A_645 = vector.broadcast %add3A_644 : i32 to vector<16xi32>
        %add3A_646 = arith.addi %iota3A, %add3A_645 : vector<16xi32>
        %mul3A_647 = arith.constant 512 : i32
        %mul3A_648 = arith.muli %mul3A_110, %mul3A_647 : i32
        %add3A_649 = arith.constant 400 : i32
        %add3A_650 = arith.addi %mul3A_648, %add3A_649 : i32
        %get3A_651 = arith.index_cast %add3A_650 : i32 to index
        %get3A_652 = tpu.vector_load %arg12[%get3A_651] {strides = array<i32>} : memref<10240xf32, #tpu.memory_space<vmem>>, vector<16xf32>,
        %mul3A_653 = arith.constant 512 : i32
        %mul3A_654 = arith.muli %mul3A_110, %mul3A_653 : i32
        %add3A_655 = arith.constant 400 : i32
        %add3A_656 = arith.addi %mul3A_654, %add3A_655 : i32
        %get3A_657 = arith.index_cast %add3A_656 : i32 to index
        %get3A_658 = tpu.vector_load %arg13[%get3A_657] {strides = array<i32>} : memref<10240xf32, #tpu.memory_space<vmem>>, vector<16xf32>,
        tpu.vector_store_idx %arg14[%add3A_646, %broadcast_in_dim3A_12], %get3A_652 : memref<512x16xf32, #tpu.memory_space<vmem>>[vector<16xi32>, vector<16xi32>], vector<16xf32>,
        %add3A_659 = arith.constant 1 : i32
        %add3A_660 = vector.broadcast %add3A_659 : i32 to vector<16xi32>
        %add3A_661 = arith.addi %broadcast_in_dim3A_12, %add3A_660 : vector<16xi32>
        tpu.vector_store_idx %arg14[%add3A_646, %add3A_661], %get3A_658 : memref<512x16xf32, #tpu.memory_space<vmem>>[vector<16xi32>, vector<16xi32>], vector<16xf32>,
        %add3A_662 = arith.constant 2 : i32
        %add3A_663 = vector.broadcast %add3A_662 : i32 to vector<16xi32>
        %add3A_664 = arith.addi %broadcast_in_dim3A_12, %add3A_663 : vector<16xi32>
        tpu.vector_store_idx %arg14[%add3A_646, %add3A_664], %broadcast_in_dim3A_14 : memref<512x16xf32, #tpu.memory_space<vmem>>[vector<16xi32>, vector<16xi32>], vector<16xf32>,
        %add3A_665 = arith.constant 416 : i32
        %add3A_666 = vector.broadcast %add3A_665 : i32 to vector<16xi32>
        %add3A_667 = arith.addi %iota3A, %add3A_666 : vector<16xi32>
        %mul3A_668 = arith.constant 512 : i32
        %mul3A_669 = arith.muli %mul3A_110, %mul3A_668 : i32
        %add3A_670 = arith.constant 416 : i32
        %add3A_671 = arith.addi %mul3A_669, %add3A_670 : i32
        %get3A_672 = arith.index_cast %add3A_671 : i32 to index
        %get3A_673 = tpu.vector_load %arg12[%get3A_672] {strides = array<i32>} : memref<10240xf32, #tpu.memory_space<vmem>>, vector<16xf32>,
        %mul3A_674 = arith.constant 512 : i32
        %mul3A_675 = arith.muli %mul3A_110, %mul3A_674 : i32
        %add3A_676 = arith.constant 416 : i32
        %add3A_677 = arith.addi %mul3A_675, %add3A_676 : i32
        %get3A_678 = arith.index_cast %add3A_677 : i32 to index
        %get3A_679 = tpu.vector_load %arg13[%get3A_678] {strides = array<i32>} : memref<10240xf32, #tpu.memory_space<vmem>>, vector<16xf32>,
        tpu.vector_store_idx %arg14[%add3A_667, %broadcast_in_dim3A_12], %get3A_673 : memref<512x16xf32, #tpu.memory_space<vmem>>[vector<16xi32>, vector<16xi32>], vector<16xf32>,
        %add3A_680 = arith.constant 1 : i32
        %add3A_681 = vector.broadcast %add3A_680 : i32 to vector<16xi32>
        %add3A_682 = arith.addi %broadcast_in_dim3A_12, %add3A_681 : vector<16xi32>
        tpu.vector_store_idx %arg14[%add3A_667, %add3A_682], %get3A_679 : memref<512x16xf32, #tpu.memory_space<vmem>>[vector<16xi32>, vector<16xi32>], vector<16xf32>,
        %add3A_683 = arith.constant 2 : i32
        %add3A_684 = vector.broadcast %add3A_683 : i32 to vector<16xi32>
        %add3A_685 = arith.addi %broadcast_in_dim3A_12, %add3A_684 : vector<16xi32>
        tpu.vector_store_idx %arg14[%add3A_667, %add3A_685], %broadcast_in_dim3A_14 : memref<512x16xf32, #tpu.memory_space<vmem>>[vector<16xi32>, vector<16xi32>], vector<16xf32>,
        %add3A_686 = arith.constant 432 : i32
        %add3A_687 = vector.broadcast %add3A_686 : i32 to vector<16xi32>
        %add3A_688 = arith.addi %iota3A, %add3A_687 : vector<16xi32>
        %mul3A_689 = arith.constant 512 : i32
        %mul3A_690 = arith.muli %mul3A_110, %mul3A_689 : i32
        %add3A_691 = arith.constant 432 : i32
        %add3A_692 = arith.addi %mul3A_690, %add3A_691 : i32
        %get3A_693 = arith.index_cast %add3A_692 : i32 to index
        %get3A_694 = tpu.vector_load %arg12[%get3A_693] {strides = array<i32>} : memref<10240xf32, #tpu.memory_space<vmem>>, vector<16xf32>,
        %mul3A_695 = arith.constant 512 : i32
        %mul3A_696 = arith.muli %mul3A_110, %mul3A_695 : i32
        %add3A_697 = arith.constant 432 : i32
        %add3A_698 = arith.addi %mul3A_696, %add3A_697 : i32
        %get3A_699 = arith.index_cast %add3A_698 : i32 to index
        %get3A_700 = tpu.vector_load %arg13[%get3A_699] {strides = array<i32>} : memref<10240xf32, #tpu.memory_space<vmem>>, vector<16xf32>,
        tpu.vector_store_idx %arg14[%add3A_688, %broadcast_in_dim3A_12], %get3A_694 : memref<512x16xf32, #tpu.memory_space<vmem>>[vector<16xi32>, vector<16xi32>], vector<16xf32>,
        %add3A_701 = arith.constant 1 : i32
        %add3A_702 = vector.broadcast %add3A_701 : i32 to vector<16xi32>
        %add3A_703 = arith.addi %broadcast_in_dim3A_12, %add3A_702 : vector<16xi32>
        tpu.vector_store_idx %arg14[%add3A_688, %add3A_703], %get3A_700 : memref<512x16xf32, #tpu.memory_space<vmem>>[vector<16xi32>, vector<16xi32>], vector<16xf32>,
        %add3A_704 = arith.constant 2 : i32
        %add3A_705 = vector.broadcast %add3A_704 : i32 to vector<16xi32>
        %add3A_706 = arith.addi %broadcast_in_dim3A_12, %add3A_705 : vector<16xi32>
        tpu.vector_store_idx %arg14[%add3A_688, %add3A_706], %broadcast_in_dim3A_14 : memref<512x16xf32, #tpu.memory_space<vmem>>[vector<16xi32>, vector<16xi32>], vector<16xf32>,
        %add3A_707 = arith.constant 448 : i32
        %add3A_708 = vector.broadcast %add3A_707 : i32 to vector<16xi32>
        %add3A_709 = arith.addi %iota3A, %add3A_708 : vector<16xi32>
        %mul3A_710 = arith.constant 512 : i32
        %mul3A_711 = arith.muli %mul3A_110, %mul3A_710 : i32
        %add3A_712 = arith.constant 448 : i32
        %add3A_713 = arith.addi %mul3A_711, %add3A_712 : i32
        %get3A_714 = arith.index_cast %add3A_713 : i32 to index
        %get3A_715 = tpu.vector_load %arg12[%get3A_714] {strides = array<i32>} : memref<10240xf32, #tpu.memory_space<vmem>>, vector<16xf32>,
        %mul3A_716 = arith.constant 512 : i32
        %mul3A_717 = arith.muli %mul3A_110, %mul3A_716 : i32
        %add3A_718 = arith.constant 448 : i32
        %add3A_719 = arith.addi %mul3A_717, %add3A_718 : i32
        %get3A_720 = arith.index_cast %add3A_719 : i32 to index
        %get3A_721 = tpu.vector_load %arg13[%get3A_720] {strides = array<i32>} : memref<10240xf32, #tpu.memory_space<vmem>>, vector<16xf32>,
        tpu.vector_store_idx %arg14[%add3A_709, %broadcast_in_dim3A_12], %get3A_715 : memref<512x16xf32, #tpu.memory_space<vmem>>[vector<16xi32>, vector<16xi32>], vector<16xf32>,
        %add3A_722 = arith.constant 1 : i32
        %add3A_723 = vector.broadcast %add3A_722 : i32 to vector<16xi32>
        %add3A_724 = arith.addi %broadcast_in_dim3A_12, %add3A_723 : vector<16xi32>
        tpu.vector_store_idx %arg14[%add3A_709, %add3A_724], %get3A_721 : memref<512x16xf32, #tpu.memory_space<vmem>>[vector<16xi32>, vector<16xi32>], vector<16xf32>,
        %add3A_725 = arith.constant 2 : i32
        %add3A_726 = vector.broadcast %add3A_725 : i32 to vector<16xi32>
        %add3A_727 = arith.addi %broadcast_in_dim3A_12, %add3A_726 : vector<16xi32>
        tpu.vector_store_idx %arg14[%add3A_709, %add3A_727], %broadcast_in_dim3A_14 : memref<512x16xf32, #tpu.memory_space<vmem>>[vector<16xi32>, vector<16xi32>], vector<16xf32>,
        %add3A_728 = arith.constant 464 : i32
        %add3A_729 = vector.broadcast %add3A_728 : i32 to vector<16xi32>
        %add3A_730 = arith.addi %iota3A, %add3A_729 : vector<16xi32>
        %mul3A_731 = arith.constant 512 : i32
        %mul3A_732 = arith.muli %mul3A_110, %mul3A_731 : i32
        %add3A_733 = arith.constant 464 : i32
        %add3A_734 = arith.addi %mul3A_732, %add3A_733 : i32
        %get3A_735 = arith.index_cast %add3A_734 : i32 to index
        %get3A_736 = tpu.vector_load %arg12[%get3A_735] {strides = array<i32>} : memref<10240xf32, #tpu.memory_space<vmem>>, vector<16xf32>,
        %mul3A_737 = arith.constant 512 : i32
        %mul3A_738 = arith.muli %mul3A_110, %mul3A_737 : i32
        %add3A_739 = arith.constant 464 : i32
        %add3A_740 = arith.addi %mul3A_738, %add3A_739 : i32
        %get3A_741 = arith.index_cast %add3A_740 : i32 to index
        %get3A_742 = tpu.vector_load %arg13[%get3A_741] {strides = array<i32>} : memref<10240xf32, #tpu.memory_space<vmem>>, vector<16xf32>,
        tpu.vector_store_idx %arg14[%add3A_730, %broadcast_in_dim3A_12], %get3A_736 : memref<512x16xf32, #tpu.memory_space<vmem>>[vector<16xi32>, vector<16xi32>], vector<16xf32>,
        %add3A_743 = arith.constant 1 : i32
        %add3A_744 = vector.broadcast %add3A_743 : i32 to vector<16xi32>
        %add3A_745 = arith.addi %broadcast_in_dim3A_12, %add3A_744 : vector<16xi32>
        tpu.vector_store_idx %arg14[%add3A_730, %add3A_745], %get3A_742 : memref<512x16xf32, #tpu.memory_space<vmem>>[vector<16xi32>, vector<16xi32>], vector<16xf32>,
        %add3A_746 = arith.constant 2 : i32
        %add3A_747 = vector.broadcast %add3A_746 : i32 to vector<16xi32>
        %add3A_748 = arith.addi %broadcast_in_dim3A_12, %add3A_747 : vector<16xi32>
        tpu.vector_store_idx %arg14[%add3A_730, %add3A_748], %broadcast_in_dim3A_14 : memref<512x16xf32, #tpu.memory_space<vmem>>[vector<16xi32>, vector<16xi32>], vector<16xf32>,
        %add3A_749 = arith.constant 480 : i32
        %add3A_750 = vector.broadcast %add3A_749 : i32 to vector<16xi32>
        %add3A_751 = arith.addi %iota3A, %add3A_750 : vector<16xi32>
        %mul3A_752 = arith.constant 512 : i32
        %mul3A_753 = arith.muli %mul3A_110, %mul3A_752 : i32
        %add3A_754 = arith.constant 480 : i32
        %add3A_755 = arith.addi %mul3A_753, %add3A_754 : i32
        %get3A_756 = arith.index_cast %add3A_755 : i32 to index
        %get3A_757 = tpu.vector_load %arg12[%get3A_756] {strides = array<i32>} : memref<10240xf32, #tpu.memory_space<vmem>>, vector<16xf32>,
        %mul3A_758 = arith.constant 512 : i32
        %mul3A_759 = arith.muli %mul3A_110, %mul3A_758 : i32
        %add3A_760 = arith.constant 480 : i32
        %add3A_761 = arith.addi %mul3A_759, %add3A_760 : i32
        %get3A_762 = arith.index_cast %add3A_761 : i32 to index
        %get3A_763 = tpu.vector_load %arg13[%get3A_762] {strides = array<i32>} : memref<10240xf32, #tpu.memory_space<vmem>>, vector<16xf32>,
        tpu.vector_store_idx %arg14[%add3A_751, %broadcast_in_dim3A_12], %get3A_757 : memref<512x16xf32, #tpu.memory_space<vmem>>[vector<16xi32>, vector<16xi32>], vector<16xf32>,
        %add3A_764 = arith.constant 1 : i32
        %add3A_765 = vector.broadcast %add3A_764 : i32 to vector<16xi32>
        %add3A_766 = arith.addi %broadcast_in_dim3A_12, %add3A_765 : vector<16xi32>
        tpu.vector_store_idx %arg14[%add3A_751, %add3A_766], %get3A_763 : memref<512x16xf32, #tpu.memory_space<vmem>>[vector<16xi32>, vector<16xi32>], vector<16xf32>,
        %add3A_767 = arith.constant 2 : i32
        %add3A_768 = vector.broadcast %add3A_767 : i32 to vector<16xi32>
        %add3A_769 = arith.addi %broadcast_in_dim3A_12, %add3A_768 : vector<16xi32>
        tpu.vector_store_idx %arg14[%add3A_751, %add3A_769], %broadcast_in_dim3A_14 : memref<512x16xf32, #tpu.memory_space<vmem>>[vector<16xi32>, vector<16xi32>], vector<16xf32>,
        %add3A_770 = arith.constant 496 : i32
        %add3A_771 = vector.broadcast %add3A_770 : i32 to vector<16xi32>
        %add3A_772 = arith.addi %iota3A, %add3A_771 : vector<16xi32>
        %mul3A_773 = arith.constant 512 : i32
        %mul3A_774 = arith.muli %mul3A_110, %mul3A_773 : i32
        %add3A_775 = arith.constant 496 : i32
        %add3A_776 = arith.addi %mul3A_774, %add3A_775 : i32
        %get3A_777 = arith.index_cast %add3A_776 : i32 to index
        %get3A_778 = tpu.vector_load %arg12[%get3A_777] {strides = array<i32>} : memref<10240xf32, #tpu.memory_space<vmem>>, vector<16xf32>,
        %mul3A_779 = arith.constant 512 : i32
        %mul3A_780 = arith.muli %mul3A_110, %mul3A_779 : i32
        %add3A_781 = arith.constant 496 : i32
        %add3A_782 = arith.addi %mul3A_780, %add3A_781 : i32
        %get3A_783 = arith.index_cast %add3A_782 : i32 to index
        %get3A_784 = tpu.vector_load %arg13[%get3A_783] {strides = array<i32>} : memref<10240xf32, #tpu.memory_space<vmem>>, vector<16xf32>,
        tpu.vector_store_idx %arg14[%add3A_772, %broadcast_in_dim3A_12], %get3A_778 : memref<512x16xf32, #tpu.memory_space<vmem>>[vector<16xi32>, vector<16xi32>], vector<16xf32>,
        %add3A_785 = arith.constant 1 : i32
        %add3A_786 = vector.broadcast %add3A_785 : i32 to vector<16xi32>
        %add3A_787 = arith.addi %broadcast_in_dim3A_12, %add3A_786 : vector<16xi32>
        tpu.vector_store_idx %arg14[%add3A_772, %add3A_787], %get3A_784 : memref<512x16xf32, #tpu.memory_space<vmem>>[vector<16xi32>, vector<16xi32>], vector<16xf32>,
        %add3A_788 = arith.constant 2 : i32
        %add3A_789 = vector.broadcast %add3A_788 : i32 to vector<16xi32>
        %add3A_790 = arith.addi %broadcast_in_dim3A_12, %add3A_789 : vector<16xi32>
        tpu.vector_store_idx %arg14[%add3A_772, %add3A_790], %broadcast_in_dim3A_14 : memref<512x16xf32, #tpu.memory_space<vmem>>[vector<16xi32>, vector<16xi32>], vector<16xf32>,
        %mul3A_791 = arith.constant 4 : i32
        %mul3A_792 = arith.muli %mul3A_110, %mul3A_791 : i32
        %add3A_793 = arith.constant 0 : i32
        %add3A_794 = arith.addi %mul3A_792, %add3A_793 : i32
        %dma_wait3A = arith.constant 0 : i32
        %dma_wait3A_795 = arith.constant 0 : i32
        %dma_wait3A_796 = tpu.memref_slice %arg16[%dma_wait3A, %dma_wait3A_795] : memref<512x16xf32, #tpu.memory_space<vmem>> -> memref<128x16xf32, #tpu.memory_space<vmem>>
        %dma_wait3A_797 = arith.constant 0 : i32
        %dma_wait3A_798 = tpu.memref_slice %arg10[%add3A_794, %dma_wait3A_797] : memref<80x128xi32, #tpu.memory_space<vmem>> -> memref<1x128xi32, #tpu.memory_space<vmem>>
        %dma_wait3A_799 = tpu.memref_squeeze %dma_wait3A_798 : memref<1x128xi32, #tpu.memory_space<vmem>> -> memref<128xi32, #tpu.memory_space<vmem>>
        %dma_wait3A_800 = arith.constant 0 : i32
        %dma_wait3A_801 = arith.constant 0 : i32
        %dma_wait3A_802 = tpu.memref_slice %arg2[%dma_wait3A_800, %dma_wait3A_801] : memref<10000x16xf32, #tpu.memory_space<hbm>> -> memref<10000x16xf32, #tpu.memory_space<hbm>>
        tpu.wait_indirect_dma semaphore(%arg21 : memref<!tpu.dma_semaphore, #tpu.memory_space<semaphore_mem>>) src(%dma_wait3A_802 : memref<10000x16xf32, #tpu.memory_space<hbm>>) dst(%dma_wait3A_796 : memref<128x16xf32, #tpu.memory_space<vmem>>)
        %mul3A_803 = arith.constant 4 : i32
        %mul3A_804 = arith.muli %mul3A_110, %mul3A_803 : i32
        %add3A_805 = arith.constant 1 : i32
        %add3A_806 = arith.addi %mul3A_804, %add3A_805 : i32
        %dma_wait3A_807 = arith.constant 128 : i32
        %dma_wait3A_808 = arith.constant 0 : i32
        %dma_wait3A_809 = tpu.memref_slice %arg16[%dma_wait3A_807, %dma_wait3A_808] : memref<512x16xf32, #tpu.memory_space<vmem>> -> memref<128x16xf32, #tpu.memory_space<vmem>>
        %dma_wait3A_810 = arith.constant 0 : i32
        %dma_wait3A_811 = tpu.memref_slice %arg10[%add3A_806, %dma_wait3A_810] : memref<80x128xi32, #tpu.memory_space<vmem>> -> memref<1x128xi32, #tpu.memory_space<vmem>>
        %dma_wait3A_812 = tpu.memref_squeeze %dma_wait3A_811 : memref<1x128xi32, #tpu.memory_space<vmem>> -> memref<128xi32, #tpu.memory_space<vmem>>
        %dma_wait3A_813 = arith.constant 0 : i32
        %dma_wait3A_814 = arith.constant 0 : i32
        %dma_wait3A_815 = tpu.memref_slice %arg2[%dma_wait3A_813, %dma_wait3A_814] : memref<10000x16xf32, #tpu.memory_space<hbm>> -> memref<10000x16xf32, #tpu.memory_space<hbm>>
        tpu.wait_indirect_dma semaphore(%arg21 : memref<!tpu.dma_semaphore, #tpu.memory_space<semaphore_mem>>) src(%dma_wait3A_815 : memref<10000x16xf32, #tpu.memory_space<hbm>>) dst(%dma_wait3A_809 : memref<128x16xf32, #tpu.memory_space<vmem>>)
        %mul3A_816 = arith.constant 4 : i32
        %mul3A_817 = arith.muli %mul3A_110, %mul3A_816 : i32
        %add3A_818 = arith.constant 2 : i32
        %add3A_819 = arith.addi %mul3A_817, %add3A_818 : i32
        %dma_wait3A_820 = arith.constant 256 : i32
        %dma_wait3A_821 = arith.constant 0 : i32
        %dma_wait3A_822 = tpu.memref_slice %arg16[%dma_wait3A_820, %dma_wait3A_821] : memref<512x16xf32, #tpu.memory_space<vmem>> -> memref<128x16xf32, #tpu.memory_space<vmem>>
        %dma_wait3A_823 = arith.constant 0 : i32
        %dma_wait3A_824 = tpu.memref_slice %arg10[%add3A_819, %dma_wait3A_823] : memref<80x128xi32, #tpu.memory_space<vmem>> -> memref<1x128xi32, #tpu.memory_space<vmem>>
        %dma_wait3A_825 = tpu.memref_squeeze %dma_wait3A_824 : memref<1x128xi32, #tpu.memory_space<vmem>> -> memref<128xi32, #tpu.memory_space<vmem>>
        %dma_wait3A_826 = arith.constant 0 : i32
        %dma_wait3A_827 = arith.constant 0 : i32
        %dma_wait3A_828 = tpu.memref_slice %arg2[%dma_wait3A_826, %dma_wait3A_827] : memref<10000x16xf32, #tpu.memory_space<hbm>> -> memref<10000x16xf32, #tpu.memory_space<hbm>>
        tpu.wait_indirect_dma semaphore(%arg21 : memref<!tpu.dma_semaphore, #tpu.memory_space<semaphore_mem>>) src(%dma_wait3A_828 : memref<10000x16xf32, #tpu.memory_space<hbm>>) dst(%dma_wait3A_822 : memref<128x16xf32, #tpu.memory_space<vmem>>)
        %mul3A_829 = arith.constant 4 : i32
        %mul3A_830 = arith.muli %mul3A_110, %mul3A_829 : i32
        %add3A_831 = arith.constant 3 : i32
        %add3A_832 = arith.addi %mul3A_830, %add3A_831 : i32
        %dma_wait3A_833 = arith.constant 384 : i32
        %dma_wait3A_834 = arith.constant 0 : i32
        %dma_wait3A_835 = tpu.memref_slice %arg16[%dma_wait3A_833, %dma_wait3A_834] : memref<512x16xf32, #tpu.memory_space<vmem>> -> memref<128x16xf32, #tpu.memory_space<vmem>>
        %dma_wait3A_836 = arith.constant 0 : i32
        %dma_wait3A_837 = tpu.memref_slice %arg10[%add3A_832, %dma_wait3A_836] : memref<80x128xi32, #tpu.memory_space<vmem>> -> memref<1x128xi32, #tpu.memory_space<vmem>>
        %dma_wait3A_838 = tpu.memref_squeeze %dma_wait3A_837 : memref<1x128xi32, #tpu.memory_space<vmem>> -> memref<128xi32, #tpu.memory_space<vmem>>
        %dma_wait3A_839 = arith.constant 0 : i32
        %dma_wait3A_840 = arith.constant 0 : i32
        %dma_wait3A_841 = tpu.memref_slice %arg2[%dma_wait3A_839, %dma_wait3A_840] : memref<10000x16xf32, #tpu.memory_space<hbm>> -> memref<10000x16xf32, #tpu.memory_space<hbm>>
        tpu.wait_indirect_dma semaphore(%arg21 : memref<!tpu.dma_semaphore, #tpu.memory_space<semaphore_mem>>) src(%dma_wait3A_841 : memref<10000x16xf32, #tpu.memory_space<hbm>>) dst(%dma_wait3A_835 : memref<128x16xf32, #tpu.memory_space<vmem>>)
        %mul3A_842 = arith.constant 4 : i32
        %mul3A_843 = arith.muli %mul3A_110, %mul3A_842 : i32
        %add3A_844 = arith.constant 0 : i32
        %add3A_845 = arith.addi %mul3A_843, %add3A_844 : i32
        %dma_start3A_846 = arith.constant 0 : i32
        %dma_start3A_847 = arith.constant 0 : i32
        %dma_start3A_848 = tpu.memref_slice %arg16[%dma_start3A_846, %dma_start3A_847] : memref<512x16xf32, #tpu.memory_space<vmem>> -> memref<128x16xf32, #tpu.memory_space<vmem>>
        %dma_start3A_849 = arith.constant 0 : i32
        %dma_start3A_850 = tpu.memref_slice %arg11[%add3A_845, %dma_start3A_849] : memref<80x128xi32, #tpu.memory_space<vmem>> -> memref<1x128xi32, #tpu.memory_space<vmem>>
        %dma_start3A_851 = tpu.memref_squeeze %dma_start3A_850 : memref<1x128xi32, #tpu.memory_space<vmem>> -> memref<128xi32, #tpu.memory_space<vmem>>
        %dma_start3A_852 = arith.constant 0 : i32
        %dma_start3A_853 = arith.constant 0 : i32
        %dma_start3A_854 = tpu.memref_slice %arg19[%dma_start3A_852, %dma_start3A_853] : memref<10112x16xf32, #tpu.memory_space<vmem_shared>> -> memref<10112x16xf32, #tpu.memory_space<vmem_shared>>
        tpu.enqueue_indirect_dma source(%dma_start3A_848 : memref<128x16xf32, #tpu.memory_space<vmem>>) target(%dma_start3A_854 : memref<10112x16xf32, #tpu.memory_space<vmem_shared>>) offsets(%dma_start3A_851 : memref<128xi32, #tpu.memory_space<vmem>>) semaphore(%arg23 : memref<!tpu.dma_semaphore, #tpu.memory_space<semaphore_mem>>) {add = true}
        %dma_start3A_855 = arith.constant 0 : i32
        %dma_start3A_856 = arith.constant 0 : i32
        %dma_start3A_857 = tpu.memref_slice %arg14[%dma_start3A_855, %dma_start3A_856] : memref<512x16xf32, #tpu.memory_space<vmem>> -> memref<128x16xf32, #tpu.memory_space<vmem>>
        %dma_start3A_858 = arith.constant 0 : i32
        %dma_start3A_859 = tpu.memref_slice %arg11[%add3A_845, %dma_start3A_858] : memref<80x128xi32, #tpu.memory_space<vmem>> -> memref<1x128xi32, #tpu.memory_space<vmem>>
        %dma_start3A_860 = tpu.memref_squeeze %dma_start3A_859 : memref<1x128xi32, #tpu.memory_space<vmem>> -> memref<128xi32, #tpu.memory_space<vmem>>
        %dma_start3A_861 = arith.constant 0 : i32
        %dma_start3A_862 = arith.constant 0 : i32
        %dma_start3A_863 = tpu.memref_slice %arg20[%dma_start3A_861, %dma_start3A_862] : memref<10112x16xf32, #tpu.memory_space<vmem_shared>> -> memref<10112x16xf32, #tpu.memory_space<vmem_shared>>
        tpu.enqueue_indirect_dma source(%dma_start3A_857 : memref<128x16xf32, #tpu.memory_space<vmem>>) target(%dma_start3A_863 : memref<10112x16xf32, #tpu.memory_space<vmem_shared>>) offsets(%dma_start3A_860 : memref<128xi32, #tpu.memory_space<vmem>>) semaphore(%arg23 : memref<!tpu.dma_semaphore, #tpu.memory_space<semaphore_mem>>) {add = true}
        %mul3A_864 = arith.constant 4 : i32
        %mul3A_865 = arith.muli %mul3A_110, %mul3A_864 : i32
        %add3A_866 = arith.constant 1 : i32
        %add3A_867 = arith.addi %mul3A_865, %add3A_866 : i32
        %dma_start3A_868 = arith.constant 128 : i32
        %dma_start3A_869 = arith.constant 0 : i32
        %dma_start3A_870 = tpu.memref_slice %arg16[%dma_start3A_868, %dma_start3A_869] : memref<512x16xf32, #tpu.memory_space<vmem>> -> memref<128x16xf32, #tpu.memory_space<vmem>>
        %dma_start3A_871 = arith.constant 0 : i32
        %dma_start3A_872 = tpu.memref_slice %arg11[%add3A_867, %dma_start3A_871] : memref<80x128xi32, #tpu.memory_space<vmem>> -> memref<1x128xi32, #tpu.memory_space<vmem>>
        %dma_start3A_873 = tpu.memref_squeeze %dma_start3A_872 : memref<1x128xi32, #tpu.memory_space<vmem>> -> memref<128xi32, #tpu.memory_space<vmem>>
        %dma_start3A_874 = arith.constant 0 : i32
        %dma_start3A_875 = arith.constant 0 : i32
        %dma_start3A_876 = tpu.memref_slice %arg19[%dma_start3A_874, %dma_start3A_875] : memref<10112x16xf32, #tpu.memory_space<vmem_shared>> -> memref<10112x16xf32, #tpu.memory_space<vmem_shared>>
        tpu.enqueue_indirect_dma source(%dma_start3A_870 : memref<128x16xf32, #tpu.memory_space<vmem>>) target(%dma_start3A_876 : memref<10112x16xf32, #tpu.memory_space<vmem_shared>>) offsets(%dma_start3A_873 : memref<128xi32, #tpu.memory_space<vmem>>) semaphore(%arg23 : memref<!tpu.dma_semaphore, #tpu.memory_space<semaphore_mem>>) {add = true}
        %dma_start3A_877 = arith.constant 128 : i32
        %dma_start3A_878 = arith.constant 0 : i32
        %dma_start3A_879 = tpu.memref_slice %arg14[%dma_start3A_877, %dma_start3A_878] : memref<512x16xf32, #tpu.memory_space<vmem>> -> memref<128x16xf32, #tpu.memory_space<vmem>>
        %dma_start3A_880 = arith.constant 0 : i32
        %dma_start3A_881 = tpu.memref_slice %arg11[%add3A_867, %dma_start3A_880] : memref<80x128xi32, #tpu.memory_space<vmem>> -> memref<1x128xi32, #tpu.memory_space<vmem>>
        %dma_start3A_882 = tpu.memref_squeeze %dma_start3A_881 : memref<1x128xi32, #tpu.memory_space<vmem>> -> memref<128xi32, #tpu.memory_space<vmem>>
        %dma_start3A_883 = arith.constant 0 : i32
        %dma_start3A_884 = arith.constant 0 : i32
        %dma_start3A_885 = tpu.memref_slice %arg20[%dma_start3A_883, %dma_start3A_884] : memref<10112x16xf32, #tpu.memory_space<vmem_shared>> -> memref<10112x16xf32, #tpu.memory_space<vmem_shared>>
        tpu.enqueue_indirect_dma source(%dma_start3A_879 : memref<128x16xf32, #tpu.memory_space<vmem>>) target(%dma_start3A_885 : memref<10112x16xf32, #tpu.memory_space<vmem_shared>>) offsets(%dma_start3A_882 : memref<128xi32, #tpu.memory_space<vmem>>) semaphore(%arg23 : memref<!tpu.dma_semaphore, #tpu.memory_space<semaphore_mem>>) {add = true}
        %mul3A_886 = arith.constant 4 : i32
        %mul3A_887 = arith.muli %mul3A_110, %mul3A_886 : i32
        %add3A_888 = arith.constant 2 : i32
        %add3A_889 = arith.addi %mul3A_887, %add3A_888 : i32
        %dma_start3A_890 = arith.constant 256 : i32
        %dma_start3A_891 = arith.constant 0 : i32
        %dma_start3A_892 = tpu.memref_slice %arg16[%dma_start3A_890, %dma_start3A_891] : memref<512x16xf32, #tpu.memory_space<vmem>> -> memref<128x16xf32, #tpu.memory_space<vmem>>
        %dma_start3A_893 = arith.constant 0 : i32
        %dma_start3A_894 = tpu.memref_slice %arg11[%add3A_889, %dma_start3A_893] : memref<80x128xi32, #tpu.memory_space<vmem>> -> memref<1x128xi32, #tpu.memory_space<vmem>>
        %dma_start3A_895 = tpu.memref_squeeze %dma_start3A_894 : memref<1x128xi32, #tpu.memory_space<vmem>> -> memref<128xi32, #tpu.memory_space<vmem>>
        %dma_start3A_896 = arith.constant 0 : i32
        %dma_start3A_897 = arith.constant 0 : i32
        %dma_start3A_898 = tpu.memref_slice %arg19[%dma_start3A_896, %dma_start3A_897] : memref<10112x16xf32, #tpu.memory_space<vmem_shared>> -> memref<10112x16xf32, #tpu.memory_space<vmem_shared>>
        tpu.enqueue_indirect_dma source(%dma_start3A_892 : memref<128x16xf32, #tpu.memory_space<vmem>>) target(%dma_start3A_898 : memref<10112x16xf32, #tpu.memory_space<vmem_shared>>) offsets(%dma_start3A_895 : memref<128xi32, #tpu.memory_space<vmem>>) semaphore(%arg23 : memref<!tpu.dma_semaphore, #tpu.memory_space<semaphore_mem>>) {add = true}
        %dma_start3A_899 = arith.constant 256 : i32
        %dma_start3A_900 = arith.constant 0 : i32
        %dma_start3A_901 = tpu.memref_slice %arg14[%dma_start3A_899, %dma_start3A_900] : memref<512x16xf32, #tpu.memory_space<vmem>> -> memref<128x16xf32, #tpu.memory_space<vmem>>
        %dma_start3A_902 = arith.constant 0 : i32
        %dma_start3A_903 = tpu.memref_slice %arg11[%add3A_889, %dma_start3A_902] : memref<80x128xi32, #tpu.memory_space<vmem>> -> memref<1x128xi32, #tpu.memory_space<vmem>>
        %dma_start3A_904 = tpu.memref_squeeze %dma_start3A_903 : memref<1x128xi32, #tpu.memory_space<vmem>> -> memref<128xi32, #tpu.memory_space<vmem>>
        %dma_start3A_905 = arith.constant 0 : i32
        %dma_start3A_906 = arith.constant 0 : i32
        %dma_start3A_907 = tpu.memref_slice %arg20[%dma_start3A_905, %dma_start3A_906] : memref<10112x16xf32, #tpu.memory_space<vmem_shared>> -> memref<10112x16xf32, #tpu.memory_space<vmem_shared>>
        tpu.enqueue_indirect_dma source(%dma_start3A_901 : memref<128x16xf32, #tpu.memory_space<vmem>>) target(%dma_start3A_907 : memref<10112x16xf32, #tpu.memory_space<vmem_shared>>) offsets(%dma_start3A_904 : memref<128xi32, #tpu.memory_space<vmem>>) semaphore(%arg23 : memref<!tpu.dma_semaphore, #tpu.memory_space<semaphore_mem>>) {add = true}
        %mul3A_908 = arith.constant 4 : i32
        %mul3A_909 = arith.muli %mul3A_110, %mul3A_908 : i32
        %add3A_910 = arith.constant 3 : i32
        %add3A_911 = arith.addi %mul3A_909, %add3A_910 : i32
        %dma_start3A_912 = arith.constant 384 : i32
        %dma_start3A_913 = arith.constant 0 : i32
        %dma_start3A_914 = tpu.memref_slice %arg16[%dma_start3A_912, %dma_start3A_913] : memref<512x16xf32, #tpu.memory_space<vmem>> -> memref<128x16xf32, #tpu.memory_space<vmem>>
        %dma_start3A_915 = arith.constant 0 : i32
        %dma_start3A_916 = tpu.memref_slice %arg11[%add3A_911, %dma_start3A_915] : memref<80x128xi32, #tpu.memory_space<vmem>> -> memref<1x128xi32, #tpu.memory_space<vmem>>
        %dma_start3A_917 = tpu.memref_squeeze %dma_start3A_916 : memref<1x128xi32, #tpu.memory_space<vmem>> -> memref<128xi32, #tpu.memory_space<vmem>>
        %dma_start3A_918 = arith.constant 0 : i32
        %dma_start3A_919 = arith.constant 0 : i32
        %dma_start3A_920 = tpu.memref_slice %arg19[%dma_start3A_918, %dma_start3A_919] : memref<10112x16xf32, #tpu.memory_space<vmem_shared>> -> memref<10112x16xf32, #tpu.memory_space<vmem_shared>>
        tpu.enqueue_indirect_dma source(%dma_start3A_914 : memref<128x16xf32, #tpu.memory_space<vmem>>) target(%dma_start3A_920 : memref<10112x16xf32, #tpu.memory_space<vmem_shared>>) offsets(%dma_start3A_917 : memref<128xi32, #tpu.memory_space<vmem>>) semaphore(%arg23 : memref<!tpu.dma_semaphore, #tpu.memory_space<semaphore_mem>>) {add = true}
        %dma_start3A_921 = arith.constant 384 : i32
        %dma_start3A_922 = arith.constant 0 : i32
        %dma_start3A_923 = tpu.memref_slice %arg14[%dma_start3A_921, %dma_start3A_922] : memref<512x16xf32, #tpu.memory_space<vmem>> -> memref<128x16xf32, #tpu.memory_space<vmem>>
        %dma_start3A_924 = arith.constant 0 : i32
        %dma_start3A_925 = tpu.memref_slice %arg11[%add3A_911, %dma_start3A_924] : memref<80x128xi32, #tpu.memory_space<vmem>> -> memref<1x128xi32, #tpu.memory_space<vmem>>
        %dma_start3A_926 = tpu.memref_squeeze %dma_start3A_925 : memref<1x128xi32, #tpu.memory_space<vmem>> -> memref<128xi32, #tpu.memory_space<vmem>>
        %dma_start3A_927 = arith.constant 0 : i32
        %dma_start3A_928 = arith.constant 0 : i32
        %dma_start3A_929 = tpu.memref_slice %arg20[%dma_start3A_927, %dma_start3A_928] : memref<10112x16xf32, #tpu.memory_space<vmem_shared>> -> memref<10112x16xf32, #tpu.memory_space<vmem_shared>>
        tpu.enqueue_indirect_dma source(%dma_start3A_923 : memref<128x16xf32, #tpu.memory_space<vmem>>) target(%dma_start3A_929 : memref<10112x16xf32, #tpu.memory_space<vmem_shared>>) offsets(%dma_start3A_926 : memref<128xi32, #tpu.memory_space<vmem>>) semaphore(%arg23 : memref<!tpu.dma_semaphore, #tpu.memory_space<semaphore_mem>>) {add = true}
        %mul3A_930 = arith.constant 4 : i32
        %mul3A_931 = arith.muli %mul3A_110, %mul3A_930 : i32
        %add3A_932 = arith.constant 0 : i32
        %add3A_933 = arith.addi %mul3A_931, %add3A_932 : i32
        %dma_wait3A_934 = arith.constant 0 : i32
        %dma_wait3A_935 = arith.constant 0 : i32
        %dma_wait3A_936 = tpu.memref_slice %arg16[%dma_wait3A_934, %dma_wait3A_935] : memref<512x16xf32, #tpu.memory_space<vmem>> -> memref<128x16xf32, #tpu.memory_space<vmem>>
        %dma_wait3A_937 = arith.constant 0 : i32
        %dma_wait3A_938 = tpu.memref_slice %arg11[%add3A_933, %dma_wait3A_937] : memref<80x128xi32, #tpu.memory_space<vmem>> -> memref<1x128xi32, #tpu.memory_space<vmem>>
        %dma_wait3A_939 = tpu.memref_squeeze %dma_wait3A_938 : memref<1x128xi32, #tpu.memory_space<vmem>> -> memref<128xi32, #tpu.memory_space<vmem>>
        %dma_wait3A_940 = arith.constant 0 : i32
        %dma_wait3A_941 = arith.constant 0 : i32
        %dma_wait3A_942 = tpu.memref_slice %arg19[%dma_wait3A_940, %dma_wait3A_941] : memref<10112x16xf32, #tpu.memory_space<vmem_shared>> -> memref<10112x16xf32, #tpu.memory_space<vmem_shared>>
        tpu.wait_indirect_dma semaphore(%arg23 : memref<!tpu.dma_semaphore, #tpu.memory_space<semaphore_mem>>) src(%dma_wait3A_936 : memref<128x16xf32, #tpu.memory_space<vmem>>) dst(%dma_wait3A_942 : memref<10112x16xf32, #tpu.memory_space<vmem_shared>>)
        %dma_wait3A_943 = arith.constant 0 : i32
        %dma_wait3A_944 = arith.constant 0 : i32
        %dma_wait3A_945 = tpu.memref_slice %arg14[%dma_wait3A_943, %dma_wait3A_944] : memref<512x16xf32, #tpu.memory_space<vmem>> -> memref<128x16xf32, #tpu.memory_space<vmem>>
        %dma_wait3A_946 = arith.constant 0 : i32
        %dma_wait3A_947 = tpu.memref_slice %arg11[%add3A_933, %dma_wait3A_946] : memref<80x128xi32, #tpu.memory_space<vmem>> -> memref<1x128xi32, #tpu.memory_space<vmem>>
        %dma_wait3A_948 = tpu.memref_squeeze %dma_wait3A_947 : memref<1x128xi32, #tpu.memory_space<vmem>> -> memref<128xi32, #tpu.memory_space<vmem>>
        %dma_wait3A_949 = arith.constant 0 : i32
        %dma_wait3A_950 = arith.constant 0 : i32
        %dma_wait3A_951 = tpu.memref_slice %arg20[%dma_wait3A_949, %dma_wait3A_950] : memref<10112x16xf32, #tpu.memory_space<vmem_shared>> -> memref<10112x16xf32, #tpu.memory_space<vmem_shared>>
        tpu.wait_indirect_dma semaphore(%arg23 : memref<!tpu.dma_semaphore, #tpu.memory_space<semaphore_mem>>) src(%dma_wait3A_945 : memref<128x16xf32, #tpu.memory_space<vmem>>) dst(%dma_wait3A_951 : memref<10112x16xf32, #tpu.memory_space<vmem_shared>>)
        %mul3A_952 = arith.constant 4 : i32
        %mul3A_953 = arith.muli %mul3A_110, %mul3A_952 : i32
        %add3A_954 = arith.constant 1 : i32
        %add3A_955 = arith.addi %mul3A_953, %add3A_954 : i32
        %dma_wait3A_956 = arith.constant 128 : i32
        %dma_wait3A_957 = arith.constant 0 : i32
        %dma_wait3A_958 = tpu.memref_slice %arg16[%dma_wait3A_956, %dma_wait3A_957] : memref<512x16xf32, #tpu.memory_space<vmem>> -> memref<128x16xf32, #tpu.memory_space<vmem>>
        %dma_wait3A_959 = arith.constant 0 : i32
        %dma_wait3A_960 = tpu.memref_slice %arg11[%add3A_955, %dma_wait3A_959] : memref<80x128xi32, #tpu.memory_space<vmem>> -> memref<1x128xi32, #tpu.memory_space<vmem>>
        %dma_wait3A_961 = tpu.memref_squeeze %dma_wait3A_960 : memref<1x128xi32, #tpu.memory_space<vmem>> -> memref<128xi32, #tpu.memory_space<vmem>>
        %dma_wait3A_962 = arith.constant 0 : i32
        %dma_wait3A_963 = arith.constant 0 : i32
        %dma_wait3A_964 = tpu.memref_slice %arg19[%dma_wait3A_962, %dma_wait3A_963] : memref<10112x16xf32, #tpu.memory_space<vmem_shared>> -> memref<10112x16xf32, #tpu.memory_space<vmem_shared>>
        tpu.wait_indirect_dma semaphore(%arg23 : memref<!tpu.dma_semaphore, #tpu.memory_space<semaphore_mem>>) src(%dma_wait3A_958 : memref<128x16xf32, #tpu.memory_space<vmem>>) dst(%dma_wait3A_964 : memref<10112x16xf32, #tpu.memory_space<vmem_shared>>)
        %dma_wait3A_965 = arith.constant 128 : i32
        %dma_wait3A_966 = arith.constant 0 : i32
        %dma_wait3A_967 = tpu.memref_slice %arg14[%dma_wait3A_965, %dma_wait3A_966] : memref<512x16xf32, #tpu.memory_space<vmem>> -> memref<128x16xf32, #tpu.memory_space<vmem>>
        %dma_wait3A_968 = arith.constant 0 : i32
        %dma_wait3A_969 = tpu.memref_slice %arg11[%add3A_955, %dma_wait3A_968] : memref<80x128xi32, #tpu.memory_space<vmem>> -> memref<1x128xi32, #tpu.memory_space<vmem>>
        %dma_wait3A_970 = tpu.memref_squeeze %dma_wait3A_969 : memref<1x128xi32, #tpu.memory_space<vmem>> -> memref<128xi32, #tpu.memory_space<vmem>>
        %dma_wait3A_971 = arith.constant 0 : i32
        %dma_wait3A_972 = arith.constant 0 : i32
        %dma_wait3A_973 = tpu.memref_slice %arg20[%dma_wait3A_971, %dma_wait3A_972] : memref<10112x16xf32, #tpu.memory_space<vmem_shared>> -> memref<10112x16xf32, #tpu.memory_space<vmem_shared>>
        tpu.wait_indirect_dma semaphore(%arg23 : memref<!tpu.dma_semaphore, #tpu.memory_space<semaphore_mem>>) src(%dma_wait3A_967 : memref<128x16xf32, #tpu.memory_space<vmem>>) dst(%dma_wait3A_973 : memref<10112x16xf32, #tpu.memory_space<vmem_shared>>)
        %mul3A_974 = arith.constant 4 : i32
        %mul3A_975 = arith.muli %mul3A_110, %mul3A_974 : i32
        %add3A_976 = arith.constant 2 : i32
        %add3A_977 = arith.addi %mul3A_975, %add3A_976 : i32
        %dma_wait3A_978 = arith.constant 256 : i32
        %dma_wait3A_979 = arith.constant 0 : i32
        %dma_wait3A_980 = tpu.memref_slice %arg16[%dma_wait3A_978, %dma_wait3A_979] : memref<512x16xf32, #tpu.memory_space<vmem>> -> memref<128x16xf32, #tpu.memory_space<vmem>>
        %dma_wait3A_981 = arith.constant 0 : i32
        %dma_wait3A_982 = tpu.memref_slice %arg11[%add3A_977, %dma_wait3A_981] : memref<80x128xi32, #tpu.memory_space<vmem>> -> memref<1x128xi32, #tpu.memory_space<vmem>>
        %dma_wait3A_983 = tpu.memref_squeeze %dma_wait3A_982 : memref<1x128xi32, #tpu.memory_space<vmem>> -> memref<128xi32, #tpu.memory_space<vmem>>
        %dma_wait3A_984 = arith.constant 0 : i32
        %dma_wait3A_985 = arith.constant 0 : i32
        %dma_wait3A_986 = tpu.memref_slice %arg19[%dma_wait3A_984, %dma_wait3A_985] : memref<10112x16xf32, #tpu.memory_space<vmem_shared>> -> memref<10112x16xf32, #tpu.memory_space<vmem_shared>>
        tpu.wait_indirect_dma semaphore(%arg23 : memref<!tpu.dma_semaphore, #tpu.memory_space<semaphore_mem>>) src(%dma_wait3A_980 : memref<128x16xf32, #tpu.memory_space<vmem>>) dst(%dma_wait3A_986 : memref<10112x16xf32, #tpu.memory_space<vmem_shared>>)
        %dma_wait3A_987 = arith.constant 256 : i32
        %dma_wait3A_988 = arith.constant 0 : i32
        %dma_wait3A_989 = tpu.memref_slice %arg14[%dma_wait3A_987, %dma_wait3A_988] : memref<512x16xf32, #tpu.memory_space<vmem>> -> memref<128x16xf32, #tpu.memory_space<vmem>>
        %dma_wait3A_990 = arith.constant 0 : i32
        %dma_wait3A_991 = tpu.memref_slice %arg11[%add3A_977, %dma_wait3A_990] : memref<80x128xi32, #tpu.memory_space<vmem>> -> memref<1x128xi32, #tpu.memory_space<vmem>>
        %dma_wait3A_992 = tpu.memref_squeeze %dma_wait3A_991 : memref<1x128xi32, #tpu.memory_space<vmem>> -> memref<128xi32, #tpu.memory_space<vmem>>
        %dma_wait3A_993 = arith.constant 0 : i32
        %dma_wait3A_994 = arith.constant 0 : i32
        %dma_wait3A_995 = tpu.memref_slice %arg20[%dma_wait3A_993, %dma_wait3A_994] : memref<10112x16xf32, #tpu.memory_space<vmem_shared>> -> memref<10112x16xf32, #tpu.memory_space<vmem_shared>>
        tpu.wait_indirect_dma semaphore(%arg23 : memref<!tpu.dma_semaphore, #tpu.memory_space<semaphore_mem>>) src(%dma_wait3A_989 : memref<128x16xf32, #tpu.memory_space<vmem>>) dst(%dma_wait3A_995 : memref<10112x16xf32, #tpu.memory_space<vmem_shared>>)
        %mul3A_996 = arith.constant 4 : i32
        %mul3A_997 = arith.muli %mul3A_110, %mul3A_996 : i32
        %add3A_998 = arith.constant 3 : i32
        %add3A_999 = arith.addi %mul3A_997, %add3A_998 : i32
        %dma_wait3A_1000 = arith.constant 384 : i32
        %dma_wait3A_1001 = arith.constant 0 : i32
        %dma_wait3A_1002 = tpu.memref_slice %arg16[%dma_wait3A_1000, %dma_wait3A_1001] : memref<512x16xf32, #tpu.memory_space<vmem>> -> memref<128x16xf32, #tpu.memory_space<vmem>>
        %dma_wait3A_1003 = arith.constant 0 : i32
        %dma_wait3A_1004 = tpu.memref_slice %arg11[%add3A_999, %dma_wait3A_1003] : memref<80x128xi32, #tpu.memory_space<vmem>> -> memref<1x128xi32, #tpu.memory_space<vmem>>
        %dma_wait3A_1005 = tpu.memref_squeeze %dma_wait3A_1004 : memref<1x128xi32, #tpu.memory_space<vmem>> -> memref<128xi32, #tpu.memory_space<vmem>>
        %dma_wait3A_1006 = arith.constant 0 : i32
        %dma_wait3A_1007 = arith.constant 0 : i32
        %dma_wait3A_1008 = tpu.memref_slice %arg19[%dma_wait3A_1006, %dma_wait3A_1007] : memref<10112x16xf32, #tpu.memory_space<vmem_shared>> -> memref<10112x16xf32, #tpu.memory_space<vmem_shared>>
        tpu.wait_indirect_dma semaphore(%arg23 : memref<!tpu.dma_semaphore, #tpu.memory_space<semaphore_mem>>) src(%dma_wait3A_1002 : memref<128x16xf32, #tpu.memory_space<vmem>>) dst(%dma_wait3A_1008 : memref<10112x16xf32, #tpu.memory_space<vmem_shared>>)
        %dma_wait3A_1009 = arith.constant 384 : i32
        %dma_wait3A_1010 = arith.constant 0 : i32
        %dma_wait3A_1011 = tpu.memref_slice %arg14[%dma_wait3A_1009, %dma_wait3A_1010] : memref<512x16xf32, #tpu.memory_space<vmem>> -> memref<128x16xf32, #tpu.memory_space<vmem>>
        %dma_wait3A_1012 = arith.constant 0 : i32
        %dma_wait3A_1013 = tpu.memref_slice %arg11[%add3A_999, %dma_wait3A_1012] : memref<80x128xi32, #tpu.memory_space<vmem>> -> memref<1x128xi32, #tpu.memory_space<vmem>>
        %dma_wait3A_1014 = tpu.memref_squeeze %dma_wait3A_1013 : memref<1x128xi32, #tpu.memory_space<vmem>> -> memref<128xi32, #tpu.memory_space<vmem>>
        %dma_wait3A_1015 = arith.constant 0 : i32
        %dma_wait3A_1016 = arith.constant 0 : i32
        %dma_wait3A_1017 = tpu.memref_slice %arg20[%dma_wait3A_1015, %dma_wait3A_1016] : memref<10112x16xf32, #tpu.memory_space<vmem_shared>> -> memref<10112x16xf32, #tpu.memory_space<vmem_shared>>
        tpu.wait_indirect_dma semaphore(%arg23 : memref<!tpu.dma_semaphore, #tpu.memory_space<semaphore_mem>>) src(%dma_wait3A_1011 : memref<128x16xf32, #tpu.memory_space<vmem>>) dst(%dma_wait3A_1017 : memref<10112x16xf32, #tpu.memory_space<vmem_shared>>)
        %add3A_1018 = arith.constant 2 : i32
        %add3A_1019 = arith.addi %mul3A_110, %add3A_1018 : i32
        %lt3A_1020 = arith.cmpi slt, %add3A_1019, %select_n3A_11 : i32
        %convert_element_type3A_1021 = arith.extui %lt3A_1020 : i1 to i32
        %cond3A_1022 = arith.constant 0 : i32
        %cond3A_1023 = arith.cmpi ne, %convert_element_type3A_1021, %cond3A_1022 : i32
        scf.if %cond3A_1023 {
          %add3A_1024 = arith.constant 2 : i32
          %add3A_1025 = arith.addi %mul3A_110, %add3A_1024 : i32
          %mul3A_1026 = arith.constant 4 : i32
          %mul3A_1027 = arith.muli %add3A_1025, %mul3A_1026 : i32
          %add3A_1028 = arith.constant 0 : i32
          %add3A_1029 = arith.addi %mul3A_1027, %add3A_1028 : i32
          %dma_start3A_1030 = arith.constant 0 : i32
          %dma_start3A_1031 = arith.constant 0 : i32
          %dma_start3A_1032 = tpu.memref_slice %arg16[%dma_start3A_1030, %dma_start3A_1031] : memref<512x16xf32, #tpu.memory_space<vmem>> -> memref<128x16xf32, #tpu.memory_space<vmem>>
          %dma_start3A_1033 = arith.constant 0 : i32
          %dma_start3A_1034 = tpu.memref_slice %arg10[%add3A_1029, %dma_start3A_1033] : memref<80x128xi32, #tpu.memory_space<vmem>> -> memref<1x128xi32, #tpu.memory_space<vmem>>
          %dma_start3A_1035 = tpu.memref_squeeze %dma_start3A_1034 : memref<1x128xi32, #tpu.memory_space<vmem>> -> memref<128xi32, #tpu.memory_space<vmem>>
          %dma_start3A_1036 = arith.constant 0 : i32
          %dma_start3A_1037 = arith.constant 0 : i32
          %dma_start3A_1038 = tpu.memref_slice %arg2[%dma_start3A_1036, %dma_start3A_1037] : memref<10000x16xf32, #tpu.memory_space<hbm>> -> memref<10000x16xf32, #tpu.memory_space<hbm>>
          tpu.enqueue_indirect_dma source(%dma_start3A_1038 : memref<10000x16xf32, #tpu.memory_space<hbm>>) target(%dma_start3A_1032 : memref<128x16xf32, #tpu.memory_space<vmem>>) offsets(%dma_start3A_1035 : memref<128xi32, #tpu.memory_space<vmem>>) semaphore(%arg21 : memref<!tpu.dma_semaphore, #tpu.memory_space<semaphore_mem>>)
          %mul3A_1039 = arith.constant 4 : i32
          %mul3A_1040 = arith.muli %add3A_1025, %mul3A_1039 : i32
          %add3A_1041 = arith.constant 1 : i32
          %add3A_1042 = arith.addi %mul3A_1040, %add3A_1041 : i32
          %dma_start3A_1043 = arith.constant 128 : i32
          %dma_start3A_1044 = arith.constant 0 : i32
          %dma_start3A_1045 = tpu.memref_slice %arg16[%dma_start3A_1043, %dma_start3A_1044] : memref<512x16xf32, #tpu.memory_space<vmem>> -> memref<128x16xf32, #tpu.memory_space<vmem>>
          %dma_start3A_1046 = arith.constant 0 : i32
          %dma_start3A_1047 = tpu.memref_slice %arg10[%add3A_1042, %dma_start3A_1046] : memref<80x128xi32, #tpu.memory_space<vmem>> -> memref<1x128xi32, #tpu.memory_space<vmem>>
          %dma_start3A_1048 = tpu.memref_squeeze %dma_start3A_1047 : memref<1x128xi32, #tpu.memory_space<vmem>> -> memref<128xi32, #tpu.memory_space<vmem>>
          %dma_start3A_1049 = arith.constant 0 : i32
          %dma_start3A_1050 = arith.constant 0 : i32
          %dma_start3A_1051 = tpu.memref_slice %arg2[%dma_start3A_1049, %dma_start3A_1050] : memref<10000x16xf32, #tpu.memory_space<hbm>> -> memref<10000x16xf32, #tpu.memory_space<hbm>>
          tpu.enqueue_indirect_dma source(%dma_start3A_1051 : memref<10000x16xf32, #tpu.memory_space<hbm>>) target(%dma_start3A_1045 : memref<128x16xf32, #tpu.memory_space<vmem>>) offsets(%dma_start3A_1048 : memref<128xi32, #tpu.memory_space<vmem>>) semaphore(%arg21 : memref<!tpu.dma_semaphore, #tpu.memory_space<semaphore_mem>>)
          %mul3A_1052 = arith.constant 4 : i32
          %mul3A_1053 = arith.muli %add3A_1025, %mul3A_1052 : i32
          %add3A_1054 = arith.constant 2 : i32
          %add3A_1055 = arith.addi %mul3A_1053, %add3A_1054 : i32
          %dma_start3A_1056 = arith.constant 256 : i32
          %dma_start3A_1057 = arith.constant 0 : i32
          %dma_start3A_1058 = tpu.memref_slice %arg16[%dma_start3A_1056, %dma_start3A_1057] : memref<512x16xf32, #tpu.memory_space<vmem>> -> memref<128x16xf32, #tpu.memory_space<vmem>>
          %dma_start3A_1059 = arith.constant 0 : i32
          %dma_start3A_1060 = tpu.memref_slice %arg10[%add3A_1055, %dma_start3A_1059] : memref<80x128xi32, #tpu.memory_space<vmem>> -> memref<1x128xi32, #tpu.memory_space<vmem>>
          %dma_start3A_1061 = tpu.memref_squeeze %dma_start3A_1060 : memref<1x128xi32, #tpu.memory_space<vmem>> -> memref<128xi32, #tpu.memory_space<vmem>>
          %dma_start3A_1062 = arith.constant 0 : i32
          %dma_start3A_1063 = arith.constant 0 : i32
          %dma_start3A_1064 = tpu.memref_slice %arg2[%dma_start3A_1062, %dma_start3A_1063] : memref<10000x16xf32, #tpu.memory_space<hbm>> -> memref<10000x16xf32, #tpu.memory_space<hbm>>
          tpu.enqueue_indirect_dma source(%dma_start3A_1064 : memref<10000x16xf32, #tpu.memory_space<hbm>>) target(%dma_start3A_1058 : memref<128x16xf32, #tpu.memory_space<vmem>>) offsets(%dma_start3A_1061 : memref<128xi32, #tpu.memory_space<vmem>>) semaphore(%arg21 : memref<!tpu.dma_semaphore, #tpu.memory_space<semaphore_mem>>)
          %mul3A_1065 = arith.constant 4 : i32
          %mul3A_1066 = arith.muli %add3A_1025, %mul3A_1065 : i32
          %add3A_1067 = arith.constant 3 : i32
          %add3A_1068 = arith.addi %mul3A_1066, %add3A_1067 : i32
          %dma_start3A_1069 = arith.constant 384 : i32
          %dma_start3A_1070 = arith.constant 0 : i32
          %dma_start3A_1071 = tpu.memref_slice %arg16[%dma_start3A_1069, %dma_start3A_1070] : memref<512x16xf32, #tpu.memory_space<vmem>> -> memref<128x16xf32, #tpu.memory_space<vmem>>
          %dma_start3A_1072 = arith.constant 0 : i32
          %dma_start3A_1073 = tpu.memref_slice %arg10[%add3A_1068, %dma_start3A_1072] : memref<80x128xi32, #tpu.memory_space<vmem>> -> memref<1x128xi32, #tpu.memory_space<vmem>>
          %dma_start3A_1074 = tpu.memref_squeeze %dma_start3A_1073 : memref<1x128xi32, #tpu.memory_space<vmem>> -> memref<128xi32, #tpu.memory_space<vmem>>
          %dma_start3A_1075 = arith.constant 0 : i32
          %dma_start3A_1076 = arith.constant 0 : i32
          %dma_start3A_1077 = tpu.memref_slice %arg2[%dma_start3A_1075, %dma_start3A_1076] : memref<10000x16xf32, #tpu.memory_space<hbm>> -> memref<10000x16xf32, #tpu.memory_space<hbm>>
          tpu.enqueue_indirect_dma source(%dma_start3A_1077 : memref<10000x16xf32, #tpu.memory_space<hbm>>) target(%dma_start3A_1071 : memref<128x16xf32, #tpu.memory_space<vmem>>) offsets(%dma_start3A_1074 : memref<128xi32, #tpu.memory_space<vmem>>) semaphore(%arg21 : memref<!tpu.dma_semaphore, #tpu.memory_space<semaphore_mem>>)
        } else {
        }
      } else {
      }
      %mul3A_112 = arith.constant 2 : i32
      %mul3A_113 = arith.muli %mul3A_112, %scan3A_108 : i32
      %add3A_114 = arith.constant 1 : i32
      %add3A_115 = arith.addi %mul3A_113, %add3A_114 : i32
      %lt3A_116 = arith.cmpi slt, %add3A_115, %select_n3A_11 : i32
      %convert_element_type3A_117 = arith.extui %lt3A_116 : i1 to i32
      %cond3A_118 = arith.constant 0 : i32
      %cond3A_119 = arith.cmpi ne, %convert_element_type3A_117, %cond3A_118 : i32
      scf.if %cond3A_119 {
        %add3A_120 = arith.constant 0 : i32
        %add3A_121 = vector.broadcast %add3A_120 : i32 to vector<16xi32>
        %add3A_122 = arith.addi %iota3A, %add3A_121 : vector<16xi32>
        %mul3A_123 = arith.constant 512 : i32
        %mul3A_124 = arith.muli %add3A_115, %mul3A_123 : i32
        %add3A_125 = arith.constant 0 : i32
        %add3A_126 = arith.addi %mul3A_124, %add3A_125 : i32
        %get3A = arith.index_cast %add3A_126 : i32 to index
        %get3A_127 = tpu.vector_load %arg12[%get3A] {strides = array<i32>} : memref<10240xf32, #tpu.memory_space<vmem>>, vector<16xf32>,
        %mul3A_128 = arith.constant 512 : i32
        %mul3A_129 = arith.muli %add3A_115, %mul3A_128 : i32
        %add3A_130 = arith.constant 0 : i32
        %add3A_131 = arith.addi %mul3A_129, %add3A_130 : i32
        %get3A_132 = arith.index_cast %add3A_131 : i32 to index
        %get3A_133 = tpu.vector_load %arg13[%get3A_132] {strides = array<i32>} : memref<10240xf32, #tpu.memory_space<vmem>>, vector<16xf32>,
        tpu.vector_store_idx %arg15[%add3A_122, %broadcast_in_dim3A_12], %get3A_127 : memref<512x16xf32, #tpu.memory_space<vmem>>[vector<16xi32>, vector<16xi32>], vector<16xf32>,
        %add3A_134 = arith.constant 1 : i32
        %add3A_135 = vector.broadcast %add3A_134 : i32 to vector<16xi32>
        %add3A_136 = arith.addi %broadcast_in_dim3A_12, %add3A_135 : vector<16xi32>
        tpu.vector_store_idx %arg15[%add3A_122, %add3A_136], %get3A_133 : memref<512x16xf32, #tpu.memory_space<vmem>>[vector<16xi32>, vector<16xi32>], vector<16xf32>,
        %add3A_137 = arith.constant 2 : i32
        %add3A_138 = vector.broadcast %add3A_137 : i32 to vector<16xi32>
        %add3A_139 = arith.addi %broadcast_in_dim3A_12, %add3A_138 : vector<16xi32>
        tpu.vector_store_idx %arg15[%add3A_122, %add3A_139], %broadcast_in_dim3A_14 : memref<512x16xf32, #tpu.memory_space<vmem>>[vector<16xi32>, vector<16xi32>], vector<16xf32>,
        %add3A_140 = arith.constant 16 : i32
        %add3A_141 = vector.broadcast %add3A_140 : i32 to vector<16xi32>
        %add3A_142 = arith.addi %iota3A, %add3A_141 : vector<16xi32>
        %mul3A_143 = arith.constant 512 : i32
        %mul3A_144 = arith.muli %add3A_115, %mul3A_143 : i32
        %add3A_145 = arith.constant 16 : i32
        %add3A_146 = arith.addi %mul3A_144, %add3A_145 : i32
        %get3A_147 = arith.index_cast %add3A_146 : i32 to index
        %get3A_148 = tpu.vector_load %arg12[%get3A_147] {strides = array<i32>} : memref<10240xf32, #tpu.memory_space<vmem>>, vector<16xf32>,
        %mul3A_149 = arith.constant 512 : i32
        %mul3A_150 = arith.muli %add3A_115, %mul3A_149 : i32
        %add3A_151 = arith.constant 16 : i32
        %add3A_152 = arith.addi %mul3A_150, %add3A_151 : i32
        %get3A_153 = arith.index_cast %add3A_152 : i32 to index
        %get3A_154 = tpu.vector_load %arg13[%get3A_153] {strides = array<i32>} : memref<10240xf32, #tpu.memory_space<vmem>>, vector<16xf32>,
        tpu.vector_store_idx %arg15[%add3A_142, %broadcast_in_dim3A_12], %get3A_148 : memref<512x16xf32, #tpu.memory_space<vmem>>[vector<16xi32>, vector<16xi32>], vector<16xf32>,
        %add3A_155 = arith.constant 1 : i32
        %add3A_156 = vector.broadcast %add3A_155 : i32 to vector<16xi32>
        %add3A_157 = arith.addi %broadcast_in_dim3A_12, %add3A_156 : vector<16xi32>
        tpu.vector_store_idx %arg15[%add3A_142, %add3A_157], %get3A_154 : memref<512x16xf32, #tpu.memory_space<vmem>>[vector<16xi32>, vector<16xi32>], vector<16xf32>,
        %add3A_158 = arith.constant 2 : i32
        %add3A_159 = vector.broadcast %add3A_158 : i32 to vector<16xi32>
        %add3A_160 = arith.addi %broadcast_in_dim3A_12, %add3A_159 : vector<16xi32>
        tpu.vector_store_idx %arg15[%add3A_142, %add3A_160], %broadcast_in_dim3A_14 : memref<512x16xf32, #tpu.memory_space<vmem>>[vector<16xi32>, vector<16xi32>], vector<16xf32>,
        %add3A_161 = arith.constant 32 : i32
        %add3A_162 = vector.broadcast %add3A_161 : i32 to vector<16xi32>
        %add3A_163 = arith.addi %iota3A, %add3A_162 : vector<16xi32>
        %mul3A_164 = arith.constant 512 : i32
        %mul3A_165 = arith.muli %add3A_115, %mul3A_164 : i32
        %add3A_166 = arith.constant 32 : i32
        %add3A_167 = arith.addi %mul3A_165, %add3A_166 : i32
        %get3A_168 = arith.index_cast %add3A_167 : i32 to index
        %get3A_169 = tpu.vector_load %arg12[%get3A_168] {strides = array<i32>} : memref<10240xf32, #tpu.memory_space<vmem>>, vector<16xf32>,
        %mul3A_170 = arith.constant 512 : i32
        %mul3A_171 = arith.muli %add3A_115, %mul3A_170 : i32
        %add3A_172 = arith.constant 32 : i32
        %add3A_173 = arith.addi %mul3A_171, %add3A_172 : i32
        %get3A_174 = arith.index_cast %add3A_173 : i32 to index
        %get3A_175 = tpu.vector_load %arg13[%get3A_174] {strides = array<i32>} : memref<10240xf32, #tpu.memory_space<vmem>>, vector<16xf32>,
        tpu.vector_store_idx %arg15[%add3A_163, %broadcast_in_dim3A_12], %get3A_169 : memref<512x16xf32, #tpu.memory_space<vmem>>[vector<16xi32>, vector<16xi32>], vector<16xf32>,
        %add3A_176 = arith.constant 1 : i32
        %add3A_177 = vector.broadcast %add3A_176 : i32 to vector<16xi32>
        %add3A_178 = arith.addi %broadcast_in_dim3A_12, %add3A_177 : vector<16xi32>
        tpu.vector_store_idx %arg15[%add3A_163, %add3A_178], %get3A_175 : memref<512x16xf32, #tpu.memory_space<vmem>>[vector<16xi32>, vector<16xi32>], vector<16xf32>,
        %add3A_179 = arith.constant 2 : i32
        %add3A_180 = vector.broadcast %add3A_179 : i32 to vector<16xi32>
        %add3A_181 = arith.addi %broadcast_in_dim3A_12, %add3A_180 : vector<16xi32>
        tpu.vector_store_idx %arg15[%add3A_163, %add3A_181], %broadcast_in_dim3A_14 : memref<512x16xf32, #tpu.memory_space<vmem>>[vector<16xi32>, vector<16xi32>], vector<16xf32>,
        %add3A_182 = arith.constant 48 : i32
        %add3A_183 = vector.broadcast %add3A_182 : i32 to vector<16xi32>
        %add3A_184 = arith.addi %iota3A, %add3A_183 : vector<16xi32>
        %mul3A_185 = arith.constant 512 : i32
        %mul3A_186 = arith.muli %add3A_115, %mul3A_185 : i32
        %add3A_187 = arith.constant 48 : i32
        %add3A_188 = arith.addi %mul3A_186, %add3A_187 : i32
        %get3A_189 = arith.index_cast %add3A_188 : i32 to index
        %get3A_190 = tpu.vector_load %arg12[%get3A_189] {strides = array<i32>} : memref<10240xf32, #tpu.memory_space<vmem>>, vector<16xf32>,
        %mul3A_191 = arith.constant 512 : i32
        %mul3A_192 = arith.muli %add3A_115, %mul3A_191 : i32
        %add3A_193 = arith.constant 48 : i32
        %add3A_194 = arith.addi %mul3A_192, %add3A_193 : i32
        %get3A_195 = arith.index_cast %add3A_194 : i32 to index
        %get3A_196 = tpu.vector_load %arg13[%get3A_195] {strides = array<i32>} : memref<10240xf32, #tpu.memory_space<vmem>>, vector<16xf32>,
        tpu.vector_store_idx %arg15[%add3A_184, %broadcast_in_dim3A_12], %get3A_190 : memref<512x16xf32, #tpu.memory_space<vmem>>[vector<16xi32>, vector<16xi32>], vector<16xf32>,
        %add3A_197 = arith.constant 1 : i32
        %add3A_198 = vector.broadcast %add3A_197 : i32 to vector<16xi32>
        %add3A_199 = arith.addi %broadcast_in_dim3A_12, %add3A_198 : vector<16xi32>
        tpu.vector_store_idx %arg15[%add3A_184, %add3A_199], %get3A_196 : memref<512x16xf32, #tpu.memory_space<vmem>>[vector<16xi32>, vector<16xi32>], vector<16xf32>,
        %add3A_200 = arith.constant 2 : i32
        %add3A_201 = vector.broadcast %add3A_200 : i32 to vector<16xi32>
        %add3A_202 = arith.addi %broadcast_in_dim3A_12, %add3A_201 : vector<16xi32>
        tpu.vector_store_idx %arg15[%add3A_184, %add3A_202], %broadcast_in_dim3A_14 : memref<512x16xf32, #tpu.memory_space<vmem>>[vector<16xi32>, vector<16xi32>], vector<16xf32>,
        %add3A_203 = arith.constant 64 : i32
        %add3A_204 = vector.broadcast %add3A_203 : i32 to vector<16xi32>
        %add3A_205 = arith.addi %iota3A, %add3A_204 : vector<16xi32>
        %mul3A_206 = arith.constant 512 : i32
        %mul3A_207 = arith.muli %add3A_115, %mul3A_206 : i32
        %add3A_208 = arith.constant 64 : i32
        %add3A_209 = arith.addi %mul3A_207, %add3A_208 : i32
        %get3A_210 = arith.index_cast %add3A_209 : i32 to index
        %get3A_211 = tpu.vector_load %arg12[%get3A_210] {strides = array<i32>} : memref<10240xf32, #tpu.memory_space<vmem>>, vector<16xf32>,
        %mul3A_212 = arith.constant 512 : i32
        %mul3A_213 = arith.muli %add3A_115, %mul3A_212 : i32
        %add3A_214 = arith.constant 64 : i32
        %add3A_215 = arith.addi %mul3A_213, %add3A_214 : i32
        %get3A_216 = arith.index_cast %add3A_215 : i32 to index
        %get3A_217 = tpu.vector_load %arg13[%get3A_216] {strides = array<i32>} : memref<10240xf32, #tpu.memory_space<vmem>>, vector<16xf32>,
        tpu.vector_store_idx %arg15[%add3A_205, %broadcast_in_dim3A_12], %get3A_211 : memref<512x16xf32, #tpu.memory_space<vmem>>[vector<16xi32>, vector<16xi32>], vector<16xf32>,
        %add3A_218 = arith.constant 1 : i32
        %add3A_219 = vector.broadcast %add3A_218 : i32 to vector<16xi32>
        %add3A_220 = arith.addi %broadcast_in_dim3A_12, %add3A_219 : vector<16xi32>
        tpu.vector_store_idx %arg15[%add3A_205, %add3A_220], %get3A_217 : memref<512x16xf32, #tpu.memory_space<vmem>>[vector<16xi32>, vector<16xi32>], vector<16xf32>,
        %add3A_221 = arith.constant 2 : i32
        %add3A_222 = vector.broadcast %add3A_221 : i32 to vector<16xi32>
        %add3A_223 = arith.addi %broadcast_in_dim3A_12, %add3A_222 : vector<16xi32>
        tpu.vector_store_idx %arg15[%add3A_205, %add3A_223], %broadcast_in_dim3A_14 : memref<512x16xf32, #tpu.memory_space<vmem>>[vector<16xi32>, vector<16xi32>], vector<16xf32>,
        %add3A_224 = arith.constant 80 : i32
        %add3A_225 = vector.broadcast %add3A_224 : i32 to vector<16xi32>
        %add3A_226 = arith.addi %iota3A, %add3A_225 : vector<16xi32>
        %mul3A_227 = arith.constant 512 : i32
        %mul3A_228 = arith.muli %add3A_115, %mul3A_227 : i32
        %add3A_229 = arith.constant 80 : i32
        %add3A_230 = arith.addi %mul3A_228, %add3A_229 : i32
        %get3A_231 = arith.index_cast %add3A_230 : i32 to index
        %get3A_232 = tpu.vector_load %arg12[%get3A_231] {strides = array<i32>} : memref<10240xf32, #tpu.memory_space<vmem>>, vector<16xf32>,
        %mul3A_233 = arith.constant 512 : i32
        %mul3A_234 = arith.muli %add3A_115, %mul3A_233 : i32
        %add3A_235 = arith.constant 80 : i32
        %add3A_236 = arith.addi %mul3A_234, %add3A_235 : i32
        %get3A_237 = arith.index_cast %add3A_236 : i32 to index
        %get3A_238 = tpu.vector_load %arg13[%get3A_237] {strides = array<i32>} : memref<10240xf32, #tpu.memory_space<vmem>>, vector<16xf32>,
        tpu.vector_store_idx %arg15[%add3A_226, %broadcast_in_dim3A_12], %get3A_232 : memref<512x16xf32, #tpu.memory_space<vmem>>[vector<16xi32>, vector<16xi32>], vector<16xf32>,
        %add3A_239 = arith.constant 1 : i32
        %add3A_240 = vector.broadcast %add3A_239 : i32 to vector<16xi32>
        %add3A_241 = arith.addi %broadcast_in_dim3A_12, %add3A_240 : vector<16xi32>
        tpu.vector_store_idx %arg15[%add3A_226, %add3A_241], %get3A_238 : memref<512x16xf32, #tpu.memory_space<vmem>>[vector<16xi32>, vector<16xi32>], vector<16xf32>,
        %add3A_242 = arith.constant 2 : i32
        %add3A_243 = vector.broadcast %add3A_242 : i32 to vector<16xi32>
        %add3A_244 = arith.addi %broadcast_in_dim3A_12, %add3A_243 : vector<16xi32>
        tpu.vector_store_idx %arg15[%add3A_226, %add3A_244], %broadcast_in_dim3A_14 : memref<512x16xf32, #tpu.memory_space<vmem>>[vector<16xi32>, vector<16xi32>], vector<16xf32>,
        %add3A_245 = arith.constant 96 : i32
        %add3A_246 = vector.broadcast %add3A_245 : i32 to vector<16xi32>
        %add3A_247 = arith.addi %iota3A, %add3A_246 : vector<16xi32>
        %mul3A_248 = arith.constant 512 : i32
        %mul3A_249 = arith.muli %add3A_115, %mul3A_248 : i32
        %add3A_250 = arith.constant 96 : i32
        %add3A_251 = arith.addi %mul3A_249, %add3A_250 : i32
        %get3A_252 = arith.index_cast %add3A_251 : i32 to index
        %get3A_253 = tpu.vector_load %arg12[%get3A_252] {strides = array<i32>} : memref<10240xf32, #tpu.memory_space<vmem>>, vector<16xf32>,
        %mul3A_254 = arith.constant 512 : i32
        %mul3A_255 = arith.muli %add3A_115, %mul3A_254 : i32
        %add3A_256 = arith.constant 96 : i32
        %add3A_257 = arith.addi %mul3A_255, %add3A_256 : i32
        %get3A_258 = arith.index_cast %add3A_257 : i32 to index
        %get3A_259 = tpu.vector_load %arg13[%get3A_258] {strides = array<i32>} : memref<10240xf32, #tpu.memory_space<vmem>>, vector<16xf32>,
        tpu.vector_store_idx %arg15[%add3A_247, %broadcast_in_dim3A_12], %get3A_253 : memref<512x16xf32, #tpu.memory_space<vmem>>[vector<16xi32>, vector<16xi32>], vector<16xf32>,
        %add3A_260 = arith.constant 1 : i32
        %add3A_261 = vector.broadcast %add3A_260 : i32 to vector<16xi32>
        %add3A_262 = arith.addi %broadcast_in_dim3A_12, %add3A_261 : vector<16xi32>
        tpu.vector_store_idx %arg15[%add3A_247, %add3A_262], %get3A_259 : memref<512x16xf32, #tpu.memory_space<vmem>>[vector<16xi32>, vector<16xi32>], vector<16xf32>,
        %add3A_263 = arith.constant 2 : i32
        %add3A_264 = vector.broadcast %add3A_263 : i32 to vector<16xi32>
        %add3A_265 = arith.addi %broadcast_in_dim3A_12, %add3A_264 : vector<16xi32>
        tpu.vector_store_idx %arg15[%add3A_247, %add3A_265], %broadcast_in_dim3A_14 : memref<512x16xf32, #tpu.memory_space<vmem>>[vector<16xi32>, vector<16xi32>], vector<16xf32>,
        %add3A_266 = arith.constant 112 : i32
        %add3A_267 = vector.broadcast %add3A_266 : i32 to vector<16xi32>
        %add3A_268 = arith.addi %iota3A, %add3A_267 : vector<16xi32>
        %mul3A_269 = arith.constant 512 : i32
        %mul3A_270 = arith.muli %add3A_115, %mul3A_269 : i32
        %add3A_271 = arith.constant 112 : i32
        %add3A_272 = arith.addi %mul3A_270, %add3A_271 : i32
        %get3A_273 = arith.index_cast %add3A_272 : i32 to index
        %get3A_274 = tpu.vector_load %arg12[%get3A_273] {strides = array<i32>} : memref<10240xf32, #tpu.memory_space<vmem>>, vector<16xf32>,
        %mul3A_275 = arith.constant 512 : i32
        %mul3A_276 = arith.muli %add3A_115, %mul3A_275 : i32
        %add3A_277 = arith.constant 112 : i32
        %add3A_278 = arith.addi %mul3A_276, %add3A_277 : i32
        %get3A_279 = arith.index_cast %add3A_278 : i32 to index
        %get3A_280 = tpu.vector_load %arg13[%get3A_279] {strides = array<i32>} : memref<10240xf32, #tpu.memory_space<vmem>>, vector<16xf32>,
        tpu.vector_store_idx %arg15[%add3A_268, %broadcast_in_dim3A_12], %get3A_274 : memref<512x16xf32, #tpu.memory_space<vmem>>[vector<16xi32>, vector<16xi32>], vector<16xf32>,
        %add3A_281 = arith.constant 1 : i32
        %add3A_282 = vector.broadcast %add3A_281 : i32 to vector<16xi32>
        %add3A_283 = arith.addi %broadcast_in_dim3A_12, %add3A_282 : vector<16xi32>
        tpu.vector_store_idx %arg15[%add3A_268, %add3A_283], %get3A_280 : memref<512x16xf32, #tpu.memory_space<vmem>>[vector<16xi32>, vector<16xi32>], vector<16xf32>,
        %add3A_284 = arith.constant 2 : i32
        %add3A_285 = vector.broadcast %add3A_284 : i32 to vector<16xi32>
        %add3A_286 = arith.addi %broadcast_in_dim3A_12, %add3A_285 : vector<16xi32>
        tpu.vector_store_idx %arg15[%add3A_268, %add3A_286], %broadcast_in_dim3A_14 : memref<512x16xf32, #tpu.memory_space<vmem>>[vector<16xi32>, vector<16xi32>], vector<16xf32>,
        %add3A_287 = arith.constant 128 : i32
        %add3A_288 = vector.broadcast %add3A_287 : i32 to vector<16xi32>
        %add3A_289 = arith.addi %iota3A, %add3A_288 : vector<16xi32>
        %mul3A_290 = arith.constant 512 : i32
        %mul3A_291 = arith.muli %add3A_115, %mul3A_290 : i32
        %add3A_292 = arith.constant 128 : i32
        %add3A_293 = arith.addi %mul3A_291, %add3A_292 : i32
        %get3A_294 = arith.index_cast %add3A_293 : i32 to index
        %get3A_295 = tpu.vector_load %arg12[%get3A_294] {strides = array<i32>} : memref<10240xf32, #tpu.memory_space<vmem>>, vector<16xf32>,
        %mul3A_296 = arith.constant 512 : i32
        %mul3A_297 = arith.muli %add3A_115, %mul3A_296 : i32
        %add3A_298 = arith.constant 128 : i32
        %add3A_299 = arith.addi %mul3A_297, %add3A_298 : i32
        %get3A_300 = arith.index_cast %add3A_299 : i32 to index
        %get3A_301 = tpu.vector_load %arg13[%get3A_300] {strides = array<i32>} : memref<10240xf32, #tpu.memory_space<vmem>>, vector<16xf32>,
        tpu.vector_store_idx %arg15[%add3A_289, %broadcast_in_dim3A_12], %get3A_295 : memref<512x16xf32, #tpu.memory_space<vmem>>[vector<16xi32>, vector<16xi32>], vector<16xf32>,
        %add3A_302 = arith.constant 1 : i32
        %add3A_303 = vector.broadcast %add3A_302 : i32 to vector<16xi32>
        %add3A_304 = arith.addi %broadcast_in_dim3A_12, %add3A_303 : vector<16xi32>
        tpu.vector_store_idx %arg15[%add3A_289, %add3A_304], %get3A_301 : memref<512x16xf32, #tpu.memory_space<vmem>>[vector<16xi32>, vector<16xi32>], vector<16xf32>,
        %add3A_305 = arith.constant 2 : i32
        %add3A_306 = vector.broadcast %add3A_305 : i32 to vector<16xi32>
        %add3A_307 = arith.addi %broadcast_in_dim3A_12, %add3A_306 : vector<16xi32>
        tpu.vector_store_idx %arg15[%add3A_289, %add3A_307], %broadcast_in_dim3A_14 : memref<512x16xf32, #tpu.memory_space<vmem>>[vector<16xi32>, vector<16xi32>], vector<16xf32>,
        %add3A_308 = arith.constant 144 : i32
        %add3A_309 = vector.broadcast %add3A_308 : i32 to vector<16xi32>
        %add3A_310 = arith.addi %iota3A, %add3A_309 : vector<16xi32>
        %mul3A_311 = arith.constant 512 : i32
        %mul3A_312 = arith.muli %add3A_115, %mul3A_311 : i32
        %add3A_313 = arith.constant 144 : i32
        %add3A_314 = arith.addi %mul3A_312, %add3A_313 : i32
        %get3A_315 = arith.index_cast %add3A_314 : i32 to index
        %get3A_316 = tpu.vector_load %arg12[%get3A_315] {strides = array<i32>} : memref<10240xf32, #tpu.memory_space<vmem>>, vector<16xf32>,
        %mul3A_317 = arith.constant 512 : i32
        %mul3A_318 = arith.muli %add3A_115, %mul3A_317 : i32
        %add3A_319 = arith.constant 144 : i32
        %add3A_320 = arith.addi %mul3A_318, %add3A_319 : i32
        %get3A_321 = arith.index_cast %add3A_320 : i32 to index
        %get3A_322 = tpu.vector_load %arg13[%get3A_321] {strides = array<i32>} : memref<10240xf32, #tpu.memory_space<vmem>>, vector<16xf32>,
        tpu.vector_store_idx %arg15[%add3A_310, %broadcast_in_dim3A_12], %get3A_316 : memref<512x16xf32, #tpu.memory_space<vmem>>[vector<16xi32>, vector<16xi32>], vector<16xf32>,
        %add3A_323 = arith.constant 1 : i32
        %add3A_324 = vector.broadcast %add3A_323 : i32 to vector<16xi32>
        %add3A_325 = arith.addi %broadcast_in_dim3A_12, %add3A_324 : vector<16xi32>
        tpu.vector_store_idx %arg15[%add3A_310, %add3A_325], %get3A_322 : memref<512x16xf32, #tpu.memory_space<vmem>>[vector<16xi32>, vector<16xi32>], vector<16xf32>,
        %add3A_326 = arith.constant 2 : i32
        %add3A_327 = vector.broadcast %add3A_326 : i32 to vector<16xi32>
        %add3A_328 = arith.addi %broadcast_in_dim3A_12, %add3A_327 : vector<16xi32>
        tpu.vector_store_idx %arg15[%add3A_310, %add3A_328], %broadcast_in_dim3A_14 : memref<512x16xf32, #tpu.memory_space<vmem>>[vector<16xi32>, vector<16xi32>], vector<16xf32>,
        %add3A_329 = arith.constant 160 : i32
        %add3A_330 = vector.broadcast %add3A_329 : i32 to vector<16xi32>
        %add3A_331 = arith.addi %iota3A, %add3A_330 : vector<16xi32>
        %mul3A_332 = arith.constant 512 : i32
        %mul3A_333 = arith.muli %add3A_115, %mul3A_332 : i32
        %add3A_334 = arith.constant 160 : i32
        %add3A_335 = arith.addi %mul3A_333, %add3A_334 : i32
        %get3A_336 = arith.index_cast %add3A_335 : i32 to index
        %get3A_337 = tpu.vector_load %arg12[%get3A_336] {strides = array<i32>} : memref<10240xf32, #tpu.memory_space<vmem>>, vector<16xf32>,
        %mul3A_338 = arith.constant 512 : i32
        %mul3A_339 = arith.muli %add3A_115, %mul3A_338 : i32
        %add3A_340 = arith.constant 160 : i32
        %add3A_341 = arith.addi %mul3A_339, %add3A_340 : i32
        %get3A_342 = arith.index_cast %add3A_341 : i32 to index
        %get3A_343 = tpu.vector_load %arg13[%get3A_342] {strides = array<i32>} : memref<10240xf32, #tpu.memory_space<vmem>>, vector<16xf32>,
        tpu.vector_store_idx %arg15[%add3A_331, %broadcast_in_dim3A_12], %get3A_337 : memref<512x16xf32, #tpu.memory_space<vmem>>[vector<16xi32>, vector<16xi32>], vector<16xf32>,
        %add3A_344 = arith.constant 1 : i32
        %add3A_345 = vector.broadcast %add3A_344 : i32 to vector<16xi32>
        %add3A_346 = arith.addi %broadcast_in_dim3A_12, %add3A_345 : vector<16xi32>
        tpu.vector_store_idx %arg15[%add3A_331, %add3A_346], %get3A_343 : memref<512x16xf32, #tpu.memory_space<vmem>>[vector<16xi32>, vector<16xi32>], vector<16xf32>,
        %add3A_347 = arith.constant 2 : i32
        %add3A_348 = vector.broadcast %add3A_347 : i32 to vector<16xi32>
        %add3A_349 = arith.addi %broadcast_in_dim3A_12, %add3A_348 : vector<16xi32>
        tpu.vector_store_idx %arg15[%add3A_331, %add3A_349], %broadcast_in_dim3A_14 : memref<512x16xf32, #tpu.memory_space<vmem>>[vector<16xi32>, vector<16xi32>], vector<16xf32>,
        %add3A_350 = arith.constant 176 : i32
        %add3A_351 = vector.broadcast %add3A_350 : i32 to vector<16xi32>
        %add3A_352 = arith.addi %iota3A, %add3A_351 : vector<16xi32>
        %mul3A_353 = arith.constant 512 : i32
        %mul3A_354 = arith.muli %add3A_115, %mul3A_353 : i32
        %add3A_355 = arith.constant 176 : i32
        %add3A_356 = arith.addi %mul3A_354, %add3A_355 : i32
        %get3A_357 = arith.index_cast %add3A_356 : i32 to index
        %get3A_358 = tpu.vector_load %arg12[%get3A_357] {strides = array<i32>} : memref<10240xf32, #tpu.memory_space<vmem>>, vector<16xf32>,
        %mul3A_359 = arith.constant 512 : i32
        %mul3A_360 = arith.muli %add3A_115, %mul3A_359 : i32
        %add3A_361 = arith.constant 176 : i32
        %add3A_362 = arith.addi %mul3A_360, %add3A_361 : i32
        %get3A_363 = arith.index_cast %add3A_362 : i32 to index
        %get3A_364 = tpu.vector_load %arg13[%get3A_363] {strides = array<i32>} : memref<10240xf32, #tpu.memory_space<vmem>>, vector<16xf32>,
        tpu.vector_store_idx %arg15[%add3A_352, %broadcast_in_dim3A_12], %get3A_358 : memref<512x16xf32, #tpu.memory_space<vmem>>[vector<16xi32>, vector<16xi32>], vector<16xf32>,
        %add3A_365 = arith.constant 1 : i32
        %add3A_366 = vector.broadcast %add3A_365 : i32 to vector<16xi32>
        %add3A_367 = arith.addi %broadcast_in_dim3A_12, %add3A_366 : vector<16xi32>
        tpu.vector_store_idx %arg15[%add3A_352, %add3A_367], %get3A_364 : memref<512x16xf32, #tpu.memory_space<vmem>>[vector<16xi32>, vector<16xi32>], vector<16xf32>,
        %add3A_368 = arith.constant 2 : i32
        %add3A_369 = vector.broadcast %add3A_368 : i32 to vector<16xi32>
        %add3A_370 = arith.addi %broadcast_in_dim3A_12, %add3A_369 : vector<16xi32>
        tpu.vector_store_idx %arg15[%add3A_352, %add3A_370], %broadcast_in_dim3A_14 : memref<512x16xf32, #tpu.memory_space<vmem>>[vector<16xi32>, vector<16xi32>], vector<16xf32>,
        %add3A_371 = arith.constant 192 : i32
        %add3A_372 = vector.broadcast %add3A_371 : i32 to vector<16xi32>
        %add3A_373 = arith.addi %iota3A, %add3A_372 : vector<16xi32>
        %mul3A_374 = arith.constant 512 : i32
        %mul3A_375 = arith.muli %add3A_115, %mul3A_374 : i32
        %add3A_376 = arith.constant 192 : i32
        %add3A_377 = arith.addi %mul3A_375, %add3A_376 : i32
        %get3A_378 = arith.index_cast %add3A_377 : i32 to index
        %get3A_379 = tpu.vector_load %arg12[%get3A_378] {strides = array<i32>} : memref<10240xf32, #tpu.memory_space<vmem>>, vector<16xf32>,
        %mul3A_380 = arith.constant 512 : i32
        %mul3A_381 = arith.muli %add3A_115, %mul3A_380 : i32
        %add3A_382 = arith.constant 192 : i32
        %add3A_383 = arith.addi %mul3A_381, %add3A_382 : i32
        %get3A_384 = arith.index_cast %add3A_383 : i32 to index
        %get3A_385 = tpu.vector_load %arg13[%get3A_384] {strides = array<i32>} : memref<10240xf32, #tpu.memory_space<vmem>>, vector<16xf32>,
        tpu.vector_store_idx %arg15[%add3A_373, %broadcast_in_dim3A_12], %get3A_379 : memref<512x16xf32, #tpu.memory_space<vmem>>[vector<16xi32>, vector<16xi32>], vector<16xf32>,
        %add3A_386 = arith.constant 1 : i32
        %add3A_387 = vector.broadcast %add3A_386 : i32 to vector<16xi32>
        %add3A_388 = arith.addi %broadcast_in_dim3A_12, %add3A_387 : vector<16xi32>
        tpu.vector_store_idx %arg15[%add3A_373, %add3A_388], %get3A_385 : memref<512x16xf32, #tpu.memory_space<vmem>>[vector<16xi32>, vector<16xi32>], vector<16xf32>,
        %add3A_389 = arith.constant 2 : i32
        %add3A_390 = vector.broadcast %add3A_389 : i32 to vector<16xi32>
        %add3A_391 = arith.addi %broadcast_in_dim3A_12, %add3A_390 : vector<16xi32>
        tpu.vector_store_idx %arg15[%add3A_373, %add3A_391], %broadcast_in_dim3A_14 : memref<512x16xf32, #tpu.memory_space<vmem>>[vector<16xi32>, vector<16xi32>], vector<16xf32>,
        %add3A_392 = arith.constant 208 : i32
        %add3A_393 = vector.broadcast %add3A_392 : i32 to vector<16xi32>
        %add3A_394 = arith.addi %iota3A, %add3A_393 : vector<16xi32>
        %mul3A_395 = arith.constant 512 : i32
        %mul3A_396 = arith.muli %add3A_115, %mul3A_395 : i32
        %add3A_397 = arith.constant 208 : i32
        %add3A_398 = arith.addi %mul3A_396, %add3A_397 : i32
        %get3A_399 = arith.index_cast %add3A_398 : i32 to index
        %get3A_400 = tpu.vector_load %arg12[%get3A_399] {strides = array<i32>} : memref<10240xf32, #tpu.memory_space<vmem>>, vector<16xf32>,
        %mul3A_401 = arith.constant 512 : i32
        %mul3A_402 = arith.muli %add3A_115, %mul3A_401 : i32
        %add3A_403 = arith.constant 208 : i32
        %add3A_404 = arith.addi %mul3A_402, %add3A_403 : i32
        %get3A_405 = arith.index_cast %add3A_404 : i32 to index
        %get3A_406 = tpu.vector_load %arg13[%get3A_405] {strides = array<i32>} : memref<10240xf32, #tpu.memory_space<vmem>>, vector<16xf32>,
        tpu.vector_store_idx %arg15[%add3A_394, %broadcast_in_dim3A_12], %get3A_400 : memref<512x16xf32, #tpu.memory_space<vmem>>[vector<16xi32>, vector<16xi32>], vector<16xf32>,
        %add3A_407 = arith.constant 1 : i32
        %add3A_408 = vector.broadcast %add3A_407 : i32 to vector<16xi32>
        %add3A_409 = arith.addi %broadcast_in_dim3A_12, %add3A_408 : vector<16xi32>
        tpu.vector_store_idx %arg15[%add3A_394, %add3A_409], %get3A_406 : memref<512x16xf32, #tpu.memory_space<vmem>>[vector<16xi32>, vector<16xi32>], vector<16xf32>,
        %add3A_410 = arith.constant 2 : i32
        %add3A_411 = vector.broadcast %add3A_410 : i32 to vector<16xi32>
        %add3A_412 = arith.addi %broadcast_in_dim3A_12, %add3A_411 : vector<16xi32>
        tpu.vector_store_idx %arg15[%add3A_394, %add3A_412], %broadcast_in_dim3A_14 : memref<512x16xf32, #tpu.memory_space<vmem>>[vector<16xi32>, vector<16xi32>], vector<16xf32>,
        %add3A_413 = arith.constant 224 : i32
        %add3A_414 = vector.broadcast %add3A_413 : i32 to vector<16xi32>
        %add3A_415 = arith.addi %iota3A, %add3A_414 : vector<16xi32>
        %mul3A_416 = arith.constant 512 : i32
        %mul3A_417 = arith.muli %add3A_115, %mul3A_416 : i32
        %add3A_418 = arith.constant 224 : i32
        %add3A_419 = arith.addi %mul3A_417, %add3A_418 : i32
        %get3A_420 = arith.index_cast %add3A_419 : i32 to index
        %get3A_421 = tpu.vector_load %arg12[%get3A_420] {strides = array<i32>} : memref<10240xf32, #tpu.memory_space<vmem>>, vector<16xf32>,
        %mul3A_422 = arith.constant 512 : i32
        %mul3A_423 = arith.muli %add3A_115, %mul3A_422 : i32
        %add3A_424 = arith.constant 224 : i32
        %add3A_425 = arith.addi %mul3A_423, %add3A_424 : i32
        %get3A_426 = arith.index_cast %add3A_425 : i32 to index
        %get3A_427 = tpu.vector_load %arg13[%get3A_426] {strides = array<i32>} : memref<10240xf32, #tpu.memory_space<vmem>>, vector<16xf32>,
        tpu.vector_store_idx %arg15[%add3A_415, %broadcast_in_dim3A_12], %get3A_421 : memref<512x16xf32, #tpu.memory_space<vmem>>[vector<16xi32>, vector<16xi32>], vector<16xf32>,
        %add3A_428 = arith.constant 1 : i32
        %add3A_429 = vector.broadcast %add3A_428 : i32 to vector<16xi32>
        %add3A_430 = arith.addi %broadcast_in_dim3A_12, %add3A_429 : vector<16xi32>
        tpu.vector_store_idx %arg15[%add3A_415, %add3A_430], %get3A_427 : memref<512x16xf32, #tpu.memory_space<vmem>>[vector<16xi32>, vector<16xi32>], vector<16xf32>,
        %add3A_431 = arith.constant 2 : i32
        %add3A_432 = vector.broadcast %add3A_431 : i32 to vector<16xi32>
        %add3A_433 = arith.addi %broadcast_in_dim3A_12, %add3A_432 : vector<16xi32>
        tpu.vector_store_idx %arg15[%add3A_415, %add3A_433], %broadcast_in_dim3A_14 : memref<512x16xf32, #tpu.memory_space<vmem>>[vector<16xi32>, vector<16xi32>], vector<16xf32>,
        %add3A_434 = arith.constant 240 : i32
        %add3A_435 = vector.broadcast %add3A_434 : i32 to vector<16xi32>
        %add3A_436 = arith.addi %iota3A, %add3A_435 : vector<16xi32>
        %mul3A_437 = arith.constant 512 : i32
        %mul3A_438 = arith.muli %add3A_115, %mul3A_437 : i32
        %add3A_439 = arith.constant 240 : i32
        %add3A_440 = arith.addi %mul3A_438, %add3A_439 : i32
        %get3A_441 = arith.index_cast %add3A_440 : i32 to index
        %get3A_442 = tpu.vector_load %arg12[%get3A_441] {strides = array<i32>} : memref<10240xf32, #tpu.memory_space<vmem>>, vector<16xf32>,
        %mul3A_443 = arith.constant 512 : i32
        %mul3A_444 = arith.muli %add3A_115, %mul3A_443 : i32
        %add3A_445 = arith.constant 240 : i32
        %add3A_446 = arith.addi %mul3A_444, %add3A_445 : i32
        %get3A_447 = arith.index_cast %add3A_446 : i32 to index
        %get3A_448 = tpu.vector_load %arg13[%get3A_447] {strides = array<i32>} : memref<10240xf32, #tpu.memory_space<vmem>>, vector<16xf32>,
        tpu.vector_store_idx %arg15[%add3A_436, %broadcast_in_dim3A_12], %get3A_442 : memref<512x16xf32, #tpu.memory_space<vmem>>[vector<16xi32>, vector<16xi32>], vector<16xf32>,
        %add3A_449 = arith.constant 1 : i32
        %add3A_450 = vector.broadcast %add3A_449 : i32 to vector<16xi32>
        %add3A_451 = arith.addi %broadcast_in_dim3A_12, %add3A_450 : vector<16xi32>
        tpu.vector_store_idx %arg15[%add3A_436, %add3A_451], %get3A_448 : memref<512x16xf32, #tpu.memory_space<vmem>>[vector<16xi32>, vector<16xi32>], vector<16xf32>,
        %add3A_452 = arith.constant 2 : i32
        %add3A_453 = vector.broadcast %add3A_452 : i32 to vector<16xi32>
        %add3A_454 = arith.addi %broadcast_in_dim3A_12, %add3A_453 : vector<16xi32>
        tpu.vector_store_idx %arg15[%add3A_436, %add3A_454], %broadcast_in_dim3A_14 : memref<512x16xf32, #tpu.memory_space<vmem>>[vector<16xi32>, vector<16xi32>], vector<16xf32>,
        %add3A_455 = arith.constant 256 : i32
        %add3A_456 = vector.broadcast %add3A_455 : i32 to vector<16xi32>
        %add3A_457 = arith.addi %iota3A, %add3A_456 : vector<16xi32>
        %mul3A_458 = arith.constant 512 : i32
        %mul3A_459 = arith.muli %add3A_115, %mul3A_458 : i32
        %add3A_460 = arith.constant 256 : i32
        %add3A_461 = arith.addi %mul3A_459, %add3A_460 : i32
        %get3A_462 = arith.index_cast %add3A_461 : i32 to index
        %get3A_463 = tpu.vector_load %arg12[%get3A_462] {strides = array<i32>} : memref<10240xf32, #tpu.memory_space<vmem>>, vector<16xf32>,
        %mul3A_464 = arith.constant 512 : i32
        %mul3A_465 = arith.muli %add3A_115, %mul3A_464 : i32
        %add3A_466 = arith.constant 256 : i32
        %add3A_467 = arith.addi %mul3A_465, %add3A_466 : i32
        %get3A_468 = arith.index_cast %add3A_467 : i32 to index
        %get3A_469 = tpu.vector_load %arg13[%get3A_468] {strides = array<i32>} : memref<10240xf32, #tpu.memory_space<vmem>>, vector<16xf32>,
        tpu.vector_store_idx %arg15[%add3A_457, %broadcast_in_dim3A_12], %get3A_463 : memref<512x16xf32, #tpu.memory_space<vmem>>[vector<16xi32>, vector<16xi32>], vector<16xf32>,
        %add3A_470 = arith.constant 1 : i32
        %add3A_471 = vector.broadcast %add3A_470 : i32 to vector<16xi32>
        %add3A_472 = arith.addi %broadcast_in_dim3A_12, %add3A_471 : vector<16xi32>
        tpu.vector_store_idx %arg15[%add3A_457, %add3A_472], %get3A_469 : memref<512x16xf32, #tpu.memory_space<vmem>>[vector<16xi32>, vector<16xi32>], vector<16xf32>,
        %add3A_473 = arith.constant 2 : i32
        %add3A_474 = vector.broadcast %add3A_473 : i32 to vector<16xi32>
        %add3A_475 = arith.addi %broadcast_in_dim3A_12, %add3A_474 : vector<16xi32>
        tpu.vector_store_idx %arg15[%add3A_457, %add3A_475], %broadcast_in_dim3A_14 : memref<512x16xf32, #tpu.memory_space<vmem>>[vector<16xi32>, vector<16xi32>], vector<16xf32>,
        %add3A_476 = arith.constant 272 : i32
        %add3A_477 = vector.broadcast %add3A_476 : i32 to vector<16xi32>
        %add3A_478 = arith.addi %iota3A, %add3A_477 : vector<16xi32>
        %mul3A_479 = arith.constant 512 : i32
        %mul3A_480 = arith.muli %add3A_115, %mul3A_479 : i32
        %add3A_481 = arith.constant 272 : i32
        %add3A_482 = arith.addi %mul3A_480, %add3A_481 : i32
        %get3A_483 = arith.index_cast %add3A_482 : i32 to index
        %get3A_484 = tpu.vector_load %arg12[%get3A_483] {strides = array<i32>} : memref<10240xf32, #tpu.memory_space<vmem>>, vector<16xf32>,
        %mul3A_485 = arith.constant 512 : i32
        %mul3A_486 = arith.muli %add3A_115, %mul3A_485 : i32
        %add3A_487 = arith.constant 272 : i32
        %add3A_488 = arith.addi %mul3A_486, %add3A_487 : i32
        %get3A_489 = arith.index_cast %add3A_488 : i32 to index
        %get3A_490 = tpu.vector_load %arg13[%get3A_489] {strides = array<i32>} : memref<10240xf32, #tpu.memory_space<vmem>>, vector<16xf32>,
        tpu.vector_store_idx %arg15[%add3A_478, %broadcast_in_dim3A_12], %get3A_484 : memref<512x16xf32, #tpu.memory_space<vmem>>[vector<16xi32>, vector<16xi32>], vector<16xf32>,
        %add3A_491 = arith.constant 1 : i32
        %add3A_492 = vector.broadcast %add3A_491 : i32 to vector<16xi32>
        %add3A_493 = arith.addi %broadcast_in_dim3A_12, %add3A_492 : vector<16xi32>
        tpu.vector_store_idx %arg15[%add3A_478, %add3A_493], %get3A_490 : memref<512x16xf32, #tpu.memory_space<vmem>>[vector<16xi32>, vector<16xi32>], vector<16xf32>,
        %add3A_494 = arith.constant 2 : i32
        %add3A_495 = vector.broadcast %add3A_494 : i32 to vector<16xi32>
        %add3A_496 = arith.addi %broadcast_in_dim3A_12, %add3A_495 : vector<16xi32>
        tpu.vector_store_idx %arg15[%add3A_478, %add3A_496], %broadcast_in_dim3A_14 : memref<512x16xf32, #tpu.memory_space<vmem>>[vector<16xi32>, vector<16xi32>], vector<16xf32>,
        %add3A_497 = arith.constant 288 : i32
        %add3A_498 = vector.broadcast %add3A_497 : i32 to vector<16xi32>
        %add3A_499 = arith.addi %iota3A, %add3A_498 : vector<16xi32>
        %mul3A_500 = arith.constant 512 : i32
        %mul3A_501 = arith.muli %add3A_115, %mul3A_500 : i32
        %add3A_502 = arith.constant 288 : i32
        %add3A_503 = arith.addi %mul3A_501, %add3A_502 : i32
        %get3A_504 = arith.index_cast %add3A_503 : i32 to index
        %get3A_505 = tpu.vector_load %arg12[%get3A_504] {strides = array<i32>} : memref<10240xf32, #tpu.memory_space<vmem>>, vector<16xf32>,
        %mul3A_506 = arith.constant 512 : i32
        %mul3A_507 = arith.muli %add3A_115, %mul3A_506 : i32
        %add3A_508 = arith.constant 288 : i32
        %add3A_509 = arith.addi %mul3A_507, %add3A_508 : i32
        %get3A_510 = arith.index_cast %add3A_509 : i32 to index
        %get3A_511 = tpu.vector_load %arg13[%get3A_510] {strides = array<i32>} : memref<10240xf32, #tpu.memory_space<vmem>>, vector<16xf32>,
        tpu.vector_store_idx %arg15[%add3A_499, %broadcast_in_dim3A_12], %get3A_505 : memref<512x16xf32, #tpu.memory_space<vmem>>[vector<16xi32>, vector<16xi32>], vector<16xf32>,
        %add3A_512 = arith.constant 1 : i32
        %add3A_513 = vector.broadcast %add3A_512 : i32 to vector<16xi32>
        %add3A_514 = arith.addi %broadcast_in_dim3A_12, %add3A_513 : vector<16xi32>
        tpu.vector_store_idx %arg15[%add3A_499, %add3A_514], %get3A_511 : memref<512x16xf32, #tpu.memory_space<vmem>>[vector<16xi32>, vector<16xi32>], vector<16xf32>,
        %add3A_515 = arith.constant 2 : i32
        %add3A_516 = vector.broadcast %add3A_515 : i32 to vector<16xi32>
        %add3A_517 = arith.addi %broadcast_in_dim3A_12, %add3A_516 : vector<16xi32>
        tpu.vector_store_idx %arg15[%add3A_499, %add3A_517], %broadcast_in_dim3A_14 : memref<512x16xf32, #tpu.memory_space<vmem>>[vector<16xi32>, vector<16xi32>], vector<16xf32>,
        %add3A_518 = arith.constant 304 : i32
        %add3A_519 = vector.broadcast %add3A_518 : i32 to vector<16xi32>
        %add3A_520 = arith.addi %iota3A, %add3A_519 : vector<16xi32>
        %mul3A_521 = arith.constant 512 : i32
        %mul3A_522 = arith.muli %add3A_115, %mul3A_521 : i32
        %add3A_523 = arith.constant 304 : i32
        %add3A_524 = arith.addi %mul3A_522, %add3A_523 : i32
        %get3A_525 = arith.index_cast %add3A_524 : i32 to index
        %get3A_526 = tpu.vector_load %arg12[%get3A_525] {strides = array<i32>} : memref<10240xf32, #tpu.memory_space<vmem>>, vector<16xf32>,
        %mul3A_527 = arith.constant 512 : i32
        %mul3A_528 = arith.muli %add3A_115, %mul3A_527 : i32
        %add3A_529 = arith.constant 304 : i32
        %add3A_530 = arith.addi %mul3A_528, %add3A_529 : i32
        %get3A_531 = arith.index_cast %add3A_530 : i32 to index
        %get3A_532 = tpu.vector_load %arg13[%get3A_531] {strides = array<i32>} : memref<10240xf32, #tpu.memory_space<vmem>>, vector<16xf32>,
        tpu.vector_store_idx %arg15[%add3A_520, %broadcast_in_dim3A_12], %get3A_526 : memref<512x16xf32, #tpu.memory_space<vmem>>[vector<16xi32>, vector<16xi32>], vector<16xf32>,
        %add3A_533 = arith.constant 1 : i32
        %add3A_534 = vector.broadcast %add3A_533 : i32 to vector<16xi32>
        %add3A_535 = arith.addi %broadcast_in_dim3A_12, %add3A_534 : vector<16xi32>
        tpu.vector_store_idx %arg15[%add3A_520, %add3A_535], %get3A_532 : memref<512x16xf32, #tpu.memory_space<vmem>>[vector<16xi32>, vector<16xi32>], vector<16xf32>,
        %add3A_536 = arith.constant 2 : i32
        %add3A_537 = vector.broadcast %add3A_536 : i32 to vector<16xi32>
        %add3A_538 = arith.addi %broadcast_in_dim3A_12, %add3A_537 : vector<16xi32>
        tpu.vector_store_idx %arg15[%add3A_520, %add3A_538], %broadcast_in_dim3A_14 : memref<512x16xf32, #tpu.memory_space<vmem>>[vector<16xi32>, vector<16xi32>], vector<16xf32>,
        %add3A_539 = arith.constant 320 : i32
        %add3A_540 = vector.broadcast %add3A_539 : i32 to vector<16xi32>
        %add3A_541 = arith.addi %iota3A, %add3A_540 : vector<16xi32>
        %mul3A_542 = arith.constant 512 : i32
        %mul3A_543 = arith.muli %add3A_115, %mul3A_542 : i32
        %add3A_544 = arith.constant 320 : i32
        %add3A_545 = arith.addi %mul3A_543, %add3A_544 : i32
        %get3A_546 = arith.index_cast %add3A_545 : i32 to index
        %get3A_547 = tpu.vector_load %arg12[%get3A_546] {strides = array<i32>} : memref<10240xf32, #tpu.memory_space<vmem>>, vector<16xf32>,
        %mul3A_548 = arith.constant 512 : i32
        %mul3A_549 = arith.muli %add3A_115, %mul3A_548 : i32
        %add3A_550 = arith.constant 320 : i32
        %add3A_551 = arith.addi %mul3A_549, %add3A_550 : i32
        %get3A_552 = arith.index_cast %add3A_551 : i32 to index
        %get3A_553 = tpu.vector_load %arg13[%get3A_552] {strides = array<i32>} : memref<10240xf32, #tpu.memory_space<vmem>>, vector<16xf32>,
        tpu.vector_store_idx %arg15[%add3A_541, %broadcast_in_dim3A_12], %get3A_547 : memref<512x16xf32, #tpu.memory_space<vmem>>[vector<16xi32>, vector<16xi32>], vector<16xf32>,
        %add3A_554 = arith.constant 1 : i32
        %add3A_555 = vector.broadcast %add3A_554 : i32 to vector<16xi32>
        %add3A_556 = arith.addi %broadcast_in_dim3A_12, %add3A_555 : vector<16xi32>
        tpu.vector_store_idx %arg15[%add3A_541, %add3A_556], %get3A_553 : memref<512x16xf32, #tpu.memory_space<vmem>>[vector<16xi32>, vector<16xi32>], vector<16xf32>,
        %add3A_557 = arith.constant 2 : i32
        %add3A_558 = vector.broadcast %add3A_557 : i32 to vector<16xi32>
        %add3A_559 = arith.addi %broadcast_in_dim3A_12, %add3A_558 : vector<16xi32>
        tpu.vector_store_idx %arg15[%add3A_541, %add3A_559], %broadcast_in_dim3A_14 : memref<512x16xf32, #tpu.memory_space<vmem>>[vector<16xi32>, vector<16xi32>], vector<16xf32>,
        %add3A_560 = arith.constant 336 : i32
        %add3A_561 = vector.broadcast %add3A_560 : i32 to vector<16xi32>
        %add3A_562 = arith.addi %iota3A, %add3A_561 : vector<16xi32>
        %mul3A_563 = arith.constant 512 : i32
        %mul3A_564 = arith.muli %add3A_115, %mul3A_563 : i32
        %add3A_565 = arith.constant 336 : i32
        %add3A_566 = arith.addi %mul3A_564, %add3A_565 : i32
        %get3A_567 = arith.index_cast %add3A_566 : i32 to index
        %get3A_568 = tpu.vector_load %arg12[%get3A_567] {strides = array<i32>} : memref<10240xf32, #tpu.memory_space<vmem>>, vector<16xf32>,
        %mul3A_569 = arith.constant 512 : i32
        %mul3A_570 = arith.muli %add3A_115, %mul3A_569 : i32
        %add3A_571 = arith.constant 336 : i32
        %add3A_572 = arith.addi %mul3A_570, %add3A_571 : i32
        %get3A_573 = arith.index_cast %add3A_572 : i32 to index
        %get3A_574 = tpu.vector_load %arg13[%get3A_573] {strides = array<i32>} : memref<10240xf32, #tpu.memory_space<vmem>>, vector<16xf32>,
        tpu.vector_store_idx %arg15[%add3A_562, %broadcast_in_dim3A_12], %get3A_568 : memref<512x16xf32, #tpu.memory_space<vmem>>[vector<16xi32>, vector<16xi32>], vector<16xf32>,
        %add3A_575 = arith.constant 1 : i32
        %add3A_576 = vector.broadcast %add3A_575 : i32 to vector<16xi32>
        %add3A_577 = arith.addi %broadcast_in_dim3A_12, %add3A_576 : vector<16xi32>
        tpu.vector_store_idx %arg15[%add3A_562, %add3A_577], %get3A_574 : memref<512x16xf32, #tpu.memory_space<vmem>>[vector<16xi32>, vector<16xi32>], vector<16xf32>,
        %add3A_578 = arith.constant 2 : i32
        %add3A_579 = vector.broadcast %add3A_578 : i32 to vector<16xi32>
        %add3A_580 = arith.addi %broadcast_in_dim3A_12, %add3A_579 : vector<16xi32>
        tpu.vector_store_idx %arg15[%add3A_562, %add3A_580], %broadcast_in_dim3A_14 : memref<512x16xf32, #tpu.memory_space<vmem>>[vector<16xi32>, vector<16xi32>], vector<16xf32>,
        %add3A_581 = arith.constant 352 : i32
        %add3A_582 = vector.broadcast %add3A_581 : i32 to vector<16xi32>
        %add3A_583 = arith.addi %iota3A, %add3A_582 : vector<16xi32>
        %mul3A_584 = arith.constant 512 : i32
        %mul3A_585 = arith.muli %add3A_115, %mul3A_584 : i32
        %add3A_586 = arith.constant 352 : i32
        %add3A_587 = arith.addi %mul3A_585, %add3A_586 : i32
        %get3A_588 = arith.index_cast %add3A_587 : i32 to index
        %get3A_589 = tpu.vector_load %arg12[%get3A_588] {strides = array<i32>} : memref<10240xf32, #tpu.memory_space<vmem>>, vector<16xf32>,
        %mul3A_590 = arith.constant 512 : i32
        %mul3A_591 = arith.muli %add3A_115, %mul3A_590 : i32
        %add3A_592 = arith.constant 352 : i32
        %add3A_593 = arith.addi %mul3A_591, %add3A_592 : i32
        %get3A_594 = arith.index_cast %add3A_593 : i32 to index
        %get3A_595 = tpu.vector_load %arg13[%get3A_594] {strides = array<i32>} : memref<10240xf32, #tpu.memory_space<vmem>>, vector<16xf32>,
        tpu.vector_store_idx %arg15[%add3A_583, %broadcast_in_dim3A_12], %get3A_589 : memref<512x16xf32, #tpu.memory_space<vmem>>[vector<16xi32>, vector<16xi32>], vector<16xf32>,
        %add3A_596 = arith.constant 1 : i32
        %add3A_597 = vector.broadcast %add3A_596 : i32 to vector<16xi32>
        %add3A_598 = arith.addi %broadcast_in_dim3A_12, %add3A_597 : vector<16xi32>
        tpu.vector_store_idx %arg15[%add3A_583, %add3A_598], %get3A_595 : memref<512x16xf32, #tpu.memory_space<vmem>>[vector<16xi32>, vector<16xi32>], vector<16xf32>,
        %add3A_599 = arith.constant 2 : i32
        %add3A_600 = vector.broadcast %add3A_599 : i32 to vector<16xi32>
        %add3A_601 = arith.addi %broadcast_in_dim3A_12, %add3A_600 : vector<16xi32>
        tpu.vector_store_idx %arg15[%add3A_583, %add3A_601], %broadcast_in_dim3A_14 : memref<512x16xf32, #tpu.memory_space<vmem>>[vector<16xi32>, vector<16xi32>], vector<16xf32>,
        %add3A_602 = arith.constant 368 : i32
        %add3A_603 = vector.broadcast %add3A_602 : i32 to vector<16xi32>
        %add3A_604 = arith.addi %iota3A, %add3A_603 : vector<16xi32>
        %mul3A_605 = arith.constant 512 : i32
        %mul3A_606 = arith.muli %add3A_115, %mul3A_605 : i32
        %add3A_607 = arith.constant 368 : i32
        %add3A_608 = arith.addi %mul3A_606, %add3A_607 : i32
        %get3A_609 = arith.index_cast %add3A_608 : i32 to index
        %get3A_610 = tpu.vector_load %arg12[%get3A_609] {strides = array<i32>} : memref<10240xf32, #tpu.memory_space<vmem>>, vector<16xf32>,
        %mul3A_611 = arith.constant 512 : i32
        %mul3A_612 = arith.muli %add3A_115, %mul3A_611 : i32
        %add3A_613 = arith.constant 368 : i32
        %add3A_614 = arith.addi %mul3A_612, %add3A_613 : i32
        %get3A_615 = arith.index_cast %add3A_614 : i32 to index
        %get3A_616 = tpu.vector_load %arg13[%get3A_615] {strides = array<i32>} : memref<10240xf32, #tpu.memory_space<vmem>>, vector<16xf32>,
        tpu.vector_store_idx %arg15[%add3A_604, %broadcast_in_dim3A_12], %get3A_610 : memref<512x16xf32, #tpu.memory_space<vmem>>[vector<16xi32>, vector<16xi32>], vector<16xf32>,
        %add3A_617 = arith.constant 1 : i32
        %add3A_618 = vector.broadcast %add3A_617 : i32 to vector<16xi32>
        %add3A_619 = arith.addi %broadcast_in_dim3A_12, %add3A_618 : vector<16xi32>
        tpu.vector_store_idx %arg15[%add3A_604, %add3A_619], %get3A_616 : memref<512x16xf32, #tpu.memory_space<vmem>>[vector<16xi32>, vector<16xi32>], vector<16xf32>,
        %add3A_620 = arith.constant 2 : i32
        %add3A_621 = vector.broadcast %add3A_620 : i32 to vector<16xi32>
        %add3A_622 = arith.addi %broadcast_in_dim3A_12, %add3A_621 : vector<16xi32>
        tpu.vector_store_idx %arg15[%add3A_604, %add3A_622], %broadcast_in_dim3A_14 : memref<512x16xf32, #tpu.memory_space<vmem>>[vector<16xi32>, vector<16xi32>], vector<16xf32>,
        %add3A_623 = arith.constant 384 : i32
        %add3A_624 = vector.broadcast %add3A_623 : i32 to vector<16xi32>
        %add3A_625 = arith.addi %iota3A, %add3A_624 : vector<16xi32>
        %mul3A_626 = arith.constant 512 : i32
        %mul3A_627 = arith.muli %add3A_115, %mul3A_626 : i32
        %add3A_628 = arith.constant 384 : i32
        %add3A_629 = arith.addi %mul3A_627, %add3A_628 : i32
        %get3A_630 = arith.index_cast %add3A_629 : i32 to index
        %get3A_631 = tpu.vector_load %arg12[%get3A_630] {strides = array<i32>} : memref<10240xf32, #tpu.memory_space<vmem>>, vector<16xf32>,
        %mul3A_632 = arith.constant 512 : i32
        %mul3A_633 = arith.muli %add3A_115, %mul3A_632 : i32
        %add3A_634 = arith.constant 384 : i32
        %add3A_635 = arith.addi %mul3A_633, %add3A_634 : i32
        %get3A_636 = arith.index_cast %add3A_635 : i32 to index
        %get3A_637 = tpu.vector_load %arg13[%get3A_636] {strides = array<i32>} : memref<10240xf32, #tpu.memory_space<vmem>>, vector<16xf32>,
        tpu.vector_store_idx %arg15[%add3A_625, %broadcast_in_dim3A_12], %get3A_631 : memref<512x16xf32, #tpu.memory_space<vmem>>[vector<16xi32>, vector<16xi32>], vector<16xf32>,
        %add3A_638 = arith.constant 1 : i32
        %add3A_639 = vector.broadcast %add3A_638 : i32 to vector<16xi32>
        %add3A_640 = arith.addi %broadcast_in_dim3A_12, %add3A_639 : vector<16xi32>
        tpu.vector_store_idx %arg15[%add3A_625, %add3A_640], %get3A_637 : memref<512x16xf32, #tpu.memory_space<vmem>>[vector<16xi32>, vector<16xi32>], vector<16xf32>,
        %add3A_641 = arith.constant 2 : i32
        %add3A_642 = vector.broadcast %add3A_641 : i32 to vector<16xi32>
        %add3A_643 = arith.addi %broadcast_in_dim3A_12, %add3A_642 : vector<16xi32>
        tpu.vector_store_idx %arg15[%add3A_625, %add3A_643], %broadcast_in_dim3A_14 : memref<512x16xf32, #tpu.memory_space<vmem>>[vector<16xi32>, vector<16xi32>], vector<16xf32>,
        %add3A_644 = arith.constant 400 : i32
        %add3A_645 = vector.broadcast %add3A_644 : i32 to vector<16xi32>
        %add3A_646 = arith.addi %iota3A, %add3A_645 : vector<16xi32>
        %mul3A_647 = arith.constant 512 : i32
        %mul3A_648 = arith.muli %add3A_115, %mul3A_647 : i32
        %add3A_649 = arith.constant 400 : i32
        %add3A_650 = arith.addi %mul3A_648, %add3A_649 : i32
        %get3A_651 = arith.index_cast %add3A_650 : i32 to index
        %get3A_652 = tpu.vector_load %arg12[%get3A_651] {strides = array<i32>} : memref<10240xf32, #tpu.memory_space<vmem>>, vector<16xf32>,
        %mul3A_653 = arith.constant 512 : i32
        %mul3A_654 = arith.muli %add3A_115, %mul3A_653 : i32
        %add3A_655 = arith.constant 400 : i32
        %add3A_656 = arith.addi %mul3A_654, %add3A_655 : i32
        %get3A_657 = arith.index_cast %add3A_656 : i32 to index
        %get3A_658 = tpu.vector_load %arg13[%get3A_657] {strides = array<i32>} : memref<10240xf32, #tpu.memory_space<vmem>>, vector<16xf32>,
        tpu.vector_store_idx %arg15[%add3A_646, %broadcast_in_dim3A_12], %get3A_652 : memref<512x16xf32, #tpu.memory_space<vmem>>[vector<16xi32>, vector<16xi32>], vector<16xf32>,
        %add3A_659 = arith.constant 1 : i32
        %add3A_660 = vector.broadcast %add3A_659 : i32 to vector<16xi32>
        %add3A_661 = arith.addi %broadcast_in_dim3A_12, %add3A_660 : vector<16xi32>
        tpu.vector_store_idx %arg15[%add3A_646, %add3A_661], %get3A_658 : memref<512x16xf32, #tpu.memory_space<vmem>>[vector<16xi32>, vector<16xi32>], vector<16xf32>,
        %add3A_662 = arith.constant 2 : i32
        %add3A_663 = vector.broadcast %add3A_662 : i32 to vector<16xi32>
        %add3A_664 = arith.addi %broadcast_in_dim3A_12, %add3A_663 : vector<16xi32>
        tpu.vector_store_idx %arg15[%add3A_646, %add3A_664], %broadcast_in_dim3A_14 : memref<512x16xf32, #tpu.memory_space<vmem>>[vector<16xi32>, vector<16xi32>], vector<16xf32>,
        %add3A_665 = arith.constant 416 : i32
        %add3A_666 = vector.broadcast %add3A_665 : i32 to vector<16xi32>
        %add3A_667 = arith.addi %iota3A, %add3A_666 : vector<16xi32>
        %mul3A_668 = arith.constant 512 : i32
        %mul3A_669 = arith.muli %add3A_115, %mul3A_668 : i32
        %add3A_670 = arith.constant 416 : i32
        %add3A_671 = arith.addi %mul3A_669, %add3A_670 : i32
        %get3A_672 = arith.index_cast %add3A_671 : i32 to index
        %get3A_673 = tpu.vector_load %arg12[%get3A_672] {strides = array<i32>} : memref<10240xf32, #tpu.memory_space<vmem>>, vector<16xf32>,
        %mul3A_674 = arith.constant 512 : i32
        %mul3A_675 = arith.muli %add3A_115, %mul3A_674 : i32
        %add3A_676 = arith.constant 416 : i32
        %add3A_677 = arith.addi %mul3A_675, %add3A_676 : i32
        %get3A_678 = arith.index_cast %add3A_677 : i32 to index
        %get3A_679 = tpu.vector_load %arg13[%get3A_678] {strides = array<i32>} : memref<10240xf32, #tpu.memory_space<vmem>>, vector<16xf32>,
        tpu.vector_store_idx %arg15[%add3A_667, %broadcast_in_dim3A_12], %get3A_673 : memref<512x16xf32, #tpu.memory_space<vmem>>[vector<16xi32>, vector<16xi32>], vector<16xf32>,
        %add3A_680 = arith.constant 1 : i32
        %add3A_681 = vector.broadcast %add3A_680 : i32 to vector<16xi32>
        %add3A_682 = arith.addi %broadcast_in_dim3A_12, %add3A_681 : vector<16xi32>
        tpu.vector_store_idx %arg15[%add3A_667, %add3A_682], %get3A_679 : memref<512x16xf32, #tpu.memory_space<vmem>>[vector<16xi32>, vector<16xi32>], vector<16xf32>,
        %add3A_683 = arith.constant 2 : i32
        %add3A_684 = vector.broadcast %add3A_683 : i32 to vector<16xi32>
        %add3A_685 = arith.addi %broadcast_in_dim3A_12, %add3A_684 : vector<16xi32>
        tpu.vector_store_idx %arg15[%add3A_667, %add3A_685], %broadcast_in_dim3A_14 : memref<512x16xf32, #tpu.memory_space<vmem>>[vector<16xi32>, vector<16xi32>], vector<16xf32>,
        %add3A_686 = arith.constant 432 : i32
        %add3A_687 = vector.broadcast %add3A_686 : i32 to vector<16xi32>
        %add3A_688 = arith.addi %iota3A, %add3A_687 : vector<16xi32>
        %mul3A_689 = arith.constant 512 : i32
        %mul3A_690 = arith.muli %add3A_115, %mul3A_689 : i32
        %add3A_691 = arith.constant 432 : i32
        %add3A_692 = arith.addi %mul3A_690, %add3A_691 : i32
        %get3A_693 = arith.index_cast %add3A_692 : i32 to index
        %get3A_694 = tpu.vector_load %arg12[%get3A_693] {strides = array<i32>} : memref<10240xf32, #tpu.memory_space<vmem>>, vector<16xf32>,
        %mul3A_695 = arith.constant 512 : i32
        %mul3A_696 = arith.muli %add3A_115, %mul3A_695 : i32
        %add3A_697 = arith.constant 432 : i32
        %add3A_698 = arith.addi %mul3A_696, %add3A_697 : i32
        %get3A_699 = arith.index_cast %add3A_698 : i32 to index
        %get3A_700 = tpu.vector_load %arg13[%get3A_699] {strides = array<i32>} : memref<10240xf32, #tpu.memory_space<vmem>>, vector<16xf32>,
        tpu.vector_store_idx %arg15[%add3A_688, %broadcast_in_dim3A_12], %get3A_694 : memref<512x16xf32, #tpu.memory_space<vmem>>[vector<16xi32>, vector<16xi32>], vector<16xf32>,
        %add3A_701 = arith.constant 1 : i32
        %add3A_702 = vector.broadcast %add3A_701 : i32 to vector<16xi32>
        %add3A_703 = arith.addi %broadcast_in_dim3A_12, %add3A_702 : vector<16xi32>
        tpu.vector_store_idx %arg15[%add3A_688, %add3A_703], %get3A_700 : memref<512x16xf32, #tpu.memory_space<vmem>>[vector<16xi32>, vector<16xi32>], vector<16xf32>,
        %add3A_704 = arith.constant 2 : i32
        %add3A_705 = vector.broadcast %add3A_704 : i32 to vector<16xi32>
        %add3A_706 = arith.addi %broadcast_in_dim3A_12, %add3A_705 : vector<16xi32>
        tpu.vector_store_idx %arg15[%add3A_688, %add3A_706], %broadcast_in_dim3A_14 : memref<512x16xf32, #tpu.memory_space<vmem>>[vector<16xi32>, vector<16xi32>], vector<16xf32>,
        %add3A_707 = arith.constant 448 : i32
        %add3A_708 = vector.broadcast %add3A_707 : i32 to vector<16xi32>
        %add3A_709 = arith.addi %iota3A, %add3A_708 : vector<16xi32>
        %mul3A_710 = arith.constant 512 : i32
        %mul3A_711 = arith.muli %add3A_115, %mul3A_710 : i32
        %add3A_712 = arith.constant 448 : i32
        %add3A_713 = arith.addi %mul3A_711, %add3A_712 : i32
        %get3A_714 = arith.index_cast %add3A_713 : i32 to index
        %get3A_715 = tpu.vector_load %arg12[%get3A_714] {strides = array<i32>} : memref<10240xf32, #tpu.memory_space<vmem>>, vector<16xf32>,
        %mul3A_716 = arith.constant 512 : i32
        %mul3A_717 = arith.muli %add3A_115, %mul3A_716 : i32
        %add3A_718 = arith.constant 448 : i32
        %add3A_719 = arith.addi %mul3A_717, %add3A_718 : i32
        %get3A_720 = arith.index_cast %add3A_719 : i32 to index
        %get3A_721 = tpu.vector_load %arg13[%get3A_720] {strides = array<i32>} : memref<10240xf32, #tpu.memory_space<vmem>>, vector<16xf32>,
        tpu.vector_store_idx %arg15[%add3A_709, %broadcast_in_dim3A_12], %get3A_715 : memref<512x16xf32, #tpu.memory_space<vmem>>[vector<16xi32>, vector<16xi32>], vector<16xf32>,
        %add3A_722 = arith.constant 1 : i32
        %add3A_723 = vector.broadcast %add3A_722 : i32 to vector<16xi32>
        %add3A_724 = arith.addi %broadcast_in_dim3A_12, %add3A_723 : vector<16xi32>
        tpu.vector_store_idx %arg15[%add3A_709, %add3A_724], %get3A_721 : memref<512x16xf32, #tpu.memory_space<vmem>>[vector<16xi32>, vector<16xi32>], vector<16xf32>,
        %add3A_725 = arith.constant 2 : i32
        %add3A_726 = vector.broadcast %add3A_725 : i32 to vector<16xi32>
        %add3A_727 = arith.addi %broadcast_in_dim3A_12, %add3A_726 : vector<16xi32>
        tpu.vector_store_idx %arg15[%add3A_709, %add3A_727], %broadcast_in_dim3A_14 : memref<512x16xf32, #tpu.memory_space<vmem>>[vector<16xi32>, vector<16xi32>], vector<16xf32>,
        %add3A_728 = arith.constant 464 : i32
        %add3A_729 = vector.broadcast %add3A_728 : i32 to vector<16xi32>
        %add3A_730 = arith.addi %iota3A, %add3A_729 : vector<16xi32>
        %mul3A_731 = arith.constant 512 : i32
        %mul3A_732 = arith.muli %add3A_115, %mul3A_731 : i32
        %add3A_733 = arith.constant 464 : i32
        %add3A_734 = arith.addi %mul3A_732, %add3A_733 : i32
        %get3A_735 = arith.index_cast %add3A_734 : i32 to index
        %get3A_736 = tpu.vector_load %arg12[%get3A_735] {strides = array<i32>} : memref<10240xf32, #tpu.memory_space<vmem>>, vector<16xf32>,
        %mul3A_737 = arith.constant 512 : i32
        %mul3A_738 = arith.muli %add3A_115, %mul3A_737 : i32
        %add3A_739 = arith.constant 464 : i32
        %add3A_740 = arith.addi %mul3A_738, %add3A_739 : i32
        %get3A_741 = arith.index_cast %add3A_740 : i32 to index
        %get3A_742 = tpu.vector_load %arg13[%get3A_741] {strides = array<i32>} : memref<10240xf32, #tpu.memory_space<vmem>>, vector<16xf32>,
        tpu.vector_store_idx %arg15[%add3A_730, %broadcast_in_dim3A_12], %get3A_736 : memref<512x16xf32, #tpu.memory_space<vmem>>[vector<16xi32>, vector<16xi32>], vector<16xf32>,
        %add3A_743 = arith.constant 1 : i32
        %add3A_744 = vector.broadcast %add3A_743 : i32 to vector<16xi32>
        %add3A_745 = arith.addi %broadcast_in_dim3A_12, %add3A_744 : vector<16xi32>
        tpu.vector_store_idx %arg15[%add3A_730, %add3A_745], %get3A_742 : memref<512x16xf32, #tpu.memory_space<vmem>>[vector<16xi32>, vector<16xi32>], vector<16xf32>,
        %add3A_746 = arith.constant 2 : i32
        %add3A_747 = vector.broadcast %add3A_746 : i32 to vector<16xi32>
        %add3A_748 = arith.addi %broadcast_in_dim3A_12, %add3A_747 : vector<16xi32>
        tpu.vector_store_idx %arg15[%add3A_730, %add3A_748], %broadcast_in_dim3A_14 : memref<512x16xf32, #tpu.memory_space<vmem>>[vector<16xi32>, vector<16xi32>], vector<16xf32>,
        %add3A_749 = arith.constant 480 : i32
        %add3A_750 = vector.broadcast %add3A_749 : i32 to vector<16xi32>
        %add3A_751 = arith.addi %iota3A, %add3A_750 : vector<16xi32>
        %mul3A_752 = arith.constant 512 : i32
        %mul3A_753 = arith.muli %add3A_115, %mul3A_752 : i32
        %add3A_754 = arith.constant 480 : i32
        %add3A_755 = arith.addi %mul3A_753, %add3A_754 : i32
        %get3A_756 = arith.index_cast %add3A_755 : i32 to index
        %get3A_757 = tpu.vector_load %arg12[%get3A_756] {strides = array<i32>} : memref<10240xf32, #tpu.memory_space<vmem>>, vector<16xf32>,
        %mul3A_758 = arith.constant 512 : i32
        %mul3A_759 = arith.muli %add3A_115, %mul3A_758 : i32
        %add3A_760 = arith.constant 480 : i32
        %add3A_761 = arith.addi %mul3A_759, %add3A_760 : i32
        %get3A_762 = arith.index_cast %add3A_761 : i32 to index
        %get3A_763 = tpu.vector_load %arg13[%get3A_762] {strides = array<i32>} : memref<10240xf32, #tpu.memory_space<vmem>>, vector<16xf32>,
        tpu.vector_store_idx %arg15[%add3A_751, %broadcast_in_dim3A_12], %get3A_757 : memref<512x16xf32, #tpu.memory_space<vmem>>[vector<16xi32>, vector<16xi32>], vector<16xf32>,
        %add3A_764 = arith.constant 1 : i32
        %add3A_765 = vector.broadcast %add3A_764 : i32 to vector<16xi32>
        %add3A_766 = arith.addi %broadcast_in_dim3A_12, %add3A_765 : vector<16xi32>
        tpu.vector_store_idx %arg15[%add3A_751, %add3A_766], %get3A_763 : memref<512x16xf32, #tpu.memory_space<vmem>>[vector<16xi32>, vector<16xi32>], vector<16xf32>,
        %add3A_767 = arith.constant 2 : i32
        %add3A_768 = vector.broadcast %add3A_767 : i32 to vector<16xi32>
        %add3A_769 = arith.addi %broadcast_in_dim3A_12, %add3A_768 : vector<16xi32>
        tpu.vector_store_idx %arg15[%add3A_751, %add3A_769], %broadcast_in_dim3A_14 : memref<512x16xf32, #tpu.memory_space<vmem>>[vector<16xi32>, vector<16xi32>], vector<16xf32>,
        %add3A_770 = arith.constant 496 : i32
        %add3A_771 = vector.broadcast %add3A_770 : i32 to vector<16xi32>
        %add3A_772 = arith.addi %iota3A, %add3A_771 : vector<16xi32>
        %mul3A_773 = arith.constant 512 : i32
        %mul3A_774 = arith.muli %add3A_115, %mul3A_773 : i32
        %add3A_775 = arith.constant 496 : i32
        %add3A_776 = arith.addi %mul3A_774, %add3A_775 : i32
        %get3A_777 = arith.index_cast %add3A_776 : i32 to index
        %get3A_778 = tpu.vector_load %arg12[%get3A_777] {strides = array<i32>} : memref<10240xf32, #tpu.memory_space<vmem>>, vector<16xf32>,
        %mul3A_779 = arith.constant 512 : i32
        %mul3A_780 = arith.muli %add3A_115, %mul3A_779 : i32
        %add3A_781 = arith.constant 496 : i32
        %add3A_782 = arith.addi %mul3A_780, %add3A_781 : i32
        %get3A_783 = arith.index_cast %add3A_782 : i32 to index
        %get3A_784 = tpu.vector_load %arg13[%get3A_783] {strides = array<i32>} : memref<10240xf32, #tpu.memory_space<vmem>>, vector<16xf32>,
        tpu.vector_store_idx %arg15[%add3A_772, %broadcast_in_dim3A_12], %get3A_778 : memref<512x16xf32, #tpu.memory_space<vmem>>[vector<16xi32>, vector<16xi32>], vector<16xf32>,
        %add3A_785 = arith.constant 1 : i32
        %add3A_786 = vector.broadcast %add3A_785 : i32 to vector<16xi32>
        %add3A_787 = arith.addi %broadcast_in_dim3A_12, %add3A_786 : vector<16xi32>
        tpu.vector_store_idx %arg15[%add3A_772, %add3A_787], %get3A_784 : memref<512x16xf32, #tpu.memory_space<vmem>>[vector<16xi32>, vector<16xi32>], vector<16xf32>,
        %add3A_788 = arith.constant 2 : i32
        %add3A_789 = vector.broadcast %add3A_788 : i32 to vector<16xi32>
        %add3A_790 = arith.addi %broadcast_in_dim3A_12, %add3A_789 : vector<16xi32>
        tpu.vector_store_idx %arg15[%add3A_772, %add3A_790], %broadcast_in_dim3A_14 : memref<512x16xf32, #tpu.memory_space<vmem>>[vector<16xi32>, vector<16xi32>], vector<16xf32>,
        %mul3A_791 = arith.constant 4 : i32
        %mul3A_792 = arith.muli %add3A_115, %mul3A_791 : i32
        %add3A_793 = arith.constant 0 : i32
        %add3A_794 = arith.addi %mul3A_792, %add3A_793 : i32
        %dma_wait3A = arith.constant 0 : i32
        %dma_wait3A_795 = arith.constant 0 : i32
        %dma_wait3A_796 = tpu.memref_slice %arg17[%dma_wait3A, %dma_wait3A_795] : memref<512x16xf32, #tpu.memory_space<vmem>> -> memref<128x16xf32, #tpu.memory_space<vmem>>
        %dma_wait3A_797 = arith.constant 0 : i32
        %dma_wait3A_798 = tpu.memref_slice %arg10[%add3A_794, %dma_wait3A_797] : memref<80x128xi32, #tpu.memory_space<vmem>> -> memref<1x128xi32, #tpu.memory_space<vmem>>
        %dma_wait3A_799 = tpu.memref_squeeze %dma_wait3A_798 : memref<1x128xi32, #tpu.memory_space<vmem>> -> memref<128xi32, #tpu.memory_space<vmem>>
        %dma_wait3A_800 = arith.constant 0 : i32
        %dma_wait3A_801 = arith.constant 0 : i32
        %dma_wait3A_802 = tpu.memref_slice %arg2[%dma_wait3A_800, %dma_wait3A_801] : memref<10000x16xf32, #tpu.memory_space<hbm>> -> memref<10000x16xf32, #tpu.memory_space<hbm>>
        tpu.wait_indirect_dma semaphore(%arg22 : memref<!tpu.dma_semaphore, #tpu.memory_space<semaphore_mem>>) src(%dma_wait3A_802 : memref<10000x16xf32, #tpu.memory_space<hbm>>) dst(%dma_wait3A_796 : memref<128x16xf32, #tpu.memory_space<vmem>>)
        %mul3A_803 = arith.constant 4 : i32
        %mul3A_804 = arith.muli %add3A_115, %mul3A_803 : i32
        %add3A_805 = arith.constant 1 : i32
        %add3A_806 = arith.addi %mul3A_804, %add3A_805 : i32
        %dma_wait3A_807 = arith.constant 128 : i32
        %dma_wait3A_808 = arith.constant 0 : i32
        %dma_wait3A_809 = tpu.memref_slice %arg17[%dma_wait3A_807, %dma_wait3A_808] : memref<512x16xf32, #tpu.memory_space<vmem>> -> memref<128x16xf32, #tpu.memory_space<vmem>>
        %dma_wait3A_810 = arith.constant 0 : i32
        %dma_wait3A_811 = tpu.memref_slice %arg10[%add3A_806, %dma_wait3A_810] : memref<80x128xi32, #tpu.memory_space<vmem>> -> memref<1x128xi32, #tpu.memory_space<vmem>>
        %dma_wait3A_812 = tpu.memref_squeeze %dma_wait3A_811 : memref<1x128xi32, #tpu.memory_space<vmem>> -> memref<128xi32, #tpu.memory_space<vmem>>
        %dma_wait3A_813 = arith.constant 0 : i32
        %dma_wait3A_814 = arith.constant 0 : i32
        %dma_wait3A_815 = tpu.memref_slice %arg2[%dma_wait3A_813, %dma_wait3A_814] : memref<10000x16xf32, #tpu.memory_space<hbm>> -> memref<10000x16xf32, #tpu.memory_space<hbm>>
        tpu.wait_indirect_dma semaphore(%arg22 : memref<!tpu.dma_semaphore, #tpu.memory_space<semaphore_mem>>) src(%dma_wait3A_815 : memref<10000x16xf32, #tpu.memory_space<hbm>>) dst(%dma_wait3A_809 : memref<128x16xf32, #tpu.memory_space<vmem>>)
        %mul3A_816 = arith.constant 4 : i32
        %mul3A_817 = arith.muli %add3A_115, %mul3A_816 : i32
        %add3A_818 = arith.constant 2 : i32
        %add3A_819 = arith.addi %mul3A_817, %add3A_818 : i32
        %dma_wait3A_820 = arith.constant 256 : i32
        %dma_wait3A_821 = arith.constant 0 : i32
        %dma_wait3A_822 = tpu.memref_slice %arg17[%dma_wait3A_820, %dma_wait3A_821] : memref<512x16xf32, #tpu.memory_space<vmem>> -> memref<128x16xf32, #tpu.memory_space<vmem>>
        %dma_wait3A_823 = arith.constant 0 : i32
        %dma_wait3A_824 = tpu.memref_slice %arg10[%add3A_819, %dma_wait3A_823] : memref<80x128xi32, #tpu.memory_space<vmem>> -> memref<1x128xi32, #tpu.memory_space<vmem>>
        %dma_wait3A_825 = tpu.memref_squeeze %dma_wait3A_824 : memref<1x128xi32, #tpu.memory_space<vmem>> -> memref<128xi32, #tpu.memory_space<vmem>>
        %dma_wait3A_826 = arith.constant 0 : i32
        %dma_wait3A_827 = arith.constant 0 : i32
        %dma_wait3A_828 = tpu.memref_slice %arg2[%dma_wait3A_826, %dma_wait3A_827] : memref<10000x16xf32, #tpu.memory_space<hbm>> -> memref<10000x16xf32, #tpu.memory_space<hbm>>
        tpu.wait_indirect_dma semaphore(%arg22 : memref<!tpu.dma_semaphore, #tpu.memory_space<semaphore_mem>>) src(%dma_wait3A_828 : memref<10000x16xf32, #tpu.memory_space<hbm>>) dst(%dma_wait3A_822 : memref<128x16xf32, #tpu.memory_space<vmem>>)
        %mul3A_829 = arith.constant 4 : i32
        %mul3A_830 = arith.muli %add3A_115, %mul3A_829 : i32
        %add3A_831 = arith.constant 3 : i32
        %add3A_832 = arith.addi %mul3A_830, %add3A_831 : i32
        %dma_wait3A_833 = arith.constant 384 : i32
        %dma_wait3A_834 = arith.constant 0 : i32
        %dma_wait3A_835 = tpu.memref_slice %arg17[%dma_wait3A_833, %dma_wait3A_834] : memref<512x16xf32, #tpu.memory_space<vmem>> -> memref<128x16xf32, #tpu.memory_space<vmem>>
        %dma_wait3A_836 = arith.constant 0 : i32
        %dma_wait3A_837 = tpu.memref_slice %arg10[%add3A_832, %dma_wait3A_836] : memref<80x128xi32, #tpu.memory_space<vmem>> -> memref<1x128xi32, #tpu.memory_space<vmem>>
        %dma_wait3A_838 = tpu.memref_squeeze %dma_wait3A_837 : memref<1x128xi32, #tpu.memory_space<vmem>> -> memref<128xi32, #tpu.memory_space<vmem>>
        %dma_wait3A_839 = arith.constant 0 : i32
        %dma_wait3A_840 = arith.constant 0 : i32
        %dma_wait3A_841 = tpu.memref_slice %arg2[%dma_wait3A_839, %dma_wait3A_840] : memref<10000x16xf32, #tpu.memory_space<hbm>> -> memref<10000x16xf32, #tpu.memory_space<hbm>>
        tpu.wait_indirect_dma semaphore(%arg22 : memref<!tpu.dma_semaphore, #tpu.memory_space<semaphore_mem>>) src(%dma_wait3A_841 : memref<10000x16xf32, #tpu.memory_space<hbm>>) dst(%dma_wait3A_835 : memref<128x16xf32, #tpu.memory_space<vmem>>)
        %mul3A_842 = arith.constant 4 : i32
        %mul3A_843 = arith.muli %add3A_115, %mul3A_842 : i32
        %add3A_844 = arith.constant 0 : i32
        %add3A_845 = arith.addi %mul3A_843, %add3A_844 : i32
        %dma_start3A_846 = arith.constant 0 : i32
        %dma_start3A_847 = arith.constant 0 : i32
        %dma_start3A_848 = tpu.memref_slice %arg17[%dma_start3A_846, %dma_start3A_847] : memref<512x16xf32, #tpu.memory_space<vmem>> -> memref<128x16xf32, #tpu.memory_space<vmem>>
        %dma_start3A_849 = arith.constant 0 : i32
        %dma_start3A_850 = tpu.memref_slice %arg11[%add3A_845, %dma_start3A_849] : memref<80x128xi32, #tpu.memory_space<vmem>> -> memref<1x128xi32, #tpu.memory_space<vmem>>
        %dma_start3A_851 = tpu.memref_squeeze %dma_start3A_850 : memref<1x128xi32, #tpu.memory_space<vmem>> -> memref<128xi32, #tpu.memory_space<vmem>>
        %dma_start3A_852 = arith.constant 0 : i32
        %dma_start3A_853 = arith.constant 0 : i32
        %dma_start3A_854 = tpu.memref_slice %arg19[%dma_start3A_852, %dma_start3A_853] : memref<10112x16xf32, #tpu.memory_space<vmem_shared>> -> memref<10112x16xf32, #tpu.memory_space<vmem_shared>>
        tpu.enqueue_indirect_dma source(%dma_start3A_848 : memref<128x16xf32, #tpu.memory_space<vmem>>) target(%dma_start3A_854 : memref<10112x16xf32, #tpu.memory_space<vmem_shared>>) offsets(%dma_start3A_851 : memref<128xi32, #tpu.memory_space<vmem>>) semaphore(%arg24 : memref<!tpu.dma_semaphore, #tpu.memory_space<semaphore_mem>>) {add = true}
        %dma_start3A_855 = arith.constant 0 : i32
        %dma_start3A_856 = arith.constant 0 : i32
        %dma_start3A_857 = tpu.memref_slice %arg15[%dma_start3A_855, %dma_start3A_856] : memref<512x16xf32, #tpu.memory_space<vmem>> -> memref<128x16xf32, #tpu.memory_space<vmem>>
        %dma_start3A_858 = arith.constant 0 : i32
        %dma_start3A_859 = tpu.memref_slice %arg11[%add3A_845, %dma_start3A_858] : memref<80x128xi32, #tpu.memory_space<vmem>> -> memref<1x128xi32, #tpu.memory_space<vmem>>
        %dma_start3A_860 = tpu.memref_squeeze %dma_start3A_859 : memref<1x128xi32, #tpu.memory_space<vmem>> -> memref<128xi32, #tpu.memory_space<vmem>>
        %dma_start3A_861 = arith.constant 0 : i32
        %dma_start3A_862 = arith.constant 0 : i32
        %dma_start3A_863 = tpu.memref_slice %arg20[%dma_start3A_861, %dma_start3A_862] : memref<10112x16xf32, #tpu.memory_space<vmem_shared>> -> memref<10112x16xf32, #tpu.memory_space<vmem_shared>>
        tpu.enqueue_indirect_dma source(%dma_start3A_857 : memref<128x16xf32, #tpu.memory_space<vmem>>) target(%dma_start3A_863 : memref<10112x16xf32, #tpu.memory_space<vmem_shared>>) offsets(%dma_start3A_860 : memref<128xi32, #tpu.memory_space<vmem>>) semaphore(%arg24 : memref<!tpu.dma_semaphore, #tpu.memory_space<semaphore_mem>>) {add = true}
        %mul3A_864 = arith.constant 4 : i32
        %mul3A_865 = arith.muli %add3A_115, %mul3A_864 : i32
        %add3A_866 = arith.constant 1 : i32
        %add3A_867 = arith.addi %mul3A_865, %add3A_866 : i32
        %dma_start3A_868 = arith.constant 128 : i32
        %dma_start3A_869 = arith.constant 0 : i32
        %dma_start3A_870 = tpu.memref_slice %arg17[%dma_start3A_868, %dma_start3A_869] : memref<512x16xf32, #tpu.memory_space<vmem>> -> memref<128x16xf32, #tpu.memory_space<vmem>>
        %dma_start3A_871 = arith.constant 0 : i32
        %dma_start3A_872 = tpu.memref_slice %arg11[%add3A_867, %dma_start3A_871] : memref<80x128xi32, #tpu.memory_space<vmem>> -> memref<1x128xi32, #tpu.memory_space<vmem>>
        %dma_start3A_873 = tpu.memref_squeeze %dma_start3A_872 : memref<1x128xi32, #tpu.memory_space<vmem>> -> memref<128xi32, #tpu.memory_space<vmem>>
        %dma_start3A_874 = arith.constant 0 : i32
        %dma_start3A_875 = arith.constant 0 : i32
        %dma_start3A_876 = tpu.memref_slice %arg19[%dma_start3A_874, %dma_start3A_875] : memref<10112x16xf32, #tpu.memory_space<vmem_shared>> -> memref<10112x16xf32, #tpu.memory_space<vmem_shared>>
        tpu.enqueue_indirect_dma source(%dma_start3A_870 : memref<128x16xf32, #tpu.memory_space<vmem>>) target(%dma_start3A_876 : memref<10112x16xf32, #tpu.memory_space<vmem_shared>>) offsets(%dma_start3A_873 : memref<128xi32, #tpu.memory_space<vmem>>) semaphore(%arg24 : memref<!tpu.dma_semaphore, #tpu.memory_space<semaphore_mem>>) {add = true}
        %dma_start3A_877 = arith.constant 128 : i32
        %dma_start3A_878 = arith.constant 0 : i32
        %dma_start3A_879 = tpu.memref_slice %arg15[%dma_start3A_877, %dma_start3A_878] : memref<512x16xf32, #tpu.memory_space<vmem>> -> memref<128x16xf32, #tpu.memory_space<vmem>>
        %dma_start3A_880 = arith.constant 0 : i32
        %dma_start3A_881 = tpu.memref_slice %arg11[%add3A_867, %dma_start3A_880] : memref<80x128xi32, #tpu.memory_space<vmem>> -> memref<1x128xi32, #tpu.memory_space<vmem>>
        %dma_start3A_882 = tpu.memref_squeeze %dma_start3A_881 : memref<1x128xi32, #tpu.memory_space<vmem>> -> memref<128xi32, #tpu.memory_space<vmem>>
        %dma_start3A_883 = arith.constant 0 : i32
        %dma_start3A_884 = arith.constant 0 : i32
        %dma_start3A_885 = tpu.memref_slice %arg20[%dma_start3A_883, %dma_start3A_884] : memref<10112x16xf32, #tpu.memory_space<vmem_shared>> -> memref<10112x16xf32, #tpu.memory_space<vmem_shared>>
        tpu.enqueue_indirect_dma source(%dma_start3A_879 : memref<128x16xf32, #tpu.memory_space<vmem>>) target(%dma_start3A_885 : memref<10112x16xf32, #tpu.memory_space<vmem_shared>>) offsets(%dma_start3A_882 : memref<128xi32, #tpu.memory_space<vmem>>) semaphore(%arg24 : memref<!tpu.dma_semaphore, #tpu.memory_space<semaphore_mem>>) {add = true}
        %mul3A_886 = arith.constant 4 : i32
        %mul3A_887 = arith.muli %add3A_115, %mul3A_886 : i32
        %add3A_888 = arith.constant 2 : i32
        %add3A_889 = arith.addi %mul3A_887, %add3A_888 : i32
        %dma_start3A_890 = arith.constant 256 : i32
        %dma_start3A_891 = arith.constant 0 : i32
        %dma_start3A_892 = tpu.memref_slice %arg17[%dma_start3A_890, %dma_start3A_891] : memref<512x16xf32, #tpu.memory_space<vmem>> -> memref<128x16xf32, #tpu.memory_space<vmem>>
        %dma_start3A_893 = arith.constant 0 : i32
        %dma_start3A_894 = tpu.memref_slice %arg11[%add3A_889, %dma_start3A_893] : memref<80x128xi32, #tpu.memory_space<vmem>> -> memref<1x128xi32, #tpu.memory_space<vmem>>
        %dma_start3A_895 = tpu.memref_squeeze %dma_start3A_894 : memref<1x128xi32, #tpu.memory_space<vmem>> -> memref<128xi32, #tpu.memory_space<vmem>>
        %dma_start3A_896 = arith.constant 0 : i32
        %dma_start3A_897 = arith.constant 0 : i32
        %dma_start3A_898 = tpu.memref_slice %arg19[%dma_start3A_896, %dma_start3A_897] : memref<10112x16xf32, #tpu.memory_space<vmem_shared>> -> memref<10112x16xf32, #tpu.memory_space<vmem_shared>>
        tpu.enqueue_indirect_dma source(%dma_start3A_892 : memref<128x16xf32, #tpu.memory_space<vmem>>) target(%dma_start3A_898 : memref<10112x16xf32, #tpu.memory_space<vmem_shared>>) offsets(%dma_start3A_895 : memref<128xi32, #tpu.memory_space<vmem>>) semaphore(%arg24 : memref<!tpu.dma_semaphore, #tpu.memory_space<semaphore_mem>>) {add = true}
        %dma_start3A_899 = arith.constant 256 : i32
        %dma_start3A_900 = arith.constant 0 : i32
        %dma_start3A_901 = tpu.memref_slice %arg15[%dma_start3A_899, %dma_start3A_900] : memref<512x16xf32, #tpu.memory_space<vmem>> -> memref<128x16xf32, #tpu.memory_space<vmem>>
        %dma_start3A_902 = arith.constant 0 : i32
        %dma_start3A_903 = tpu.memref_slice %arg11[%add3A_889, %dma_start3A_902] : memref<80x128xi32, #tpu.memory_space<vmem>> -> memref<1x128xi32, #tpu.memory_space<vmem>>
        %dma_start3A_904 = tpu.memref_squeeze %dma_start3A_903 : memref<1x128xi32, #tpu.memory_space<vmem>> -> memref<128xi32, #tpu.memory_space<vmem>>
        %dma_start3A_905 = arith.constant 0 : i32
        %dma_start3A_906 = arith.constant 0 : i32
        %dma_start3A_907 = tpu.memref_slice %arg20[%dma_start3A_905, %dma_start3A_906] : memref<10112x16xf32, #tpu.memory_space<vmem_shared>> -> memref<10112x16xf32, #tpu.memory_space<vmem_shared>>
        tpu.enqueue_indirect_dma source(%dma_start3A_901 : memref<128x16xf32, #tpu.memory_space<vmem>>) target(%dma_start3A_907 : memref<10112x16xf32, #tpu.memory_space<vmem_shared>>) offsets(%dma_start3A_904 : memref<128xi32, #tpu.memory_space<vmem>>) semaphore(%arg24 : memref<!tpu.dma_semaphore, #tpu.memory_space<semaphore_mem>>) {add = true}
        %mul3A_908 = arith.constant 4 : i32
        %mul3A_909 = arith.muli %add3A_115, %mul3A_908 : i32
        %add3A_910 = arith.constant 3 : i32
        %add3A_911 = arith.addi %mul3A_909, %add3A_910 : i32
        %dma_start3A_912 = arith.constant 384 : i32
        %dma_start3A_913 = arith.constant 0 : i32
        %dma_start3A_914 = tpu.memref_slice %arg17[%dma_start3A_912, %dma_start3A_913] : memref<512x16xf32, #tpu.memory_space<vmem>> -> memref<128x16xf32, #tpu.memory_space<vmem>>
        %dma_start3A_915 = arith.constant 0 : i32
        %dma_start3A_916 = tpu.memref_slice %arg11[%add3A_911, %dma_start3A_915] : memref<80x128xi32, #tpu.memory_space<vmem>> -> memref<1x128xi32, #tpu.memory_space<vmem>>
        %dma_start3A_917 = tpu.memref_squeeze %dma_start3A_916 : memref<1x128xi32, #tpu.memory_space<vmem>> -> memref<128xi32, #tpu.memory_space<vmem>>
        %dma_start3A_918 = arith.constant 0 : i32
        %dma_start3A_919 = arith.constant 0 : i32
        %dma_start3A_920 = tpu.memref_slice %arg19[%dma_start3A_918, %dma_start3A_919] : memref<10112x16xf32, #tpu.memory_space<vmem_shared>> -> memref<10112x16xf32, #tpu.memory_space<vmem_shared>>
        tpu.enqueue_indirect_dma source(%dma_start3A_914 : memref<128x16xf32, #tpu.memory_space<vmem>>) target(%dma_start3A_920 : memref<10112x16xf32, #tpu.memory_space<vmem_shared>>) offsets(%dma_start3A_917 : memref<128xi32, #tpu.memory_space<vmem>>) semaphore(%arg24 : memref<!tpu.dma_semaphore, #tpu.memory_space<semaphore_mem>>) {add = true}
        %dma_start3A_921 = arith.constant 384 : i32
        %dma_start3A_922 = arith.constant 0 : i32
        %dma_start3A_923 = tpu.memref_slice %arg15[%dma_start3A_921, %dma_start3A_922] : memref<512x16xf32, #tpu.memory_space<vmem>> -> memref<128x16xf32, #tpu.memory_space<vmem>>
        %dma_start3A_924 = arith.constant 0 : i32
        %dma_start3A_925 = tpu.memref_slice %arg11[%add3A_911, %dma_start3A_924] : memref<80x128xi32, #tpu.memory_space<vmem>> -> memref<1x128xi32, #tpu.memory_space<vmem>>
        %dma_start3A_926 = tpu.memref_squeeze %dma_start3A_925 : memref<1x128xi32, #tpu.memory_space<vmem>> -> memref<128xi32, #tpu.memory_space<vmem>>
        %dma_start3A_927 = arith.constant 0 : i32
        %dma_start3A_928 = arith.constant 0 : i32
        %dma_start3A_929 = tpu.memref_slice %arg20[%dma_start3A_927, %dma_start3A_928] : memref<10112x16xf32, #tpu.memory_space<vmem_shared>> -> memref<10112x16xf32, #tpu.memory_space<vmem_shared>>
        tpu.enqueue_indirect_dma source(%dma_start3A_923 : memref<128x16xf32, #tpu.memory_space<vmem>>) target(%dma_start3A_929 : memref<10112x16xf32, #tpu.memory_space<vmem_shared>>) offsets(%dma_start3A_926 : memref<128xi32, #tpu.memory_space<vmem>>) semaphore(%arg24 : memref<!tpu.dma_semaphore, #tpu.memory_space<semaphore_mem>>) {add = true}
        %mul3A_930 = arith.constant 4 : i32
        %mul3A_931 = arith.muli %add3A_115, %mul3A_930 : i32
        %add3A_932 = arith.constant 0 : i32
        %add3A_933 = arith.addi %mul3A_931, %add3A_932 : i32
        %dma_wait3A_934 = arith.constant 0 : i32
        %dma_wait3A_935 = arith.constant 0 : i32
        %dma_wait3A_936 = tpu.memref_slice %arg17[%dma_wait3A_934, %dma_wait3A_935] : memref<512x16xf32, #tpu.memory_space<vmem>> -> memref<128x16xf32, #tpu.memory_space<vmem>>
        %dma_wait3A_937 = arith.constant 0 : i32
        %dma_wait3A_938 = tpu.memref_slice %arg11[%add3A_933, %dma_wait3A_937] : memref<80x128xi32, #tpu.memory_space<vmem>> -> memref<1x128xi32, #tpu.memory_space<vmem>>
        %dma_wait3A_939 = tpu.memref_squeeze %dma_wait3A_938 : memref<1x128xi32, #tpu.memory_space<vmem>> -> memref<128xi32, #tpu.memory_space<vmem>>
        %dma_wait3A_940 = arith.constant 0 : i32
        %dma_wait3A_941 = arith.constant 0 : i32
        %dma_wait3A_942 = tpu.memref_slice %arg19[%dma_wait3A_940, %dma_wait3A_941] : memref<10112x16xf32, #tpu.memory_space<vmem_shared>> -> memref<10112x16xf32, #tpu.memory_space<vmem_shared>>
        tpu.wait_indirect_dma semaphore(%arg24 : memref<!tpu.dma_semaphore, #tpu.memory_space<semaphore_mem>>) src(%dma_wait3A_936 : memref<128x16xf32, #tpu.memory_space<vmem>>) dst(%dma_wait3A_942 : memref<10112x16xf32, #tpu.memory_space<vmem_shared>>)
        %dma_wait3A_943 = arith.constant 0 : i32
        %dma_wait3A_944 = arith.constant 0 : i32
        %dma_wait3A_945 = tpu.memref_slice %arg15[%dma_wait3A_943, %dma_wait3A_944] : memref<512x16xf32, #tpu.memory_space<vmem>> -> memref<128x16xf32, #tpu.memory_space<vmem>>
        %dma_wait3A_946 = arith.constant 0 : i32
        %dma_wait3A_947 = tpu.memref_slice %arg11[%add3A_933, %dma_wait3A_946] : memref<80x128xi32, #tpu.memory_space<vmem>> -> memref<1x128xi32, #tpu.memory_space<vmem>>
        %dma_wait3A_948 = tpu.memref_squeeze %dma_wait3A_947 : memref<1x128xi32, #tpu.memory_space<vmem>> -> memref<128xi32, #tpu.memory_space<vmem>>
        %dma_wait3A_949 = arith.constant 0 : i32
        %dma_wait3A_950 = arith.constant 0 : i32
        %dma_wait3A_951 = tpu.memref_slice %arg20[%dma_wait3A_949, %dma_wait3A_950] : memref<10112x16xf32, #tpu.memory_space<vmem_shared>> -> memref<10112x16xf32, #tpu.memory_space<vmem_shared>>
        tpu.wait_indirect_dma semaphore(%arg24 : memref<!tpu.dma_semaphore, #tpu.memory_space<semaphore_mem>>) src(%dma_wait3A_945 : memref<128x16xf32, #tpu.memory_space<vmem>>) dst(%dma_wait3A_951 : memref<10112x16xf32, #tpu.memory_space<vmem_shared>>)
        %mul3A_952 = arith.constant 4 : i32
        %mul3A_953 = arith.muli %add3A_115, %mul3A_952 : i32
        %add3A_954 = arith.constant 1 : i32
        %add3A_955 = arith.addi %mul3A_953, %add3A_954 : i32
        %dma_wait3A_956 = arith.constant 128 : i32
        %dma_wait3A_957 = arith.constant 0 : i32
        %dma_wait3A_958 = tpu.memref_slice %arg17[%dma_wait3A_956, %dma_wait3A_957] : memref<512x16xf32, #tpu.memory_space<vmem>> -> memref<128x16xf32, #tpu.memory_space<vmem>>
        %dma_wait3A_959 = arith.constant 0 : i32
        %dma_wait3A_960 = tpu.memref_slice %arg11[%add3A_955, %dma_wait3A_959] : memref<80x128xi32, #tpu.memory_space<vmem>> -> memref<1x128xi32, #tpu.memory_space<vmem>>
        %dma_wait3A_961 = tpu.memref_squeeze %dma_wait3A_960 : memref<1x128xi32, #tpu.memory_space<vmem>> -> memref<128xi32, #tpu.memory_space<vmem>>
        %dma_wait3A_962 = arith.constant 0 : i32
        %dma_wait3A_963 = arith.constant 0 : i32
        %dma_wait3A_964 = tpu.memref_slice %arg19[%dma_wait3A_962, %dma_wait3A_963] : memref<10112x16xf32, #tpu.memory_space<vmem_shared>> -> memref<10112x16xf32, #tpu.memory_space<vmem_shared>>
        tpu.wait_indirect_dma semaphore(%arg24 : memref<!tpu.dma_semaphore, #tpu.memory_space<semaphore_mem>>) src(%dma_wait3A_958 : memref<128x16xf32, #tpu.memory_space<vmem>>) dst(%dma_wait3A_964 : memref<10112x16xf32, #tpu.memory_space<vmem_shared>>)
        %dma_wait3A_965 = arith.constant 128 : i32
        %dma_wait3A_966 = arith.constant 0 : i32
        %dma_wait3A_967 = tpu.memref_slice %arg15[%dma_wait3A_965, %dma_wait3A_966] : memref<512x16xf32, #tpu.memory_space<vmem>> -> memref<128x16xf32, #tpu.memory_space<vmem>>
        %dma_wait3A_968 = arith.constant 0 : i32
        %dma_wait3A_969 = tpu.memref_slice %arg11[%add3A_955, %dma_wait3A_968] : memref<80x128xi32, #tpu.memory_space<vmem>> -> memref<1x128xi32, #tpu.memory_space<vmem>>
        %dma_wait3A_970 = tpu.memref_squeeze %dma_wait3A_969 : memref<1x128xi32, #tpu.memory_space<vmem>> -> memref<128xi32, #tpu.memory_space<vmem>>
        %dma_wait3A_971 = arith.constant 0 : i32
        %dma_wait3A_972 = arith.constant 0 : i32
        %dma_wait3A_973 = tpu.memref_slice %arg20[%dma_wait3A_971, %dma_wait3A_972] : memref<10112x16xf32, #tpu.memory_space<vmem_shared>> -> memref<10112x16xf32, #tpu.memory_space<vmem_shared>>
        tpu.wait_indirect_dma semaphore(%arg24 : memref<!tpu.dma_semaphore, #tpu.memory_space<semaphore_mem>>) src(%dma_wait3A_967 : memref<128x16xf32, #tpu.memory_space<vmem>>) dst(%dma_wait3A_973 : memref<10112x16xf32, #tpu.memory_space<vmem_shared>>)
        %mul3A_974 = arith.constant 4 : i32
        %mul3A_975 = arith.muli %add3A_115, %mul3A_974 : i32
        %add3A_976 = arith.constant 2 : i32
        %add3A_977 = arith.addi %mul3A_975, %add3A_976 : i32
        %dma_wait3A_978 = arith.constant 256 : i32
        %dma_wait3A_979 = arith.constant 0 : i32
        %dma_wait3A_980 = tpu.memref_slice %arg17[%dma_wait3A_978, %dma_wait3A_979] : memref<512x16xf32, #tpu.memory_space<vmem>> -> memref<128x16xf32, #tpu.memory_space<vmem>>
        %dma_wait3A_981 = arith.constant 0 : i32
        %dma_wait3A_982 = tpu.memref_slice %arg11[%add3A_977, %dma_wait3A_981] : memref<80x128xi32, #tpu.memory_space<vmem>> -> memref<1x128xi32, #tpu.memory_space<vmem>>
        %dma_wait3A_983 = tpu.memref_squeeze %dma_wait3A_982 : memref<1x128xi32, #tpu.memory_space<vmem>> -> memref<128xi32, #tpu.memory_space<vmem>>
        %dma_wait3A_984 = arith.constant 0 : i32
        %dma_wait3A_985 = arith.constant 0 : i32
        %dma_wait3A_986 = tpu.memref_slice %arg19[%dma_wait3A_984, %dma_wait3A_985] : memref<10112x16xf32, #tpu.memory_space<vmem_shared>> -> memref<10112x16xf32, #tpu.memory_space<vmem_shared>>
        tpu.wait_indirect_dma semaphore(%arg24 : memref<!tpu.dma_semaphore, #tpu.memory_space<semaphore_mem>>) src(%dma_wait3A_980 : memref<128x16xf32, #tpu.memory_space<vmem>>) dst(%dma_wait3A_986 : memref<10112x16xf32, #tpu.memory_space<vmem_shared>>)
        %dma_wait3A_987 = arith.constant 256 : i32
        %dma_wait3A_988 = arith.constant 0 : i32
        %dma_wait3A_989 = tpu.memref_slice %arg15[%dma_wait3A_987, %dma_wait3A_988] : memref<512x16xf32, #tpu.memory_space<vmem>> -> memref<128x16xf32, #tpu.memory_space<vmem>>
        %dma_wait3A_990 = arith.constant 0 : i32
        %dma_wait3A_991 = tpu.memref_slice %arg11[%add3A_977, %dma_wait3A_990] : memref<80x128xi32, #tpu.memory_space<vmem>> -> memref<1x128xi32, #tpu.memory_space<vmem>>
        %dma_wait3A_992 = tpu.memref_squeeze %dma_wait3A_991 : memref<1x128xi32, #tpu.memory_space<vmem>> -> memref<128xi32, #tpu.memory_space<vmem>>
        %dma_wait3A_993 = arith.constant 0 : i32
        %dma_wait3A_994 = arith.constant 0 : i32
        %dma_wait3A_995 = tpu.memref_slice %arg20[%dma_wait3A_993, %dma_wait3A_994] : memref<10112x16xf32, #tpu.memory_space<vmem_shared>> -> memref<10112x16xf32, #tpu.memory_space<vmem_shared>>
        tpu.wait_indirect_dma semaphore(%arg24 : memref<!tpu.dma_semaphore, #tpu.memory_space<semaphore_mem>>) src(%dma_wait3A_989 : memref<128x16xf32, #tpu.memory_space<vmem>>) dst(%dma_wait3A_995 : memref<10112x16xf32, #tpu.memory_space<vmem_shared>>)
        %mul3A_996 = arith.constant 4 : i32
        %mul3A_997 = arith.muli %add3A_115, %mul3A_996 : i32
        %add3A_998 = arith.constant 3 : i32
        %add3A_999 = arith.addi %mul3A_997, %add3A_998 : i32
        %dma_wait3A_1000 = arith.constant 384 : i32
        %dma_wait3A_1001 = arith.constant 0 : i32
        %dma_wait3A_1002 = tpu.memref_slice %arg17[%dma_wait3A_1000, %dma_wait3A_1001] : memref<512x16xf32, #tpu.memory_space<vmem>> -> memref<128x16xf32, #tpu.memory_space<vmem>>
        %dma_wait3A_1003 = arith.constant 0 : i32
        %dma_wait3A_1004 = tpu.memref_slice %arg11[%add3A_999, %dma_wait3A_1003] : memref<80x128xi32, #tpu.memory_space<vmem>> -> memref<1x128xi32, #tpu.memory_space<vmem>>
        %dma_wait3A_1005 = tpu.memref_squeeze %dma_wait3A_1004 : memref<1x128xi32, #tpu.memory_space<vmem>> -> memref<128xi32, #tpu.memory_space<vmem>>
        %dma_wait3A_1006 = arith.constant 0 : i32
        %dma_wait3A_1007 = arith.constant 0 : i32
        %dma_wait3A_1008 = tpu.memref_slice %arg19[%dma_wait3A_1006, %dma_wait3A_1007] : memref<10112x16xf32, #tpu.memory_space<vmem_shared>> -> memref<10112x16xf32, #tpu.memory_space<vmem_shared>>
        tpu.wait_indirect_dma semaphore(%arg24 : memref<!tpu.dma_semaphore, #tpu.memory_space<semaphore_mem>>) src(%dma_wait3A_1002 : memref<128x16xf32, #tpu.memory_space<vmem>>) dst(%dma_wait3A_1008 : memref<10112x16xf32, #tpu.memory_space<vmem_shared>>)
        %dma_wait3A_1009 = arith.constant 384 : i32
        %dma_wait3A_1010 = arith.constant 0 : i32
        %dma_wait3A_1011 = tpu.memref_slice %arg15[%dma_wait3A_1009, %dma_wait3A_1010] : memref<512x16xf32, #tpu.memory_space<vmem>> -> memref<128x16xf32, #tpu.memory_space<vmem>>
        %dma_wait3A_1012 = arith.constant 0 : i32
        %dma_wait3A_1013 = tpu.memref_slice %arg11[%add3A_999, %dma_wait3A_1012] : memref<80x128xi32, #tpu.memory_space<vmem>> -> memref<1x128xi32, #tpu.memory_space<vmem>>
        %dma_wait3A_1014 = tpu.memref_squeeze %dma_wait3A_1013 : memref<1x128xi32, #tpu.memory_space<vmem>> -> memref<128xi32, #tpu.memory_space<vmem>>
        %dma_wait3A_1015 = arith.constant 0 : i32
        %dma_wait3A_1016 = arith.constant 0 : i32
        %dma_wait3A_1017 = tpu.memref_slice %arg20[%dma_wait3A_1015, %dma_wait3A_1016] : memref<10112x16xf32, #tpu.memory_space<vmem_shared>> -> memref<10112x16xf32, #tpu.memory_space<vmem_shared>>
        tpu.wait_indirect_dma semaphore(%arg24 : memref<!tpu.dma_semaphore, #tpu.memory_space<semaphore_mem>>) src(%dma_wait3A_1011 : memref<128x16xf32, #tpu.memory_space<vmem>>) dst(%dma_wait3A_1017 : memref<10112x16xf32, #tpu.memory_space<vmem_shared>>)
        %add3A_1018 = arith.constant 2 : i32
        %add3A_1019 = arith.addi %add3A_115, %add3A_1018 : i32
        %lt3A_1020 = arith.cmpi slt, %add3A_1019, %select_n3A_11 : i32
        %convert_element_type3A_1021 = arith.extui %lt3A_1020 : i1 to i32
        %cond3A_1022 = arith.constant 0 : i32
        %cond3A_1023 = arith.cmpi ne, %convert_element_type3A_1021, %cond3A_1022 : i32
        scf.if %cond3A_1023 {
          %add3A_1024 = arith.constant 2 : i32
          %add3A_1025 = arith.addi %add3A_115, %add3A_1024 : i32
          %mul3A_1026 = arith.constant 4 : i32
          %mul3A_1027 = arith.muli %add3A_1025, %mul3A_1026 : i32
          %add3A_1028 = arith.constant 0 : i32
          %add3A_1029 = arith.addi %mul3A_1027, %add3A_1028 : i32
          %dma_start3A_1030 = arith.constant 0 : i32
          %dma_start3A_1031 = arith.constant 0 : i32
          %dma_start3A_1032 = tpu.memref_slice %arg17[%dma_start3A_1030, %dma_start3A_1031] : memref<512x16xf32, #tpu.memory_space<vmem>> -> memref<128x16xf32, #tpu.memory_space<vmem>>
          %dma_start3A_1033 = arith.constant 0 : i32
          %dma_start3A_1034 = tpu.memref_slice %arg10[%add3A_1029, %dma_start3A_1033] : memref<80x128xi32, #tpu.memory_space<vmem>> -> memref<1x128xi32, #tpu.memory_space<vmem>>
          %dma_start3A_1035 = tpu.memref_squeeze %dma_start3A_1034 : memref<1x128xi32, #tpu.memory_space<vmem>> -> memref<128xi32, #tpu.memory_space<vmem>>
          %dma_start3A_1036 = arith.constant 0 : i32
          %dma_start3A_1037 = arith.constant 0 : i32
          %dma_start3A_1038 = tpu.memref_slice %arg2[%dma_start3A_1036, %dma_start3A_1037] : memref<10000x16xf32, #tpu.memory_space<hbm>> -> memref<10000x16xf32, #tpu.memory_space<hbm>>
          tpu.enqueue_indirect_dma source(%dma_start3A_1038 : memref<10000x16xf32, #tpu.memory_space<hbm>>) target(%dma_start3A_1032 : memref<128x16xf32, #tpu.memory_space<vmem>>) offsets(%dma_start3A_1035 : memref<128xi32, #tpu.memory_space<vmem>>) semaphore(%arg22 : memref<!tpu.dma_semaphore, #tpu.memory_space<semaphore_mem>>)
          %mul3A_1039 = arith.constant 4 : i32
          %mul3A_1040 = arith.muli %add3A_1025, %mul3A_1039 : i32
          %add3A_1041 = arith.constant 1 : i32
          %add3A_1042 = arith.addi %mul3A_1040, %add3A_1041 : i32
          %dma_start3A_1043 = arith.constant 128 : i32
          %dma_start3A_1044 = arith.constant 0 : i32
          %dma_start3A_1045 = tpu.memref_slice %arg17[%dma_start3A_1043, %dma_start3A_1044] : memref<512x16xf32, #tpu.memory_space<vmem>> -> memref<128x16xf32, #tpu.memory_space<vmem>>
          %dma_start3A_1046 = arith.constant 0 : i32
          %dma_start3A_1047 = tpu.memref_slice %arg10[%add3A_1042, %dma_start3A_1046] : memref<80x128xi32, #tpu.memory_space<vmem>> -> memref<1x128xi32, #tpu.memory_space<vmem>>
          %dma_start3A_1048 = tpu.memref_squeeze %dma_start3A_1047 : memref<1x128xi32, #tpu.memory_space<vmem>> -> memref<128xi32, #tpu.memory_space<vmem>>
          %dma_start3A_1049 = arith.constant 0 : i32
          %dma_start3A_1050 = arith.constant 0 : i32
          %dma_start3A_1051 = tpu.memref_slice %arg2[%dma_start3A_1049, %dma_start3A_1050] : memref<10000x16xf32, #tpu.memory_space<hbm>> -> memref<10000x16xf32, #tpu.memory_space<hbm>>
          tpu.enqueue_indirect_dma source(%dma_start3A_1051 : memref<10000x16xf32, #tpu.memory_space<hbm>>) target(%dma_start3A_1045 : memref<128x16xf32, #tpu.memory_space<vmem>>) offsets(%dma_start3A_1048 : memref<128xi32, #tpu.memory_space<vmem>>) semaphore(%arg22 : memref<!tpu.dma_semaphore, #tpu.memory_space<semaphore_mem>>)
          %mul3A_1052 = arith.constant 4 : i32
          %mul3A_1053 = arith.muli %add3A_1025, %mul3A_1052 : i32
          %add3A_1054 = arith.constant 2 : i32
          %add3A_1055 = arith.addi %mul3A_1053, %add3A_1054 : i32
          %dma_start3A_1056 = arith.constant 256 : i32
          %dma_start3A_1057 = arith.constant 0 : i32
          %dma_start3A_1058 = tpu.memref_slice %arg17[%dma_start3A_1056, %dma_start3A_1057] : memref<512x16xf32, #tpu.memory_space<vmem>> -> memref<128x16xf32, #tpu.memory_space<vmem>>
          %dma_start3A_1059 = arith.constant 0 : i32
          %dma_start3A_1060 = tpu.memref_slice %arg10[%add3A_1055, %dma_start3A_1059] : memref<80x128xi32, #tpu.memory_space<vmem>> -> memref<1x128xi32, #tpu.memory_space<vmem>>
          %dma_start3A_1061 = tpu.memref_squeeze %dma_start3A_1060 : memref<1x128xi32, #tpu.memory_space<vmem>> -> memref<128xi32, #tpu.memory_space<vmem>>
          %dma_start3A_1062 = arith.constant 0 : i32
          %dma_start3A_1063 = arith.constant 0 : i32
          %dma_start3A_1064 = tpu.memref_slice %arg2[%dma_start3A_1062, %dma_start3A_1063] : memref<10000x16xf32, #tpu.memory_space<hbm>> -> memref<10000x16xf32, #tpu.memory_space<hbm>>
          tpu.enqueue_indirect_dma source(%dma_start3A_1064 : memref<10000x16xf32, #tpu.memory_space<hbm>>) target(%dma_start3A_1058 : memref<128x16xf32, #tpu.memory_space<vmem>>) offsets(%dma_start3A_1061 : memref<128xi32, #tpu.memory_space<vmem>>) semaphore(%arg22 : memref<!tpu.dma_semaphore, #tpu.memory_space<semaphore_mem>>)
          %mul3A_1065 = arith.constant 4 : i32
          %mul3A_1066 = arith.muli %add3A_1025, %mul3A_1065 : i32
          %add3A_1067 = arith.constant 3 : i32
          %add3A_1068 = arith.addi %mul3A_1066, %add3A_1067 : i32
          %dma_start3A_1069 = arith.constant 384 : i32
          %dma_start3A_1070 = arith.constant 0 : i32
          %dma_start3A_1071 = tpu.memref_slice %arg17[%dma_start3A_1069, %dma_start3A_1070] : memref<512x16xf32, #tpu.memory_space<vmem>> -> memref<128x16xf32, #tpu.memory_space<vmem>>
          %dma_start3A_1072 = arith.constant 0 : i32
          %dma_start3A_1073 = tpu.memref_slice %arg10[%add3A_1068, %dma_start3A_1072] : memref<80x128xi32, #tpu.memory_space<vmem>> -> memref<1x128xi32, #tpu.memory_space<vmem>>
          %dma_start3A_1074 = tpu.memref_squeeze %dma_start3A_1073 : memref<1x128xi32, #tpu.memory_space<vmem>> -> memref<128xi32, #tpu.memory_space<vmem>>
          %dma_start3A_1075 = arith.constant 0 : i32
          %dma_start3A_1076 = arith.constant 0 : i32
          %dma_start3A_1077 = tpu.memref_slice %arg2[%dma_start3A_1075, %dma_start3A_1076] : memref<10000x16xf32, #tpu.memory_space<hbm>> -> memref<10000x16xf32, #tpu.memory_space<hbm>>
          tpu.enqueue_indirect_dma source(%dma_start3A_1077 : memref<10000x16xf32, #tpu.memory_space<hbm>>) target(%dma_start3A_1071 : memref<128x16xf32, #tpu.memory_space<vmem>>) offsets(%dma_start3A_1074 : memref<128xi32, #tpu.memory_space<vmem>>) semaphore(%arg22 : memref<!tpu.dma_semaphore, #tpu.memory_space<semaphore_mem>>)
        } else {
        }
      } else {
      }
    }
    %scan3A_98 = arith.constant 10 : i32
    %barrier3A_99 = arith.constant 0 : index
    tpu.barrier barrier_id(%barrier3A_99)
    %mul3A_100 = arith.constant 632 : i32
    %mul3A_101 = arith.muli %arg1, %mul3A_100 : i32
    "tpu.region"() ({
      %run_scoped3A = tpu.sem_alloc : memref<!tpu.dma_semaphore, #tpu.memory_space<semaphore_mem>>
      %dma_start3A_108 = arith.constant 0 : i32
      %dma_start3A_109 = tpu.memref_slice %arg19[%mul3A_101, %dma_start3A_108] : memref<10112x16xf32, #tpu.memory_space<vmem_shared>> -> memref<632x16xf32, #tpu.memory_space<vmem_shared>>
      %dma_start3A_110 = arith.constant 0 : i32
      %dma_start3A_111 = tpu.memref_slice %arg19[%mul3A_101, %dma_start3A_110] : memref<10112x16xf32, #tpu.memory_space<vmem_shared>> -> memref<632x16xf32, #tpu.memory_space<vmem_shared>>
      tpu.enqueue_dma source(%dma_start3A_111 : memref<632x16xf32, #tpu.memory_space<vmem_shared>>) target(%arg18 : memref<632x16xf32, #tpu.memory_space<vmem>>) target_semaphore(%run_scoped3A : memref<!tpu.dma_semaphore, #tpu.memory_space<semaphore_mem>>)
      %dma_wait3A = arith.constant 0 : i32
      %dma_wait3A_112 = tpu.memref_slice %arg19[%mul3A_101, %dma_wait3A] : memref<10112x16xf32, #tpu.memory_space<vmem_shared>> -> memref<632x16xf32, #tpu.memory_space<vmem_shared>>
      %dma_wait3A_113 = arith.constant 0 : i32
      %dma_wait3A_114 = tpu.memref_slice %arg19[%mul3A_101, %dma_wait3A_113] : memref<10112x16xf32, #tpu.memory_space<vmem_shared>> -> memref<632x16xf32, #tpu.memory_space<vmem_shared>>
      tpu.wait_dma2 semaphore(%run_scoped3A : memref<!tpu.dma_semaphore, #tpu.memory_space<semaphore_mem>>) src(%dma_wait3A_114 : memref<632x16xf32, #tpu.memory_space<vmem_shared>>) dst(%arg18 : memref<632x16xf32, #tpu.memory_space<vmem>>)
      tpu.yield
    }) : () -> ()
    %mul3A_102 = arith.constant 632 : i32
    %mul3A_103 = arith.muli %arg1, %mul3A_102 : i32
    "tpu.region"() ({
      %run_scoped3A = tpu.sem_alloc : memref<!tpu.dma_semaphore, #tpu.memory_space<semaphore_mem>>
      %dma_start3A_108 = arith.constant 0 : i32
      %dma_start3A_109 = tpu.memref_slice %arg8[%arg0, %mul3A_103, %dma_start3A_108] : memref<2x10112x16xf32, #tpu.memory_space<hbm>> -> memref<1x632x16xf32, #tpu.memory_space<hbm>>
      %dma_start3A_110 = tpu.memref_squeeze %dma_start3A_109 : memref<1x632x16xf32, #tpu.memory_space<hbm>> -> memref<632x16xf32, #tpu.memory_space<hbm>>
      %dma_start3A_111 = arith.constant 0 : i32
      %dma_start3A_112 = tpu.memref_slice %arg8[%arg0, %mul3A_103, %dma_start3A_111] : memref<2x10112x16xf32, #tpu.memory_space<hbm>> -> memref<1x632x16xf32, #tpu.memory_space<hbm>>
      %dma_start3A_113 = tpu.memref_squeeze %dma_start3A_112 : memref<1x632x16xf32, #tpu.memory_space<hbm>> -> memref<632x16xf32, #tpu.memory_space<hbm>>
      tpu.enqueue_dma source(%arg18 : memref<632x16xf32, #tpu.memory_space<vmem>>) target(%dma_start3A_113 : memref<632x16xf32, #tpu.memory_space<hbm>>) target_semaphore(%run_scoped3A : memref<!tpu.dma_semaphore, #tpu.memory_space<semaphore_mem>>)
      %dma_wait3A = arith.constant 0 : i32
      %dma_wait3A_114 = tpu.memref_slice %arg8[%arg0, %mul3A_103, %dma_wait3A] : memref<2x10112x16xf32, #tpu.memory_space<hbm>> -> memref<1x632x16xf32, #tpu.memory_space<hbm>>
      %dma_wait3A_115 = tpu.memref_squeeze %dma_wait3A_114 : memref<1x632x16xf32, #tpu.memory_space<hbm>> -> memref<632x16xf32, #tpu.memory_space<hbm>>
      %dma_wait3A_116 = arith.constant 0 : i32
      %dma_wait3A_117 = tpu.memref_slice %arg8[%arg0, %mul3A_103, %dma_wait3A_116] : memref<2x10112x16xf32, #tpu.memory_space<hbm>> -> memref<1x632x16xf32, #tpu.memory_space<hbm>>
      %dma_wait3A_118 = tpu.memref_squeeze %dma_wait3A_117 : memref<1x632x16xf32, #tpu.memory_space<hbm>> -> memref<632x16xf32, #tpu.memory_space<hbm>>
      tpu.wait_dma2 semaphore(%run_scoped3A : memref<!tpu.dma_semaphore, #tpu.memory_space<semaphore_mem>>) src(%arg18 : memref<632x16xf32, #tpu.memory_space<vmem>>) dst(%dma_wait3A_118 : memref<632x16xf32, #tpu.memory_space<hbm>>)
      tpu.yield
    }) : () -> ()
    %mul3A_104 = arith.constant 632 : i32
    %mul3A_105 = arith.muli %arg1, %mul3A_104 : i32
    "tpu.region"() ({
      %run_scoped3A = tpu.sem_alloc : memref<!tpu.dma_semaphore, #tpu.memory_space<semaphore_mem>>
      %dma_start3A_108 = arith.constant 0 : i32
      %dma_start3A_109 = tpu.memref_slice %arg20[%mul3A_105, %dma_start3A_108] : memref<10112x16xf32, #tpu.memory_space<vmem_shared>> -> memref<632x16xf32, #tpu.memory_space<vmem_shared>>
      %dma_start3A_110 = arith.constant 0 : i32
      %dma_start3A_111 = tpu.memref_slice %arg20[%mul3A_105, %dma_start3A_110] : memref<10112x16xf32, #tpu.memory_space<vmem_shared>> -> memref<632x16xf32, #tpu.memory_space<vmem_shared>>
      tpu.enqueue_dma source(%dma_start3A_111 : memref<632x16xf32, #tpu.memory_space<vmem_shared>>) target(%arg18 : memref<632x16xf32, #tpu.memory_space<vmem>>) target_semaphore(%run_scoped3A : memref<!tpu.dma_semaphore, #tpu.memory_space<semaphore_mem>>)
      %dma_wait3A = arith.constant 0 : i32
      %dma_wait3A_112 = tpu.memref_slice %arg20[%mul3A_105, %dma_wait3A] : memref<10112x16xf32, #tpu.memory_space<vmem_shared>> -> memref<632x16xf32, #tpu.memory_space<vmem_shared>>
      %dma_wait3A_113 = arith.constant 0 : i32
      %dma_wait3A_114 = tpu.memref_slice %arg20[%mul3A_105, %dma_wait3A_113] : memref<10112x16xf32, #tpu.memory_space<vmem_shared>> -> memref<632x16xf32, #tpu.memory_space<vmem_shared>>
      tpu.wait_dma2 semaphore(%run_scoped3A : memref<!tpu.dma_semaphore, #tpu.memory_space<semaphore_mem>>) src(%dma_wait3A_114 : memref<632x16xf32, #tpu.memory_space<vmem_shared>>) dst(%arg18 : memref<632x16xf32, #tpu.memory_space<vmem>>)
      tpu.yield
    }) : () -> ()
    %mul3A_106 = arith.constant 632 : i32
    %mul3A_107 = arith.muli %arg1, %mul3A_106 : i32
    "tpu.region"() ({
      %run_scoped3A = tpu.sem_alloc : memref<!tpu.dma_semaphore, #tpu.memory_space<semaphore_mem>>
      %dma_start3A_108 = arith.constant 0 : i32
      %dma_start3A_109 = tpu.memref_slice %arg9[%arg0, %mul3A_107, %dma_start3A_108] : memref<2x10112x16xf32, #tpu.memory_space<hbm>> -> memref<1x632x16xf32, #tpu.memory_space<hbm>>
      %dma_start3A_110 = tpu.memref_squeeze %dma_start3A_109 : memref<1x632x16xf32, #tpu.memory_space<hbm>> -> memref<632x16xf32, #tpu.memory_space<hbm>>
      %dma_start3A_111 = arith.constant 0 : i32
      %dma_start3A_112 = tpu.memref_slice %arg9[%arg0, %mul3A_107, %dma_start3A_111] : memref<2x10112x16xf32, #tpu.memory_space<hbm>> -> memref<1x632x16xf32, #tpu.memory_space<hbm>>
      %dma_start3A_113 = tpu.memref_squeeze %dma_start3A_112 : memref<1x632x16xf32, #tpu.memory_space<hbm>> -> memref<632x16xf32, #tpu.memory_space<hbm>>
      tpu.enqueue_dma source(%arg18 : memref<632x16xf32, #tpu.memory_space<vmem>>) target(%dma_start3A_113 : memref<632x16xf32, #tpu.memory_space<hbm>>) target_semaphore(%run_scoped3A : memref<!tpu.dma_semaphore, #tpu.memory_space<semaphore_mem>>)
      %dma_wait3A = arith.constant 0 : i32
      %dma_wait3A_114 = tpu.memref_slice %arg9[%arg0, %mul3A_107, %dma_wait3A] : memref<2x10112x16xf32, #tpu.memory_space<hbm>> -> memref<1x632x16xf32, #tpu.memory_space<hbm>>
      %dma_wait3A_115 = tpu.memref_squeeze %dma_wait3A_114 : memref<1x632x16xf32, #tpu.memory_space<hbm>> -> memref<632x16xf32, #tpu.memory_space<hbm>>
      %dma_wait3A_116 = arith.constant 0 : i32
      %dma_wait3A_117 = tpu.memref_slice %arg9[%arg0, %mul3A_107, %dma_wait3A_116] : memref<2x10112x16xf32, #tpu.memory_space<hbm>> -> memref<1x632x16xf32, #tpu.memory_space<hbm>>
      %dma_wait3A_118 = tpu.memref_squeeze %dma_wait3A_117 : memref<1x632x16xf32, #tpu.memory_space<hbm>> -> memref<632x16xf32, #tpu.memory_space<hbm>>
      tpu.wait_dma2 semaphore(%run_scoped3A : memref<!tpu.dma_semaphore, #tpu.memory_space<semaphore_mem>>) src(%arg18 : memref<632x16xf32, #tpu.memory_space<vmem>>) dst(%dma_wait3A_118 : memref<632x16xf32, #tpu.memory_space<hbm>>)
      tpu.yield
    }) : () -> ()
    return
  }
}

module attributes {stable_mosaic.version = 14 : i64} {
  func.func @_prep_body(%arg0: memref<1250x1024xf32, #tpu.memory_space<vmem>>, %arg1: memref<128x16xf32, #tpu.memory_space<vmem>>, %arg2: memref<128x16xf32, #tpu.memory_space<vmem>>, %arg3: memref<1x16xf32, #tpu.memory_space<vmem>>, %arg4: memref<1x64xf32, #tpu.memory_space<vmem>>, %arg5: memref<64x64xf32, #tpu.memory_space<vmem>>, %arg6: memref<1x64xf32, #tpu.memory_space<vmem>>, %arg7: memref<1250x128xf32, #tpu.memory_space<vmem>>, %arg8: memref<1250x128xf32, #tpu.memory_space<vmem>>, %arg9: memref<1x64xf32, #tpu.memory_space<vmem>>) attributes {dimension_semantics = [], scalar_prefetch = 0 : i64, scratch_operands = 0 : i64, tpu.core_type = #tpu.core_type<tc>} {
    %get3A = arith.constant 0 : index
    %get3A_0 = arith.constant 0 : index
    %get3A_1 = vector.load %arg0[%get3A, %get3A_0] : memref<1250x1024xf32, #tpu.memory_space<vmem>>, vector<1250x1024xf32>
    %get3A_2 = arith.constant 0 : index
    %get3A_3 = arith.constant 0 : index
    %get3A_4 = vector.load %arg1[%get3A_2, %get3A_3] : memref<128x16xf32, #tpu.memory_space<vmem>>, vector<128x16xf32>
    %get3A_5 = arith.constant 0 : index
    %get3A_6 = arith.constant 0 : index
    %get3A_7 = vector.load %arg2[%get3A_5, %get3A_6] : memref<128x16xf32, #tpu.memory_space<vmem>>, vector<128x16xf32>
    %get3A_8 = arith.constant 0 : index
    %get3A_9 = arith.constant 0 : index
    %get3A_10 = vector.load %arg3[%get3A_8, %get3A_9] : memref<1x16xf32, #tpu.memory_space<vmem>>, vector<1x16xf32>
    %slice3A = vector.extract_strided_slice %get3A_1 {offsets = [0, 0], sizes = [1250, 128], strides = [1, 1]} : vector<1250x1024xf32> to vector<1250x128xf32>
    %dot_general3A = arith.constant dense<0.000000e+00> : vector<1250x16xf32>
    %dot_general3A_11 = tpu.matmul %slice3A, %get3A_4, %dot_general3A {dimension_numbers = #tpu.dot_dimension_numbers<[1], [0], [0], [1], [0, 0, 1, 1], [], []>, transpose_lhs_hint = false} : vector<1250x128xf32>, vector<128x16xf32>, vector<1250x16xf32> -> vector<1250x16xf32>
    %swap3A = arith.constant 0 : index
    %swap3A_12 = arith.constant 0 : index
    %swap3A_13 = vector.load %arg7[%swap3A, %swap3A_12] : memref<1250x128xf32, #tpu.memory_space<vmem>>, vector<1250x16xf32>
    tpu.vector_store %arg7[%swap3A, %swap3A_12], %dot_general3A_11 {strides = array<i32>} : memref<1250x128xf32, #tpu.memory_space<vmem>>, vector<1250x16xf32>,
    %dot_general3A_14 = arith.constant dense<0.000000e+00> : vector<1250x16xf32>
    %dot_general3A_15 = tpu.matmul %slice3A, %get3A_7, %dot_general3A_14 {dimension_numbers = #tpu.dot_dimension_numbers<[1], [0], [0], [1], [0, 0, 1, 1], [], []>, transpose_lhs_hint = false} : vector<1250x128xf32>, vector<128x16xf32>, vector<1250x16xf32> -> vector<1250x16xf32>
    %add3A = vector.broadcast %get3A_10 : vector<1x16xf32> to vector<1250x16xf32>
    %add3A_16 = arith.addf %dot_general3A_15, %add3A : vector<1250x16xf32>
    %swap3A_17 = arith.constant 0 : index
    %swap3A_18 = arith.constant 0 : index
    %swap3A_19 = vector.load %arg8[%swap3A_17, %swap3A_18] : memref<1250x128xf32, #tpu.memory_space<vmem>>, vector<1250x16xf32>
    tpu.vector_store %arg8[%swap3A_17, %swap3A_18], %add3A_16 {strides = array<i32>} : memref<1250x128xf32, #tpu.memory_space<vmem>>, vector<1250x16xf32>,
    %slice3A_20 = vector.extract_strided_slice %get3A_1 {offsets = [0, 128], sizes = [1250, 128], strides = [1, 1]} : vector<1250x1024xf32> to vector<1250x128xf32>
    %dot_general3A_21 = arith.constant dense<0.000000e+00> : vector<1250x16xf32>
    %dot_general3A_22 = tpu.matmul %slice3A_20, %get3A_4, %dot_general3A_21 {dimension_numbers = #tpu.dot_dimension_numbers<[1], [0], [0], [1], [0, 0, 1, 1], [], []>, transpose_lhs_hint = false} : vector<1250x128xf32>, vector<128x16xf32>, vector<1250x16xf32> -> vector<1250x16xf32>
    %swap3A_23 = arith.constant 0 : index
    %swap3A_24 = arith.constant 16 : index
    %swap3A_25 = vector.load %arg7[%swap3A_23, %swap3A_24] : memref<1250x128xf32, #tpu.memory_space<vmem>>, vector<1250x16xf32>
    tpu.vector_store %arg7[%swap3A_23, %swap3A_24], %dot_general3A_22 {strides = array<i32>} : memref<1250x128xf32, #tpu.memory_space<vmem>>, vector<1250x16xf32>,
    %dot_general3A_26 = arith.constant dense<0.000000e+00> : vector<1250x16xf32>
    %dot_general3A_27 = tpu.matmul %slice3A_20, %get3A_7, %dot_general3A_26 {dimension_numbers = #tpu.dot_dimension_numbers<[1], [0], [0], [1], [0, 0, 1, 1], [], []>, transpose_lhs_hint = false} : vector<1250x128xf32>, vector<128x16xf32>, vector<1250x16xf32> -> vector<1250x16xf32>
    %add3A_28 = vector.broadcast %get3A_10 : vector<1x16xf32> to vector<1250x16xf32>
    %add3A_29 = arith.addf %dot_general3A_27, %add3A_28 : vector<1250x16xf32>
    %swap3A_30 = arith.constant 0 : index
    %swap3A_31 = arith.constant 16 : index
    %swap3A_32 = vector.load %arg8[%swap3A_30, %swap3A_31] : memref<1250x128xf32, #tpu.memory_space<vmem>>, vector<1250x16xf32>
    tpu.vector_store %arg8[%swap3A_30, %swap3A_31], %add3A_29 {strides = array<i32>} : memref<1250x128xf32, #tpu.memory_space<vmem>>, vector<1250x16xf32>,
    %slice3A_33 = vector.extract_strided_slice %get3A_1 {offsets = [0, 256], sizes = [1250, 128], strides = [1, 1]} : vector<1250x1024xf32> to vector<1250x128xf32>
    %dot_general3A_34 = arith.constant dense<0.000000e+00> : vector<1250x16xf32>
    %dot_general3A_35 = tpu.matmul %slice3A_33, %get3A_4, %dot_general3A_34 {dimension_numbers = #tpu.dot_dimension_numbers<[1], [0], [0], [1], [0, 0, 1, 1], [], []>, transpose_lhs_hint = false} : vector<1250x128xf32>, vector<128x16xf32>, vector<1250x16xf32> -> vector<1250x16xf32>
    %swap3A_36 = arith.constant 0 : index
    %swap3A_37 = arith.constant 32 : index
    %swap3A_38 = vector.load %arg7[%swap3A_36, %swap3A_37] : memref<1250x128xf32, #tpu.memory_space<vmem>>, vector<1250x16xf32>
    tpu.vector_store %arg7[%swap3A_36, %swap3A_37], %dot_general3A_35 {strides = array<i32>} : memref<1250x128xf32, #tpu.memory_space<vmem>>, vector<1250x16xf32>,
    %dot_general3A_39 = arith.constant dense<0.000000e+00> : vector<1250x16xf32>
    %dot_general3A_40 = tpu.matmul %slice3A_33, %get3A_7, %dot_general3A_39 {dimension_numbers = #tpu.dot_dimension_numbers<[1], [0], [0], [1], [0, 0, 1, 1], [], []>, transpose_lhs_hint = false} : vector<1250x128xf32>, vector<128x16xf32>, vector<1250x16xf32> -> vector<1250x16xf32>
    %add3A_41 = vector.broadcast %get3A_10 : vector<1x16xf32> to vector<1250x16xf32>
    %add3A_42 = arith.addf %dot_general3A_40, %add3A_41 : vector<1250x16xf32>
    %swap3A_43 = arith.constant 0 : index
    %swap3A_44 = arith.constant 32 : index
    %swap3A_45 = vector.load %arg8[%swap3A_43, %swap3A_44] : memref<1250x128xf32, #tpu.memory_space<vmem>>, vector<1250x16xf32>
    tpu.vector_store %arg8[%swap3A_43, %swap3A_44], %add3A_42 {strides = array<i32>} : memref<1250x128xf32, #tpu.memory_space<vmem>>, vector<1250x16xf32>,
    %slice3A_46 = vector.extract_strided_slice %get3A_1 {offsets = [0, 384], sizes = [1250, 128], strides = [1, 1]} : vector<1250x1024xf32> to vector<1250x128xf32>
    %dot_general3A_47 = arith.constant dense<0.000000e+00> : vector<1250x16xf32>
    %dot_general3A_48 = tpu.matmul %slice3A_46, %get3A_4, %dot_general3A_47 {dimension_numbers = #tpu.dot_dimension_numbers<[1], [0], [0], [1], [0, 0, 1, 1], [], []>, transpose_lhs_hint = false} : vector<1250x128xf32>, vector<128x16xf32>, vector<1250x16xf32> -> vector<1250x16xf32>
    %swap3A_49 = arith.constant 0 : index
    %swap3A_50 = arith.constant 48 : index
    %swap3A_51 = vector.load %arg7[%swap3A_49, %swap3A_50] : memref<1250x128xf32, #tpu.memory_space<vmem>>, vector<1250x16xf32>
    tpu.vector_store %arg7[%swap3A_49, %swap3A_50], %dot_general3A_48 {strides = array<i32>} : memref<1250x128xf32, #tpu.memory_space<vmem>>, vector<1250x16xf32>,
    %dot_general3A_52 = arith.constant dense<0.000000e+00> : vector<1250x16xf32>
    %dot_general3A_53 = tpu.matmul %slice3A_46, %get3A_7, %dot_general3A_52 {dimension_numbers = #tpu.dot_dimension_numbers<[1], [0], [0], [1], [0, 0, 1, 1], [], []>, transpose_lhs_hint = false} : vector<1250x128xf32>, vector<128x16xf32>, vector<1250x16xf32> -> vector<1250x16xf32>
    %add3A_54 = vector.broadcast %get3A_10 : vector<1x16xf32> to vector<1250x16xf32>
    %add3A_55 = arith.addf %dot_general3A_53, %add3A_54 : vector<1250x16xf32>
    %swap3A_56 = arith.constant 0 : index
    %swap3A_57 = arith.constant 48 : index
    %swap3A_58 = vector.load %arg8[%swap3A_56, %swap3A_57] : memref<1250x128xf32, #tpu.memory_space<vmem>>, vector<1250x16xf32>
    tpu.vector_store %arg8[%swap3A_56, %swap3A_57], %add3A_55 {strides = array<i32>} : memref<1250x128xf32, #tpu.memory_space<vmem>>, vector<1250x16xf32>,
    %slice3A_59 = vector.extract_strided_slice %get3A_1 {offsets = [0, 512], sizes = [1250, 128], strides = [1, 1]} : vector<1250x1024xf32> to vector<1250x128xf32>
    %dot_general3A_60 = arith.constant dense<0.000000e+00> : vector<1250x16xf32>
    %dot_general3A_61 = tpu.matmul %slice3A_59, %get3A_4, %dot_general3A_60 {dimension_numbers = #tpu.dot_dimension_numbers<[1], [0], [0], [1], [0, 0, 1, 1], [], []>, transpose_lhs_hint = false} : vector<1250x128xf32>, vector<128x16xf32>, vector<1250x16xf32> -> vector<1250x16xf32>
    %swap3A_62 = arith.constant 0 : index
    %swap3A_63 = arith.constant 64 : index
    %swap3A_64 = vector.load %arg7[%swap3A_62, %swap3A_63] : memref<1250x128xf32, #tpu.memory_space<vmem>>, vector<1250x16xf32>
    tpu.vector_store %arg7[%swap3A_62, %swap3A_63], %dot_general3A_61 {strides = array<i32>} : memref<1250x128xf32, #tpu.memory_space<vmem>>, vector<1250x16xf32>,
    %dot_general3A_65 = arith.constant dense<0.000000e+00> : vector<1250x16xf32>
    %dot_general3A_66 = tpu.matmul %slice3A_59, %get3A_7, %dot_general3A_65 {dimension_numbers = #tpu.dot_dimension_numbers<[1], [0], [0], [1], [0, 0, 1, 1], [], []>, transpose_lhs_hint = false} : vector<1250x128xf32>, vector<128x16xf32>, vector<1250x16xf32> -> vector<1250x16xf32>
    %add3A_67 = vector.broadcast %get3A_10 : vector<1x16xf32> to vector<1250x16xf32>
    %add3A_68 = arith.addf %dot_general3A_66, %add3A_67 : vector<1250x16xf32>
    %swap3A_69 = arith.constant 0 : index
    %swap3A_70 = arith.constant 64 : index
    %swap3A_71 = vector.load %arg8[%swap3A_69, %swap3A_70] : memref<1250x128xf32, #tpu.memory_space<vmem>>, vector<1250x16xf32>
    tpu.vector_store %arg8[%swap3A_69, %swap3A_70], %add3A_68 {strides = array<i32>} : memref<1250x128xf32, #tpu.memory_space<vmem>>, vector<1250x16xf32>,
    %slice3A_72 = vector.extract_strided_slice %get3A_1 {offsets = [0, 640], sizes = [1250, 128], strides = [1, 1]} : vector<1250x1024xf32> to vector<1250x128xf32>
    %dot_general3A_73 = arith.constant dense<0.000000e+00> : vector<1250x16xf32>
    %dot_general3A_74 = tpu.matmul %slice3A_72, %get3A_4, %dot_general3A_73 {dimension_numbers = #tpu.dot_dimension_numbers<[1], [0], [0], [1], [0, 0, 1, 1], [], []>, transpose_lhs_hint = false} : vector<1250x128xf32>, vector<128x16xf32>, vector<1250x16xf32> -> vector<1250x16xf32>
    %swap3A_75 = arith.constant 0 : index
    %swap3A_76 = arith.constant 80 : index
    %swap3A_77 = vector.load %arg7[%swap3A_75, %swap3A_76] : memref<1250x128xf32, #tpu.memory_space<vmem>>, vector<1250x16xf32>
    tpu.vector_store %arg7[%swap3A_75, %swap3A_76], %dot_general3A_74 {strides = array<i32>} : memref<1250x128xf32, #tpu.memory_space<vmem>>, vector<1250x16xf32>,
    %dot_general3A_78 = arith.constant dense<0.000000e+00> : vector<1250x16xf32>
    %dot_general3A_79 = tpu.matmul %slice3A_72, %get3A_7, %dot_general3A_78 {dimension_numbers = #tpu.dot_dimension_numbers<[1], [0], [0], [1], [0, 0, 1, 1], [], []>, transpose_lhs_hint = false} : vector<1250x128xf32>, vector<128x16xf32>, vector<1250x16xf32> -> vector<1250x16xf32>
    %add3A_80 = vector.broadcast %get3A_10 : vector<1x16xf32> to vector<1250x16xf32>
    %add3A_81 = arith.addf %dot_general3A_79, %add3A_80 : vector<1250x16xf32>
    %swap3A_82 = arith.constant 0 : index
    %swap3A_83 = arith.constant 80 : index
    %swap3A_84 = vector.load %arg8[%swap3A_82, %swap3A_83] : memref<1250x128xf32, #tpu.memory_space<vmem>>, vector<1250x16xf32>
    tpu.vector_store %arg8[%swap3A_82, %swap3A_83], %add3A_81 {strides = array<i32>} : memref<1250x128xf32, #tpu.memory_space<vmem>>, vector<1250x16xf32>,
    %slice3A_85 = vector.extract_strided_slice %get3A_1 {offsets = [0, 768], sizes = [1250, 128], strides = [1, 1]} : vector<1250x1024xf32> to vector<1250x128xf32>
    %dot_general3A_86 = arith.constant dense<0.000000e+00> : vector<1250x16xf32>
    %dot_general3A_87 = tpu.matmul %slice3A_85, %get3A_4, %dot_general3A_86 {dimension_numbers = #tpu.dot_dimension_numbers<[1], [0], [0], [1], [0, 0, 1, 1], [], []>, transpose_lhs_hint = false} : vector<1250x128xf32>, vector<128x16xf32>, vector<1250x16xf32> -> vector<1250x16xf32>
    %swap3A_88 = arith.constant 0 : index
    %swap3A_89 = arith.constant 96 : index
    %swap3A_90 = vector.load %arg7[%swap3A_88, %swap3A_89] : memref<1250x128xf32, #tpu.memory_space<vmem>>, vector<1250x16xf32>
    tpu.vector_store %arg7[%swap3A_88, %swap3A_89], %dot_general3A_87 {strides = array<i32>} : memref<1250x128xf32, #tpu.memory_space<vmem>>, vector<1250x16xf32>,
    %dot_general3A_91 = arith.constant dense<0.000000e+00> : vector<1250x16xf32>
    %dot_general3A_92 = tpu.matmul %slice3A_85, %get3A_7, %dot_general3A_91 {dimension_numbers = #tpu.dot_dimension_numbers<[1], [0], [0], [1], [0, 0, 1, 1], [], []>, transpose_lhs_hint = false} : vector<1250x128xf32>, vector<128x16xf32>, vector<1250x16xf32> -> vector<1250x16xf32>
    %add3A_93 = vector.broadcast %get3A_10 : vector<1x16xf32> to vector<1250x16xf32>
    %add3A_94 = arith.addf %dot_general3A_92, %add3A_93 : vector<1250x16xf32>
    %swap3A_95 = arith.constant 0 : index
    %swap3A_96 = arith.constant 96 : index
    %swap3A_97 = vector.load %arg8[%swap3A_95, %swap3A_96] : memref<1250x128xf32, #tpu.memory_space<vmem>>, vector<1250x16xf32>
    tpu.vector_store %arg8[%swap3A_95, %swap3A_96], %add3A_94 {strides = array<i32>} : memref<1250x128xf32, #tpu.memory_space<vmem>>, vector<1250x16xf32>,
    %slice3A_98 = vector.extract_strided_slice %get3A_1 {offsets = [0, 896], sizes = [1250, 128], strides = [1, 1]} : vector<1250x1024xf32> to vector<1250x128xf32>
    %dot_general3A_99 = arith.constant dense<0.000000e+00> : vector<1250x16xf32>
    %dot_general3A_100 = tpu.matmul %slice3A_98, %get3A_4, %dot_general3A_99 {dimension_numbers = #tpu.dot_dimension_numbers<[1], [0], [0], [1], [0, 0, 1, 1], [], []>, transpose_lhs_hint = false} : vector<1250x128xf32>, vector<128x16xf32>, vector<1250x16xf32> -> vector<1250x16xf32>
    %swap3A_101 = arith.constant 0 : index
    %swap3A_102 = arith.constant 112 : index
    %swap3A_103 = vector.load %arg7[%swap3A_101, %swap3A_102] : memref<1250x128xf32, #tpu.memory_space<vmem>>, vector<1250x16xf32>
    tpu.vector_store %arg7[%swap3A_101, %swap3A_102], %dot_general3A_100 {strides = array<i32>} : memref<1250x128xf32, #tpu.memory_space<vmem>>, vector<1250x16xf32>,
    %dot_general3A_104 = arith.constant dense<0.000000e+00> : vector<1250x16xf32>
    %dot_general3A_105 = tpu.matmul %slice3A_98, %get3A_7, %dot_general3A_104 {dimension_numbers = #tpu.dot_dimension_numbers<[1], [0], [0], [1], [0, 0, 1, 1], [], []>, transpose_lhs_hint = false} : vector<1250x128xf32>, vector<128x16xf32>, vector<1250x16xf32> -> vector<1250x16xf32>
    %add3A_106 = vector.broadcast %get3A_10 : vector<1x16xf32> to vector<1250x16xf32>
    %add3A_107 = arith.addf %dot_general3A_105, %add3A_106 : vector<1250x16xf32>
    %swap3A_108 = arith.constant 0 : index
    %swap3A_109 = arith.constant 112 : index
    %swap3A_110 = vector.load %arg8[%swap3A_108, %swap3A_109] : memref<1250x128xf32, #tpu.memory_space<vmem>>, vector<1250x16xf32>
    tpu.vector_store %arg8[%swap3A_108, %swap3A_109], %add3A_107 {strides = array<i32>} : memref<1250x128xf32, #tpu.memory_space<vmem>>, vector<1250x16xf32>,
    %get3A_111 = arith.constant 0 : index
    %get3A_112 = arith.constant 0 : index
    %get3A_113 = vector.load %arg4[%get3A_111, %get3A_112] : memref<1x64xf32, #tpu.memory_space<vmem>>, vector<1x64xf32>
    %get3A_114 = arith.constant 0 : index
    %get3A_115 = arith.constant 0 : index
    %get3A_116 = vector.load %arg5[%get3A_114, %get3A_115] : memref<64x64xf32, #tpu.memory_space<vmem>>, vector<64x64xf32>
    %dot_general3A_117 = arith.constant dense<0.000000e+00> : vector<1x64xf32>
    %dot_general3A_118 = tpu.matmul %get3A_113, %get3A_116, %dot_general3A_117 {dimension_numbers = #tpu.dot_dimension_numbers<[1], [0], [0], [1], [0, 0, 1, 1], [], []>, transpose_lhs_hint = false} : vector<1x64xf32>, vector<64x64xf32>, vector<1x64xf32> -> vector<1x64xf32>
    %get3A_119 = arith.constant 0 : index
    %get3A_120 = arith.constant 0 : index
    %get3A_121 = vector.load %arg6[%get3A_119, %get3A_120] : memref<1x64xf32, #tpu.memory_space<vmem>>, vector<1x64xf32>
    %add3A_122 = arith.addf %dot_general3A_118, %get3A_121 : vector<1x64xf32>
    %max3A = arith.constant 0.000000e+00 : f32
    %max3A_123 = vector.broadcast %max3A : f32 to vector<1x64xf32>
    %max3A_124 = arith.maximumf %add3A_122, %max3A_123 : vector<1x64xf32>
    %swap3A_125 = arith.constant 0 : index
    %swap3A_126 = arith.constant 0 : index
    %swap3A_127 = vector.load %arg9[%swap3A_125, %swap3A_126] : memref<1x64xf32, #tpu.memory_space<vmem>>, vector<1x64xf32>
    tpu.vector_store %arg9[%swap3A_125, %swap3A_126], %max3A_124 {strides = array<i32>} : memref<1x64xf32, #tpu.memory_space<vmem>>, vector<1x64xf32>,
    return
  }
}

module attributes {stable_mosaic.version = 14 : i64} {
  func.func @_ns_body(%arg0: memref<2x1264x128xf32, #tpu.memory_space<vmem>>, %arg1: memref<2x1264x128xf32, #tpu.memory_space<vmem>>, %arg2: memref<16x16xf32, #tpu.memory_space<vmem>>, %arg3: memref<1250x128xf32, #tpu.memory_space<vmem>>, %arg4: memref<1250x128xf32, #tpu.memory_space<vmem>>) attributes {dimension_semantics = [], scalar_prefetch = 0 : i64, scratch_operands = 0 : i64, tpu.core_type = #tpu.core_type<tc>} {
    %get3A = arith.constant 0 : index
    %get3A_0 = arith.constant 0 : index
    %get3A_1 = arith.constant 0 : index
    %get3A_2 = vector.load %arg0[%get3A, %get3A_0, %get3A_1] : memref<2x1264x128xf32, #tpu.memory_space<vmem>>, vector<2x1264x128xf32>
    %get3A_3 = arith.constant 0 : index
    %get3A_4 = arith.constant 0 : index
    %get3A_5 = arith.constant 0 : index
    %get3A_6 = vector.load %arg1[%get3A_3, %get3A_4, %get3A_5] : memref<2x1264x128xf32, #tpu.memory_space<vmem>>, vector<2x1264x128xf32>
    %get3A_7 = arith.constant 0 : index
    %get3A_8 = arith.constant 0 : index
    %get3A_9 = vector.load %arg2[%get3A_7, %get3A_8] : memref<16x16xf32, #tpu.memory_space<vmem>>, vector<16x16xf32>
    %slice3A = vector.extract_strided_slice %get3A_6 {offsets = [0, 0, 0], sizes = [1, 1250, 128], strides = [1, 1, 1]} : vector<2x1264x128xf32> to vector<1x1250x128xf32>
    %squeeze3A = vector.shape_cast %slice3A : vector<1x1250x128xf32> to vector<1250x128xf32>
    %slice3A_10 = vector.extract_strided_slice %get3A_6 {offsets = [1, 0, 0], sizes = [1, 1250, 128], strides = [1, 1, 1]} : vector<2x1264x128xf32> to vector<1x1250x128xf32>
    %squeeze3A_11 = vector.shape_cast %slice3A_10 : vector<1x1250x128xf32> to vector<1250x128xf32>
    %add3A = arith.addf %squeeze3A, %squeeze3A_11 : vector<1250x128xf32>
    %slice3A_12 = vector.extract_strided_slice %get3A_2 {offsets = [0, 0, 0], sizes = [1, 1250, 128], strides = [1, 1, 1]} : vector<2x1264x128xf32> to vector<1x1250x128xf32>
    %squeeze3A_13 = vector.shape_cast %slice3A_12 : vector<1x1250x128xf32> to vector<1250x128xf32>
    %slice3A_14 = vector.extract_strided_slice %get3A_2 {offsets = [1, 0, 0], sizes = [1, 1250, 128], strides = [1, 1, 1]} : vector<2x1264x128xf32> to vector<1x1250x128xf32>
    %squeeze3A_15 = vector.shape_cast %slice3A_14 : vector<1x1250x128xf32> to vector<1250x128xf32>
    %add3A_16 = arith.addf %squeeze3A_13, %squeeze3A_15 : vector<1250x128xf32>
    %get3A_17 = arith.constant 0 : index
    %get3A_18 = arith.constant 0 : index
    %get3A_19 = vector.load %arg3[%get3A_17, %get3A_18] : memref<1250x128xf32, #tpu.memory_space<vmem>>, vector<1250x128xf32>
    %add3A_20 = arith.addf %add3A_16, %get3A_19 : vector<1250x128xf32>
    %slice3A_21 = vector.extract_strided_slice %add3A {offsets = [0, 0], sizes = [1250, 16], strides = [1, 1]} : vector<1250x128xf32> to vector<1250x16xf32>
    %dot_general3A = arith.constant dense<0.000000e+00> : vector<1250x16xf32>
    %dot_general3A_22 = tpu.matmul %slice3A_21, %get3A_9, %dot_general3A {dimension_numbers = #tpu.dot_dimension_numbers<[1], [0], [0], [1], [0, 0, 1, 1], [], []>, transpose_lhs_hint = false} : vector<1250x16xf32>, vector<16x16xf32>, vector<1250x16xf32> -> vector<1250x16xf32>
    %slice3A_23 = vector.extract_strided_slice %add3A_20 {offsets = [0, 0], sizes = [1250, 16], strides = [1, 1]} : vector<1250x128xf32> to vector<1250x16xf32>
    %add3A_24 = arith.addf %slice3A_23, %dot_general3A_22 : vector<1250x16xf32>
    %max3A = arith.constant 0.000000e+00 : f32
    %max3A_25 = vector.broadcast %max3A : f32 to vector<1250x16xf32>
    %max3A_26 = arith.maximumf %add3A_24, %max3A_25 : vector<1250x16xf32>
    %swap3A = arith.constant 0 : index
    %swap3A_27 = arith.constant 0 : index
    %swap3A_28 = vector.load %arg4[%swap3A, %swap3A_27] : memref<1250x128xf32, #tpu.memory_space<vmem>>, vector<1250x16xf32>
    tpu.vector_store %arg4[%swap3A, %swap3A_27], %max3A_26 {strides = array<i32>} : memref<1250x128xf32, #tpu.memory_space<vmem>>, vector<1250x16xf32>,
    %slice3A_29 = vector.extract_strided_slice %add3A {offsets = [0, 16], sizes = [1250, 16], strides = [1, 1]} : vector<1250x128xf32> to vector<1250x16xf32>
    %dot_general3A_30 = arith.constant dense<0.000000e+00> : vector<1250x16xf32>
    %dot_general3A_31 = tpu.matmul %slice3A_29, %get3A_9, %dot_general3A_30 {dimension_numbers = #tpu.dot_dimension_numbers<[1], [0], [0], [1], [0, 0, 1, 1], [], []>, transpose_lhs_hint = false} : vector<1250x16xf32>, vector<16x16xf32>, vector<1250x16xf32> -> vector<1250x16xf32>
    %slice3A_32 = vector.extract_strided_slice %add3A_20 {offsets = [0, 16], sizes = [1250, 16], strides = [1, 1]} : vector<1250x128xf32> to vector<1250x16xf32>
    %add3A_33 = arith.addf %slice3A_32, %dot_general3A_31 : vector<1250x16xf32>
    %max3A_34 = arith.constant 0.000000e+00 : f32
    %max3A_35 = vector.broadcast %max3A_34 : f32 to vector<1250x16xf32>
    %max3A_36 = arith.maximumf %add3A_33, %max3A_35 : vector<1250x16xf32>
    %swap3A_37 = arith.constant 0 : index
    %swap3A_38 = arith.constant 16 : index
    %swap3A_39 = vector.load %arg4[%swap3A_37, %swap3A_38] : memref<1250x128xf32, #tpu.memory_space<vmem>>, vector<1250x16xf32>
    tpu.vector_store %arg4[%swap3A_37, %swap3A_38], %max3A_36 {strides = array<i32>} : memref<1250x128xf32, #tpu.memory_space<vmem>>, vector<1250x16xf32>,
    %slice3A_40 = vector.extract_strided_slice %add3A {offsets = [0, 32], sizes = [1250, 16], strides = [1, 1]} : vector<1250x128xf32> to vector<1250x16xf32>
    %dot_general3A_41 = arith.constant dense<0.000000e+00> : vector<1250x16xf32>
    %dot_general3A_42 = tpu.matmul %slice3A_40, %get3A_9, %dot_general3A_41 {dimension_numbers = #tpu.dot_dimension_numbers<[1], [0], [0], [1], [0, 0, 1, 1], [], []>, transpose_lhs_hint = false} : vector<1250x16xf32>, vector<16x16xf32>, vector<1250x16xf32> -> vector<1250x16xf32>
    %slice3A_43 = vector.extract_strided_slice %add3A_20 {offsets = [0, 32], sizes = [1250, 16], strides = [1, 1]} : vector<1250x128xf32> to vector<1250x16xf32>
    %add3A_44 = arith.addf %slice3A_43, %dot_general3A_42 : vector<1250x16xf32>
    %max3A_45 = arith.constant 0.000000e+00 : f32
    %max3A_46 = vector.broadcast %max3A_45 : f32 to vector<1250x16xf32>
    %max3A_47 = arith.maximumf %add3A_44, %max3A_46 : vector<1250x16xf32>
    %swap3A_48 = arith.constant 0 : index
    %swap3A_49 = arith.constant 32 : index
    %swap3A_50 = vector.load %arg4[%swap3A_48, %swap3A_49] : memref<1250x128xf32, #tpu.memory_space<vmem>>, vector<1250x16xf32>
    tpu.vector_store %arg4[%swap3A_48, %swap3A_49], %max3A_47 {strides = array<i32>} : memref<1250x128xf32, #tpu.memory_space<vmem>>, vector<1250x16xf32>,
    %slice3A_51 = vector.extract_strided_slice %add3A {offsets = [0, 48], sizes = [1250, 16], strides = [1, 1]} : vector<1250x128xf32> to vector<1250x16xf32>
    %dot_general3A_52 = arith.constant dense<0.000000e+00> : vector<1250x16xf32>
    %dot_general3A_53 = tpu.matmul %slice3A_51, %get3A_9, %dot_general3A_52 {dimension_numbers = #tpu.dot_dimension_numbers<[1], [0], [0], [1], [0, 0, 1, 1], [], []>, transpose_lhs_hint = false} : vector<1250x16xf32>, vector<16x16xf32>, vector<1250x16xf32> -> vector<1250x16xf32>
    %slice3A_54 = vector.extract_strided_slice %add3A_20 {offsets = [0, 48], sizes = [1250, 16], strides = [1, 1]} : vector<1250x128xf32> to vector<1250x16xf32>
    %add3A_55 = arith.addf %slice3A_54, %dot_general3A_53 : vector<1250x16xf32>
    %max3A_56 = arith.constant 0.000000e+00 : f32
    %max3A_57 = vector.broadcast %max3A_56 : f32 to vector<1250x16xf32>
    %max3A_58 = arith.maximumf %add3A_55, %max3A_57 : vector<1250x16xf32>
    %swap3A_59 = arith.constant 0 : index
    %swap3A_60 = arith.constant 48 : index
    %swap3A_61 = vector.load %arg4[%swap3A_59, %swap3A_60] : memref<1250x128xf32, #tpu.memory_space<vmem>>, vector<1250x16xf32>
    tpu.vector_store %arg4[%swap3A_59, %swap3A_60], %max3A_58 {strides = array<i32>} : memref<1250x128xf32, #tpu.memory_space<vmem>>, vector<1250x16xf32>,
    %slice3A_62 = vector.extract_strided_slice %add3A {offsets = [0, 64], sizes = [1250, 16], strides = [1, 1]} : vector<1250x128xf32> to vector<1250x16xf32>
    %dot_general3A_63 = arith.constant dense<0.000000e+00> : vector<1250x16xf32>
    %dot_general3A_64 = tpu.matmul %slice3A_62, %get3A_9, %dot_general3A_63 {dimension_numbers = #tpu.dot_dimension_numbers<[1], [0], [0], [1], [0, 0, 1, 1], [], []>, transpose_lhs_hint = false} : vector<1250x16xf32>, vector<16x16xf32>, vector<1250x16xf32> -> vector<1250x16xf32>
    %slice3A_65 = vector.extract_strided_slice %add3A_20 {offsets = [0, 64], sizes = [1250, 16], strides = [1, 1]} : vector<1250x128xf32> to vector<1250x16xf32>
    %add3A_66 = arith.addf %slice3A_65, %dot_general3A_64 : vector<1250x16xf32>
    %max3A_67 = arith.constant 0.000000e+00 : f32
    %max3A_68 = vector.broadcast %max3A_67 : f32 to vector<1250x16xf32>
    %max3A_69 = arith.maximumf %add3A_66, %max3A_68 : vector<1250x16xf32>
    %swap3A_70 = arith.constant 0 : index
    %swap3A_71 = arith.constant 64 : index
    %swap3A_72 = vector.load %arg4[%swap3A_70, %swap3A_71] : memref<1250x128xf32, #tpu.memory_space<vmem>>, vector<1250x16xf32>
    tpu.vector_store %arg4[%swap3A_70, %swap3A_71], %max3A_69 {strides = array<i32>} : memref<1250x128xf32, #tpu.memory_space<vmem>>, vector<1250x16xf32>,
    %slice3A_73 = vector.extract_strided_slice %add3A {offsets = [0, 80], sizes = [1250, 16], strides = [1, 1]} : vector<1250x128xf32> to vector<1250x16xf32>
    %dot_general3A_74 = arith.constant dense<0.000000e+00> : vector<1250x16xf32>
    %dot_general3A_75 = tpu.matmul %slice3A_73, %get3A_9, %dot_general3A_74 {dimension_numbers = #tpu.dot_dimension_numbers<[1], [0], [0], [1], [0, 0, 1, 1], [], []>, transpose_lhs_hint = false} : vector<1250x16xf32>, vector<16x16xf32>, vector<1250x16xf32> -> vector<1250x16xf32>
    %slice3A_76 = vector.extract_strided_slice %add3A_20 {offsets = [0, 80], sizes = [1250, 16], strides = [1, 1]} : vector<1250x128xf32> to vector<1250x16xf32>
    %add3A_77 = arith.addf %slice3A_76, %dot_general3A_75 : vector<1250x16xf32>
    %max3A_78 = arith.constant 0.000000e+00 : f32
    %max3A_79 = vector.broadcast %max3A_78 : f32 to vector<1250x16xf32>
    %max3A_80 = arith.maximumf %add3A_77, %max3A_79 : vector<1250x16xf32>
    %swap3A_81 = arith.constant 0 : index
    %swap3A_82 = arith.constant 80 : index
    %swap3A_83 = vector.load %arg4[%swap3A_81, %swap3A_82] : memref<1250x128xf32, #tpu.memory_space<vmem>>, vector<1250x16xf32>
    tpu.vector_store %arg4[%swap3A_81, %swap3A_82], %max3A_80 {strides = array<i32>} : memref<1250x128xf32, #tpu.memory_space<vmem>>, vector<1250x16xf32>,
    %slice3A_84 = vector.extract_strided_slice %add3A {offsets = [0, 96], sizes = [1250, 16], strides = [1, 1]} : vector<1250x128xf32> to vector<1250x16xf32>
    %dot_general3A_85 = arith.constant dense<0.000000e+00> : vector<1250x16xf32>
    %dot_general3A_86 = tpu.matmul %slice3A_84, %get3A_9, %dot_general3A_85 {dimension_numbers = #tpu.dot_dimension_numbers<[1], [0], [0], [1], [0, 0, 1, 1], [], []>, transpose_lhs_hint = false} : vector<1250x16xf32>, vector<16x16xf32>, vector<1250x16xf32> -> vector<1250x16xf32>
    %slice3A_87 = vector.extract_strided_slice %add3A_20 {offsets = [0, 96], sizes = [1250, 16], strides = [1, 1]} : vector<1250x128xf32> to vector<1250x16xf32>
    %add3A_88 = arith.addf %slice3A_87, %dot_general3A_86 : vector<1250x16xf32>
    %max3A_89 = arith.constant 0.000000e+00 : f32
    %max3A_90 = vector.broadcast %max3A_89 : f32 to vector<1250x16xf32>
    %max3A_91 = arith.maximumf %add3A_88, %max3A_90 : vector<1250x16xf32>
    %swap3A_92 = arith.constant 0 : index
    %swap3A_93 = arith.constant 96 : index
    %swap3A_94 = vector.load %arg4[%swap3A_92, %swap3A_93] : memref<1250x128xf32, #tpu.memory_space<vmem>>, vector<1250x16xf32>
    tpu.vector_store %arg4[%swap3A_92, %swap3A_93], %max3A_91 {strides = array<i32>} : memref<1250x128xf32, #tpu.memory_space<vmem>>, vector<1250x16xf32>,
    %slice3A_95 = vector.extract_strided_slice %add3A {offsets = [0, 112], sizes = [1250, 16], strides = [1, 1]} : vector<1250x128xf32> to vector<1250x16xf32>
    %dot_general3A_96 = arith.constant dense<0.000000e+00> : vector<1250x16xf32>
    %dot_general3A_97 = tpu.matmul %slice3A_95, %get3A_9, %dot_general3A_96 {dimension_numbers = #tpu.dot_dimension_numbers<[1], [0], [0], [1], [0, 0, 1, 1], [], []>, transpose_lhs_hint = false} : vector<1250x16xf32>, vector<16x16xf32>, vector<1250x16xf32> -> vector<1250x16xf32>
    %slice3A_98 = vector.extract_strided_slice %add3A_20 {offsets = [0, 112], sizes = [1250, 16], strides = [1, 1]} : vector<1250x128xf32> to vector<1250x16xf32>
    %add3A_99 = arith.addf %slice3A_98, %dot_general3A_97 : vector<1250x16xf32>
    %max3A_100 = arith.constant 0.000000e+00 : f32
    %max3A_101 = vector.broadcast %max3A_100 : f32 to vector<1250x16xf32>
    %max3A_102 = arith.maximumf %add3A_99, %max3A_101 : vector<1250x16xf32>
    %swap3A_103 = arith.constant 0 : index
    %swap3A_104 = arith.constant 112 : index
    %swap3A_105 = vector.load %arg4[%swap3A_103, %swap3A_104] : memref<1250x128xf32, #tpu.memory_space<vmem>>, vector<1250x16xf32>
    tpu.vector_store %arg4[%swap3A_103, %swap3A_104], %max3A_102 {strides = array<i32>} : memref<1250x128xf32, #tpu.memory_space<vmem>>, vector<1250x16xf32>,
    return
  }
}

module attributes {stable_mosaic.version = 14 : i64} {
  func.func @_head_body(%arg0: i32, %arg1: memref<1x6400xf32, #tpu.memory_space<vmem>>, %arg2: memref<6400x256xf32, #tpu.memory_space<vmem>>, %arg3: memref<1x64xf32, #tpu.memory_space<vmem>>, %arg4: memref<64x256xf32, #tpu.memory_space<vmem>>, %arg5: memref<1x256xf32, #tpu.memory_space<vmem>>, %arg6: memref<256x128xf32, #tpu.memory_space<vmem>>, %arg7: memref<1x128xf32, #tpu.memory_space<vmem>>, %arg8: memref<128x10000xf32, #tpu.memory_space<vmem>>, %arg9: memref<1x10000xf32, #tpu.memory_space<vmem>>, %arg10: memref<1x10000xf32, #tpu.memory_space<vmem>>, %arg11: memref<1x256xf32, #tpu.memory_space<vmem>>) attributes {dimension_semantics = [#tpu.dimension_semantics<arbitrary>], iteration_bounds = array<i64: 25>, scalar_prefetch = 0 : i64, scratch_operands = 1 : i64, tpu.core_type = #tpu.core_type<tc>, window_params = [{transform_indices = @transform_0, window_bounds = array<i64: 1, 6400>}, {transform_indices = @transform_1, window_bounds = array<i64: 6400, 256>}, {pipeline_mode = #tpu.pipeline_mode<synchronous>, transform_indices = @transform_2, window_bounds = array<i64: 1, 64>}, {pipeline_mode = #tpu.pipeline_mode<synchronous>, transform_indices = @transform_3, window_bounds = array<i64: 64, 256>}, {pipeline_mode = #tpu.pipeline_mode<synchronous>, transform_indices = @transform_4, window_bounds = array<i64: 1, 256>}, {pipeline_mode = #tpu.pipeline_mode<synchronous>, transform_indices = @transform_5, window_bounds = array<i64: 256, 128>}, {pipeline_mode = #tpu.pipeline_mode<synchronous>, transform_indices = @transform_6, window_bounds = array<i64: 1, 128>}, {pipeline_mode = #tpu.pipeline_mode<synchronous>, transform_indices = @transform_7, window_bounds = array<i64: 128, 10000>}, {pipeline_mode = #tpu.pipeline_mode<synchronous>, transform_indices = @transform_8, window_bounds = array<i64: 1, 10000>}, {pipeline_mode = #tpu.pipeline_mode<synchronous>, transform_indices = @transform_9, window_bounds = array<i64: 1, 10000>}]} {
    %eq3A = arith.constant 0 : i32
    %eq3A_0 = arith.cmpi eq, %arg0, %eq3A : i32
    %convert_element_type3A = arith.extui %eq3A_0 : i1 to i32
    %cond3A = arith.constant 0 : i32
    %cond3A_1 = arith.cmpi ne, %convert_element_type3A, %cond3A : i32
    scf.if %cond3A_1 {
      %broadcast_in_dim3A = arith.constant 0.000000e+00 : f32
      %broadcast_in_dim3A_18 = vector.broadcast %broadcast_in_dim3A : f32 to vector<1x256xf32>
      %swap3A_19 = arith.constant 0 : index
      %swap3A_20 = arith.constant 0 : index
      %swap3A_21 = vector.load %arg11[%swap3A_19, %swap3A_20] : memref<1x256xf32, #tpu.memory_space<vmem>>, vector<1x256xf32>
      tpu.vector_store %arg11[%swap3A_19, %swap3A_20], %broadcast_in_dim3A_18 {strides = array<i32>} : memref<1x256xf32, #tpu.memory_space<vmem>>, vector<1x256xf32>,
    } else {
    }
    %get3A = arith.constant 0 : index
    %get3A_2 = arith.constant 0 : index
    %get3A_3 = vector.load %arg11[%get3A, %get3A_2] : memref<1x256xf32, #tpu.memory_space<vmem>>, vector<1x256xf32>
    %get3A_4 = arith.constant 0 : index
    %get3A_5 = arith.constant 0 : index
    %get3A_6 = vector.load %arg1[%get3A_4, %get3A_5] : memref<1x6400xf32, #tpu.memory_space<vmem>>, vector<1x6400xf32>
    %get3A_7 = arith.constant 0 : index
    %get3A_8 = arith.constant 0 : index
    %get3A_9 = vector.load %arg2[%get3A_7, %get3A_8] : memref<6400x256xf32, #tpu.memory_space<vmem>>, vector<6400x256xf32>
    %dot_general3A = arith.constant dense<0.000000e+00> : vector<1x256xf32>
    %dot_general3A_10 = tpu.matmul %get3A_6, %get3A_9, %dot_general3A {dimension_numbers = #tpu.dot_dimension_numbers<[1], [0], [0], [1], [0, 0, 1, 1], [], []>, transpose_lhs_hint = false} : vector<1x6400xf32>, vector<6400x256xf32>, vector<1x256xf32> -> vector<1x256xf32>
    %add3A = arith.addf %get3A_3, %dot_general3A_10 : vector<1x256xf32>
    %swap3A = arith.constant 0 : index
    %swap3A_11 = arith.constant 0 : index
    %swap3A_12 = vector.load %arg11[%swap3A, %swap3A_11] : memref<1x256xf32, #tpu.memory_space<vmem>>, vector<1x256xf32>
    tpu.vector_store %arg11[%swap3A, %swap3A_11], %add3A {strides = array<i32>} : memref<1x256xf32, #tpu.memory_space<vmem>>, vector<1x256xf32>,
    %eq3A_13 = arith.constant 24 : i32
    %eq3A_14 = arith.cmpi eq, %arg0, %eq3A_13 : i32
    %convert_element_type3A_15 = arith.extui %eq3A_14 : i1 to i32
    %cond3A_16 = arith.constant 0 : i32
    %cond3A_17 = arith.cmpi ne, %convert_element_type3A_15, %cond3A_16 : i32
    scf.if %cond3A_17 {
      %get3A_18 = arith.constant 0 : index
      %get3A_19 = arith.constant 0 : index
      %get3A_20 = vector.load %arg3[%get3A_18, %get3A_19] : memref<1x64xf32, #tpu.memory_space<vmem>>, vector<1x64xf32>
      %get3A_21 = arith.constant 0 : index
      %get3A_22 = arith.constant 0 : index
      %get3A_23 = vector.load %arg4[%get3A_21, %get3A_22] : memref<64x256xf32, #tpu.memory_space<vmem>>, vector<64x256xf32>
      %dot_general3A_24 = arith.constant dense<0.000000e+00> : vector<1x256xf32>
      %dot_general3A_25 = tpu.matmul %get3A_20, %get3A_23, %dot_general3A_24 {dimension_numbers = #tpu.dot_dimension_numbers<[1], [0], [0], [1], [0, 0, 1, 1], [], []>, transpose_lhs_hint = false} : vector<1x64xf32>, vector<64x256xf32>, vector<1x256xf32> -> vector<1x256xf32>
      %get3A_26 = arith.constant 0 : index
      %get3A_27 = arith.constant 0 : index
      %get3A_28 = vector.load %arg11[%get3A_26, %get3A_27] : memref<1x256xf32, #tpu.memory_space<vmem>>, vector<1x256xf32>
      %add3A_29 = arith.addf %get3A_28, %dot_general3A_25 : vector<1x256xf32>
      %get3A_30 = arith.constant 0 : index
      %get3A_31 = arith.constant 0 : index
      %get3A_32 = vector.load %arg5[%get3A_30, %get3A_31] : memref<1x256xf32, #tpu.memory_space<vmem>>, vector<1x256xf32>
      %add3A_33 = arith.addf %add3A_29, %get3A_32 : vector<1x256xf32>
      %max3A = arith.constant 0.000000e+00 : f32
      %max3A_34 = vector.broadcast %max3A : f32 to vector<1x256xf32>
      %max3A_35 = arith.maximumf %add3A_33, %max3A_34 : vector<1x256xf32>
      %get3A_36 = arith.constant 0 : index
      %get3A_37 = arith.constant 0 : index
      %get3A_38 = vector.load %arg6[%get3A_36, %get3A_37] : memref<256x128xf32, #tpu.memory_space<vmem>>, vector<256x128xf32>
      %dot_general3A_39 = arith.constant dense<0.000000e+00> : vector<1x128xf32>
      %dot_general3A_40 = tpu.matmul %max3A_35, %get3A_38, %dot_general3A_39 {dimension_numbers = #tpu.dot_dimension_numbers<[1], [0], [0], [1], [0, 0, 1, 1], [], []>, transpose_lhs_hint = false} : vector<1x256xf32>, vector<256x128xf32>, vector<1x128xf32> -> vector<1x128xf32>
      %get3A_41 = arith.constant 0 : index
      %get3A_42 = arith.constant 0 : index
      %get3A_43 = vector.load %arg7[%get3A_41, %get3A_42] : memref<1x128xf32, #tpu.memory_space<vmem>>, vector<1x128xf32>
      %add3A_44 = arith.addf %dot_general3A_40, %get3A_43 : vector<1x128xf32>
      %max3A_45 = arith.constant 0.000000e+00 : f32
      %max3A_46 = vector.broadcast %max3A_45 : f32 to vector<1x128xf32>
      %max3A_47 = arith.maximumf %add3A_44, %max3A_46 : vector<1x128xf32>
      %get3A_48 = arith.constant 0 : index
      %get3A_49 = arith.constant 0 : index
      %get3A_50 = vector.load %arg8[%get3A_48, %get3A_49] : memref<128x10000xf32, #tpu.memory_space<vmem>>, vector<128x10000xf32>
      %dot_general3A_51 = arith.constant dense<0.000000e+00> : vector<1x10000xf32>
      %dot_general3A_52 = tpu.matmul %max3A_47, %get3A_50, %dot_general3A_51 {dimension_numbers = #tpu.dot_dimension_numbers<[1], [0], [0], [1], [0, 0, 1, 1], [], []>, transpose_lhs_hint = false} : vector<1x128xf32>, vector<128x10000xf32>, vector<1x10000xf32> -> vector<1x10000xf32>
      %get3A_53 = arith.constant 0 : index
      %get3A_54 = arith.constant 0 : index
      %get3A_55 = vector.load %arg9[%get3A_53, %get3A_54] : memref<1x10000xf32, #tpu.memory_space<vmem>>, vector<1x10000xf32>
      %add3A_56 = arith.addf %dot_general3A_52, %get3A_55 : vector<1x10000xf32>
      %reduce_max3A = arith.constant dense<0xFF800000> : vector<1xf32>
      %reduce_max3A_57 = vector.multi_reduction <maximumf>, %add3A_56, %reduce_max3A [1] : vector<1x10000xf32> to vector<1xf32>
      %broadcast_in_dim3A = vector.shape_cast %reduce_max3A_57 : vector<1xf32> to vector<1x1xf32>
      %sub3A = vector.broadcast %broadcast_in_dim3A : vector<1x1xf32> to vector<1x10000xf32>
      %sub3A_58 = arith.subf %add3A_56, %sub3A : vector<1x10000xf32>
      %exp3A = math.exp %sub3A_58 : vector<1x10000xf32>
      %reduce_sum3A = arith.constant dense<0.000000e+00> : vector<1xf32>
      %reduce_sum3A_59 = vector.multi_reduction <add>, %exp3A, %reduce_sum3A [1] : vector<1x10000xf32> to vector<1xf32>
      %broadcast_in_dim3A_60 = vector.shape_cast %reduce_sum3A_59 : vector<1xf32> to vector<1x1xf32>
      %div3A = vector.broadcast %broadcast_in_dim3A_60 : vector<1x1xf32> to vector<1x10000xf32>
      %div3A_61 = arith.divf %exp3A, %div3A : vector<1x10000xf32>
      %swap3A_62 = arith.constant 0 : index
      %swap3A_63 = arith.constant 0 : index
      %swap3A_64 = vector.load %arg10[%swap3A_62, %swap3A_63] : memref<1x10000xf32, #tpu.memory_space<vmem>>, vector<1x10000xf32>
      tpu.vector_store %arg10[%swap3A_62, %swap3A_63], %div3A_61 {strides = array<i32>} : memref<1x10000xf32, #tpu.memory_space<vmem>>, vector<1x10000xf32>,
    } else {
    }
    return
  }
  func.func @transform_0(%arg0: i32) -> (i32, i32) {
    %c0_i32 = arith.constant 0 : i32
    %c0_i32_0 = arith.constant 0 : i32
    return %c0_i32, %arg0 : i32, i32
  }
  func.func @transform_1(%arg0: i32) -> (i32, i32) {
    %c0_i32 = arith.constant 0 : i32
    %c0_i32_0 = arith.constant 0 : i32
    return %arg0, %c0_i32 : i32, i32
  }
  func.func @transform_2(%arg0: i32) -> (i32, i32) {
    %c0_i32 = arith.constant 0 : i32
    %c0_i32_0 = arith.constant 0 : i32
    %c0_i32_1 = arith.constant 0 : i32
    return %c0_i32, %c0_i32_0 : i32, i32
  }
  func.func @transform_3(%arg0: i32) -> (i32, i32) {
    %c0_i32 = arith.constant 0 : i32
    %c0_i32_0 = arith.constant 0 : i32
    %c0_i32_1 = arith.constant 0 : i32
    return %c0_i32, %c0_i32_0 : i32, i32
  }
  func.func @transform_4(%arg0: i32) -> (i32, i32) {
    %c0_i32 = arith.constant 0 : i32
    %c0_i32_0 = arith.constant 0 : i32
    %c0_i32_1 = arith.constant 0 : i32
    return %c0_i32, %c0_i32_0 : i32, i32
  }
  func.func @transform_5(%arg0: i32) -> (i32, i32) {
    %c0_i32 = arith.constant 0 : i32
    %c0_i32_0 = arith.constant 0 : i32
    %c0_i32_1 = arith.constant 0 : i32
    return %c0_i32, %c0_i32_0 : i32, i32
  }
  func.func @transform_6(%arg0: i32) -> (i32, i32) {
    %c0_i32 = arith.constant 0 : i32
    %c0_i32_0 = arith.constant 0 : i32
    %c0_i32_1 = arith.constant 0 : i32
    return %c0_i32, %c0_i32_0 : i32, i32
  }
  func.func @transform_7(%arg0: i32) -> (i32, i32) {
    %c0_i32 = arith.constant 0 : i32
    %c0_i32_0 = arith.constant 0 : i32
    %c0_i32_1 = arith.constant 0 : i32
    return %c0_i32, %c0_i32_0 : i32, i32
  }
  func.func @transform_8(%arg0: i32) -> (i32, i32) {
    %c0_i32 = arith.constant 0 : i32
    %c0_i32_0 = arith.constant 0 : i32
    %c0_i32_1 = arith.constant 0 : i32
    return %c0_i32, %c0_i32_0 : i32, i32
  }
  func.func @transform_9(%arg0: i32) -> (i32, i32) {
    %c0_i32 = arith.constant 0 : i32
    %c0_i32_0 = arith.constant 0 : i32
    %c0_i32_1 = arith.constant 0 : i32
    return %c0_i32, %c0_i32_0 : i32, i32
  }
}

</mosaic_0001>

<sc_bundles>
// kernel: kernel.6.cloned.1.call-start
scs
__scs_entry_jumppad:
0x0: {  	(pc) =	sbr.rel $0x88, $3  }
0x1: {  	(tag) =	ssettag $0x0;
	lr =	simm.s32 $0x1  }
0x2: {  	[smem:$0x3F8F] =	sst lr;
	_ =	strace $0xD0000000  }
0x3: {  	_ = 	snop  }
0x4: {  	_ = 	snop  }
0x5: {  	_ = 	snop  }
0x6: {  	_ = 	snop  }
0x7: {  	_ = 	snop  }
__scs_overlays_trampoline_lowered:
0x8: {  	[smem:$0x3F9E] =	sst s0  }
0x9: {  	[smem:$0x3F9F] =	sst s1  }
0xa: {  	[smem:$0x3FA0] =	sst s2  }
0xb: {  	[smem:$0x3FA1] =	sst s3  }
0xc: {  	[smem:$0x3FA2] =	sst s4  }
0xd: {  	[smem:$0x3FA3] =	sst s5  }
0xe: {  	[smem:$0x3FA4] =	sst s6  }
0xf: {  	[smem:$0x3FA5] =	sst s7  }
0x10: {  	[smem:$0x3FA6] =	sst s8  }
0x11: {  	[smem:$0x3FA7] =	sst s9;
	s0 =	simm.s32 @!p0 $0x0  }
0x12: {  	s1 =	sld [smem:$0x3F8D];
	s0 =	simm.s32 @p0 $0x1  }
0x13: {  	[smem:$0x3FA8] =	sst s0;
	s0 =	simm.s32 @!p1 $0x0  }
0x14: {  	s2 =	sld [smem:$0x3F8C];
	s0 =	simm.s32 @p1 $0x1  }
0x15: {  	[smem:$0x3FA9] =	sst s0;
	s0 =	simm.s32 @!p2 $0x0  }
0x16: {  	s3 =	sld [smem:$0x3FDB];
	s0 =	simm.s32 @p2 $0x1  }
0x17: {  	s4 =	simm.s32 $0x1BF5;
	[smem:$0x3FAB] =	sst s0  }
0x18: {  	s0 =	sld [smem:$0x3F8E];
	_ =	swait.ge [sflag:s4], $0x0  }
0x19: {  	s7 =	sld [smem:$0x3F8F]  }
0x1a: {  	s8 =	sadd.s32 $0xFFFFE003, lr  }
0x1b: {  	s9 =	sadd.s32 $0xFFFFFEF7, lr;
	s5 =	simm.s32 $0xFFFFFFFF;
	p2 =	slt.u32 s8, $0xFFFFF086  }
0x1c: {  	p1 =	slt.u32 s9, $0xF7A;
	s5 =	simm.s32 @!p2 $0x0  }
0x1d: {  	s5 =	simm.s32 @p1 $0x1;
	p0 =	seq.s32 s7, s2  }
0x1e: {  	s7 =	smul.u32 @!p0 $0xF7A, s2;
	p2 =	seq.s32 @!p0 s5, $0x0  }
0x1f: {  	s9 =	smul.u32 $0xF7A, s1;
	s8 =	simm.s32 @!p0 $0x1BF5;
	p2 =	por !p2, p0  }
0x20: {  	[sflag:s8] =	ssyncset.s32 @!p0 $0xFFFFF086;
	s6 =	sadd.s32 @!p0 s3, s7;
	s7 =	simm.s32 @!p0 $0x108  }
0x21: {  	s3 =	sadd.s32 s3, s9;
	s6 =	sadd.s32 @!p0 $0x88, s6;
	s7 =	simm.s32 @p2 $0x1082  }
0x22: {  	[simem:s7], [sflag:s8] =	dma.local @!p0 [hbm:s6], $0xF7A  }
0x23: {  	s9 =	sor.u32 $0xD0000000, s2;
	s6 =	simm.s32 $0x108;
	_ =	swait.ge @!p0 [sflag:s8], $0x0  }
0x24: {  	s3 =	sadd.s32 $0x88, s3;
	s6 =	simm.s32 @!p1 $0x1082;
	[sflag:s4] =	ssyncset.s32 $0xFFFFF086  }
0x25: {  	[simem:s6], [sflag:s4] =	dma.local [hbm:s3], $0xF7A  }
0x26: {  	[smem:$0x3F8F] =	sst s1;
	(tag) =	ssettag s2;
	_ =	strace s9  }
0x27: {  	s1 =	sld [smem:$0x3F9F]  }
0x28: {  	s2 =	sld [smem:$0x3FA0]  }
0x29: {  	s4 =	sld [smem:$0x3FA2]  }
0x2a: {  	p0 =	seq.s32 s5, $0x0;
	s5 =	sld [smem:$0x3FA3]  }
0x2b: {  	s6 =	sld [smem:$0x3FA4]  }
0x2c: {  	s7 =	sld [smem:$0x3FA5]  }
0x2d: {  	s3 =	simm.s32 $0x108;
	s8 =	sld [smem:$0x3FA6]  }
0x2e: {  	s3 =	simm.s32 @!p0 $0x1082;
	s9 =	sld [smem:$0x3FA7]  }
0x2f: {  	lr =	sadd.s32 s0, s3;
	s0 =	sld [smem:$0x3F9E]  }
0x30: {  	s3 =	sld [smem:$0x3FA1]  }
0x31: {  	[smem:$0x3FAA] =	sst s10  }
0x32: {  	s10 =	sld [smem:$0x3FA8];
	_ =	sdelay $0x3  }
0x33: {  	p0 =	seq.s32 s10, $0x1;
	s10 =	sld [smem:$0x3FAA];
	_ =	sdelay $0x3  }
0x34: {  	[smem:$0x3FAA] =	sst s10  }
0x35: {  	s10 =	sld [smem:$0x3FA9];
	_ =	sdelay $0x3  }
0x36: {  	p1 =	seq.s32 s10, $0x1;
	s10 =	sld [smem:$0x3FAA];
	_ =	sdelay $0x3  }
0x37: {  	[smem:$0x3FAA] =	sst s10  }
0x38: {  	s10 =	sld [smem:$0x3FAB]  }
0x39: {  	_ = 	snop;
	(pc) =	sbr.ind lr, $3  }
0x3a: {  	_ = 	snop  }
0x3b: {  	_ = 	snop  }
0x3c: {  	p2 =	seq.s32 s10, $0x1;
	s10 =	sld [smem:$0x3FAA]  }
0x3d: {  	_ =	shalt  }
0x3e: {  	_ =	shalt  }
0x3f: {  	_ =	shalt  }
0x40: {  	_ =	shalt  }
0x41: {  	_ =	shalt  }
0x42: {  	_ =	shalt  }
0x43: {  	_ =	shalt  }
0x44: {  	_ =	shalt  }
0x45: {  	_ =	shalt  }
0x46: {  	_ =	shalt  }
0x47: {  	_ =	shalt  }
0x48: {  	_ =	shalt  }
0x49: {  	_ =	shalt  }
0x4a: {  	_ =	shalt  }
0x4b: {  	_ =	shalt  }
0x4c: {  	_ =	shalt  }
0x4d: {  	_ =	shalt  }
0x4e: {  	_ =	shalt  }
0x4f: {  	_ =	shalt  }
0x50: {  	_ =	shalt  }
0x51: {  	_ =	shalt  }
0x52: {  	_ =	shalt  }
0x53: {  	_ =	shalt  }
0x54: {  	_ =	shalt  }
0x55: {  	_ =	shalt  }
0x56: {  	_ =	shalt  }
0x57: {  	_ =	shalt  }
0x58: {  	_ =	shalt  }
0x59: {  	_ =	shalt  }
0x5a: {  	_ =	shalt  }
0x5b: {  	_ =	shalt  }
0x5c: {  	_ =	shalt  }
0x5d: {  	_ =	shalt  }
0x5e: {  	_ =	shalt  }
0x5f: {  	_ =	shalt  }
0x60: {  	_ =	shalt  }
0x61: {  	_ =	shalt  }
0x62: {  	_ =	shalt  }
0x63: {  	_ =	shalt  }
0x64: {  	_ =	shalt  }
0x65: {  	_ =	shalt  }
0x66: {  	_ =	shalt  }
0x67: {  	_ =	shalt  }
0x68: {  	_ =	shalt  }
0x69: {  	_ =	shalt  }
0x6a: {  	_ =	shalt  }
0x6b: {  	_ =	shalt  }
0x6c: {  	_ =	shalt  }
0x6d: {  	_ =	shalt  }
0x6e: {  	_ =	shalt  }
0x6f: {  	_ =	shalt  }
0x70: {  	_ =	shalt  }
0x71: {  	_ =	shalt  }
0x72: {  	_ =	shalt  }
0x73: {  	_ =	shalt  }
0x74: {  	_ =	shalt  }
0x75: {  	_ =	shalt  }
0x76: {  	_ =	shalt  }
0x77: {  	_ =	shalt  }
0x78: {  	_ =	shalt  }
0x79: {  	_ =	shalt  }
0x7a: {  	_ =	shalt  }
0x7b: {  	_ =	shalt  }
0x7c: {  	_ =	shalt  }
0x7d: {  	_ =	shalt  }
0x7e: {  	_ =	shalt  }
0x7f: {  	_ =	shalt  }
0x80: {  	_ =	shalt  }
0x81: {  	_ =	shalt  }
0x82: {  	_ =	shalt  }
0x83: {  	_ =	shalt  }
0x84: {  	_ =	shalt  }
0x85: {  	_ =	shalt  }
0x86: {  	_ =	shalt  }
0x87: {  	_ =	shalt  }
.Lfunc_end0:
.L_simem_size_0:
called_computation_lowered:
.L_overlay_start_0:
0x88: {  	s2 =	sld [smem:$0x3FD9]  }
0x89: {  	s3 =	sld [smem:$0x3FFE];
	_ =	sdelay $0x1  }
0x8a: {  	s1 =	srdreg.scid  }
0x8b: {  	s0 =	sand.u32 $0x1, s1  }
0x8c: {  	s16 =	sshll.u32 s0, $0xA;
	s2 =	sadd.s32 s3, s2  }
0x8d: {  	s2 =	sadd.s32 s2, s16  }
0x8e: {  	[smem:$0x3FB6] =	sst s2  }
0x8f: {  	_ = 	snop  }
0x90: {  	(tm) =	ssettm $0x1  }
0x91: {  	s17 =	sld [smem:$0x3FFB];
	_ =	sdelay $0x3  }
0x92: {  	_ =	strace s17  }
0x93: {  	s2 =	sld [smem:$0x3FFC];
	_ =	sdelay $0x3  }
0x94: {  	_ =	strace s2  }
0x95: {  	s2 =	sld [smem:$0x3FFD];
	_ =	sdelay $0x3  }
0x96: {  	_ =	strace s2  }
0x97: {  	_ =	strace $0x8FFFFFFF  }
0x98: {  	s18 =	sld [smem:$0x3FDB];
	_ =	sdelay $0x1  }
0x99: {  	s19 =	simm.s32 $_scs_section_size  }
0x9a: {  	s4 =	simm.s32 $_size__tile_overlayer_lowered;
	s5 =	simm.s32 $_tile_overlayer_lowered  }
0x9b: {  	s22 =	simm.s32 $0x1BFF;
	s21 =	sshll.u32 s5, $0x1;
	s2 =	sadd.s32 s19, s18  }
0x9c: {  	s6 =	simm.s32 $0x0;
	s20 =	sshll.u32 s4, $0x1;
	s4 =	sadd.s32 s21, s2  }
0x9d: {  	[timem:s6], [sflag:s22] =	dma.local [hbm:s4], s20  }
0x9e: {  	_ =	swait.ge [sflag:s22], s20  }
0x9f: {  	s3 =	ssub.s32 $0x0, s20;
	[sflag:s22] =	ssyncset.done $0x0  }
0xa0: {  	[sflag:s22] =	ssyncadd.s32 s3;
	_ =	sdelay $0x1  }
0xa1: {  	s23 =	simm.s32 $0x1B8B  }
0xa2: {  	_ =	swait.ge [sflag:s23], $0x1  }
0xa3: {  	[sflag:s23] =	ssyncset.done $0x0  }
0xa4: {  	s25 =	simm.s32 $0x1B8E;
	s24 =	sld [smem:$0x3FFE];
	[sflag:s23] =	ssyncadd.s32 $0xFFFFFFFF  }
0xa5: {  	s26 =	simm.s32 $execute0_lowered;
	[smem:$0x3FD2] =	sst s25  }
0xa6: {  	s4 =	sshll.u32 s26, $0x1;
	_ =	strace $0x80000046;
	[dreg:$0x1] =	wrdreg $0xFFFFFFFF  }
0xa7: {  	s28 =	simm.s32 $_size_execute0_lowered;
	s2 =	sadd.s32 s2, s4;
	[dreg:$0x0] =	wrdreg $0x0  }
0xa8: {  	s4 =	sshll.u32 s28, $0x1;
	[dreg:$0x2] =	wrdreg s2  }
0xa9: {  	[dreg:$0x3] =	wrdreg s4  }
0xaa: {  	[dreg:$0x4] =	wrdreg $0xC0  }
0xab: {  	_ =	task [dreg:s6], $0x5FFFF  }
0xac: {  	[dreg:$0x1] =	wrdreg $0xFFFFFFFF  }
0xad: {  	[dreg:$0x0] =	wrdreg $0x60  }
0xae: {  	[dreg:$0x2] =	wrdreg s24  }
0xaf: {  	[dreg:$0x3] =	wrdreg $0x147800  }
0xb0: {  	[dreg:$0x4] =	wrdreg $0x16F000  }
0xb1: {  	[dreg:$0x5] =	wrdreg $0x9  }
0xb2: {  	_ =	task.clear_ibuf [dreg:s6], $0x6FFFF;
	_ =	strace $0x90000046  }
0xb3: {  	s29 =	simm.s32 $0x9;
	_ =	strace $0x80000048  }
0xb4: {  	_ =	swait.ge [sflag:s29], $0x1  }
0xb5: {  	[sflag:s29] =	ssyncadd.s32 $0xFFFFFFFF  }
0xb6: {  	_ =	strace $0x90000048  }
0xb7: {  	_ =	sfence  }
0xb8: {  	s30 =	sld [smem:$0x0];
	_ =	sdelay $0x2  }
0xb9: {  	s31 =	sshll.u32 s1, $0xD;
	s1 =	sshrl.u32 s1, $0x2  }
0xba: {  	s3 =	sand.u32 $0x4000, s31;
	s1 =	sadd.s32 s1, s30  }
0xbb: {  	s0 =	sor.u32 s3, s0;
	s1 =	sshll.u32 s1, $0x11  }
0xbc: {  	s0 =	sor.u32 s1, s0  }
0xbd: {  	s0 =	sadd.s32 $0x8F2B, s0  }
0xbe: {  	[sflag:s0] =	ssyncadd.remote.s32 $0x1  }
0xbf: {  	_ =	sfence.sel $0xFFFF  }
0xc0: {  	[dreg:$0x0] =	wrdreg $0xFFFFFFFF;
	(pc) =	sbr.abs _section_cstart, $3  }
0xc1: {  	[dreg:$0x1] =	wrdreg $0xFFFFFFFF  }
0xc2: {  	_ =	task.clear_ibuf [dreg:s6], $0x2FFFF;
	_ =	strace $0x9FFFFFFF  }
0xc3: {  	(tm) =	ssettm $0x7FFFFFFF  }
tec
execute0_lowered:
.L_overlay_start_1:
0x0: {  	(tag) =	ssettag $0x1  }
0x1: {  	s0 =	rddreg [dreg:$0x0]  }
0x2: {  	s1 =	rddreg [dreg:$0x1];
	v0 =	vlaneseq.u32  }
0x3: {  	s2 =	rddreg [dreg:$0x2];
	v0 =	vmul.u32 $0x10, v0  }
0x4: {  	s18 =	simm.s32 $0x0;
	s3 =	srdreg.scid;
	s4 =	stileid.u32  }
0x5: {  	v3 =	vimm.f32 $1.000000000e+00;
	s13 =	simm.s32 $0x5;
	s14 =	simm.s32 $0x5;
	s30 =	simm.s32 $0x12000;
	v1 =	vor.u32 $0x1, v0;
	v7 =	vor.u32 $0x200, v0  }
0x6: {  	s24 =	simm.s32 $0x80;
	s25 =	simm.s32 $0xE000;
	s26 =	simm.s32 $0xE800;
	v8 =	vor.u32 $0x201, v0;
	v9 =	vor.u32 $0x202, v0;
	v10 =	vor.u32 $0x300, v0  }
0x7: {  	s29 =	simm.s32 $0xF000;
	s31 =	simm.s32 $0xF800;
	s28 =	simm.s32 $0x11000;
	v11 =	vor.u32 $0x301, v0;
	v12 =	vor.u32 $0x302, v0;
	v13 =	vor.u32 $0x400, v0  }
0x8: {  	s11 =	simm.s32 $0x2;
	s12 =	simm.s32 $0xC800;
	s23 =	simm.s32 $0x0;
	v14 =	vor.u32 $0x401, v0;
	v15 =	vor.u32 $0x402, v0;
	v16 =	vor.u32 $0x500, v0  }
0x9: {  	s3 =	sand.u32 $0x1, s3;
	s5 =	sshll.u32 s4, $0x1;
	s6 =	smul.u32 $0x2780, s4;
	v17 =	vor.u32 $0x501, v0;
	v18 =	vor.u32 $0x502, v0;
	v19 =	vor.u32 $0x600, v0  }
0xa: {  	[smem:$0x7FF] =	sst s18;
	s15 =	sadd.s32 $0x2F600, s0;
	s7 =	sor.u32 s3, s5;
	v20 =	vor.u32 $0x601, v0;
	v21 =	vor.u32 $0x602, v0;
	[tilespmem:$0x1FFB0] =	vst v1;
	v1 =	vor.u32 $0x2, v0  }
0xb: {  	s8 =	smul.u32 $0x27800, s3;
	s5 =	sadd.s32 $0x2A600, s0;
	s3 =	ssub.s32 $0x2, s3;
	v22 =	vor.u32 $0x700, v0;
	v23 =	vor.u32 $0x701, v0;
	[tilespmem:$0x1FFC0] =	vst v1;
	v1 =	vor.u32 $0x100, v0  }
0xc: {  	s9 =	smul.u32 $0x500, s7;
	s10 =	sshrl.u32 s3, $0x1;
	v24 =	vor.u32 $0x702, v0;
	p0 =	seq.s32 s7, $0x1F;
	v25 =	vor.u32 $0x800, v0;
	[tilespmem:$0x1FFD0] =	vst v1;
	v1 =	vor.u32 $0x101, v0  }
0xd: {  	v26 =	vor.u32 $0x801, v0;
	v27 =	vor.u32 $0x802, v0;
	s8 =	sadd.s32 s6, s8;
	s3 =	ssub.s32 s3, s10;
	s14 =	simm.s32 @!p0 $0x14;
	[tilespmem:$0x1FFE0] =	vst v1;
	v1 =	vor.u32 $0x102, v0  }
0xe: {  	v28 =	vor.u32 $0x900, v0;
	v29 =	vor.u32 $0x901, v0;
	v30 =	vor.u32 $0x902, v0;
	s10 =	simm.s32 $0x3;
	s9 =	sadd.s32 s9, s0;
	s8 =	sshrl.u32 s8, $0x3;
	[tilespmem:$0x1FFF0] =	vst v1  }
0xf: {  	v31 =	vor.u32 $0xA00, v0;
	v32 =	vor.u32 $0xA01, v0;
	v33 =	vor.u32 $0xA02, v0;
	s16 =	sadd.s32 $0x20600, s9;
	_ =	strace $0x80000047;
	[dreg:$0x4] =	wrdreg s15  }
0x10: {  	v34 =	vor.u32 $0xB00, v0;
	v35 =	vor.u32 $0xB01, v0;
	v36 =	vor.u32 $0xB02, v0;
	s22 =	smax.u32 s3, $0x1;
	s17 =	sadd.s32 $0x16600, s9;
	[dreg:$0x7] =	wrdreg s16  }
0x11: {  	v37 =	vor.u32 $0xC00, v0;
	v38 =	vor.u32 $0xC01, v0;
	v39 =	vor.u32 $0xC02, v0;
	s3 =	simm.s32 $0x10000;
	s19 =	sadd.s32 $0xC600, s9;
	[dreg:$0x8] =	wrdreg s17  }
0x12: {  	v40 =	vor.u32 $0xD00, v0;
	v41 =	vor.u32 $0xD01, v0;
	v42 =	vor.u32 $0xD02, v0;
	s0 =	sadd.s32 s8, s0;
	s20 =	sadd.s32 $0x2600, s9;
	[dreg:$0x9] =	wrdreg s19  }
0x13: {  	v43 =	vor.u32 $0xE00, v0;
	v44 =	vor.u32 $0xE01, v0;
	v45 =	vor.u32 $0xE02, v0;
	s8 =	sadd.s32 s6, s1;
	s21 =	sadd.s32 $0x2FC00, s0;
	[dreg:$0xa] =	wrdreg s20  }
0x14: {  	v46 =	vor.u32 $0xF00, v0;
	v47 =	vor.u32 $0xF01, v0;
	v48 =	vor.u32 $0xF02, v0;
	s6 =	sadd.s32 s6, s2;
	s0 =	sadd.s32 $0x39A00, s0;
	[dreg:$0xb] =	wrdreg s21  }
.Ltmp0:
0x15: {  	v49 =	vor.u32 $0x1000, v0;
	v50 =	vor.u32 $0x1001, v0;
	v51 =	vor.u32 $0x1002, v0;
	s9 =	simm.s32 $0xB800;
	[dreg:$0xc] =	wrdreg s0;
	(pc) =	sbr.rel .LBB2_1-.Ltmp0, $4  }
0x16: {  	v52 =	vor.u32 $0x1100, v0;
	v53 =	vor.u32 $0x1101, v0;
	v54 =	vor.u32 $0x1102, v0;
	[dreg:$0xd] =	wrdreg s22;
	s19 =	simm.s32 $0xA000;
	s20 =	simm.s32 $0xC000  }
0x17: {  	v55 =	vor.u32 $0x1200, v0;
	v56 =	vor.u32 $0x1201, v0;
	v57 =	vor.u32 $0x1202, v0;
	s22 =	simm.s32 $0x10800;
	s0 =	simm.s32 $0x11800;
	[dreg:$0xe] =	wrdreg s23  }
0x18: {  	v58 =	vor.u32 $0x1300, v0;
	v59 =	vor.u32 $0x1301, v0;
	v60 =	vor.u32 $0x1302, v0;
	s21 =	simm.s32 $0x1;
	s15 =	simm.s32 $0xD000;
	[dreg:$0x5] =	wrdreg s8  }
0x19: {  	v61 =	vor.u32 $0x1400, v0;
	v62 =	vor.u32 $0x1401, v0;
	v63 =	vor.u32 $0x1402, v0;
	s16 =	simm.s32 $0xD800;
	s17 =	simm.s32 $0x4;
	[dreg:$0x6] =	wrdreg s6  }
.LBB2_7:
0x1a: {  	[bflag:$0x0] =	sbarrier.arrive $0xFFFF  }
0x1b: {  	s8 =	rddreg [dreg:$0x5]  }
0x1c: {  	[tilespmem:s30], [sflag:$0x5] =	stream.linear.gather [spmem:s8], $0x2780, $0x38;
	[tilespmem:$0x19680] =	vst v63  }
0x1d: {  	_ =	swait.ge [sflag:s13], $0x2780  }
0x1e: {  	[sflag:s13] =	ssyncset.done $0x0  }
0x1f: {  	s18 =	simm.s32 $0x0;
	s4 =	rddreg [dreg:$0xb];
	[sflag:s13] =	ssyncadd.s32 $0xFFFFD880  }
0x20: {  	[hbm4b:s4+s18] =	stream.linear.scatter [tilespmem:s30], [sflag:$0x5], $0x2780, $0x38;
	[tilespmem:$0x19680] =	vst v63  }
0x21: {  	_ =	swait.ge [sflag:s13], $0x2780  }
0x22: {  	[sflag:s13] =	ssyncset.done $0x0  }
0x23: {  	s6 =	rddreg [dreg:$0x6];
	[sflag:s13] =	ssyncadd.s32 $0xFFFFD880  }
0x24: {  	[tilespmem:s30], [sflag:$0x5] =	stream.linear.gather [spmem:s6], $0x2780, $0x38;
	[tilespmem:$0x19680] =	vst v63  }
0x25: {  	_ =	swait.ge [sflag:s13], $0x2780  }
0x26: {  	[sflag:s13] =	ssyncset.done $0x0  }
0x27: {  	s7 =	rddreg [dreg:$0xc];
	[sflag:s13] =	ssyncadd.s32 $0xFFFFD880  }
0x28: {  	[hbm4b:s7+s18] =	stream.linear.scatter [tilespmem:s30], [sflag:$0x5], $0x2780, $0x38;
	[tilespmem:$0x19680] =	vst v63  }
0x29: {  	_ =	swait.ge [sflag:s13], $0x2780  }
0x2a: {  	s7 =	rddreg [dreg:$0xe]  }
0x2b: {  	s23 =	rddreg [dreg:$0xd];
	s7 =	sadd.s32 $0x1, s7  }
0x2c: {  	p0 =	sne.s32 s7, s23  }
.Ltmp1:
0x2d: {  	_ = 	snop;
	(pc) =	sbr.rel @!p0 .LBB2_8-.Ltmp1, $3  }
0x2e: {  	_ =	sdelay $0x1  }
0x2f: {  	[sflag:s13] =	ssyncset.done $0x0  }
0x30: {  	[sflag:s13] =	ssyncadd.s32 $0xFFFFD880;
	[dreg:$0xe] =	wrdreg s7  }
.LBB2_1:
0x31: {  	s4 =	rddreg [dreg:$0x4]  }
0x32: {  	[tilespmem:s30], [sflag:$0x5] =	stream.linear.gather [hbm4b:s4+s18], $0x2780, $0x38;
	[tilespmem:$0x19680] =	vst v63  }
0x33: {  	_ =	swait.ge [sflag:s13], $0x2780  }
0x34: {  	[sflag:s13] =	ssyncset.done $0x0  }
0x35: {  	[sflag:s13] =	ssyncadd.s32 $0xFFFFD880  }
0x36: {  	[spmem:s8] =	stream.linear.scatter [tilespmem:s30], [sflag:$0x5], $0x2780, $0x38;
	[tilespmem:$0x19680] =	vst v63  }
0x37: {  	_ =	swait.ge [sflag:s13], $0x2780  }
0x38: {  	[sflag:s13] =	ssyncset.done $0x0  }
0x39: {  	[sflag:s13] =	ssyncadd.s32 $0xFFFFD880  }
0x3a: {  	[spmem:s6] =	stream.linear.scatter [tilespmem:s30], [sflag:$0x5], $0x2780, $0x38;
	[tilespmem:$0x19680] =	vst v63  }
0x3b: {  	_ =	swait.ge [sflag:s13], $0x2780  }
0x3c: {  	[sflag:s13] =	ssyncset.done $0x0  }
0x3d: {  	[sflag:s13] =	ssyncadd.s32 $0xFFFFD880  }
0x3e: {  	[tilespmem:s19], [sflag:$0x5] =	stream.linear.gather [hbm4b:s4+s18], $0x2000, $0x38;
	[tilespmem:$0x19680] =	vst v63  }
0x3f: {  	_ =	swait.ge [sflag:s13], $0x2000  }
0x40: {  	[sflag:s13] =	ssyncset.done $0x0  }
0x41: {  	[sflag:s13] =	ssyncadd.s32 $0xFFFFE000  }
0x42: {  	[tilespmem:s20], [sflag:$0x5] =	stream.linear.gather [hbm4b:s4+s18], $0x2000, $0x38;
	[tilespmem:$0x19680] =	vst v63  }
0x43: {  	_ =	swait.ge [sflag:s13], $0x2000  }
0x44: {  	[sflag:s13] =	ssyncset.done $0x0  }
0x45: {  	[sflag:s13] =	ssyncadd.s32 $0xFFFFE000  }
0x46: {  	[bflag:$0x0] =	sbarrier.arrive $0xFFFF  }
0x47: {  	s23 =	rddreg [dreg:$0x7]  }
0x48: {  	[tilespmem:s18], [sflag:$0x5] =	stream.linear.gather [hbm4b:s23+s18], $0x2800, $0x38;
	[tilespmem:$0x19680] =	vst v63  }
0x49: {  	_ =	swait.ge [sflag:s13], $0x2800  }
0x4a: {  	[sflag:s13] =	ssyncset.done $0x0  }
0x4b: {  	s7 =	simm.s32 $0x2800;
	s6 =	rddreg [dreg:$0x8];
	[sflag:s13] =	ssyncadd.s32 $0xFFFFD800  }
0x4c: {  	[tilespmem:s7], [sflag:$0x5] =	stream.linear.gather [hbm4b:s6+s18], $0x2800, $0x38;
	[tilespmem:$0x19680] =	vst v63  }
0x4d: {  	_ =	swait.ge [sflag:s13], $0x2800  }
0x4e: {  	[sflag:s13] =	ssyncset.done $0x0  }
0x4f: {  	s23 =	simm.s32 $0x5000;
	s8 =	rddreg [dreg:$0x9];
	[sflag:s13] =	ssyncadd.s32 $0xFFFFD800  }
0x50: {  	[tilespmem:s23], [sflag:$0x5] =	stream.linear.gather [hbm4b:s8+s18], $0x2800, $0x38;
	[tilespmem:$0x19680] =	vst v63  }
0x51: {  	_ =	swait.ge [sflag:s13], $0x2800  }
0x52: {  	[sflag:s13] =	ssyncset.done $0x0  }
0x53: {  	s8 =	simm.s32 $0x7800;
	s7 =	rddreg [dreg:$0xa];
	[sflag:s13] =	ssyncadd.s32 $0xFFFFD800  }
0x54: {  	[tilespmem:s8], [sflag:$0x5] =	stream.linear.gather [hbm4b:s7+s18], $0x2800, $0x38;
	[tilespmem:$0x19680] =	vst v63  }
0x55: {  	_ =	swait.ge [sflag:s13], $0x2800  }
0x56: {  	[sflag:s13] =	ssyncset.done $0x0  }
0x57: {  	[sflag:s13] =	ssyncadd.s32 $0xFFFFD800  }
0x58: {  	[tilespmem:s25], [sflag:$0x1] =	stream.indirect.gather [hbm4b:s5+s24], $0x10, s18, s24, $0xb8;
	[tilespmem:$0x19680] =	vst v63  }
0x59: {  	_ = 	snop  }
0x5a: {  	[tilespmem:s26], [sflag:$0x1] =	stream.indirect.gather [hbm4b:s5+s24], $0x10, s24, s24, $0xb8;
	[tilespmem:$0x19680] =	vst v63  }
0x5b: {  	s23 =	simm.s32 $0x100  }
0x5c: {  	[tilespmem:s29], [sflag:$0x1] =	stream.indirect.gather [hbm4b:s5+s24], $0x10, s23, s24, $0xb8;
	[tilespmem:$0x19680] =	vst v63  }
0x5d: {  	s6 =	simm.s32 $0x180  }
0x5e: {  	[tilespmem:s31], [sflag:$0x1] =	stream.indirect.gather [hbm4b:s5+s24], $0x10, s6, s24, $0xb8;
	[tilespmem:$0x19680] =	vst v63  }
0x5f: {  	s7 =	simm.s32 $0x200  }
0x60: {  	[tilespmem:s3], [sflag:$0x2] =	stream.indirect.gather [hbm4b:s5+s24], $0x10, s7, s24, $0xb8;
	[tilespmem:$0x19680] =	vst v63  }
0x61: {  	s8 =	simm.s32 $0x280  }
0x62: {  	[tilespmem:s22], [sflag:$0x2] =	stream.indirect.gather [hbm4b:s5+s24], $0x10, s8, s24, $0xb8;
	[tilespmem:$0x19680] =	vst v63  }
.Ltmp2:
0x63: {  	_ = 	snop;
	(pc) =	sbr.rel .LBB2_2-.Ltmp2, $4  }
0x64: {  	s18 =	simm.s32 $0x300  }
0x65: {  	[tilespmem:s28], [sflag:$0x2] =	stream.indirect.gather [hbm4b:s5+s24], $0x10, s18, s24, $0xb8;
	[tilespmem:$0x19680] =	vst v63  }
0x66: {  	s23 =	simm.s32 $0x380;
	s6 =	simm.s32 $0x0;
	s8 =	simm.s32 $0x3  }
0x67: {  	[tilespmem:s0], [sflag:$0x2] =	stream.indirect.gather [hbm4b:s5+s24], $0x10, s23, s24, $0xb8;
	[tilespmem:$0x19680] =	vst v63  }
.LBB2_6:
0x68: {  	s6 =	sadd.s32 $0x1000, s6  }
0x69: {  	p0 =	sne.s32 s6, $0xA000  }
.Ltmp3:
0x6a: {  	_ = 	snop;
	(pc) =	sbr.rel @!p0 .LBB2_7-.Ltmp3, $2  }
0x6b: {  	_ =	sdelay $0x2  }
0x6c: {  	s8 =	sadd.s32 $0x2, s8  }
.LBB2_2:
0x6d: {  	s18 =	sadd.s32 $0xFFFFFFFD, s8  }
0x6e: {  	p0 =	sge.u32 s18, s14  }
.Ltmp4:
0x6f: {  	_ = 	snop;
	(pc) =	sbr.rel @p0 .LBB2_4-.Ltmp4, $2  }
0x70: {  	_ =	sdelay $0x2  }
0x71: {  	s18 =	sshra.s32 s6, $0x2  }
0x72: {  	v1 =	vld [tilespmem:s18+$0x5000];
	_ =	sdelay $0x3  }
0x73: {  	v2 =	vld [tilespmem:s18+$0x7800]  }
0x74: {  	[tilespmem:v0+s19+$0x0] =	vst.idx.msk $0xffff, v1;
	v1 =	vld [tilespmem:$0x1FFB0];
	_ =	sdelay $0x7  }
0x75: {  	[tilespmem:v1+s19+$0x0] =	vst.idx.msk $0xffff, v2;
	v1 =	vld [tilespmem:$0x1FFC0];
	_ =	sdelay $0x5  }
0x76: {  	v4 =	vld [tilespmem:$0x1FFD0];
	_ =	sdelay $0x1  }
0x77: {  	[tilespmem:v1+s19+$0x0] =	vst.idx.msk $0xffff, v3  }
0x78: {  	v1 =	vld [tilespmem:s18+$0x5010];
	_ =	sdelay $0x3  }
0x79: {  	v2 =	vld [tilespmem:s18+$0x7810]  }
0x7a: {  	[tilespmem:v4+s19+$0x0] =	vst.idx.msk $0xffff, v1;
	v1 =	vld [tilespmem:$0x1FFE0];
	_ =	sdelay $0x7  }
0x7b: {  	[tilespmem:v1+s19+$0x0] =	vst.idx.msk $0xffff, v2;
	v1 =	vld [tilespmem:$0x1FFF0];
	_ =	sdelay $0x7  }
0x7c: {  	[tilespmem:v1+s19+$0x0] =	vst.idx.msk $0xffff, v3  }
0x7d: {  	v1 =	vld [tilespmem:s18+$0x5020]  }
0x7e: {  	v2 =	vld [tilespmem:s18+$0x7820];
	_ =	sdelay $0x3  }
0x7f: {  	[tilespmem:v7+s19+$0x0] =	vst.idx.msk $0xffff, v1  }
0x80: {  	[tilespmem:v8+s19+$0x0] =	vst.idx.msk $0xffff, v2  }
0x81: {  	[tilespmem:v9+s19+$0x0] =	vst.idx.msk $0xffff, v3  }
0x82: {  	v1 =	vld [tilespmem:s18+$0x5030]  }
0x83: {  	v2 =	vld [tilespmem:s18+$0x7830];
	_ =	sdelay $0x3  }
0x84: {  	[tilespmem:v10+s19+$0x0] =	vst.idx.msk $0xffff, v1  }
0x85: {  	[tilespmem:v11+s19+$0x0] =	vst.idx.msk $0xffff, v2  }
0x86: {  	[tilespmem:v12+s19+$0x0] =	vst.idx.msk $0xffff, v3  }
0x87: {  	v1 =	vld [tilespmem:s18+$0x5040]  }
0x88: {  	v2 =	vld [tilespmem:s18+$0x7840];
	_ =	sdelay $0x3  }
0x89: {  	[tilespmem:v13+s19+$0x0] =	vst.idx.msk $0xffff, v1  }
0x8a: {  	[tilespmem:v14+s19+$0x0] =	vst.idx.msk $0xffff, v2  }
0x8b: {  	[tilespmem:v15+s19+$0x0] =	vst.idx.msk $0xffff, v3  }
0x8c: {  	v1 =	vld [tilespmem:s18+$0x5050]  }
0x8d: {  	v2 =	vld [tilespmem:s18+$0x7850];
	_ =	sdelay $0x3  }
0x8e: {  	[tilespmem:v16+s19+$0x0] =	vst.idx.msk $0xffff, v1  }
0x8f: {  	[tilespmem:v17+s19+$0x0] =	vst.idx.msk $0xffff, v2  }
0x90: {  	[tilespmem:v18+s19+$0x0] =	vst.idx.msk $0xffff, v3  }
0x91: {  	v1 =	vld [tilespmem:s18+$0x5060]  }
0x92: {  	v2 =	vld [tilespmem:s18+$0x7860];
	_ =	sdelay $0x3  }
0x93: {  	[tilespmem:v19+s19+$0x0] =	vst.idx.msk $0xffff, v1  }
0x94: {  	[tilespmem:v20+s19+$0x0] =	vst.idx.msk $0xffff, v2  }
0x95: {  	[tilespmem:v21+s19+$0x0] =	vst.idx.msk $0xffff, v3  }
0x96: {  	v1 =	vld [tilespmem:s18+$0x5070]  }
0x97: {  	v2 =	vld [tilespmem:s18+$0x7870];
	_ =	sdelay $0x3  }
0x98: {  	[tilespmem:v22+s19+$0x0] =	vst.idx.msk $0xffff, v1  }
0x99: {  	[tilespmem:v23+s19+$0x0] =	vst.idx.msk $0xffff, v2  }
0x9a: {  	[tilespmem:v24+s19+$0x0] =	vst.idx.msk $0xffff, v3  }
0x9b: {  	v1 =	vld [tilespmem:s18+$0x5080]  }
0x9c: {  	v2 =	vld [tilespmem:s18+$0x7880];
	_ =	sdelay $0x3  }
0x9d: {  	[tilespmem:v25+s19+$0x0] =	vst.idx.msk $0xffff, v1  }
0x9e: {  	[tilespmem:v26+s19+$0x0] =	vst.idx.msk $0xffff, v2  }
0x9f: {  	[tilespmem:v27+s19+$0x0] =	vst.idx.msk $0xffff, v3  }
0xa0: {  	v1 =	vld [tilespmem:s18+$0x5090]  }
0xa1: {  	v2 =	vld [tilespmem:s18+$0x7890];
	_ =	sdelay $0x3  }
0xa2: {  	[tilespmem:v28+s19+$0x0] =	vst.idx.msk $0xffff, v1  }
0xa3: {  	[tilespmem:v29+s19+$0x0] =	vst.idx.msk $0xffff, v2  }
0xa4: {  	[tilespmem:v30+s19+$0x0] =	vst.idx.msk $0xffff, v3  }
0xa5: {  	v1 =	vld [tilespmem:s18+$0x50A0]  }
0xa6: {  	v2 =	vld [tilespmem:s18+$0x78A0];
	_ =	sdelay $0x3  }
0xa7: {  	[tilespmem:v31+s19+$0x0] =	vst.idx.msk $0xffff, v1  }
0xa8: {  	[tilespmem:v32+s19+$0x0] =	vst.idx.msk $0xffff, v2  }
0xa9: {  	[tilespmem:v33+s19+$0x0] =	vst.idx.msk $0xffff, v3  }
0xaa: {  	v1 =	vld [tilespmem:s18+$0x50B0]  }
0xab: {  	v2 =	vld [tilespmem:s18+$0x78B0];
	_ =	sdelay $0x3  }
0xac: {  	[tilespmem:v34+s19+$0x0] =	vst.idx.msk $0xffff, v1  }
0xad: {  	[tilespmem:v35+s19+$0x0] =	vst.idx.msk $0xffff, v2  }
0xae: {  	[tilespmem:v36+s19+$0x0] =	vst.idx.msk $0xffff, v3  }
0xaf: {  	v1 =	vld [tilespmem:s18+$0x50C0]  }
0xb0: {  	v2 =	vld [tilespmem:s18+$0x78C0];
	_ =	sdelay $0x3  }
0xb1: {  	[tilespmem:v37+s19+$0x0] =	vst.idx.msk $0xffff, v1  }
0xb2: {  	[tilespmem:v38+s19+$0x0] =	vst.idx.msk $0xffff, v2  }
0xb3: {  	[tilespmem:v39+s19+$0x0] =	vst.idx.msk $0xffff, v3  }
0xb4: {  	v1 =	vld [tilespmem:s18+$0x50D0]  }
0xb5: {  	v2 =	vld [tilespmem:s18+$0x78D0];
	_ =	sdelay $0x3  }
0xb6: {  	[tilespmem:v40+s19+$0x0] =	vst.idx.msk $0xffff, v1  }
0xb7: {  	[tilespmem:v41+s19+$0x0] =	vst.idx.msk $0xffff, v2  }
0xb8: {  	[tilespmem:v42+s19+$0x0] =	vst.idx.msk $0xffff, v3  }
0xb9: {  	v1 =	vld [tilespmem:s18+$0x50E0]  }
0xba: {  	v2 =	vld [tilespmem:s18+$0x78E0];
	_ =	sdelay $0x3  }
0xbb: {  	[tilespmem:v43+s19+$0x0] =	vst.idx.msk $0xffff, v1  }
0xbc: {  	[tilespmem:v44+s19+$0x0] =	vst.idx.msk $0xffff, v2  }
0xbd: {  	[tilespmem:v45+s19+$0x0] =	vst.idx.msk $0xffff, v3  }
0xbe: {  	v1 =	vld [tilespmem:s18+$0x50F0]  }
0xbf: {  	v2 =	vld [tilespmem:s18+$0x78F0];
	_ =	sdelay $0x3  }
0xc0: {  	[tilespmem:v46+s19+$0x0] =	vst.idx.msk $0xffff, v1  }
0xc1: {  	[tilespmem:v47+s19+$0x0] =	vst.idx.msk $0xffff, v2  }
0xc2: {  	[tilespmem:v48+s19+$0x0] =	vst.idx.msk $0xffff, v3  }
0xc3: {  	v1 =	vld [tilespmem:s18+$0x5100]  }
0xc4: {  	v2 =	vld [tilespmem:s18+$0x7900];
	_ =	sdelay $0x3  }
0xc5: {  	[tilespmem:v49+s19+$0x0] =	vst.idx.msk $0xffff, v1  }
0xc6: {  	[tilespmem:v50+s19+$0x0] =	vst.idx.msk $0xffff, v2  }
0xc7: {  	[tilespmem:v51+s19+$0x0] =	vst.idx.msk $0xffff, v3  }
0xc8: {  	v1 =	vld [tilespmem:s18+$0x5110]  }
0xc9: {  	v2 =	vld [tilespmem:s18+$0x7910];
	_ =	sdelay $0x3  }
0xca: {  	[tilespmem:v52+s19+$0x0] =	vst.idx.msk $0xffff, v1  }
0xcb: {  	[tilespmem:v53+s19+$0x0] =	vst.idx.msk $0xffff, v2  }
0xcc: {  	[tilespmem:v54+s19+$0x0] =	vst.idx.msk $0xffff, v3  }
0xcd: {  	v1 =	vld [tilespmem:s18+$0x5120]  }
0xce: {  	v2 =	vld [tilespmem:s18+$0x7920];
	_ =	sdelay $0x3  }
0xcf: {  	[tilespmem:v55+s19+$0x0] =	vst.idx.msk $0xffff, v1  }
0xd0: {  	[tilespmem:v56+s19+$0x0] =	vst.idx.msk $0xffff, v2  }
0xd1: {  	[tilespmem:v57+s19+$0x0] =	vst.idx.msk $0xffff, v3  }
0xd2: {  	v1 =	vld [tilespmem:s18+$0x5130]  }
0xd3: {  	v2 =	vld [tilespmem:s18+$0x7930];
	_ =	sdelay $0x3  }
0xd4: {  	[tilespmem:v58+s19+$0x0] =	vst.idx.msk $0xffff, v1  }
0xd5: {  	[tilespmem:v59+s19+$0x0] =	vst.idx.msk $0xffff, v2  }
0xd6: {  	[tilespmem:v60+s19+$0x0] =	vst.idx.msk $0xffff, v3  }
0xd7: {  	v1 =	vld [tilespmem:s18+$0x5140]  }
0xd8: {  	v2 =	vld [tilespmem:s18+$0x7940];
	_ =	sdelay $0x3  }
0xd9: {  	[tilespmem:v61+s19+$0x0] =	vst.idx.msk $0xffff, v1  }
0xda: {  	[tilespmem:v62+s19+$0x0] =	vst.idx.msk $0xffff, v2  }
0xdb: {  	[tilespmem:v63+s19+$0x0] =	vst.idx.msk $0xffff, v3  }
0xdc: {  	v2 =	vor.u32 $0x1500, v0;
	v1 =	vld [tilespmem:s18+$0x5150]  }
0xdd: {  	v5 =	vor.u32 $0x1501, v0;
	v4 =	vld [tilespmem:s18+$0x7950]  }
0xde: {  	v6 =	vor.u32 $0x1502, v0;
	_ =	sdelay $0x2  }
0xdf: {  	[tilespmem:v2+s19+$0x0] =	vst.idx.msk $0xffff, v1  }
0xe0: {  	[tilespmem:v5+s19+$0x0] =	vst.idx.msk $0xffff, v4  }
0xe1: {  	[tilespmem:v6+s19+$0x0] =	vst.idx.msk $0xffff, v3  }
0xe2: {  	v2 =	vor.u32 $0x1600, v0;
	v1 =	vld [tilespmem:s18+$0x5160]  }
0xe3: {  	v5 =	vor.u32 $0x1601, v0;
	v4 =	vld [tilespmem:s18+$0x7960]  }
0xe4: {  	v6 =	vor.u32 $0x1602, v0;
	_ =	sdelay $0x2  }
0xe5: {  	[tilespmem:v2+s19+$0x0] =	vst.idx.msk $0xffff, v1  }
0xe6: {  	[tilespmem:v5+s19+$0x0] =	vst.idx.msk $0xffff, v4  }
0xe7: {  	[tilespmem:v6+s19+$0x0] =	vst.idx.msk $0xffff, v3  }
0xe8: {  	v2 =	vor.u32 $0x1700, v0;
	v1 =	vld [tilespmem:s18+$0x5170]  }
0xe9: {  	v5 =	vor.u32 $0x1701, v0;
	v4 =	vld [tilespmem:s18+$0x7970]  }
0xea: {  	v6 =	vor.u32 $0x1702, v0;
	_ =	sdelay $0x2  }
0xeb: {  	[tilespmem:v2+s19+$0x0] =	vst.idx.msk $0xffff, v1  }
0xec: {  	[tilespmem:v5+s19+$0x0] =	vst.idx.msk $0xffff, v4  }
0xed: {  	[tilespmem:v6+s19+$0x0] =	vst.idx.msk $0xffff, v3  }
0xee: {  	v2 =	vor.u32 $0x1800, v0;
	v1 =	vld [tilespmem:s18+$0x5180]  }
0xef: {  	v5 =	vor.u32 $0x1801, v0;
	v4 =	vld [tilespmem:s18+$0x7980]  }
0xf0: {  	v6 =	vor.u32 $0x1802, v0;
	_ =	sdelay $0x2  }
0xf1: {  	[tilespmem:v2+s19+$0x0] =	vst.idx.msk $0xffff, v1  }
0xf2: {  	[tilespmem:v5+s19+$0x0] =	vst.idx.msk $0xffff, v4  }
0xf3: {  	[tilespmem:v6+s19+$0x0] =	vst.idx.msk $0xffff, v3  }
0xf4: {  	v2 =	vor.u32 $0x1900, v0;
	v1 =	vld [tilespmem:s18+$0x5190]  }
0xf5: {  	v5 =	vor.u32 $0x1901, v0;
	v4 =	vld [tilespmem:s18+$0x7990]  }
0xf6: {  	v6 =	vor.u32 $0x1902, v0;
	_ =	sdelay $0x2  }
0xf7: {  	[tilespmem:v2+s19+$0x0] =	vst.idx.msk $0xffff, v1  }
0xf8: {  	[tilespmem:v5+s19+$0x0] =	vst.idx.msk $0xffff, v4  }
0xf9: {  	[tilespmem:v6+s19+$0x0] =	vst.idx.msk $0xffff, v3  }
0xfa: {  	v2 =	vor.u32 $0x1A00, v0;
	v1 =	vld [tilespmem:s18+$0x51A0]  }
0xfb: {  	v5 =	vor.u32 $0x1A01, v0;
	v4 =	vld [tilespmem:s18+$0x79A0]  }
0xfc: {  	v6 =	vor.u32 $0x1A02, v0;
	_ =	sdelay $0x2  }
0xfd: {  	[tilespmem:v2+s19+$0x0] =	vst.idx.msk $0xffff, v1  }
0xfe: {  	[tilespmem:v5+s19+$0x0] =	vst.idx.msk $0xffff, v4  }
0xff: {  	[tilespmem:v6+s19+$0x0] =	vst.idx.msk $0xffff, v3  }
0x100: {  	v2 =	vor.u32 $0x1B00, v0;
	v1 =	vld [tilespmem:s18+$0x51B0]  }
0x101: {  	v5 =	vor.u32 $0x1B01, v0;
	v4 =	vld [tilespmem:s18+$0x79B0]  }
0x102: {  	v6 =	vor.u32 $0x1B02, v0;
	_ =	sdelay $0x2  }
0x103: {  	[tilespmem:v2+s19+$0x0] =	vst.idx.msk $0xffff, v1  }
0x104: {  	[tilespmem:v5+s19+$0x0] =	vst.idx.msk $0xffff, v4  }
0x105: {  	[tilespmem:v6+s19+$0x0] =	vst.idx.msk $0xffff, v3  }
0x106: {  	v2 =	vor.u32 $0x1C00, v0;
	v1 =	vld [tilespmem:s18+$0x51C0]  }
0x107: {  	v5 =	vor.u32 $0x1C01, v0;
	v4 =	vld [tilespmem:s18+$0x79C0]  }
0x108: {  	v6 =	vor.u32 $0x1C02, v0;
	_ =	sdelay $0x2  }
0x109: {  	[tilespmem:v2+s19+$0x0] =	vst.idx.msk $0xffff, v1  }
0x10a: {  	[tilespmem:v5+s19+$0x0] =	vst.idx.msk $0xffff, v4  }
0x10b: {  	[tilespmem:v6+s19+$0x0] =	vst.idx.msk $0xffff, v3  }
0x10c: {  	v2 =	vor.u32 $0x1D00, v0;
	v1 =	vld [tilespmem:s18+$0x51D0]  }
0x10d: {  	v5 =	vor.u32 $0x1D01, v0;
	v4 =	vld [tilespmem:s18+$0x79D0]  }
0x10e: {  	v6 =	vor.u32 $0x1D02, v0;
	_ =	sdelay $0x2  }
0x10f: {  	[tilespmem:v2+s19+$0x0] =	vst.idx.msk $0xffff, v1  }
0x110: {  	[tilespmem:v5+s19+$0x0] =	vst.idx.msk $0xffff, v4  }
0x111: {  	[tilespmem:v6+s19+$0x0] =	vst.idx.msk $0xffff, v3  }
0x112: {  	v2 =	vor.u32 $0x1E00, v0;
	v1 =	vld [tilespmem:s18+$0x51E0]  }
0x113: {  	v5 =	vor.u32 $0x1E01, v0;
	v4 =	vld [tilespmem:s18+$0x79E0]  }
0x114: {  	v6 =	vor.u32 $0x1E02, v0;
	_ =	sdelay $0x2  }
0x115: {  	[tilespmem:v2+s19+$0x0] =	vst.idx.msk $0xffff, v1  }
0x116: {  	[tilespmem:v5+s19+$0x0] =	vst.idx.msk $0xffff, v4  }
0x117: {  	[tilespmem:v6+s19+$0x0] =	vst.idx.msk $0xffff, v3  }
0x118: {  	v2 =	vor.u32 $0x1F00, v0;
	v1 =	vld [tilespmem:s18+$0x51F0]  }
0x119: {  	v5 =	vor.u32 $0x1F01, v0;
	v4 =	vld [tilespmem:s18+$0x79F0]  }
0x11a: {  	v6 =	vor.u32 $0x1F02, v0;
	_ =	sdelay $0x2  }
0x11b: {  	[tilespmem:v2+s19+$0x0] =	vst.idx.msk $0xffff, v1  }
0x11c: {  	[tilespmem:v5+s19+$0x0] =	vst.idx.msk $0xffff, v4  }
0x11d: {  	[tilespmem:v6+s19+$0x0] =	vst.idx.msk $0xffff, v3  }
0x11e: {  	_ =	swait.ge [sflag:s21], $0x800  }
0x11f: {  	[sflag:s21] =	ssyncset.done $0x0  }
0x120: {  	[sflag:s21] =	ssyncadd.s32 $0xFFFFF800  }
0x121: {  	_ =	swait.ge [sflag:s21], $0x800  }
0x122: {  	[sflag:s21] =	ssyncset.done $0x0  }
0x123: {  	[sflag:s21] =	ssyncadd.s32 $0xFFFFF800  }
0x124: {  	_ =	swait.ge [sflag:s21], $0x800  }
0x125: {  	[sflag:s21] =	ssyncset.done $0x0  }
0x126: {  	[sflag:s21] =	ssyncadd.s32 $0xFFFFF800  }
0x127: {  	_ =	swait.ge [sflag:s21], $0x800  }
0x128: {  	[sflag:s21] =	ssyncset.done $0x0  }
0x129: {  	s4 =	sadd.s32 $0x2800, s18;
	[sflag:s21] =	ssyncadd.s32 $0xFFFFF800  }
0x12a: {  	[spmem:s1] =	stream.indirect.scatter.add.f32 [tilespmem:s25], [sflag:$0x3], $0x10, s4, s24, $0xb8;
	[tilespmem:$0x19680] =	vst v63  }
0x12b: {  	_ = 	snop  }
0x12c: {  	[spmem:s2] =	stream.indirect.scatter.add.f32 [tilespmem:s19], [sflag:$0x3], $0x10, s4, s24, $0xb8;
	[tilespmem:$0x19680] =	vst v63  }
0x12d: {  	s23 =	sadd.s32 $0x2880, s18  }
0x12e: {  	[spmem:s1] =	stream.indirect.scatter.add.f32 [tilespmem:s26], [sflag:$0x3], $0x10, s23, s24, $0xb8;
	[tilespmem:$0x19680] =	vst v63  }
0x12f: {  	s7 =	simm.s32 $0xA800  }
0x130: {  	[spmem:s2] =	stream.indirect.scatter.add.f32 [tilespmem:s7], [sflag:$0x3], $0x10, s23, s24, $0xb8;
	[tilespmem:$0x19680] =	vst v63  }
0x131: {  	s7 =	sadd.s32 $0x2900, s18  }
0x132: {  	[spmem:s1] =	stream.indirect.scatter.add.f32 [tilespmem:s29], [sflag:$0x3], $0x10, s7, s24, $0xb8;
	[tilespmem:$0x19680] =	vst v63  }
0x133: {  	s23 =	simm.s32 $0xB000  }
0x134: {  	[spmem:s2] =	stream.indirect.scatter.add.f32 [tilespmem:s23], [sflag:$0x3], $0x10, s7, s24, $0xb8;
	[tilespmem:$0x19680] =	vst v63  }
0x135: {  	s7 =	sadd.s32 $0x2980, s18  }
0x136: {  	[spmem:s1] =	stream.indirect.scatter.add.f32 [tilespmem:s31], [sflag:$0x3], $0x10, s7, s24, $0xb8;
	[tilespmem:$0x19680] =	vst v63  }
0x137: {  	_ = 	snop  }
0x138: {  	[spmem:s2] =	stream.indirect.scatter.add.f32 [tilespmem:s9], [sflag:$0x3], $0x10, s7, s24, $0xb8;
	[tilespmem:$0x19680] =	vst v63  }
0x139: {  	_ =	swait.ge [sflag:s10], $0x800  }
0x13a: {  	[sflag:s10] =	ssyncset.done $0x0  }
0x13b: {  	[sflag:s10] =	ssyncadd.s32 $0xFFFFF800  }
0x13c: {  	_ =	swait.ge [sflag:s10], $0x800  }
0x13d: {  	[sflag:s10] =	ssyncset.done $0x0  }
0x13e: {  	[sflag:s10] =	ssyncadd.s32 $0xFFFFF800  }
0x13f: {  	_ =	swait.ge [sflag:s10], $0x800  }
0x140: {  	[sflag:s10] =	ssyncset.done $0x0  }
0x141: {  	[sflag:s10] =	ssyncadd.s32 $0xFFFFF800  }
0x142: {  	_ =	swait.ge [sflag:s10], $0x800  }
0x143: {  	[sflag:s10] =	ssyncset.done $0x0  }
0x144: {  	[sflag:s10] =	ssyncadd.s32 $0xFFFFF800  }
0x145: {  	_ =	swait.ge [sflag:s10], $0x800  }
0x146: {  	[sflag:s10] =	ssyncset.done $0x0  }
0x147: {  	[sflag:s10] =	ssyncadd.s32 $0xFFFFF800  }
0x148: {  	_ =	swait.ge [sflag:s10], $0x800  }
0x149: {  	[sflag:s10] =	ssyncset.done $0x0  }
0x14a: {  	[sflag:s10] =	ssyncadd.s32 $0xFFFFF800  }
0x14b: {  	_ =	swait.ge [sflag:s10], $0x800  }
0x14c: {  	[sflag:s10] =	ssyncset.done $0x0  }
0x14d: {  	s23 =	sadd.s32 $0xFFFFFFFF, s8;
	[sflag:s10] =	ssyncadd.s32 $0xFFFFF800  }
0x14e: {  	p0 =	sge.u32 s23, s14;
	_ =	swait.ge [sflag:s10], $0x800  }
0x14f: {  	s4 =	sshra.s32 @!p0 s6, $0x2;
	s23 =	simm.s32 @!p0 $0x80;
	[sflag:s10] =	ssyncset.done $0x0  }
0x150: {  	s30 =	simm.s32 @!p0 $0xE000;
	s7 =	sadd.s32 @!p0 $0x400, s4;
	[sflag:s10] =	ssyncadd.s32 $0xFFFFF800  }
0x151: {  	[tilespmem:s30], [sflag:$0x1] =	stream.indirect.gather @!p0 [hbm4b:s5+s23], $0x10, s7, s23, $0xb8;
	[tilespmem:$0x19680] =	vst v63  }
0x152: {  	s7 =	sadd.s32 @!p0 $0x480, s4;
	s30 =	simm.s32 @!p0 $0xE800  }
0x153: {  	[tilespmem:s30], [sflag:$0x1] =	stream.indirect.gather @!p0 [hbm4b:s5+s23], $0x10, s7, s23, $0xb8;
	[tilespmem:$0x19680] =	vst v63  }
0x154: {  	s7 =	sadd.s32 @!p0 $0x500, s4;
	s30 =	simm.s32 @!p0 $0xF000  }
0x155: {  	[tilespmem:s30], [sflag:$0x1] =	stream.indirect.gather @!p0 [hbm4b:s5+s23], $0x10, s7, s23, $0xb8;
	[tilespmem:$0x19680] =	vst v63  }
0x156: {  	s4 =	sadd.s32 @!p0 $0x580, s4;
	s30 =	simm.s32 $0x12000;
	s7 =	simm.s32 @!p0 $0xF800  }
0x157: {  	[tilespmem:s7], [sflag:$0x1] =	stream.indirect.gather @!p0 [hbm4b:s5+s23], $0x10, s4, s23, $0xb8;
	[tilespmem:$0x19680] =	vst v63  }
.LBB2_4:
0x158: {  	s4 =	sadd.s32 $0xFFFFFFFE, s8  }
0x159: {  	p0 =	sge.u32 s4, s14  }
.Ltmp5:
0x15a: {  	_ = 	snop;
	(pc) =	sbr.rel @p0 .LBB2_6-.Ltmp5, $1  }
0x15b: {  	_ =	sdelay $0x3  }
0x15c: {  	v1 =	vld [tilespmem:s18+$0x5200];
	_ =	sdelay $0x3  }
0x15d: {  	v2 =	vld [tilespmem:s18+$0x7A00]  }
0x15e: {  	[tilespmem:v0+s20+$0x0] =	vst.idx.msk $0xffff, v1;
	v1 =	vld [tilespmem:$0x1FFB0];
	_ =	sdelay $0x7  }
0x15f: {  	[tilespmem:v1+s20+$0x0] =	vst.idx.msk $0xffff, v2;
	v1 =	vld [tilespmem:$0x1FFC0];
	_ =	sdelay $0x5  }
0x160: {  	v4 =	vld [tilespmem:$0x1FFD0];
	_ =	sdelay $0x1  }
0x161: {  	[tilespmem:v1+s20+$0x0] =	vst.idx.msk $0xffff, v3  }
0x162: {  	v1 =	vld [tilespmem:s18+$0x5210];
	_ =	sdelay $0x3  }
0x163: {  	v2 =	vld [tilespmem:s18+$0x7A10]  }
0x164: {  	[tilespmem:v4+s20+$0x0] =	vst.idx.msk $0xffff, v1;
	v1 =	vld [tilespmem:$0x1FFE0];
	_ =	sdelay $0x7  }
0x165: {  	[tilespmem:v1+s20+$0x0] =	vst.idx.msk $0xffff, v2;
	v1 =	vld [tilespmem:$0x1FFF0];
	_ =	sdelay $0x7  }
0x166: {  	[tilespmem:v1+s20+$0x0] =	vst.idx.msk $0xffff, v3  }
0x167: {  	v1 =	vld [tilespmem:s18+$0x5220]  }
0x168: {  	v2 =	vld [tilespmem:s18+$0x7A20];
	_ =	sdelay $0x3  }
0x169: {  	[tilespmem:v7+s20+$0x0] =	vst.idx.msk $0xffff, v1  }
0x16a: {  	[tilespmem:v8+s20+$0x0] =	vst.idx.msk $0xffff, v2  }
0x16b: {  	[tilespmem:v9+s20+$0x0] =	vst.idx.msk $0xffff, v3  }
0x16c: {  	v1 =	vld [tilespmem:s18+$0x5230]  }
0x16d: {  	v2 =	vld [tilespmem:s18+$0x7A30];
	_ =	sdelay $0x3  }
0x16e: {  	[tilespmem:v10+s20+$0x0] =	vst.idx.msk $0xffff, v1  }
0x16f: {  	[tilespmem:v11+s20+$0x0] =	vst.idx.msk $0xffff, v2  }
0x170: {  	[tilespmem:v12+s20+$0x0] =	vst.idx.msk $0xffff, v3  }
0x171: {  	v1 =	vld [tilespmem:s18+$0x5240]  }
0x172: {  	v2 =	vld [tilespmem:s18+$0x7A40];
	_ =	sdelay $0x3  }
0x173: {  	[tilespmem:v13+s20+$0x0] =	vst.idx.msk $0xffff, v1  }
0x174: {  	[tilespmem:v14+s20+$0x0] =	vst.idx.msk $0xffff, v2  }
0x175: {  	[tilespmem:v15+s20+$0x0] =	vst.idx.msk $0xffff, v3  }
0x176: {  	v1 =	vld [tilespmem:s18+$0x5250]  }
0x177: {  	v2 =	vld [tilespmem:s18+$0x7A50];
	_ =	sdelay $0x3  }
0x178: {  	[tilespmem:v16+s20+$0x0] =	vst.idx.msk $0xffff, v1  }
0x179: {  	[tilespmem:v17+s20+$0x0] =	vst.idx.msk $0xffff, v2  }
0x17a: {  	[tilespmem:v18+s20+$0x0] =	vst.idx.msk $0xffff, v3  }
0x17b: {  	v1 =	vld [tilespmem:s18+$0x5260]  }
0x17c: {  	v2 =	vld [tilespmem:s18+$0x7A60];
	_ =	sdelay $0x3  }
0x17d: {  	[tilespmem:v19+s20+$0x0] =	vst.idx.msk $0xffff, v1  }
0x17e: {  	[tilespmem:v20+s20+$0x0] =	vst.idx.msk $0xffff, v2  }
0x17f: {  	[tilespmem:v21+s20+$0x0] =	vst.idx.msk $0xffff, v3  }
0x180: {  	v1 =	vld [tilespmem:s18+$0x5270]  }
0x181: {  	v2 =	vld [tilespmem:s18+$0x7A70];
	_ =	sdelay $0x3  }
0x182: {  	[tilespmem:v22+s20+$0x0] =	vst.idx.msk $0xffff, v1  }
0x183: {  	[tilespmem:v23+s20+$0x0] =	vst.idx.msk $0xffff, v2  }
0x184: {  	[tilespmem:v24+s20+$0x0] =	vst.idx.msk $0xffff, v3  }
0x185: {  	v1 =	vld [tilespmem:s18+$0x5280]  }
0x186: {  	v2 =	vld [tilespmem:s18+$0x7A80];
	_ =	sdelay $0x3  }
0x187: {  	[tilespmem:v25+s20+$0x0] =	vst.idx.msk $0xffff, v1  }
0x188: {  	[tilespmem:v26+s20+$0x0] =	vst.idx.msk $0xffff, v2  }
0x189: {  	[tilespmem:v27+s20+$0x0] =	vst.idx.msk $0xffff, v3  }
0x18a: {  	v1 =	vld [tilespmem:s18+$0x5290]  }
0x18b: {  	v2 =	vld [tilespmem:s18+$0x7A90];
	_ =	sdelay $0x3  }
0x18c: {  	[tilespmem:v28+s20+$0x0] =	vst.idx.msk $0xffff, v1  }
0x18d: {  	[tilespmem:v29+s20+$0x0] =	vst.idx.msk $0xffff, v2  }
0x18e: {  	[tilespmem:v30+s20+$0x0] =	vst.idx.msk $0xffff, v3  }
0x18f: {  	v1 =	vld [tilespmem:s18+$0x52A0]  }
0x190: {  	v2 =	vld [tilespmem:s18+$0x7AA0];
	_ =	sdelay $0x3  }
0x191: {  	[tilespmem:v31+s20+$0x0] =	vst.idx.msk $0xffff, v1  }
0x192: {  	[tilespmem:v32+s20+$0x0] =	vst.idx.msk $0xffff, v2  }
0x193: {  	[tilespmem:v33+s20+$0x0] =	vst.idx.msk $0xffff, v3  }
0x194: {  	v1 =	vld [tilespmem:s18+$0x52B0]  }
0x195: {  	v2 =	vld [tilespmem:s18+$0x7AB0];
	_ =	sdelay $0x3  }
0x196: {  	[tilespmem:v34+s20+$0x0] =	vst.idx.msk $0xffff, v1  }
0x197: {  	[tilespmem:v35+s20+$0x0] =	vst.idx.msk $0xffff, v2  }
0x198: {  	[tilespmem:v36+s20+$0x0] =	vst.idx.msk $0xffff, v3  }
0x199: {  	v1 =	vld [tilespmem:s18+$0x52C0]  }
0x19a: {  	v2 =	vld [tilespmem:s18+$0x7AC0];
	_ =	sdelay $0x3  }
0x19b: {  	[tilespmem:v37+s20+$0x0] =	vst.idx.msk $0xffff, v1  }
0x19c: {  	[tilespmem:v38+s20+$0x0] =	vst.idx.msk $0xffff, v2  }
0x19d: {  	[tilespmem:v39+s20+$0x0] =	vst.idx.msk $0xffff, v3  }
0x19e: {  	v1 =	vld [tilespmem:s18+$0x52D0]  }
0x19f: {  	v2 =	vld [tilespmem:s18+$0x7AD0];
	_ =	sdelay $0x3  }
0x1a0: {  	[tilespmem:v40+s20+$0x0] =	vst.idx.msk $0xffff, v1  }
0x1a1: {  	[tilespmem:v41+s20+$0x0] =	vst.idx.msk $0xffff, v2  }
0x1a2: {  	[tilespmem:v42+s20+$0x0] =	vst.idx.msk $0xffff, v3  }
0x1a3: {  	v1 =	vld [tilespmem:s18+$0x52E0]  }
0x1a4: {  	v2 =	vld [tilespmem:s18+$0x7AE0];
	_ =	sdelay $0x3  }
0x1a5: {  	[tilespmem:v43+s20+$0x0] =	vst.idx.msk $0xffff, v1  }
0x1a6: {  	[tilespmem:v44+s20+$0x0] =	vst.idx.msk $0xffff, v2  }
0x1a7: {  	[tilespmem:v45+s20+$0x0] =	vst.idx.msk $0xffff, v3  }
0x1a8: {  	v1 =	vld [tilespmem:s18+$0x52F0]  }
0x1a9: {  	v2 =	vld [tilespmem:s18+$0x7AF0];
	_ =	sdelay $0x3  }
0x1aa: {  	[tilespmem:v46+s20+$0x0] =	vst.idx.msk $0xffff, v1  }
0x1ab: {  	[tilespmem:v47+s20+$0x0] =	vst.idx.msk $0xffff, v2  }
0x1ac: {  	[tilespmem:v48+s20+$0x0] =	vst.idx.msk $0xffff, v3  }
0x1ad: {  	v1 =	vld [tilespmem:s18+$0x5300]  }
0x1ae: {  	v2 =	vld [tilespmem:s18+$0x7B00];
	_ =	sdelay $0x3  }
0x1af: {  	[tilespmem:v49+s20+$0x0] =	vst.idx.msk $0xffff, v1  }
0x1b0: {  	[tilespmem:v50+s20+$0x0] =	vst.idx.msk $0xffff, v2  }
0x1b1: {  	[tilespmem:v51+s20+$0x0] =	vst.idx.msk $0xffff, v3  }
0x1b2: {  	v1 =	vld [tilespmem:s18+$0x5310]  }
0x1b3: {  	v2 =	vld [tilespmem:s18+$0x7B10];
	_ =	sdelay $0x3  }
0x1b4: {  	[tilespmem:v52+s20+$0x0] =	vst.idx.msk $0xffff, v1  }
0x1b5: {  	[tilespmem:v53+s20+$0x0] =	vst.idx.msk $0xffff, v2  }
0x1b6: {  	[tilespmem:v54+s20+$0x0] =	vst.idx.msk $0xffff, v3  }
0x1b7: {  	v1 =	vld [tilespmem:s18+$0x5320]  }
0x1b8: {  	v2 =	vld [tilespmem:s18+$0x7B20];
	_ =	sdelay $0x3  }
0x1b9: {  	[tilespmem:v55+s20+$0x0] =	vst.idx.msk $0xffff, v1  }
0x1ba: {  	[tilespmem:v56+s20+$0x0] =	vst.idx.msk $0xffff, v2  }
0x1bb: {  	[tilespmem:v57+s20+$0x0] =	vst.idx.msk $0xffff, v3  }
0x1bc: {  	v1 =	vld [tilespmem:s18+$0x5330]  }
0x1bd: {  	v2 =	vld [tilespmem:s18+$0x7B30];
	_ =	sdelay $0x3  }
0x1be: {  	[tilespmem:v58+s20+$0x0] =	vst.idx.msk $0xffff, v1  }
0x1bf: {  	[tilespmem:v59+s20+$0x0] =	vst.idx.msk $0xffff, v2  }
0x1c0: {  	[tilespmem:v60+s20+$0x0] =	vst.idx.msk $0xffff, v3  }
0x1c1: {  	v1 =	vld [tilespmem:s18+$0x5340]  }
0x1c2: {  	v2 =	vld [tilespmem:s18+$0x7B40];
	_ =	sdelay $0x3  }
0x1c3: {  	[tilespmem:v61+s20+$0x0] =	vst.idx.msk $0xffff, v1  }
0x1c4: {  	[tilespmem:v62+s20+$0x0] =	vst.idx.msk $0xffff, v2  }
0x1c5: {  	[tilespmem:v63+s20+$0x0] =	vst.idx.msk $0xffff, v3  }
0x1c6: {  	v2 =	vor.u32 $0x1500, v0;
	v1 =	vld [tilespmem:s18+$0x5350]  }
0x1c7: {  	v5 =	vor.u32 $0x1501, v0;
	v4 =	vld [tilespmem:s18+$0x7B50]  }
0x1c8: {  	v6 =	vor.u32 $0x1502, v0;
	_ =	sdelay $0x2  }
0x1c9: {  	[tilespmem:v2+s20+$0x0] =	vst.idx.msk $0xffff, v1  }
0x1ca: {  	[tilespmem:v5+s20+$0x0] =	vst.idx.msk $0xffff, v4  }
0x1cb: {  	[tilespmem:v6+s20+$0x0] =	vst.idx.msk $0xffff, v3  }
0x1cc: {  	v2 =	vor.u32 $0x1600, v0;
	v1 =	vld [tilespmem:s18+$0x5360]  }
0x1cd: {  	v5 =	vor.u32 $0x1601, v0;
	v4 =	vld [tilespmem:s18+$0x7B60]  }
0x1ce: {  	v6 =	vor.u32 $0x1602, v0;
	_ =	sdelay $0x2  }
0x1cf: {  	[tilespmem:v2+s20+$0x0] =	vst.idx.msk $0xffff, v1  }
0x1d0: {  	[tilespmem:v5+s20+$0x0] =	vst.idx.msk $0xffff, v4  }
0x1d1: {  	[tilespmem:v6+s20+$0x0] =	vst.idx.msk $0xffff, v3  }
0x1d2: {  	v2 =	vor.u32 $0x1700, v0;
	v1 =	vld [tilespmem:s18+$0x5370]  }
0x1d3: {  	v5 =	vor.u32 $0x1701, v0;
	v4 =	vld [tilespmem:s18+$0x7B70]  }
0x1d4: {  	v6 =	vor.u32 $0x1702, v0;
	_ =	sdelay $0x2  }
0x1d5: {  	[tilespmem:v2+s20+$0x0] =	vst.idx.msk $0xffff, v1  }
0x1d6: {  	[tilespmem:v5+s20+$0x0] =	vst.idx.msk $0xffff, v4  }
0x1d7: {  	[tilespmem:v6+s20+$0x0] =	vst.idx.msk $0xffff, v3  }
0x1d8: {  	v2 =	vor.u32 $0x1800, v0;
	v1 =	vld [tilespmem:s18+$0x5380]  }
0x1d9: {  	v5 =	vor.u32 $0x1801, v0;
	v4 =	vld [tilespmem:s18+$0x7B80]  }
0x1da: {  	v6 =	vor.u32 $0x1802, v0;
	_ =	sdelay $0x2  }
0x1db: {  	[tilespmem:v2+s20+$0x0] =	vst.idx.msk $0xffff, v1  }
0x1dc: {  	[tilespmem:v5+s20+$0x0] =	vst.idx.msk $0xffff, v4  }
0x1dd: {  	[tilespmem:v6+s20+$0x0] =	vst.idx.msk $0xffff, v3  }
0x1de: {  	v2 =	vor.u32 $0x1900, v0;
	v1 =	vld [tilespmem:s18+$0x5390]  }
0x1df: {  	v5 =	vor.u32 $0x1901, v0;
	v4 =	vld [tilespmem:s18+$0x7B90]  }
0x1e0: {  	v6 =	vor.u32 $0x1902, v0;
	_ =	sdelay $0x2  }
0x1e1: {  	[tilespmem:v2+s20+$0x0] =	vst.idx.msk $0xffff, v1  }
0x1e2: {  	[tilespmem:v5+s20+$0x0] =	vst.idx.msk $0xffff, v4  }
0x1e3: {  	[tilespmem:v6+s20+$0x0] =	vst.idx.msk $0xffff, v3  }
0x1e4: {  	v2 =	vor.u32 $0x1A00, v0;
	v1 =	vld [tilespmem:s18+$0x53A0]  }
0x1e5: {  	v5 =	vor.u32 $0x1A01, v0;
	v4 =	vld [tilespmem:s18+$0x7BA0]  }
0x1e6: {  	v6 =	vor.u32 $0x1A02, v0;
	_ =	sdelay $0x2  }
0x1e7: {  	[tilespmem:v2+s20+$0x0] =	vst.idx.msk $0xffff, v1  }
0x1e8: {  	[tilespmem:v5+s20+$0x0] =	vst.idx.msk $0xffff, v4  }
0x1e9: {  	[tilespmem:v6+s20+$0x0] =	vst.idx.msk $0xffff, v3  }
0x1ea: {  	v2 =	vor.u32 $0x1B00, v0;
	v1 =	vld [tilespmem:s18+$0x53B0]  }
0x1eb: {  	v5 =	vor.u32 $0x1B01, v0;
	v4 =	vld [tilespmem:s18+$0x7BB0]  }
0x1ec: {  	v6 =	vor.u32 $0x1B02, v0;
	_ =	sdelay $0x2  }
0x1ed: {  	[tilespmem:v2+s20+$0x0] =	vst.idx.msk $0xffff, v1  }
0x1ee: {  	[tilespmem:v5+s20+$0x0] =	vst.idx.msk $0xffff, v4  }
0x1ef: {  	[tilespmem:v6+s20+$0x0] =	vst.idx.msk $0xffff, v3  }
0x1f0: {  	v2 =	vor.u32 $0x1C00, v0;
	v1 =	vld [tilespmem:s18+$0x53C0]  }
0x1f1: {  	v5 =	vor.u32 $0x1C01, v0;
	v4 =	vld [tilespmem:s18+$0x7BC0]  }
0x1f2: {  	v6 =	vor.u32 $0x1C02, v0;
	_ =	sdelay $0x2  }
0x1f3: {  	[tilespmem:v2+s20+$0x0] =	vst.idx.msk $0xffff, v1  }
0x1f4: {  	[tilespmem:v5+s20+$0x0] =	vst.idx.msk $0xffff, v4  }
0x1f5: {  	[tilespmem:v6+s20+$0x0] =	vst.idx.msk $0xffff, v3  }
0x1f6: {  	v2 =	vor.u32 $0x1D00, v0;
	v1 =	vld [tilespmem:s18+$0x53D0]  }
0x1f7: {  	v5 =	vor.u32 $0x1D01, v0;
	v4 =	vld [tilespmem:s18+$0x7BD0]  }
0x1f8: {  	v6 =	vor.u32 $0x1D02, v0;
	_ =	sdelay $0x2  }
0x1f9: {  	[tilespmem:v2+s20+$0x0] =	vst.idx.msk $0xffff, v1  }
0x1fa: {  	[tilespmem:v5+s20+$0x0] =	vst.idx.msk $0xffff, v4  }
0x1fb: {  	[tilespmem:v6+s20+$0x0] =	vst.idx.msk $0xffff, v3  }
0x1fc: {  	v2 =	vor.u32 $0x1E00, v0;
	v1 =	vld [tilespmem:s18+$0x53E0]  }
0x1fd: {  	v5 =	vor.u32 $0x1E01, v0;
	v4 =	vld [tilespmem:s18+$0x7BE0]  }
0x1fe: {  	v6 =	vor.u32 $0x1E02, v0;
	_ =	sdelay $0x2  }
0x1ff: {  	[tilespmem:v2+s20+$0x0] =	vst.idx.msk $0xffff, v1  }
0x200: {  	[tilespmem:v5+s20+$0x0] =	vst.idx.msk $0xffff, v4  }
0x201: {  	[tilespmem:v6+s20+$0x0] =	vst.idx.msk $0xffff, v3  }
0x202: {  	v2 =	vor.u32 $0x1F00, v0;
	v1 =	vld [tilespmem:s18+$0x53F0]  }
0x203: {  	v5 =	vor.u32 $0x1F01, v0;
	v4 =	vld [tilespmem:s18+$0x7BF0]  }
0x204: {  	v6 =	vor.u32 $0x1F02, v0;
	_ =	sdelay $0x2  }
0x205: {  	[tilespmem:v2+s20+$0x0] =	vst.idx.msk $0xffff, v1  }
0x206: {  	[tilespmem:v5+s20+$0x0] =	vst.idx.msk $0xffff, v4  }
0x207: {  	[tilespmem:v6+s20+$0x0] =	vst.idx.msk $0xffff, v3  }
0x208: {  	_ =	swait.ge [sflag:s11], $0x800  }
0x209: {  	[sflag:s11] =	ssyncset.done $0x0  }
0x20a: {  	[sflag:s11] =	ssyncadd.s32 $0xFFFFF800  }
0x20b: {  	_ =	swait.ge [sflag:s11], $0x800  }
0x20c: {  	[sflag:s11] =	ssyncset.done $0x0  }
0x20d: {  	[sflag:s11] =	ssyncadd.s32 $0xFFFFF800  }
0x20e: {  	_ =	swait.ge [sflag:s11], $0x800  }
0x20f: {  	[sflag:s11] =	ssyncset.done $0x0  }
0x210: {  	[sflag:s11] =	ssyncadd.s32 $0xFFFFF800  }
0x211: {  	_ =	swait.ge [sflag:s11], $0x800  }
0x212: {  	[sflag:s11] =	ssyncset.done $0x0  }
0x213: {  	s4 =	sadd.s32 $0x2A00, s18;
	[sflag:s11] =	ssyncadd.s32 $0xFFFFF800  }
0x214: {  	[spmem:s1] =	stream.indirect.scatter.add.f32 [tilespmem:s3], [sflag:$0x4], $0x10, s4, s24, $0xb8;
	[tilespmem:$0x19680] =	vst v63  }
0x215: {  	_ = 	snop  }
0x216: {  	[spmem:s2] =	stream.indirect.scatter.add.f32 [tilespmem:s20], [sflag:$0x4], $0x10, s4, s24, $0xb8;
	[tilespmem:$0x19680] =	vst v63  }
0x217: {  	s23 =	sadd.s32 $0x2A80, s18  }
0x218: {  	[spmem:s1] =	stream.indirect.scatter.add.f32 [tilespmem:s22], [sflag:$0x4], $0x10, s23, s24, $0xb8;
	[tilespmem:$0x19680] =	vst v63  }
0x219: {  	_ = 	snop  }
0x21a: {  	[spmem:s2] =	stream.indirect.scatter.add.f32 [tilespmem:s12], [sflag:$0x4], $0x10, s23, s24, $0xb8;
	[tilespmem:$0x19680] =	vst v63  }
0x21b: {  	s7 =	sadd.s32 $0x2B00, s18  }
0x21c: {  	[spmem:s1] =	stream.indirect.scatter.add.f32 [tilespmem:s28], [sflag:$0x4], $0x10, s7, s24, $0xb8;
	[tilespmem:$0x19680] =	vst v63  }
0x21d: {  	_ = 	snop  }
0x21e: {  	[spmem:s2] =	stream.indirect.scatter.add.f32 [tilespmem:s15], [sflag:$0x4], $0x10, s7, s24, $0xb8;
	[tilespmem:$0x19680] =	vst v63  }
0x21f: {  	s23 =	sadd.s32 $0x2B80, s18  }
0x220: {  	[spmem:s1] =	stream.indirect.scatter.add.f32 [tilespmem:s0], [sflag:$0x4], $0x10, s23, s24, $0xb8;
	[tilespmem:$0x19680] =	vst v63  }
0x221: {  	_ = 	snop  }
0x222: {  	[spmem:s2] =	stream.indirect.scatter.add.f32 [tilespmem:s16], [sflag:$0x4], $0x10, s23, s24, $0xb8;
	[tilespmem:$0x19680] =	vst v63  }
0x223: {  	_ =	swait.ge [sflag:s17], $0x800  }
0x224: {  	[sflag:s17] =	ssyncset.done $0x0  }
0x225: {  	[sflag:s17] =	ssyncadd.s32 $0xFFFFF800  }
0x226: {  	_ =	swait.ge [sflag:s17], $0x800  }
0x227: {  	[sflag:s17] =	ssyncset.done $0x0  }
0x228: {  	[sflag:s17] =	ssyncadd.s32 $0xFFFFF800  }
0x229: {  	_ =	swait.ge [sflag:s17], $0x800  }
0x22a: {  	[sflag:s17] =	ssyncset.done $0x0  }
0x22b: {  	[sflag:s17] =	ssyncadd.s32 $0xFFFFF800  }
0x22c: {  	_ =	swait.ge [sflag:s17], $0x800  }
0x22d: {  	[sflag:s17] =	ssyncset.done $0x0  }
0x22e: {  	[sflag:s17] =	ssyncadd.s32 $0xFFFFF800  }
0x22f: {  	_ =	swait.ge [sflag:s17], $0x800  }
0x230: {  	[sflag:s17] =	ssyncset.done $0x0  }
0x231: {  	[sflag:s17] =	ssyncadd.s32 $0xFFFFF800  }
0x232: {  	_ =	swait.ge [sflag:s17], $0x800  }
0x233: {  	[sflag:s17] =	ssyncset.done $0x0  }
0x234: {  	[sflag:s17] =	ssyncadd.s32 $0xFFFFF800  }
0x235: {  	_ =	swait.ge [sflag:s17], $0x800  }
0x236: {  	[sflag:s17] =	ssyncset.done $0x0  }
0x237: {  	[sflag:s17] =	ssyncadd.s32 $0xFFFFF800  }
0x238: {  	p0 =	sge.u32 s8, s14;
	_ =	swait.ge [sflag:s17], $0x800  }
0x239: {  	s4 =	sshra.s32 @!p0 s6, $0x2;
	s18 =	simm.s32 @!p0 $0x80;
	[sflag:s17] =	ssyncset.done $0x0  }
0x23a: {  	s7 =	sadd.s32 @!p0 $0x600, s4;
	s23 =	simm.s32 @!p0 $0x10000;
	[sflag:s17] =	ssyncadd.s32 $0xFFFFF800  }
0x23b: {  	[tilespmem:s23], [sflag:$0x2] =	stream.indirect.gather @!p0 [hbm4b:s5+s18], $0x10, s7, s18, $0xb8;
	[tilespmem:$0x19680] =	vst v63  }
0x23c: {  	s7 =	sadd.s32 @!p0 $0x680, s4;
	s23 =	simm.s32 @!p0 $0x10800  }
0x23d: {  	[tilespmem:s23], [sflag:$0x2] =	stream.indirect.gather @!p0 [hbm4b:s5+s18], $0x10, s7, s18, $0xb8;
	[tilespmem:$0x19680] =	vst v63  }
.Ltmp6:
0x23e: {  	_ = 	snop;
	(pc) =	sbr.rel .LBB2_6-.Ltmp6, $4  }
0x23f: {  	s7 =	sadd.s32 @!p0 $0x700, s4;
	s23 =	simm.s32 @!p0 $0x11000  }
0x240: {  	[tilespmem:s23], [sflag:$0x2] =	stream.indirect.gather @!p0 [hbm4b:s5+s18], $0x10, s7, s18, $0xb8;
	[tilespmem:$0x19680] =	vst v63  }
0x241: {  	s4 =	sadd.s32 @!p0 $0x780, s4;
	s7 =	simm.s32 @!p0 $0x11800  }
0x242: {  	[tilespmem:s7], [sflag:$0x2] =	stream.indirect.gather @!p0 [hbm4b:s5+s18], $0x10, s4, s18, $0xb8;
	[tilespmem:$0x19680] =	vst v63  }
.LBB2_8:
0x243: {  	_ =	sfence.sel $0x180000  }
0x244: {  	[bflag:$0x0] =	sbarrier.arrive $0xFFFF  }
0x245: {  	_ =	strace $0x90000047  }
0x246: {  	s0 =	stileid.u32;
	[bflag:$0x2] =	sbarrier.arrive $0xFFFF  }
0x247: {  	p0 =	sne.s32 s0, $0x0;
	s0 =	rddreg [dreg:$0x3]  }
0x248: {  	s0 =	sadd.s32 @!p0 $0x100000, s0  }
0x249: {  	[sflag:s0] =	ssyncadd.tile.s32 @!p0 $0x1;
	_ =	shalt  }
.Lfunc_end2:
_tile_overlayer_lowered:
.L_overlay_start_2:
0x24a: {  	(tag) =	ssettag $0x2  }
0x24b: {  	s0 =	rddreg [dreg:$0x0];
	s2 =	stileid.u32  }
0x24c: {  	s1 =	rddreg [dreg:$0x1];
	p0 =	sne.s32 s2, $0x0  }
0x24d: {  	s3 =	rddreg [dreg:$0x2];
	[bflag:$0x3] =	sbarrier.arrive $0xFFFF;
	s2 =	simm.s32 @!p0 $0x1C05  }
0x24e: {  	[timem:s3], [sflag:s2] =	dma.local @!p0 [hbm:s0], s1  }
0x24f: {  	s0 =	simm.s32 @!p0 $0x5  }
0x250: {  	_ =	swait.ge @!p0 [sflag:s0], s1  }
0x251: {  	s1 =	ssub.s32 @!p0 $0x0, s1;
	[sflag:s0] =	ssyncset.done @!p0 $0x0  }
0x252: {  	[sflag:s0] =	ssyncadd.s32 @!p0 s1  }
0x253: {  	[bflag:$0x3] =	sbarrier.arrive $0xFFFF  }
0x254: {  	_ =	shalt  }

</sc_bundles>
